<compile_context>
chip_gen: v7x
topology: tpu7x:2x2x1
jax: 0.10.2.dev20260603
libtpu: 0.0.44.dev20260713+nightly
codegen_flags: <defaults>
</compile_context>

<pallas_src>
import functools

import jax
import jax.numpy as jnp
from jax import lax
from jax.experimental import pallas as pl
from jax.experimental.pallas import tpu as pltpu, tpu_sc as plsc

N = 10000
E = 320000
D_IN = 128
D_HID = 256
D_OUT = 128

NC = 2
NS = 16
NW = NC * NS
FP = 4

DEG_B = E // NW
DEG_BATCH = 2000
AGG_BATCH = 3200
AGG_NB = E // AGG_BATCH

_mesh = plsc.VectorSubcoreMesh(core_axis_name="c", subcore_axis_name="s")
_sc_params = pltpu.CompilerParams(needs_layout_passes=False)


def _deg_body(col_hbm, ew_hbm, out_hbm, c_v, w_v, deg_v):
    wid = lax.axis_index("s") * NC + lax.axis_index("c")

    def zero_body(i, _):
        deg_v[pl.ds(i * 16, 16)] = jnp.zeros((16,), jnp.float32)
        return ()

    lax.fori_loop(0, N // 16, zero_body, ())

    estart = wid * DEG_B

    def batch_body(b, _):
        base = estart + b * DEG_BATCH
        pltpu.sync_copy(col_hbm.at[pl.ds(base, DEG_BATCH)], c_v)
        pltpu.sync_copy(ew_hbm.at[pl.ds(base, DEG_BATCH)], w_v)

        def chunk_body(i, _):
            c = c_v[pl.ds(i * 16, 16)]
            w = w_v[pl.ds(i * 16, 16)]
            plsc.addupdate_scatter(deg_v, [c], w)
            return ()

        lax.fori_loop(0, DEG_BATCH // 16, chunk_body, ())
        return ()

    lax.fori_loop(0, DEG_B // DEG_BATCH, batch_body, ())
    pltpu.sync_copy(deg_v, out_hbm.at[wid])


_deg_call = pl.kernel(
    _deg_body,
    out_type=jax.ShapeDtypeStruct((NW, N), jnp.float32),
    mesh=_mesh,
    compiler_params=_sc_params,
    scratch_types=[
        pltpu.VMEM((DEG_BATCH,), jnp.int32),
        pltpu.VMEM((DEG_BATCH,), jnp.float32),
        pltpu.VMEM((N,), jnp.float32),
    ],
)


def _agg_body(f_total, gp_hbm, rc_hbm, ew_hbm, out_hbm, *scratch):
    NP = FP // 2
    gp_refs = scratch[:NP]
    acc_refs = scratch[NP:NP + FP]
    bufs0 = scratch[NP + FP:NP + FP + 2]
    bufs1 = scratch[NP + FP + 2:NP + FP + 4]
    sem0, sem1 = scratch[NP + FP + 4:]
    wid = lax.axis_index("s") * NC + lax.axis_index("c")
    n_pass = f_total // (NW * FP)
    B = AGG_BATCH

    def issue(bufs, sem, base):
        pltpu.async_copy(rc_hbm.at[pl.ds(base, B)], bufs[0], sem)
        pltpu.async_copy(ew_hbm.at[pl.ds(base, B)], bufs[1], sem)

    def drain(bufs, sem):
        pltpu.make_async_copy(rc_hbm.at[pl.ds(0, B)], bufs[0], sem).wait()
        pltpu.make_async_copy(ew_hbm.at[pl.ds(0, B)], bufs[1], sem).wait()

    def process(bufs):
        pp, ww = bufs

        @plsc.parallel_loop(0, B // 16, unroll=8)
        def _(i):
            rc = pp[pl.ds(i * 16, 16)]
            r = lax.shift_right_logical(rc, 14)
            c = jnp.bitwise_and(rc, 16383)
            w = ww[pl.ds(i * 16, 16)]
            for j in range(FP // 2):
                vi = plsc.load_gather(gp_refs[j], [r])
                flo = plsc.bitcast(lax.shift_left(vi, 16), jnp.float32)
                fhi = plsc.bitcast(
                    jnp.bitwise_and(vi, jnp.int32(-65536)), jnp.float32)
                plsc.addupdate_scatter(acc_refs[2 * j], [c], flo * w)
                plsc.addupdate_scatter(acc_refs[2 * j + 1], [c], fhi * w)

    for p in range(n_pass):
        fbase = wid * (f_total // NW) + p * FP
        for j in range(FP // 2):
            pltpu.sync_copy(gp_hbm.at[fbase // 2 + j], gp_refs[j])

        @plsc.parallel_loop(0, N // 16, unroll=5)
        def _(i):
            z = jnp.zeros((16,), jnp.float32)
            for f in range(FP):
                acc_refs[f][pl.ds(i * 16, 16)] = z

        issue(bufs0, sem0, 0)
        issue(bufs1, sem1, B)

        def gbody(g2, _):
            b0 = g2 * 2
            drain(bufs0, sem0)
            process(bufs0)
            issue(bufs0, sem0, ((b0 + 2) % AGG_NB) * B)
            drain(bufs1, sem1)
            process(bufs1)
            issue(bufs1, sem1, ((b0 + 3) % AGG_NB) * B)
            return ()

        lax.fori_loop(0, AGG_NB // 2, gbody, ())
        drain(bufs0, sem0)
        drain(bufs1, sem1)

        for f in range(FP):
            pltpu.sync_copy(acc_refs[f], out_hbm.at[fbase + f])


def _make_agg(f_total):
    return pl.kernel(
        functools.partial(_agg_body, f_total),
        out_type=jax.ShapeDtypeStruct((f_total, N), jnp.float32),
        mesh=_mesh,
        compiler_params=_sc_params,
        scratch_types=(
            [pltpu.VMEM((N,), jnp.int32) for _ in range(FP // 2)]
            + [pltpu.VMEM((N,), jnp.float32) for _ in range(FP)]
            + [
                pltpu.VMEM((AGG_BATCH,), jnp.int32),
                pltpu.VMEM((AGG_BATCH,), jnp.float32),
                pltpu.VMEM((AGG_BATCH,), jnp.int32),
                pltpu.VMEM((AGG_BATCH,), jnp.float32),
                pltpu.SemaphoreType.DMA,
                pltpu.SemaphoreType.DMA,
            ]
        ),
    )


_agg_hid = _make_agg(D_HID)
_agg_out = _make_agg(D_OUT)


def _pack_pairs(g):
    u = lax.bitcast_convert_type(g, jnp.uint32).reshape(g.shape[0] // 2, 2,
                                                        g.shape[1])
    lo = u[:, 0, :] + jnp.uint32(0x8000)
    hi = u[:, 1, :] + jnp.uint32(0x8000)
    packed = jnp.bitwise_or(jnp.bitwise_and(hi, jnp.uint32(0xFFFF0000)),
                            lax.shift_right_logical(lo, jnp.uint32(16)))
    return lax.bitcast_convert_type(packed, jnp.int32)


def _prep_body(degp_ref, x_ref, w1_ref, row_ref, col_ref,
               dis_ref, g1t_ref, g1p_ref, rc_ref):
    deg = jnp.sum(degp_ref[...], axis=0) + 1.0
    dis = lax.rsqrt(deg)
    dis_ref[...] = dis
    w1t = w1_ref[...].T
    h = lax.dot_general(w1t, x_ref[...], (((1,), (1,)), ((), ())),
                        preferred_element_type=jnp.float32)
    g1t = h * dis[None, :]
    g1t_ref[...] = g1t
    g1p_ref[...] = _pack_pairs(g1t)
    rc_ref[...] = jnp.bitwise_or(
        lax.shift_left(row_ref[...], 14), col_ref[...])


_prep_call = pl.pallas_call(
    _prep_body,
    out_shape=(
        jax.ShapeDtypeStruct((N,), jnp.float32),
        jax.ShapeDtypeStruct((D_HID, N), jnp.float32),
        jax.ShapeDtypeStruct((D_HID // 2, N), jnp.int32),
        jax.ShapeDtypeStruct((E,), jnp.int32),
    ),
)


def _mid_body(acc1t_ref, g1t_ref, dis_ref, w2_ref, b1_ref, g2t_ref, g2p_ref):
    dis = dis_ref[...]
    h2t = jnp.maximum(
        dis[None, :] * (acc1t_ref[...] + g1t_ref[...]) + b1_ref[...][:, None],
        0.0,
    )
    w2t = w2_ref[...].T
    g2t = lax.dot_general(w2t, h2t, (((1,), (0,)), ((), ())),
                          preferred_element_type=jnp.float32)
    g2t = g2t * dis[None, :]
    g2t_ref[...] = g2t
    g2p_ref[...] = _pack_pairs(g2t)


_mid_call = pl.pallas_call(
    _mid_body,
    out_shape=(
        jax.ShapeDtypeStruct((D_OUT, N), jnp.float32),
        jax.ShapeDtypeStruct((D_OUT // 2, N), jnp.int32),
    ),
)


def _final_body(acc2t_ref, g2t_ref, dis_ref, b2_ref, out_ref):
    dis = dis_ref[...]
    comb = dis[None, :] * (acc2t_ref[...] + g2t_ref[...]) + b2_ref[...][:, None]
    out_ref[...] = comb.T


_final_call = pl.pallas_call(
    _final_body,
    out_shape=jax.ShapeDtypeStruct((N, D_OUT), jnp.float32),
)


def kernel(x, edge_index, edge_weight, W1, b1, W2, b2):
    x = x.astype(jnp.float32)
    row = edge_index[0].astype(jnp.int32)
    col = edge_index[1].astype(jnp.int32)
    ew = edge_weight.astype(jnp.float32)

    degp = _deg_call(col, ew)
    dis, g1t, g1p, rc = _prep_call(degp, x, W1, row, col)
    acc1t = _agg_hid(g1p, rc, ew)
    g2t, g2p = _mid_call(acc1t, g1t, dis, W2, b1)
    acc2t = _agg_out(g2p, rc, ew)
    return _final_call(acc2t, g2t, dis, b2)

# --- scband reference (transcript-rebuilt; emitter-appended) ---
"""Pipeline reference for scband-gcnencoder-28458453303311 (READ-ONLY COPY).

The authoritative reference and input builder live on the scoring server;
editing this copy changes nothing except your own understanding.
"""

import jax, jax.numpy as jnp
import numpy as np

N = 10000
E = 320000
D_IN = 128
D_HID = 256
D_OUT = 128


def gcn_conv(x, edge_index, edge_weight, W, b):
    # PyG GCNConv semantics: add self-loops (fill value 1.0), symmetric gcn_norm,
    # linear transform, scatter-add aggregation at target nodes, then bias.
    num_nodes = x.shape[0]
    loop = jnp.arange(num_nodes, dtype=edge_index.dtype)
    row = jnp.concatenate([edge_index[0], loop])  # source
    col = jnp.concatenate([edge_index[1], loop])  # target
    ew = jnp.concatenate([edge_weight, jnp.ones((num_nodes,), dtype=edge_weight.dtype)])
    deg = jnp.zeros((num_nodes,), dtype=ew.dtype).at[col].add(ew)
    deg_inv_sqrt = jnp.where(deg > 0, deg ** -0.5, 0.0)
    norm = deg_inv_sqrt[row] * ew * deg_inv_sqrt[col]
    h = x @ W
    msg = h[row] * norm[:, None]
    out = jnp.zeros((num_nodes, h.shape[1]), dtype=h.dtype).at[col].add(msg)
    return out + b


def setup_inputs(seed: int = 0) -> dict:
    key = jax.random.key(seed)
    ks = jax.random.split(key, 7)
    x = jax.random.normal(ks[0], (N, D_IN), dtype=jnp.float32)
    edge_index = jax.random.randint(ks[1], (2, E), 0, N)
    edge_weight = jax.random.uniform(ks[2], (E,), dtype=jnp.float32)
    W1 = jax.random.normal(ks[3], (D_IN, D_HID), dtype=jnp.float32) * (1.0 / np.sqrt(D_IN))
    b1 = jnp.zeros((D_HID,), dtype=jnp.float32)
    W2 = jax.random.normal(ks[4], (D_HID, D_OUT), dtype=jnp.float32) * (1.0 / np.sqrt(D_HID))
    b2 = jnp.zeros((D_OUT,), dtype=jnp.float32)
    return {"x": x, "edge_index": edge_index, "edge_weight": edge_weight,
            "W1": W1, "b1": b1, "W2": W2, "b2": b2}


def reference(x, edge_index, edge_weight, W1, b1, W2, b2):
    x = x.astype(jnp.float32)
    h = jax.nn.relu(gcn_conv(x, edge_index, edge_weight, W1, b1))
    out = gcn_conv(h, edge_index, edge_weight, W2, b2)
    return out

if __name__ == "__main__":
    import jax
    _d = setup_inputs()
    print(jax.jit(kernel)(*tuple(_d.values())))

</pallas_src>

<mosaic_0001>
#map = affine_map<(d0, d1) -> (0)>
#map1 = affine_map<(d0, d1) -> (0, 0)>
module attributes {stable_mosaic.version = 14 : i64} {
  func.func @_deg_body(%arg0: i32, %arg1: i32, %arg2: memref<320000xi32, #tpu.memory_space<hbm>>, %arg3: memref<320000xf32, #tpu.memory_space<hbm>>, %arg4: memref<32x10000xf32, #tpu.memory_space<hbm>>, %arg5: memref<2000xi32, #tpu.memory_space<vmem>>, %arg6: memref<2000xf32, #tpu.memory_space<vmem>>, %arg7: memref<10000xf32, #tpu.memory_space<vmem>>) attributes {dimension_semantics = [#tpu.dimension_semantics<core_parallel>, #tpu.dimension_semantics<subcore_parallel>], iteration_bounds = array<i64: 2, 16>, scalar_prefetch = 0 : i64, scratch_operands = 3 : i64, tpu.core_type = #tpu.core_type<sc_vector_subcore>, window_params = [{transform_indices = #map}, {transform_indices = #map}, {transform_indices = #map1}]} {
    %mul3A = arith.constant 2 : i32
    %mul3A_0 = arith.muli %arg1, %mul3A : i32
    %add3A = arith.addi %mul3A_0, %arg0 : i32
    %scan3A = arith.constant 0 : i32
    %scan3A_1 = arith.constant 625 : i32
    %scan3A_2 = arith.addi %scan3A, %scan3A_1 : i32
    %scan3A_3 = arith.constant 1 : i32
    scf.for %scan3A_12 = %scan3A to %scan3A_2 step %scan3A_3  : i32 {
      %broadcast_in_dim3A = arith.constant 0.000000e+00 : f32
      %broadcast_in_dim3A_13 = vector.broadcast %broadcast_in_dim3A : f32 to vector<16xf32>
      %mul3A_14 = arith.constant 16 : i32
      %mul3A_15 = arith.muli %scan3A_12, %mul3A_14 : i32
      %swap3A = arith.index_cast %mul3A_15 : i32 to index
      %swap3A_16 = tpu.vector_load %arg7[%swap3A] {strides = array<i32>} : memref<10000xf32, #tpu.memory_space<vmem>>, vector<16xf32>,
      tpu.vector_store %arg7[%swap3A], %broadcast_in_dim3A_13 {strides = array<i32>} : memref<10000xf32, #tpu.memory_space<vmem>>, vector<16xf32>,
    }
    %scan3A_4 = arith.constant 625 : i32
    %mul3A_5 = arith.constant 10000 : i32
    %mul3A_6 = arith.muli %add3A, %mul3A_5 : i32
    %scan3A_7 = arith.constant 0 : i32
    %scan3A_8 = arith.constant 5 : i32
    %scan3A_9 = arith.addi %scan3A_7, %scan3A_8 : i32
    %scan3A_10 = arith.constant 1 : i32
    scf.for %scan3A_12 = %scan3A_7 to %scan3A_9 step %scan3A_10  : i32 {
      %mul3A_13 = arith.constant 2000 : i32
      %mul3A_14 = arith.muli %scan3A_12, %mul3A_13 : i32
      %add3A_15 = arith.addi %mul3A_6, %mul3A_14 : i32
      "tpu.region"() ({
        %run_scoped3A = tpu.sem_alloc : memref<!tpu.dma_semaphore, #tpu.memory_space<semaphore_mem>>
        %dma_start3A = tpu.memref_slice %arg2[%add3A_15] : memref<320000xi32, #tpu.memory_space<hbm>> -> memref<2000xi32, #tpu.memory_space<hbm>>
        %dma_start3A_21 = tpu.memref_slice %arg2[%add3A_15] : memref<320000xi32, #tpu.memory_space<hbm>> -> memref<2000xi32, #tpu.memory_space<hbm>>
        tpu.enqueue_dma source(%dma_start3A_21 : memref<2000xi32, #tpu.memory_space<hbm>>) target(%arg5 : memref<2000xi32, #tpu.memory_space<vmem>>) target_semaphore(%run_scoped3A : memref<!tpu.dma_semaphore, #tpu.memory_space<semaphore_mem>>)
        %dma_wait3A = tpu.memref_slice %arg2[%add3A_15] : memref<320000xi32, #tpu.memory_space<hbm>> -> memref<2000xi32, #tpu.memory_space<hbm>>
        %dma_wait3A_22 = tpu.memref_slice %arg2[%add3A_15] : memref<320000xi32, #tpu.memory_space<hbm>> -> memref<2000xi32, #tpu.memory_space<hbm>>
        tpu.wait_dma2 semaphore(%run_scoped3A : memref<!tpu.dma_semaphore, #tpu.memory_space<semaphore_mem>>) src(%dma_wait3A_22 : memref<2000xi32, #tpu.memory_space<hbm>>) dst(%arg5 : memref<2000xi32, #tpu.memory_space<vmem>>)
        tpu.yield
      }) : () -> ()
      "tpu.region"() ({
        %run_scoped3A = tpu.sem_alloc : memref<!tpu.dma_semaphore, #tpu.memory_space<semaphore_mem>>
        %dma_start3A = tpu.memref_slice %arg3[%add3A_15] : memref<320000xf32, #tpu.memory_space<hbm>> -> memref<2000xf32, #tpu.memory_space<hbm>>
        %dma_start3A_21 = tpu.memref_slice %arg3[%add3A_15] : memref<320000xf32, #tpu.memory_space<hbm>> -> memref<2000xf32, #tpu.memory_space<hbm>>
        tpu.enqueue_dma source(%dma_start3A_21 : memref<2000xf32, #tpu.memory_space<hbm>>) target(%arg6 : memref<2000xf32, #tpu.memory_space<vmem>>) target_semaphore(%run_scoped3A : memref<!tpu.dma_semaphore, #tpu.memory_space<semaphore_mem>>)
        %dma_wait3A = tpu.memref_slice %arg3[%add3A_15] : memref<320000xf32, #tpu.memory_space<hbm>> -> memref<2000xf32, #tpu.memory_space<hbm>>
        %dma_wait3A_22 = tpu.memref_slice %arg3[%add3A_15] : memref<320000xf32, #tpu.memory_space<hbm>> -> memref<2000xf32, #tpu.memory_space<hbm>>
        tpu.wait_dma2 semaphore(%run_scoped3A : memref<!tpu.dma_semaphore, #tpu.memory_space<semaphore_mem>>) src(%dma_wait3A_22 : memref<2000xf32, #tpu.memory_space<hbm>>) dst(%arg6 : memref<2000xf32, #tpu.memory_space<vmem>>)
        tpu.yield
      }) : () -> ()
      %scan3A_16 = arith.constant 0 : i32
      %scan3A_17 = arith.constant 125 : i32
      %scan3A_18 = arith.addi %scan3A_16, %scan3A_17 : i32
      %scan3A_19 = arith.constant 1 : i32
      scf.for %scan3A_21 = %scan3A_16 to %scan3A_18 step %scan3A_19  : i32 {
        %mul3A_22 = arith.constant 16 : i32
        %mul3A_23 = arith.muli %scan3A_21, %mul3A_22 : i32
        %get3A = arith.index_cast %mul3A_23 : i32 to index
        %get3A_24 = tpu.vector_load %arg5[%get3A] {strides = array<i32>} : memref<2000xi32, #tpu.memory_space<vmem>>, vector<16xi32>,
        %mul3A_25 = arith.constant 16 : i32
        %mul3A_26 = arith.muli %scan3A_21, %mul3A_25 : i32
        %get3A_27 = arith.index_cast %mul3A_26 : i32 to index
        %get3A_28 = tpu.vector_load %arg6[%get3A_27] {strides = array<i32>} : memref<2000xf32, #tpu.memory_space<vmem>>, vector<16xf32>,
        tpu.vector_store_idx %arg7[%get3A_24], %get3A_28 {add = true} : memref<10000xf32, #tpu.memory_space<vmem>>[vector<16xi32>], vector<16xf32>,
      }
      %scan3A_20 = arith.constant 125 : i32
    }
    %scan3A_11 = arith.constant 5 : i32
    "tpu.region"() ({
      %run_scoped3A = tpu.sem_alloc : memref<!tpu.dma_semaphore, #tpu.memory_space<semaphore_mem>>
      %dma_start3A = arith.constant 0 : i32
      %dma_start3A_12 = tpu.memref_slice %arg4[%add3A, %dma_start3A] : memref<32x10000xf32, #tpu.memory_space<hbm>> -> memref<1x10000xf32, #tpu.memory_space<hbm>>
      %dma_start3A_13 = tpu.memref_squeeze %dma_start3A_12 : memref<1x10000xf32, #tpu.memory_space<hbm>> -> memref<10000xf32, #tpu.memory_space<hbm>>
      %dma_start3A_14 = arith.constant 0 : i32
      %dma_start3A_15 = tpu.memref_slice %arg4[%add3A, %dma_start3A_14] : memref<32x10000xf32, #tpu.memory_space<hbm>> -> memref<1x10000xf32, #tpu.memory_space<hbm>>
      %dma_start3A_16 = tpu.memref_squeeze %dma_start3A_15 : memref<1x10000xf32, #tpu.memory_space<hbm>> -> memref<10000xf32, #tpu.memory_space<hbm>>
      tpu.enqueue_dma source(%arg7 : memref<10000xf32, #tpu.memory_space<vmem>>) target(%dma_start3A_16 : memref<10000xf32, #tpu.memory_space<hbm>>) target_semaphore(%run_scoped3A : memref<!tpu.dma_semaphore, #tpu.memory_space<semaphore_mem>>)
      %dma_wait3A = arith.constant 0 : i32
      %dma_wait3A_17 = tpu.memref_slice %arg4[%add3A, %dma_wait3A] : memref<32x10000xf32, #tpu.memory_space<hbm>> -> memref<1x10000xf32, #tpu.memory_space<hbm>>
      %dma_wait3A_18 = tpu.memref_squeeze %dma_wait3A_17 : memref<1x10000xf32, #tpu.memory_space<hbm>> -> memref<10000xf32, #tpu.memory_space<hbm>>
      %dma_wait3A_19 = arith.constant 0 : i32
      %dma_wait3A_20 = tpu.memref_slice %arg4[%add3A, %dma_wait3A_19] : memref<32x10000xf32, #tpu.memory_space<hbm>> -> memref<1x10000xf32, #tpu.memory_space<hbm>>
      %dma_wait3A_21 = tpu.memref_squeeze %dma_wait3A_20 : memref<1x10000xf32, #tpu.memory_space<hbm>> -> memref<10000xf32, #tpu.memory_space<hbm>>
      tpu.wait_dma2 semaphore(%run_scoped3A : memref<!tpu.dma_semaphore, #tpu.memory_space<semaphore_mem>>) src(%arg7 : memref<10000xf32, #tpu.memory_space<vmem>>) dst(%dma_wait3A_21 : memref<10000xf32, #tpu.memory_space<hbm>>)
      tpu.yield
    }) : () -> ()
    return
  }
}

#map = affine_map<(d0, d1) -> (0, 0)>
#map1 = affine_map<(d0, d1) -> (0)>
module attributes {stable_mosaic.version = 14 : i64} {
  func.func @_agg_body(%arg0: i32, %arg1: i32, %arg2: memref<128x10000xi32, #tpu.memory_space<hbm>>, %arg3: memref<320000xi32, #tpu.memory_space<hbm>>, %arg4: memref<320000xf32, #tpu.memory_space<hbm>>, %arg5: memref<256x10000xf32, #tpu.memory_space<hbm>>, %arg6: memref<10000xi32, #tpu.memory_space<vmem>>, %arg7: memref<10000xi32, #tpu.memory_space<vmem>>, %arg8: memref<10000xf32, #tpu.memory_space<vmem>>, %arg9: memref<10000xf32, #tpu.memory_space<vmem>>, %arg10: memref<10000xf32, #tpu.memory_space<vmem>>, %arg11: memref<10000xf32, #tpu.memory_space<vmem>>, %arg12: memref<3200xi32, #tpu.memory_space<vmem>>, %arg13: memref<3200xf32, #tpu.memory_space<vmem>>, %arg14: memref<3200xi32, #tpu.memory_space<vmem>>, %arg15: memref<3200xf32, #tpu.memory_space<vmem>>, %arg16: memref<!tpu.dma_semaphore, #tpu.memory_space<semaphore_mem>>, %arg17: memref<!tpu.dma_semaphore, #tpu.memory_space<semaphore_mem>>) attributes {dimension_semantics = [#tpu.dimension_semantics<core_parallel>, #tpu.dimension_semantics<subcore_parallel>], iteration_bounds = array<i64: 2, 16>, scalar_prefetch = 0 : i64, scratch_operands = 12 : i64, tpu.core_type = #tpu.core_type<sc_vector_subcore>, window_params = [{transform_indices = #map}, {transform_indices = #map1}, {transform_indices = #map1}, {transform_indices = #map}]} {
    %mul3A = arith.constant 2 : i32
    %mul3A_0 = arith.muli %arg1, %mul3A : i32
    %add3A = arith.addi %mul3A_0, %arg0 : i32
    %mul3A_1 = arith.constant 8 : i32
    %mul3A_2 = arith.muli %add3A, %mul3A_1 : i32
    %add3A_3 = arith.constant 0 : i32
    %add3A_4 = arith.addi %mul3A_2, %add3A_3 : i32
    %jit3A = arith.constant 2 : i32
    %div3A = arith.divsi %add3A_4, %jit3A : i32
    %sign3A = arith.constant 0 : i32
    %sign3A_5 = arith.cmpi sgt, %add3A_4, %sign3A : i32
    %sign3A_6 = arith.extui %sign3A_5 : i1 to i32
    %sign3A_7 = arith.constant 0 : i32
    %sign3A_8 = arith.cmpi slt, %add3A_4, %sign3A_7 : i32
    %sign3A_9 = arith.extui %sign3A_8 : i1 to i32
    %sign3A_10 = arith.subi %sign3A_6, %sign3A_9 : i32
    %sign3A_11 = arith.constant 0 : i32
    %sign3A_12 = arith.cmpi sgt, %jit3A, %sign3A_11 : i32
    %sign3A_13 = arith.extui %sign3A_12 : i1 to i32
    %sign3A_14 = arith.constant 0 : i32
    %sign3A_15 = arith.cmpi slt, %jit3A, %sign3A_14 : i32
    %sign3A_16 = arith.extui %sign3A_15 : i1 to i32
    %sign3A_17 = arith.subi %sign3A_13, %sign3A_16 : i32
    %ne3A = arith.cmpi ne, %sign3A_10, %sign3A_17 : i32
    %rem3A = arith.remsi %add3A_4, %jit3A : i32
    %ne3A_18 = arith.constant 0 : i32
    %ne3A_19 = arith.cmpi ne, %rem3A, %ne3A_18 : i32
    %and3A = arith.andi %ne3A, %ne3A_19 : i1
    %sub3A = arith.constant 1 : i32
    %sub3A_20 = arith.subi %div3A, %sub3A : i32
    %select_n3A = arith.select %and3A, %sub3A_20, %div3A : i32
    %add3A_21 = arith.constant 0 : i32
    %add3A_22 = arith.addi %select_n3A, %add3A_21 : i32
    "tpu.region"() ({
      %run_scoped3A = tpu.sem_alloc : memref<!tpu.dma_semaphore, #tpu.memory_space<semaphore_mem>>
      %dma_start3A_197 = arith.constant 0 : i32
      %dma_start3A_198 = tpu.memref_slice %arg2[%add3A_22, %dma_start3A_197] : memref<128x10000xi32, #tpu.memory_space<hbm>> -> memref<1x10000xi32, #tpu.memory_space<hbm>>
      %dma_start3A_199 = tpu.memref_squeeze %dma_start3A_198 : memref<1x10000xi32, #tpu.memory_space<hbm>> -> memref<10000xi32, #tpu.memory_space<hbm>>
      %dma_start3A_200 = arith.constant 0 : i32
      %dma_start3A_201 = tpu.memref_slice %arg2[%add3A_22, %dma_start3A_200] : memref<128x10000xi32, #tpu.memory_space<hbm>> -> memref<1x10000xi32, #tpu.memory_space<hbm>>
      %dma_start3A_202 = tpu.memref_squeeze %dma_start3A_201 : memref<1x10000xi32, #tpu.memory_space<hbm>> -> memref<10000xi32, #tpu.memory_space<hbm>>
      tpu.enqueue_dma source(%dma_start3A_202 : memref<10000xi32, #tpu.memory_space<hbm>>) target(%arg6 : memref<10000xi32, #tpu.memory_space<vmem>>) target_semaphore(%run_scoped3A : memref<!tpu.dma_semaphore, #tpu.memory_space<semaphore_mem>>)
      %dma_wait3A_203 = arith.constant 0 : i32
      %dma_wait3A_204 = tpu.memref_slice %arg2[%add3A_22, %dma_wait3A_203] : memref<128x10000xi32, #tpu.memory_space<hbm>> -> memref<1x10000xi32, #tpu.memory_space<hbm>>
      %dma_wait3A_205 = tpu.memref_squeeze %dma_wait3A_204 : memref<1x10000xi32, #tpu.memory_space<hbm>> -> memref<10000xi32, #tpu.memory_space<hbm>>
      %dma_wait3A_206 = arith.constant 0 : i32
      %dma_wait3A_207 = tpu.memref_slice %arg2[%add3A_22, %dma_wait3A_206] : memref<128x10000xi32, #tpu.memory_space<hbm>> -> memref<1x10000xi32, #tpu.memory_space<hbm>>
      %dma_wait3A_208 = tpu.memref_squeeze %dma_wait3A_207 : memref<1x10000xi32, #tpu.memory_space<hbm>> -> memref<10000xi32, #tpu.memory_space<hbm>>
      tpu.wait_dma2 semaphore(%run_scoped3A : memref<!tpu.dma_semaphore, #tpu.memory_space<semaphore_mem>>) src(%dma_wait3A_208 : memref<10000xi32, #tpu.memory_space<hbm>>) dst(%arg6 : memref<10000xi32, #tpu.memory_space<vmem>>)
      tpu.yield
    }) : () -> ()
    %jit3A_23 = arith.constant 2 : i32
    %div3A_24 = arith.divsi %add3A_4, %jit3A_23 : i32
    %sign3A_25 = arith.constant 0 : i32
    %sign3A_26 = arith.cmpi sgt, %add3A_4, %sign3A_25 : i32
    %sign3A_27 = arith.extui %sign3A_26 : i1 to i32
    %sign3A_28 = arith.constant 0 : i32
    %sign3A_29 = arith.cmpi slt, %add3A_4, %sign3A_28 : i32
    %sign3A_30 = arith.extui %sign3A_29 : i1 to i32
    %sign3A_31 = arith.subi %sign3A_27, %sign3A_30 : i32
    %sign3A_32 = arith.constant 0 : i32
    %sign3A_33 = arith.cmpi sgt, %jit3A_23, %sign3A_32 : i32
    %sign3A_34 = arith.extui %sign3A_33 : i1 to i32
    %sign3A_35 = arith.constant 0 : i32
    %sign3A_36 = arith.cmpi slt, %jit3A_23, %sign3A_35 : i32
    %sign3A_37 = arith.extui %sign3A_36 : i1 to i32
    %sign3A_38 = arith.subi %sign3A_34, %sign3A_37 : i32
    %ne3A_39 = arith.cmpi ne, %sign3A_31, %sign3A_38 : i32
    %rem3A_40 = arith.remsi %add3A_4, %jit3A_23 : i32
    %ne3A_41 = arith.constant 0 : i32
    %ne3A_42 = arith.cmpi ne, %rem3A_40, %ne3A_41 : i32
    %and3A_43 = arith.andi %ne3A_39, %ne3A_42 : i1
    %sub3A_44 = arith.constant 1 : i32
    %sub3A_45 = arith.subi %div3A_24, %sub3A_44 : i32
    %select_n3A_46 = arith.select %and3A_43, %sub3A_45, %div3A_24 : i32
    %add3A_47 = arith.constant 1 : i32
    %add3A_48 = arith.addi %select_n3A_46, %add3A_47 : i32
    "tpu.region"() ({
      %run_scoped3A = tpu.sem_alloc : memref<!tpu.dma_semaphore, #tpu.memory_space<semaphore_mem>>
      %dma_start3A_197 = arith.constant 0 : i32
      %dma_start3A_198 = tpu.memref_slice %arg2[%add3A_48, %dma_start3A_197] : memref<128x10000xi32, #tpu.memory_space<hbm>> -> memref<1x10000xi32, #tpu.memory_space<hbm>>
      %dma_start3A_199 = tpu.memref_squeeze %dma_start3A_198 : memref<1x10000xi32, #tpu.memory_space<hbm>> -> memref<10000xi32, #tpu.memory_space<hbm>>
      %dma_start3A_200 = arith.constant 0 : i32
      %dma_start3A_201 = tpu.memref_slice %arg2[%add3A_48, %dma_start3A_200] : memref<128x10000xi32, #tpu.memory_space<hbm>> -> memref<1x10000xi32, #tpu.memory_space<hbm>>
      %dma_start3A_202 = tpu.memref_squeeze %dma_start3A_201 : memref<1x10000xi32, #tpu.memory_space<hbm>> -> memref<10000xi32, #tpu.memory_space<hbm>>
      tpu.enqueue_dma source(%dma_start3A_202 : memref<10000xi32, #tpu.memory_space<hbm>>) target(%arg7 : memref<10000xi32, #tpu.memory_space<vmem>>) target_semaphore(%run_scoped3A : memref<!tpu.dma_semaphore, #tpu.memory_space<semaphore_mem>>)
      %dma_wait3A_203 = arith.constant 0 : i32
      %dma_wait3A_204 = tpu.memref_slice %arg2[%add3A_48, %dma_wait3A_203] : memref<128x10000xi32, #tpu.memory_space<hbm>> -> memref<1x10000xi32, #tpu.memory_space<hbm>>
      %dma_wait3A_205 = tpu.memref_squeeze %dma_wait3A_204 : memref<1x10000xi32, #tpu.memory_space<hbm>> -> memref<10000xi32, #tpu.memory_space<hbm>>
      %dma_wait3A_206 = arith.constant 0 : i32
      %dma_wait3A_207 = tpu.memref_slice %arg2[%add3A_48, %dma_wait3A_206] : memref<128x10000xi32, #tpu.memory_space<hbm>> -> memref<1x10000xi32, #tpu.memory_space<hbm>>
      %dma_wait3A_208 = tpu.memref_squeeze %dma_wait3A_207 : memref<1x10000xi32, #tpu.memory_space<hbm>> -> memref<10000xi32, #tpu.memory_space<hbm>>
      tpu.wait_dma2 semaphore(%run_scoped3A : memref<!tpu.dma_semaphore, #tpu.memory_space<semaphore_mem>>) src(%dma_wait3A_208 : memref<10000xi32, #tpu.memory_space<hbm>>) dst(%arg7 : memref<10000xi32, #tpu.memory_space<vmem>>)
      tpu.yield
    }) : () -> ()
    %parallel_loop3A = arith.constant 0 : i32
    %parallel_loop3A_49 = arith.constant 625 : i32
    %parallel_loop3A_50 = arith.constant 1 : i32
    scf.for %parallel_loop3A_197 = %parallel_loop3A to %parallel_loop3A_49 step %parallel_loop3A_50  : i32 {
      %parallel_loop3A_198 = arith.constant 0.000000e+00 : f32
      %parallel_loop3A_199 = vector.broadcast %parallel_loop3A_198 : f32 to vector<16xf32>
      %parallel_loop3A_200 = arith.constant 16 : i32
      %parallel_loop3A_201 = arith.muli %parallel_loop3A_197, %parallel_loop3A_200 : i32
      %parallel_loop3A_202 = arith.index_cast %parallel_loop3A_201 : i32 to index
      %parallel_loop3A_203 = tpu.vector_load %arg8[%parallel_loop3A_202] {strides = array<i32>} : memref<10000xf32, #tpu.memory_space<vmem>>, vector<16xf32>,
      tpu.vector_store %arg8[%parallel_loop3A_202], %parallel_loop3A_199 {strides = array<i32>} : memref<10000xf32, #tpu.memory_space<vmem>>, vector<16xf32>,
      %parallel_loop3A_204 = arith.constant 16 : i32
      %parallel_loop3A_205 = arith.muli %parallel_loop3A_197, %parallel_loop3A_204 : i32
      %parallel_loop3A_206 = arith.index_cast %parallel_loop3A_205 : i32 to index
      %parallel_loop3A_207 = tpu.vector_load %arg9[%parallel_loop3A_206] {strides = array<i32>} : memref<10000xf32, #tpu.memory_space<vmem>>, vector<16xf32>,
      tpu.vector_store %arg9[%parallel_loop3A_206], %parallel_loop3A_199 {strides = array<i32>} : memref<10000xf32, #tpu.memory_space<vmem>>, vector<16xf32>,
      %parallel_loop3A_208 = arith.constant 16 : i32
      %parallel_loop3A_209 = arith.muli %parallel_loop3A_197, %parallel_loop3A_208 : i32
      %parallel_loop3A_210 = arith.index_cast %parallel_loop3A_209 : i32 to index
      %parallel_loop3A_211 = tpu.vector_load %arg10[%parallel_loop3A_210] {strides = array<i32>} : memref<10000xf32, #tpu.memory_space<vmem>>, vector<16xf32>,
      tpu.vector_store %arg10[%parallel_loop3A_210], %parallel_loop3A_199 {strides = array<i32>} : memref<10000xf32, #tpu.memory_space<vmem>>, vector<16xf32>,
      %parallel_loop3A_212 = arith.constant 16 : i32
      %parallel_loop3A_213 = arith.muli %parallel_loop3A_197, %parallel_loop3A_212 : i32
      %parallel_loop3A_214 = arith.index_cast %parallel_loop3A_213 : i32 to index
      %parallel_loop3A_215 = tpu.vector_load %arg11[%parallel_loop3A_214] {strides = array<i32>} : memref<10000xf32, #tpu.memory_space<vmem>>, vector<16xf32>,
      tpu.vector_store %arg11[%parallel_loop3A_214], %parallel_loop3A_199 {strides = array<i32>} : memref<10000xf32, #tpu.memory_space<vmem>>, vector<16xf32>,
    } {sc.loop_unroll_factor = 5 : i64, sc.parallel_access}
    %dma_start3A = arith.constant 0 : i32
    %dma_start3A_51 = tpu.memref_slice %arg3[%dma_start3A] : memref<320000xi32, #tpu.memory_space<hbm>> -> memref<3200xi32, #tpu.memory_space<hbm>>
    %dma_start3A_52 = arith.constant 0 : i32
    %dma_start3A_53 = tpu.memref_slice %arg3[%dma_start3A_52] : memref<320000xi32, #tpu.memory_space<hbm>> -> memref<3200xi32, #tpu.memory_space<hbm>>
    tpu.enqueue_dma source(%dma_start3A_53 : memref<3200xi32, #tpu.memory_space<hbm>>) target(%arg12 : memref<3200xi32, #tpu.memory_space<vmem>>) target_semaphore(%arg16 : memref<!tpu.dma_semaphore, #tpu.memory_space<semaphore_mem>>)
    %dma_start3A_54 = arith.constant 0 : i32
    %dma_start3A_55 = tpu.memref_slice %arg4[%dma_start3A_54] : memref<320000xf32, #tpu.memory_space<hbm>> -> memref<3200xf32, #tpu.memory_space<hbm>>
    %dma_start3A_56 = arith.constant 0 : i32
    %dma_start3A_57 = tpu.memref_slice %arg4[%dma_start3A_56] : memref<320000xf32, #tpu.memory_space<hbm>> -> memref<3200xf32, #tpu.memory_space<hbm>>
    tpu.enqueue_dma source(%dma_start3A_57 : memref<3200xf32, #tpu.memory_space<hbm>>) target(%arg13 : memref<3200xf32, #tpu.memory_space<vmem>>) target_semaphore(%arg16 : memref<!tpu.dma_semaphore, #tpu.memory_space<semaphore_mem>>)
    %dma_start3A_58 = arith.constant 3200 : i32
    %dma_start3A_59 = tpu.memref_slice %arg3[%dma_start3A_58] : memref<320000xi32, #tpu.memory_space<hbm>> -> memref<3200xi32, #tpu.memory_space<hbm>>
    %dma_start3A_60 = arith.constant 3200 : i32
    %dma_start3A_61 = tpu.memref_slice %arg3[%dma_start3A_60] : memref<320000xi32, #tpu.memory_space<hbm>> -> memref<3200xi32, #tpu.memory_space<hbm>>
    tpu.enqueue_dma source(%dma_start3A_61 : memref<3200xi32, #tpu.memory_space<hbm>>) target(%arg14 : memref<3200xi32, #tpu.memory_space<vmem>>) target_semaphore(%arg17 : memref<!tpu.dma_semaphore, #tpu.memory_space<semaphore_mem>>)
    %dma_start3A_62 = arith.constant 3200 : i32
    %dma_start3A_63 = tpu.memref_slice %arg4[%dma_start3A_62] : memref<320000xf32, #tpu.memory_space<hbm>> -> memref<3200xf32, #tpu.memory_space<hbm>>
    %dma_start3A_64 = arith.constant 3200 : i32
    %dma_start3A_65 = tpu.memref_slice %arg4[%dma_start3A_64] : memref<320000xf32, #tpu.memory_space<hbm>> -> memref<3200xf32, #tpu.memory_space<hbm>>
    tpu.enqueue_dma source(%dma_start3A_65 : memref<3200xf32, #tpu.memory_space<hbm>>) target(%arg15 : memref<3200xf32, #tpu.memory_space<vmem>>) target_semaphore(%arg17 : memref<!tpu.dma_semaphore, #tpu.memory_space<semaphore_mem>>)
    %scan3A = arith.constant 0 : i32
    %scan3A_66 = arith.constant 50 : i32
    %scan3A_67 = arith.addi %scan3A, %scan3A_66 : i32
    %scan3A_68 = arith.constant 1 : i32
    scf.for %scan3A_197 = %scan3A to %scan3A_67 step %scan3A_68  : i32 {
      %mul3A_198 = arith.constant 2 : i32
      %mul3A_199 = arith.muli %scan3A_197, %mul3A_198 : i32
      %dma_wait3A_200 = arith.constant 0 : i32
      %dma_wait3A_201 = tpu.memref_slice %arg3[%dma_wait3A_200] : memref<320000xi32, #tpu.memory_space<hbm>> -> memref<3200xi32, #tpu.memory_space<hbm>>
      %dma_wait3A_202 = arith.constant 0 : i32
      %dma_wait3A_203 = tpu.memref_slice %arg3[%dma_wait3A_202] : memref<320000xi32, #tpu.memory_space<hbm>> -> memref<3200xi32, #tpu.memory_space<hbm>>
      tpu.wait_dma2 semaphore(%arg16 : memref<!tpu.dma_semaphore, #tpu.memory_space<semaphore_mem>>) src(%dma_wait3A_203 : memref<3200xi32, #tpu.memory_space<hbm>>) dst(%arg12 : memref<3200xi32, #tpu.memory_space<vmem>>)
      %dma_wait3A_204 = arith.constant 0 : i32
      %dma_wait3A_205 = tpu.memref_slice %arg4[%dma_wait3A_204] : memref<320000xf32, #tpu.memory_space<hbm>> -> memref<3200xf32, #tpu.memory_space<hbm>>
      %dma_wait3A_206 = arith.constant 0 : i32
      %dma_wait3A_207 = tpu.memref_slice %arg4[%dma_wait3A_206] : memref<320000xf32, #tpu.memory_space<hbm>> -> memref<3200xf32, #tpu.memory_space<hbm>>
      tpu.wait_dma2 semaphore(%arg16 : memref<!tpu.dma_semaphore, #tpu.memory_space<semaphore_mem>>) src(%dma_wait3A_207 : memref<3200xf32, #tpu.memory_space<hbm>>) dst(%arg13 : memref<3200xf32, #tpu.memory_space<vmem>>)
      %parallel_loop3A_208 = arith.constant 0 : i32
      %parallel_loop3A_209 = arith.constant 200 : i32
      %parallel_loop3A_210 = arith.constant 1 : i32
      scf.for %parallel_loop3A_268 = %parallel_loop3A_208 to %parallel_loop3A_209 step %parallel_loop3A_210  : i32 {
        %parallel_loop3A_269 = arith.constant 16 : i32
        %parallel_loop3A_270 = arith.muli %parallel_loop3A_268, %parallel_loop3A_269 : i32
        %parallel_loop3A_271 = arith.index_cast %parallel_loop3A_270 : i32 to index
        %parallel_loop3A_272 = tpu.vector_load %arg12[%parallel_loop3A_271] {strides = array<i32>} : memref<3200xi32, #tpu.memory_space<vmem>>, vector<16xi32>,
        %parallel_loop3A_273 = arith.constant 14 : i32
        %parallel_loop3A_274 = vector.broadcast %parallel_loop3A_273 : i32 to vector<16xi32>
        %parallel_loop3A_275 = arith.shrui %parallel_loop3A_272, %parallel_loop3A_274 : vector<16xi32>
        %parallel_loop3A_276 = arith.constant 16383 : i32
        %parallel_loop3A_277 = vector.broadcast %parallel_loop3A_276 : i32 to vector<16xi32>
        %parallel_loop3A_278 = arith.andi %parallel_loop3A_272, %parallel_loop3A_277 : vector<16xi32>
        %parallel_loop3A_279 = arith.constant 16 : i32
        %parallel_loop3A_280 = arith.muli %parallel_loop3A_268, %parallel_loop3A_279 : i32
        %parallel_loop3A_281 = arith.index_cast %parallel_loop3A_280 : i32 to index
        %parallel_loop3A_282 = tpu.vector_load %arg13[%parallel_loop3A_281] {strides = array<i32>} : memref<3200xf32, #tpu.memory_space<vmem>>, vector<16xf32>,
        %parallel_loop3A_283 = tpu.vector_load_idx %arg6[%parallel_loop3A_275] : memref<10000xi32, #tpu.memory_space<vmem>>[vector<16xi32>], vector<16xi32>,
        %parallel_loop3A_284 = arith.constant 16 : i32
        %parallel_loop3A_285 = vector.broadcast %parallel_loop3A_284 : i32 to vector<16xi32>
        %parallel_loop3A_286 = arith.shli %parallel_loop3A_283, %parallel_loop3A_285 : vector<16xi32>
        %parallel_loop3A_287 = vector.bitcast %parallel_loop3A_286 : vector<16xi32> to vector<16xf32>
        %parallel_loop3A_288 = arith.constant -65536 : i32
        %parallel_loop3A_289 = vector.broadcast %parallel_loop3A_288 : i32 to vector<16xi32>
        %parallel_loop3A_290 = arith.andi %parallel_loop3A_283, %parallel_loop3A_289 : vector<16xi32>
        %parallel_loop3A_291 = vector.bitcast %parallel_loop3A_290 : vector<16xi32> to vector<16xf32>
        %parallel_loop3A_292 = arith.mulf %parallel_loop3A_287, %parallel_loop3A_282 : vector<16xf32>
        tpu.vector_store_idx %arg8[%parallel_loop3A_278], %parallel_loop3A_292 {add = true} : memref<10000xf32, #tpu.memory_space<vmem>>[vector<16xi32>], vector<16xf32>,
        %parallel_loop3A_293 = arith.mulf %parallel_loop3A_291, %parallel_loop3A_282 : vector<16xf32>
        tpu.vector_store_idx %arg9[%parallel_loop3A_278], %parallel_loop3A_293 {add = true} : memref<10000xf32, #tpu.memory_space<vmem>>[vector<16xi32>], vector<16xf32>,
        %parallel_loop3A_294 = tpu.vector_load_idx %arg7[%parallel_loop3A_275] : memref<10000xi32, #tpu.memory_space<vmem>>[vector<16xi32>], vector<16xi32>,
        %parallel_loop3A_295 = arith.constant 16 : i32
        %parallel_loop3A_296 = vector.broadcast %parallel_loop3A_295 : i32 to vector<16xi32>
        %parallel_loop3A_297 = arith.shli %parallel_loop3A_294, %parallel_loop3A_296 : vector<16xi32>
        %parallel_loop3A_298 = vector.bitcast %parallel_loop3A_297 : vector<16xi32> to vector<16xf32>
        %parallel_loop3A_299 = arith.constant -65536 : i32
        %parallel_loop3A_300 = vector.broadcast %parallel_loop3A_299 : i32 to vector<16xi32>
        %parallel_loop3A_301 = arith.andi %parallel_loop3A_294, %parallel_loop3A_300 : vector<16xi32>
        %parallel_loop3A_302 = vector.bitcast %parallel_loop3A_301 : vector<16xi32> to vector<16xf32>
        %parallel_loop3A_303 = arith.mulf %parallel_loop3A_298, %parallel_loop3A_282 : vector<16xf32>
        tpu.vector_store_idx %arg10[%parallel_loop3A_278], %parallel_loop3A_303 {add = true} : memref<10000xf32, #tpu.memory_space<vmem>>[vector<16xi32>], vector<16xf32>,
        %parallel_loop3A_304 = arith.mulf %parallel_loop3A_302, %parallel_loop3A_282 : vector<16xf32>
        tpu.vector_store_idx %arg11[%parallel_loop3A_278], %parallel_loop3A_304 {add = true} : memref<10000xf32, #tpu.memory_space<vmem>>[vector<16xi32>], vector<16xf32>,
      } {sc.loop_unroll_factor = 8 : i64, sc.parallel_access}
      %add3A_211 = arith.constant 2 : i32
      %add3A_212 = arith.addi %mul3A_199, %add3A_211 : i32
      %jit3A_213 = arith.constant 100 : i32
      %eq3A = arith.constant 0 : i32
      %eq3A_214 = arith.cmpi eq, %jit3A_213, %eq3A : i32
      %jit3A_215 = arith.constant 1 : i32
      %select_n3A_216 = arith.select %eq3A_214, %jit3A_215, %jit3A_213 : i32
      %rem3A_217 = arith.remsi %add3A_212, %select_n3A_216 : i32
      %ne3A_218 = arith.constant 0 : i32
      %ne3A_219 = arith.cmpi ne, %rem3A_217, %ne3A_218 : i32
      %lt3A = arith.constant 0 : i32
      %lt3A_220 = arith.cmpi slt, %rem3A_217, %lt3A : i32
      %lt3A_221 = arith.constant 0 : i32
      %lt3A_222 = arith.cmpi slt, %select_n3A_216, %lt3A_221 : i32
      %ne3A_223 = arith.xori %lt3A_220, %lt3A_222 : i1
      %and3A_224 = arith.andi %ne3A_223, %ne3A_219 : i1
      %add3A_225 = arith.addi %rem3A_217, %select_n3A_216 : i32
      %select_n3A_226 = arith.select %and3A_224, %add3A_225, %rem3A_217 : i32
      %mul3A_227 = arith.constant 3200 : i32
      %mul3A_228 = arith.muli %select_n3A_226, %mul3A_227 : i32
      %dma_start3A_229 = tpu.memref_slice %arg3[%mul3A_228] : memref<320000xi32, #tpu.memory_space<hbm>> -> memref<3200xi32, #tpu.memory_space<hbm>>
      %dma_start3A_230 = tpu.memref_slice %arg3[%mul3A_228] : memref<320000xi32, #tpu.memory_space<hbm>> -> memref<3200xi32, #tpu.memory_space<hbm>>
      tpu.enqueue_dma source(%dma_start3A_230 : memref<3200xi32, #tpu.memory_space<hbm>>) target(%arg12 : memref<3200xi32, #tpu.memory_space<vmem>>) target_semaphore(%arg16 : memref<!tpu.dma_semaphore, #tpu.memory_space<semaphore_mem>>)
      %dma_start3A_231 = tpu.memref_slice %arg4[%mul3A_228] : memref<320000xf32, #tpu.memory_space<hbm>> -> memref<3200xf32, #tpu.memory_space<hbm>>
      %dma_start3A_232 = tpu.memref_slice %arg4[%mul3A_228] : memref<320000xf32, #tpu.memory_space<hbm>> -> memref<3200xf32, #tpu.memory_space<hbm>>
      tpu.enqueue_dma source(%dma_start3A_232 : memref<3200xf32, #tpu.memory_space<hbm>>) target(%arg13 : memref<3200xf32, #tpu.memory_space<vmem>>) target_semaphore(%arg16 : memref<!tpu.dma_semaphore, #tpu.memory_space<semaphore_mem>>)
      %dma_wait3A_233 = arith.constant 0 : i32
      %dma_wait3A_234 = tpu.memref_slice %arg3[%dma_wait3A_233] : memref<320000xi32, #tpu.memory_space<hbm>> -> memref<3200xi32, #tpu.memory_space<hbm>>
      %dma_wait3A_235 = arith.constant 0 : i32
      %dma_wait3A_236 = tpu.memref_slice %arg3[%dma_wait3A_235] : memref<320000xi32, #tpu.memory_space<hbm>> -> memref<3200xi32, #tpu.memory_space<hbm>>
      tpu.wait_dma2 semaphore(%arg17 : memref<!tpu.dma_semaphore, #tpu.memory_space<semaphore_mem>>) src(%dma_wait3A_236 : memref<3200xi32, #tpu.memory_space<hbm>>) dst(%arg14 : memref<3200xi32, #tpu.memory_space<vmem>>)
      %dma_wait3A_237 = arith.constant 0 : i32
      %dma_wait3A_238 = tpu.memref_slice %arg4[%dma_wait3A_237] : memref<320000xf32, #tpu.memory_space<hbm>> -> memref<3200xf32, #tpu.memory_space<hbm>>
      %dma_wait3A_239 = arith.constant 0 : i32
      %dma_wait3A_240 = tpu.memref_slice %arg4[%dma_wait3A_239] : memref<320000xf32, #tpu.memory_space<hbm>> -> memref<3200xf32, #tpu.memory_space<hbm>>
      tpu.wait_dma2 semaphore(%arg17 : memref<!tpu.dma_semaphore, #tpu.memory_space<semaphore_mem>>) src(%dma_wait3A_240 : memref<3200xf32, #tpu.memory_space<hbm>>) dst(%arg15 : memref<3200xf32, #tpu.memory_space<vmem>>)
      %parallel_loop3A_241 = arith.constant 0 : i32
      %parallel_loop3A_242 = arith.constant 200 : i32
      %parallel_loop3A_243 = arith.constant 1 : i32
      scf.for %parallel_loop3A_268 = %parallel_loop3A_241 to %parallel_loop3A_242 step %parallel_loop3A_243  : i32 {
        %parallel_loop3A_269 = arith.constant 16 : i32
        %parallel_loop3A_270 = arith.muli %parallel_loop3A_268, %parallel_loop3A_269 : i32
        %parallel_loop3A_271 = arith.index_cast %parallel_loop3A_270 : i32 to index
        %parallel_loop3A_272 = tpu.vector_load %arg14[%parallel_loop3A_271] {strides = array<i32>} : memref<3200xi32, #tpu.memory_space<vmem>>, vector<16xi32>,
        %parallel_loop3A_273 = arith.constant 14 : i32
        %parallel_loop3A_274 = vector.broadcast %parallel_loop3A_273 : i32 to vector<16xi32>
        %parallel_loop3A_275 = arith.shrui %parallel_loop3A_272, %parallel_loop3A_274 : vector<16xi32>
        %parallel_loop3A_276 = arith.constant 16383 : i32
        %parallel_loop3A_277 = vector.broadcast %parallel_loop3A_276 : i32 to vector<16xi32>
        %parallel_loop3A_278 = arith.andi %parallel_loop3A_272, %parallel_loop3A_277 : vector<16xi32>
        %parallel_loop3A_279 = arith.constant 16 : i32
        %parallel_loop3A_280 = arith.muli %parallel_loop3A_268, %parallel_loop3A_279 : i32
        %parallel_loop3A_281 = arith.index_cast %parallel_loop3A_280 : i32 to index
        %parallel_loop3A_282 = tpu.vector_load %arg15[%parallel_loop3A_281] {strides = array<i32>} : memref<3200xf32, #tpu.memory_space<vmem>>, vector<16xf32>,
        %parallel_loop3A_283 = tpu.vector_load_idx %arg6[%parallel_loop3A_275] : memref<10000xi32, #tpu.memory_space<vmem>>[vector<16xi32>], vector<16xi32>,
        %parallel_loop3A_284 = arith.constant 16 : i32
        %parallel_loop3A_285 = vector.broadcast %parallel_loop3A_284 : i32 to vector<16xi32>
        %parallel_loop3A_286 = arith.shli %parallel_loop3A_283, %parallel_loop3A_285 : vector<16xi32>
        %parallel_loop3A_287 = vector.bitcast %parallel_loop3A_286 : vector<16xi32> to vector<16xf32>
        %parallel_loop3A_288 = arith.constant -65536 : i32
        %parallel_loop3A_289 = vector.broadcast %parallel_loop3A_288 : i32 to vector<16xi32>
        %parallel_loop3A_290 = arith.andi %parallel_loop3A_283, %parallel_loop3A_289 : vector<16xi32>
        %parallel_loop3A_291 = vector.bitcast %parallel_loop3A_290 : vector<16xi32> to vector<16xf32>
        %parallel_loop3A_292 = arith.mulf %parallel_loop3A_287, %parallel_loop3A_282 : vector<16xf32>
        tpu.vector_store_idx %arg8[%parallel_loop3A_278], %parallel_loop3A_292 {add = true} : memref<10000xf32, #tpu.memory_space<vmem>>[vector<16xi32>], vector<16xf32>,
        %parallel_loop3A_293 = arith.mulf %parallel_loop3A_291, %parallel_loop3A_282 : vector<16xf32>
        tpu.vector_store_idx %arg9[%parallel_loop3A_278], %parallel_loop3A_293 {add = true} : memref<10000xf32, #tpu.memory_space<vmem>>[vector<16xi32>], vector<16xf32>,
        %parallel_loop3A_294 = tpu.vector_load_idx %arg7[%parallel_loop3A_275] : memref<10000xi32, #tpu.memory_space<vmem>>[vector<16xi32>], vector<16xi32>,
        %parallel_loop3A_295 = arith.constant 16 : i32
        %parallel_loop3A_296 = vector.broadcast %parallel_loop3A_295 : i32 to vector<16xi32>
        %parallel_loop3A_297 = arith.shli %parallel_loop3A_294, %parallel_loop3A_296 : vector<16xi32>
        %parallel_loop3A_298 = vector.bitcast %parallel_loop3A_297 : vector<16xi32> to vector<16xf32>
        %parallel_loop3A_299 = arith.constant -65536 : i32
        %parallel_loop3A_300 = vector.broadcast %parallel_loop3A_299 : i32 to vector<16xi32>
        %parallel_loop3A_301 = arith.andi %parallel_loop3A_294, %parallel_loop3A_300 : vector<16xi32>
        %parallel_loop3A_302 = vector.bitcast %parallel_loop3A_301 : vector<16xi32> to vector<16xf32>
        %parallel_loop3A_303 = arith.mulf %parallel_loop3A_298, %parallel_loop3A_282 : vector<16xf32>
        tpu.vector_store_idx %arg10[%parallel_loop3A_278], %parallel_loop3A_303 {add = true} : memref<10000xf32, #tpu.memory_space<vmem>>[vector<16xi32>], vector<16xf32>,
        %parallel_loop3A_304 = arith.mulf %parallel_loop3A_302, %parallel_loop3A_282 : vector<16xf32>
        tpu.vector_store_idx %arg11[%parallel_loop3A_278], %parallel_loop3A_304 {add = true} : memref<10000xf32, #tpu.memory_space<vmem>>[vector<16xi32>], vector<16xf32>,
      } {sc.loop_unroll_factor = 8 : i64, sc.parallel_access}
      %add3A_244 = arith.constant 3 : i32
      %add3A_245 = arith.addi %mul3A_199, %add3A_244 : i32
      %jit3A_246 = arith.constant 100 : i32
      %eq3A_247 = arith.constant 0 : i32
      %eq3A_248 = arith.cmpi eq, %jit3A_246, %eq3A_247 : i32
      %jit3A_249 = arith.constant 1 : i32
      %select_n3A_250 = arith.select %eq3A_248, %jit3A_249, %jit3A_246 : i32
      %rem3A_251 = arith.remsi %add3A_245, %select_n3A_250 : i32
      %ne3A_252 = arith.constant 0 : i32
      %ne3A_253 = arith.cmpi ne, %rem3A_251, %ne3A_252 : i32
      %lt3A_254 = arith.constant 0 : i32
      %lt3A_255 = arith.cmpi slt, %rem3A_251, %lt3A_254 : i32
      %lt3A_256 = arith.constant 0 : i32
      %lt3A_257 = arith.cmpi slt, %select_n3A_250, %lt3A_256 : i32
      %ne3A_258 = arith.xori %lt3A_255, %lt3A_257 : i1
      %and3A_259 = arith.andi %ne3A_258, %ne3A_253 : i1
      %add3A_260 = arith.addi %rem3A_251, %select_n3A_250 : i32
      %select_n3A_261 = arith.select %and3A_259, %add3A_260, %rem3A_251 : i32
      %mul3A_262 = arith.constant 3200 : i32
      %mul3A_263 = arith.muli %select_n3A_261, %mul3A_262 : i32
      %dma_start3A_264 = tpu.memref_slice %arg3[%mul3A_263] : memref<320000xi32, #tpu.memory_space<hbm>> -> memref<3200xi32, #tpu.memory_space<hbm>>
      %dma_start3A_265 = tpu.memref_slice %arg3[%mul3A_263] : memref<320000xi32, #tpu.memory_space<hbm>> -> memref<3200xi32, #tpu.memory_space<hbm>>
      tpu.enqueue_dma source(%dma_start3A_265 : memref<3200xi32, #tpu.memory_space<hbm>>) target(%arg14 : memref<3200xi32, #tpu.memory_space<vmem>>) target_semaphore(%arg17 : memref<!tpu.dma_semaphore, #tpu.memory_space<semaphore_mem>>)
      %dma_start3A_266 = tpu.memref_slice %arg4[%mul3A_263] : memref<320000xf32, #tpu.memory_space<hbm>> -> memref<3200xf32, #tpu.memory_space<hbm>>
      %dma_start3A_267 = tpu.memref_slice %arg4[%mul3A_263] : memref<320000xf32, #tpu.memory_space<hbm>> -> memref<3200xf32, #tpu.memory_space<hbm>>
      tpu.enqueue_dma source(%dma_start3A_267 : memref<3200xf32, #tpu.memory_space<hbm>>) target(%arg15 : memref<3200xf32, #tpu.memory_space<vmem>>) target_semaphore(%arg17 : memref<!tpu.dma_semaphore, #tpu.memory_space<semaphore_mem>>)
    }
    %scan3A_69 = arith.constant 50 : i32
    %dma_wait3A = arith.constant 0 : i32
    %dma_wait3A_70 = tpu.memref_slice %arg3[%dma_wait3A] : memref<320000xi32, #tpu.memory_space<hbm>> -> memref<3200xi32, #tpu.memory_space<hbm>>
    %dma_wait3A_71 = arith.constant 0 : i32
    %dma_wait3A_72 = tpu.memref_slice %arg3[%dma_wait3A_71] : memref<320000xi32, #tpu.memory_space<hbm>> -> memref<3200xi32, #tpu.memory_space<hbm>>
    tpu.wait_dma2 semaphore(%arg16 : memref<!tpu.dma_semaphore, #tpu.memory_space<semaphore_mem>>) src(%dma_wait3A_72 : memref<3200xi32, #tpu.memory_space<hbm>>) dst(%arg12 : memref<3200xi32, #tpu.memory_space<vmem>>)
    %dma_wait3A_73 = arith.constant 0 : i32
    %dma_wait3A_74 = tpu.memref_slice %arg4[%dma_wait3A_73] : memref<320000xf32, #tpu.memory_space<hbm>> -> memref<3200xf32, #tpu.memory_space<hbm>>
    %dma_wait3A_75 = arith.constant 0 : i32
    %dma_wait3A_76 = tpu.memref_slice %arg4[%dma_wait3A_75] : memref<320000xf32, #tpu.memory_space<hbm>> -> memref<3200xf32, #tpu.memory_space<hbm>>
    tpu.wait_dma2 semaphore(%arg16 : memref<!tpu.dma_semaphore, #tpu.memory_space<semaphore_mem>>) src(%dma_wait3A_76 : memref<3200xf32, #tpu.memory_space<hbm>>) dst(%arg13 : memref<3200xf32, #tpu.memory_space<vmem>>)
    %dma_wait3A_77 = arith.constant 0 : i32
    %dma_wait3A_78 = tpu.memref_slice %arg3[%dma_wait3A_77] : memref<320000xi32, #tpu.memory_space<hbm>> -> memref<3200xi32, #tpu.memory_space<hbm>>
    %dma_wait3A_79 = arith.constant 0 : i32
    %dma_wait3A_80 = tpu.memref_slice %arg3[%dma_wait3A_79] : memref<320000xi32, #tpu.memory_space<hbm>> -> memref<3200xi32, #tpu.memory_space<hbm>>
    tpu.wait_dma2 semaphore(%arg17 : memref<!tpu.dma_semaphore, #tpu.memory_space<semaphore_mem>>) src(%dma_wait3A_80 : memref<3200xi32, #tpu.memory_space<hbm>>) dst(%arg14 : memref<3200xi32, #tpu.memory_space<vmem>>)
    %dma_wait3A_81 = arith.constant 0 : i32
    %dma_wait3A_82 = tpu.memref_slice %arg4[%dma_wait3A_81] : memref<320000xf32, #tpu.memory_space<hbm>> -> memref<3200xf32, #tpu.memory_space<hbm>>
    %dma_wait3A_83 = arith.constant 0 : i32
    %dma_wait3A_84 = tpu.memref_slice %arg4[%dma_wait3A_83] : memref<320000xf32, #tpu.memory_space<hbm>> -> memref<3200xf32, #tpu.memory_space<hbm>>
    tpu.wait_dma2 semaphore(%arg17 : memref<!tpu.dma_semaphore, #tpu.memory_space<semaphore_mem>>) src(%dma_wait3A_84 : memref<3200xf32, #tpu.memory_space<hbm>>) dst(%arg15 : memref<3200xf32, #tpu.memory_space<vmem>>)
    %add3A_85 = arith.constant 0 : i32
    %add3A_86 = arith.addi %add3A_4, %add3A_85 : i32
    "tpu.region"() ({
      %run_scoped3A = tpu.sem_alloc : memref<!tpu.dma_semaphore, #tpu.memory_space<semaphore_mem>>
      %dma_start3A_197 = arith.constant 0 : i32
      %dma_start3A_198 = tpu.memref_slice %arg5[%add3A_86, %dma_start3A_197] : memref<256x10000xf32, #tpu.memory_space<hbm>> -> memref<1x10000xf32, #tpu.memory_space<hbm>>
      %dma_start3A_199 = tpu.memref_squeeze %dma_start3A_198 : memref<1x10000xf32, #tpu.memory_space<hbm>> -> memref<10000xf32, #tpu.memory_space<hbm>>
      %dma_start3A_200 = arith.constant 0 : i32
      %dma_start3A_201 = tpu.memref_slice %arg5[%add3A_86, %dma_start3A_200] : memref<256x10000xf32, #tpu.memory_space<hbm>> -> memref<1x10000xf32, #tpu.memory_space<hbm>>
      %dma_start3A_202 = tpu.memref_squeeze %dma_start3A_201 : memref<1x10000xf32, #tpu.memory_space<hbm>> -> memref<10000xf32, #tpu.memory_space<hbm>>
      tpu.enqueue_dma source(%arg8 : memref<10000xf32, #tpu.memory_space<vmem>>) target(%dma_start3A_202 : memref<10000xf32, #tpu.memory_space<hbm>>) target_semaphore(%run_scoped3A : memref<!tpu.dma_semaphore, #tpu.memory_space<semaphore_mem>>)
      %dma_wait3A_203 = arith.constant 0 : i32
      %dma_wait3A_204 = tpu.memref_slice %arg5[%add3A_86, %dma_wait3A_203] : memref<256x10000xf32, #tpu.memory_space<hbm>> -> memref<1x10000xf32, #tpu.memory_space<hbm>>
      %dma_wait3A_205 = tpu.memref_squeeze %dma_wait3A_204 : memref<1x10000xf32, #tpu.memory_space<hbm>> -> memref<10000xf32, #tpu.memory_space<hbm>>
      %dma_wait3A_206 = arith.constant 0 : i32
      %dma_wait3A_207 = tpu.memref_slice %arg5[%add3A_86, %dma_wait3A_206] : memref<256x10000xf32, #tpu.memory_space<hbm>> -> memref<1x10000xf32, #tpu.memory_space<hbm>>
      %dma_wait3A_208 = tpu.memref_squeeze %dma_wait3A_207 : memref<1x10000xf32, #tpu.memory_space<hbm>> -> memref<10000xf32, #tpu.memory_space<hbm>>
      tpu.wait_dma2 semaphore(%run_scoped3A : memref<!tpu.dma_semaphore, #tpu.memory_space<semaphore_mem>>) src(%arg8 : memref<10000xf32, #tpu.memory_space<vmem>>) dst(%dma_wait3A_208 : memref<10000xf32, #tpu.memory_space<hbm>>)
      tpu.yield
    }) : () -> ()
    %add3A_87 = arith.constant 1 : i32
    %add3A_88 = arith.addi %add3A_4, %add3A_87 : i32
    "tpu.region"() ({
      %run_scoped3A = tpu.sem_alloc : memref<!tpu.dma_semaphore, #tpu.memory_space<semaphore_mem>>
      %dma_start3A_197 = arith.constant 0 : i32
      %dma_start3A_198 = tpu.memref_slice %arg5[%add3A_88, %dma_start3A_197] : memref<256x10000xf32, #tpu.memory_space<hbm>> -> memref<1x10000xf32, #tpu.memory_space<hbm>>
      %dma_start3A_199 = tpu.memref_squeeze %dma_start3A_198 : memref<1x10000xf32, #tpu.memory_space<hbm>> -> memref<10000xf32, #tpu.memory_space<hbm>>
      %dma_start3A_200 = arith.constant 0 : i32
      %dma_start3A_201 = tpu.memref_slice %arg5[%add3A_88, %dma_start3A_200] : memref<256x10000xf32, #tpu.memory_space<hbm>> -> memref<1x10000xf32, #tpu.memory_space<hbm>>
      %dma_start3A_202 = tpu.memref_squeeze %dma_start3A_201 : memref<1x10000xf32, #tpu.memory_space<hbm>> -> memref<10000xf32, #tpu.memory_space<hbm>>
      tpu.enqueue_dma source(%arg9 : memref<10000xf32, #tpu.memory_space<vmem>>) target(%dma_start3A_202 : memref<10000xf32, #tpu.memory_space<hbm>>) target_semaphore(%run_scoped3A : memref<!tpu.dma_semaphore, #tpu.memory_space<semaphore_mem>>)
      %dma_wait3A_203 = arith.constant 0 : i32
      %dma_wait3A_204 = tpu.memref_slice %arg5[%add3A_88, %dma_wait3A_203] : memref<256x10000xf32, #tpu.memory_space<hbm>> -> memref<1x10000xf32, #tpu.memory_space<hbm>>
      %dma_wait3A_205 = tpu.memref_squeeze %dma_wait3A_204 : memref<1x10000xf32, #tpu.memory_space<hbm>> -> memref<10000xf32, #tpu.memory_space<hbm>>
      %dma_wait3A_206 = arith.constant 0 : i32
      %dma_wait3A_207 = tpu.memref_slice %arg5[%add3A_88, %dma_wait3A_206] : memref<256x10000xf32, #tpu.memory_space<hbm>> -> memref<1x10000xf32, #tpu.memory_space<hbm>>
      %dma_wait3A_208 = tpu.memref_squeeze %dma_wait3A_207 : memref<1x10000xf32, #tpu.memory_space<hbm>> -> memref<10000xf32, #tpu.memory_space<hbm>>
      tpu.wait_dma2 semaphore(%run_scoped3A : memref<!tpu.dma_semaphore, #tpu.memory_space<semaphore_mem>>) src(%arg9 : memref<10000xf32, #tpu.memory_space<vmem>>) dst(%dma_wait3A_208 : memref<10000xf32, #tpu.memory_space<hbm>>)
      tpu.yield
    }) : () -> ()
    %add3A_89 = arith.constant 2 : i32
    %add3A_90 = arith.addi %add3A_4, %add3A_89 : i32
    "tpu.region"() ({
      %run_scoped3A = tpu.sem_alloc : memref<!tpu.dma_semaphore, #tpu.memory_space<semaphore_mem>>
      %dma_start3A_197 = arith.constant 0 : i32
      %dma_start3A_198 = tpu.memref_slice %arg5[%add3A_90, %dma_start3A_197] : memref<256x10000xf32, #tpu.memory_space<hbm>> -> memref<1x10000xf32, #tpu.memory_space<hbm>>
      %dma_start3A_199 = tpu.memref_squeeze %dma_start3A_198 : memref<1x10000xf32, #tpu.memory_space<hbm>> -> memref<10000xf32, #tpu.memory_space<hbm>>
      %dma_start3A_200 = arith.constant 0 : i32
      %dma_start3A_201 = tpu.memref_slice %arg5[%add3A_90, %dma_start3A_200] : memref<256x10000xf32, #tpu.memory_space<hbm>> -> memref<1x10000xf32, #tpu.memory_space<hbm>>
      %dma_start3A_202 = tpu.memref_squeeze %dma_start3A_201 : memref<1x10000xf32, #tpu.memory_space<hbm>> -> memref<10000xf32, #tpu.memory_space<hbm>>
      tpu.enqueue_dma source(%arg10 : memref<10000xf32, #tpu.memory_space<vmem>>) target(%dma_start3A_202 : memref<10000xf32, #tpu.memory_space<hbm>>) target_semaphore(%run_scoped3A : memref<!tpu.dma_semaphore, #tpu.memory_space<semaphore_mem>>)
      %dma_wait3A_203 = arith.constant 0 : i32
      %dma_wait3A_204 = tpu.memref_slice %arg5[%add3A_90, %dma_wait3A_203] : memref<256x10000xf32, #tpu.memory_space<hbm>> -> memref<1x10000xf32, #tpu.memory_space<hbm>>
      %dma_wait3A_205 = tpu.memref_squeeze %dma_wait3A_204 : memref<1x10000xf32, #tpu.memory_space<hbm>> -> memref<10000xf32, #tpu.memory_space<hbm>>
      %dma_wait3A_206 = arith.constant 0 : i32
      %dma_wait3A_207 = tpu.memref_slice %arg5[%add3A_90, %dma_wait3A_206] : memref<256x10000xf32, #tpu.memory_space<hbm>> -> memref<1x10000xf32, #tpu.memory_space<hbm>>
      %dma_wait3A_208 = tpu.memref_squeeze %dma_wait3A_207 : memref<1x10000xf32, #tpu.memory_space<hbm>> -> memref<10000xf32, #tpu.memory_space<hbm>>
      tpu.wait_dma2 semaphore(%run_scoped3A : memref<!tpu.dma_semaphore, #tpu.memory_space<semaphore_mem>>) src(%arg10 : memref<10000xf32, #tpu.memory_space<vmem>>) dst(%dma_wait3A_208 : memref<10000xf32, #tpu.memory_space<hbm>>)
      tpu.yield
    }) : () -> ()
    %add3A_91 = arith.constant 3 : i32
    %add3A_92 = arith.addi %add3A_4, %add3A_91 : i32
    "tpu.region"() ({
      %run_scoped3A = tpu.sem_alloc : memref<!tpu.dma_semaphore, #tpu.memory_space<semaphore_mem>>
      %dma_start3A_197 = arith.constant 0 : i32
      %dma_start3A_198 = tpu.memref_slice %arg5[%add3A_92, %dma_start3A_197] : memref<256x10000xf32, #tpu.memory_space<hbm>> -> memref<1x10000xf32, #tpu.memory_space<hbm>>
      %dma_start3A_199 = tpu.memref_squeeze %dma_start3A_198 : memref<1x10000xf32, #tpu.memory_space<hbm>> -> memref<10000xf32, #tpu.memory_space<hbm>>
      %dma_start3A_200 = arith.constant 0 : i32
      %dma_start3A_201 = tpu.memref_slice %arg5[%add3A_92, %dma_start3A_200] : memref<256x10000xf32, #tpu.memory_space<hbm>> -> memref<1x10000xf32, #tpu.memory_space<hbm>>
      %dma_start3A_202 = tpu.memref_squeeze %dma_start3A_201 : memref<1x10000xf32, #tpu.memory_space<hbm>> -> memref<10000xf32, #tpu.memory_space<hbm>>
      tpu.enqueue_dma source(%arg11 : memref<10000xf32, #tpu.memory_space<vmem>>) target(%dma_start3A_202 : memref<10000xf32, #tpu.memory_space<hbm>>) target_semaphore(%run_scoped3A : memref<!tpu.dma_semaphore, #tpu.memory_space<semaphore_mem>>)
      %dma_wait3A_203 = arith.constant 0 : i32
      %dma_wait3A_204 = tpu.memref_slice %arg5[%add3A_92, %dma_wait3A_203] : memref<256x10000xf32, #tpu.memory_space<hbm>> -> memref<1x10000xf32, #tpu.memory_space<hbm>>
      %dma_wait3A_205 = tpu.memref_squeeze %dma_wait3A_204 : memref<1x10000xf32, #tpu.memory_space<hbm>> -> memref<10000xf32, #tpu.memory_space<hbm>>
      %dma_wait3A_206 = arith.constant 0 : i32
      %dma_wait3A_207 = tpu.memref_slice %arg5[%add3A_92, %dma_wait3A_206] : memref<256x10000xf32, #tpu.memory_space<hbm>> -> memref<1x10000xf32, #tpu.memory_space<hbm>>
      %dma_wait3A_208 = tpu.memref_squeeze %dma_wait3A_207 : memref<1x10000xf32, #tpu.memory_space<hbm>> -> memref<10000xf32, #tpu.memory_space<hbm>>
      tpu.wait_dma2 semaphore(%run_scoped3A : memref<!tpu.dma_semaphore, #tpu.memory_space<semaphore_mem>>) src(%arg11 : memref<10000xf32, #tpu.memory_space<vmem>>) dst(%dma_wait3A_208 : memref<10000xf32, #tpu.memory_space<hbm>>)
      tpu.yield
    }) : () -> ()
    %mul3A_93 = arith.constant 8 : i32
    %mul3A_94 = arith.muli %add3A, %mul3A_93 : i32
    %add3A_95 = arith.constant 4 : i32
    %add3A_96 = arith.addi %mul3A_94, %add3A_95 : i32
    %jit3A_97 = arith.constant 2 : i32
    %div3A_98 = arith.divsi %add3A_96, %jit3A_97 : i32
    %sign3A_99 = arith.constant 0 : i32
    %sign3A_100 = arith.cmpi sgt, %add3A_96, %sign3A_99 : i32
    %sign3A_101 = arith.extui %sign3A_100 : i1 to i32
    %sign3A_102 = arith.constant 0 : i32
    %sign3A_103 = arith.cmpi slt, %add3A_96, %sign3A_102 : i32
    %sign3A_104 = arith.extui %sign3A_103 : i1 to i32
    %sign3A_105 = arith.subi %sign3A_101, %sign3A_104 : i32
    %sign3A_106 = arith.constant 0 : i32
    %sign3A_107 = arith.cmpi sgt, %jit3A_97, %sign3A_106 : i32
    %sign3A_108 = arith.extui %sign3A_107 : i1 to i32
    %sign3A_109 = arith.constant 0 : i32
    %sign3A_110 = arith.cmpi slt, %jit3A_97, %sign3A_109 : i32
    %sign3A_111 = arith.extui %sign3A_110 : i1 to i32
    %sign3A_112 = arith.subi %sign3A_108, %sign3A_111 : i32
    %ne3A_113 = arith.cmpi ne, %sign3A_105, %sign3A_112 : i32
    %rem3A_114 = arith.remsi %add3A_96, %jit3A_97 : i32
    %ne3A_115 = arith.constant 0 : i32
    %ne3A_116 = arith.cmpi ne, %rem3A_114, %ne3A_115 : i32
    %and3A_117 = arith.andi %ne3A_113, %ne3A_116 : i1
    %sub3A_118 = arith.constant 1 : i32
    %sub3A_119 = arith.subi %div3A_98, %sub3A_118 : i32
    %select_n3A_120 = arith.select %and3A_117, %sub3A_119, %div3A_98 : i32
    %add3A_121 = arith.constant 0 : i32
    %add3A_122 = arith.addi %select_n3A_120, %add3A_121 : i32
    "tpu.region"() ({
      %run_scoped3A = tpu.sem_alloc : memref<!tpu.dma_semaphore, #tpu.memory_space<semaphore_mem>>
      %dma_start3A_197 = arith.constant 0 : i32
      %dma_start3A_198 = tpu.memref_slice %arg2[%add3A_122, %dma_start3A_197] : memref<128x10000xi32, #tpu.memory_space<hbm>> -> memref<1x10000xi32, #tpu.memory_space<hbm>>
      %dma_start3A_199 = tpu.memref_squeeze %dma_start3A_198 : memref<1x10000xi32, #tpu.memory_space<hbm>> -> memref<10000xi32, #tpu.memory_space<hbm>>
      %dma_start3A_200 = arith.constant 0 : i32
      %dma_start3A_201 = tpu.memref_slice %arg2[%add3A_122, %dma_start3A_200] : memref<128x10000xi32, #tpu.memory_space<hbm>> -> memref<1x10000xi32, #tpu.memory_space<hbm>>
      %dma_start3A_202 = tpu.memref_squeeze %dma_start3A_201 : memref<1x10000xi32, #tpu.memory_space<hbm>> -> memref<10000xi32, #tpu.memory_space<hbm>>
      tpu.enqueue_dma source(%dma_start3A_202 : memref<10000xi32, #tpu.memory_space<hbm>>) target(%arg6 : memref<10000xi32, #tpu.memory_space<vmem>>) target_semaphore(%run_scoped3A : memref<!tpu.dma_semaphore, #tpu.memory_space<semaphore_mem>>)
      %dma_wait3A_203 = arith.constant 0 : i32
      %dma_wait3A_204 = tpu.memref_slice %arg2[%add3A_122, %dma_wait3A_203] : memref<128x10000xi32, #tpu.memory_space<hbm>> -> memref<1x10000xi32, #tpu.memory_space<hbm>>
      %dma_wait3A_205 = tpu.memref_squeeze %dma_wait3A_204 : memref<1x10000xi32, #tpu.memory_space<hbm>> -> memref<10000xi32, #tpu.memory_space<hbm>>
      %dma_wait3A_206 = arith.constant 0 : i32
      %dma_wait3A_207 = tpu.memref_slice %arg2[%add3A_122, %dma_wait3A_206] : memref<128x10000xi32, #tpu.memory_space<hbm>> -> memref<1x10000xi32, #tpu.memory_space<hbm>>
      %dma_wait3A_208 = tpu.memref_squeeze %dma_wait3A_207 : memref<1x10000xi32, #tpu.memory_space<hbm>> -> memref<10000xi32, #tpu.memory_space<hbm>>
      tpu.wait_dma2 semaphore(%run_scoped3A : memref<!tpu.dma_semaphore, #tpu.memory_space<semaphore_mem>>) src(%dma_wait3A_208 : memref<10000xi32, #tpu.memory_space<hbm>>) dst(%arg6 : memref<10000xi32, #tpu.memory_space<vmem>>)
      tpu.yield
    }) : () -> ()
    %jit3A_123 = arith.constant 2 : i32
    %div3A_124 = arith.divsi %add3A_96, %jit3A_123 : i32
    %sign3A_125 = arith.constant 0 : i32
    %sign3A_126 = arith.cmpi sgt, %add3A_96, %sign3A_125 : i32
    %sign3A_127 = arith.extui %sign3A_126 : i1 to i32
    %sign3A_128 = arith.constant 0 : i32
    %sign3A_129 = arith.cmpi slt, %add3A_96, %sign3A_128 : i32
    %sign3A_130 = arith.extui %sign3A_129 : i1 to i32
    %sign3A_131 = arith.subi %sign3A_127, %sign3A_130 : i32
    %sign3A_132 = arith.constant 0 : i32
    %sign3A_133 = arith.cmpi sgt, %jit3A_123, %sign3A_132 : i32
    %sign3A_134 = arith.extui %sign3A_133 : i1 to i32
    %sign3A_135 = arith.constant 0 : i32
    %sign3A_136 = arith.cmpi slt, %jit3A_123, %sign3A_135 : i32
    %sign3A_137 = arith.extui %sign3A_136 : i1 to i32
    %sign3A_138 = arith.subi %sign3A_134, %sign3A_137 : i32
    %ne3A_139 = arith.cmpi ne, %sign3A_131, %sign3A_138 : i32
    %rem3A_140 = arith.remsi %add3A_96, %jit3A_123 : i32
    %ne3A_141 = arith.constant 0 : i32
    %ne3A_142 = arith.cmpi ne, %rem3A_140, %ne3A_141 : i32
    %and3A_143 = arith.andi %ne3A_139, %ne3A_142 : i1
    %sub3A_144 = arith.constant 1 : i32
    %sub3A_145 = arith.subi %div3A_124, %sub3A_144 : i32
    %select_n3A_146 = arith.select %and3A_143, %sub3A_145, %div3A_124 : i32
    %add3A_147 = arith.constant 1 : i32
    %add3A_148 = arith.addi %select_n3A_146, %add3A_147 : i32
    "tpu.region"() ({
      %run_scoped3A = tpu.sem_alloc : memref<!tpu.dma_semaphore, #tpu.memory_space<semaphore_mem>>
      %dma_start3A_197 = arith.constant 0 : i32
      %dma_start3A_198 = tpu.memref_slice %arg2[%add3A_148, %dma_start3A_197] : memref<128x10000xi32, #tpu.memory_space<hbm>> -> memref<1x10000xi32, #tpu.memory_space<hbm>>
      %dma_start3A_199 = tpu.memref_squeeze %dma_start3A_198 : memref<1x10000xi32, #tpu.memory_space<hbm>> -> memref<10000xi32, #tpu.memory_space<hbm>>
      %dma_start3A_200 = arith.constant 0 : i32
      %dma_start3A_201 = tpu.memref_slice %arg2[%add3A_148, %dma_start3A_200] : memref<128x10000xi32, #tpu.memory_space<hbm>> -> memref<1x10000xi32, #tpu.memory_space<hbm>>
      %dma_start3A_202 = tpu.memref_squeeze %dma_start3A_201 : memref<1x10000xi32, #tpu.memory_space<hbm>> -> memref<10000xi32, #tpu.memory_space<hbm>>
      tpu.enqueue_dma source(%dma_start3A_202 : memref<10000xi32, #tpu.memory_space<hbm>>) target(%arg7 : memref<10000xi32, #tpu.memory_space<vmem>>) target_semaphore(%run_scoped3A : memref<!tpu.dma_semaphore, #tpu.memory_space<semaphore_mem>>)
      %dma_wait3A_203 = arith.constant 0 : i32
      %dma_wait3A_204 = tpu.memref_slice %arg2[%add3A_148, %dma_wait3A_203] : memref<128x10000xi32, #tpu.memory_space<hbm>> -> memref<1x10000xi32, #tpu.memory_space<hbm>>
      %dma_wait3A_205 = tpu.memref_squeeze %dma_wait3A_204 : memref<1x10000xi32, #tpu.memory_space<hbm>> -> memref<10000xi32, #tpu.memory_space<hbm>>
      %dma_wait3A_206 = arith.constant 0 : i32
      %dma_wait3A_207 = tpu.memref_slice %arg2[%add3A_148, %dma_wait3A_206] : memref<128x10000xi32, #tpu.memory_space<hbm>> -> memref<1x10000xi32, #tpu.memory_space<hbm>>
      %dma_wait3A_208 = tpu.memref_squeeze %dma_wait3A_207 : memref<1x10000xi32, #tpu.memory_space<hbm>> -> memref<10000xi32, #tpu.memory_space<hbm>>
      tpu.wait_dma2 semaphore(%run_scoped3A : memref<!tpu.dma_semaphore, #tpu.memory_space<semaphore_mem>>) src(%dma_wait3A_208 : memref<10000xi32, #tpu.memory_space<hbm>>) dst(%arg7 : memref<10000xi32, #tpu.memory_space<vmem>>)
      tpu.yield
    }) : () -> ()
    %parallel_loop3A_149 = arith.constant 0 : i32
    %parallel_loop3A_150 = arith.constant 625 : i32
    %parallel_loop3A_151 = arith.constant 1 : i32
    scf.for %parallel_loop3A_197 = %parallel_loop3A_149 to %parallel_loop3A_150 step %parallel_loop3A_151  : i32 {
      %parallel_loop3A_198 = arith.constant 0.000000e+00 : f32
      %parallel_loop3A_199 = vector.broadcast %parallel_loop3A_198 : f32 to vector<16xf32>
      %parallel_loop3A_200 = arith.constant 16 : i32
      %parallel_loop3A_201 = arith.muli %parallel_loop3A_197, %parallel_loop3A_200 : i32
      %parallel_loop3A_202 = arith.index_cast %parallel_loop3A_201 : i32 to index
      %parallel_loop3A_203 = tpu.vector_load %arg8[%parallel_loop3A_202] {strides = array<i32>} : memref<10000xf32, #tpu.memory_space<vmem>>, vector<16xf32>,
      tpu.vector_store %arg8[%parallel_loop3A_202], %parallel_loop3A_199 {strides = array<i32>} : memref<10000xf32, #tpu.memory_space<vmem>>, vector<16xf32>,
      %parallel_loop3A_204 = arith.constant 16 : i32
      %parallel_loop3A_205 = arith.muli %parallel_loop3A_197, %parallel_loop3A_204 : i32
      %parallel_loop3A_206 = arith.index_cast %parallel_loop3A_205 : i32 to index
      %parallel_loop3A_207 = tpu.vector_load %arg9[%parallel_loop3A_206] {strides = array<i32>} : memref<10000xf32, #tpu.memory_space<vmem>>, vector<16xf32>,
      tpu.vector_store %arg9[%parallel_loop3A_206], %parallel_loop3A_199 {strides = array<i32>} : memref<10000xf32, #tpu.memory_space<vmem>>, vector<16xf32>,
      %parallel_loop3A_208 = arith.constant 16 : i32
      %parallel_loop3A_209 = arith.muli %parallel_loop3A_197, %parallel_loop3A_208 : i32
      %parallel_loop3A_210 = arith.index_cast %parallel_loop3A_209 : i32 to index
      %parallel_loop3A_211 = tpu.vector_load %arg10[%parallel_loop3A_210] {strides = array<i32>} : memref<10000xf32, #tpu.memory_space<vmem>>, vector<16xf32>,
      tpu.vector_store %arg10[%parallel_loop3A_210], %parallel_loop3A_199 {strides = array<i32>} : memref<10000xf32, #tpu.memory_space<vmem>>, vector<16xf32>,
      %parallel_loop3A_212 = arith.constant 16 : i32
      %parallel_loop3A_213 = arith.muli %parallel_loop3A_197, %parallel_loop3A_212 : i32
      %parallel_loop3A_214 = arith.index_cast %parallel_loop3A_213 : i32 to index
      %parallel_loop3A_215 = tpu.vector_load %arg11[%parallel_loop3A_214] {strides = array<i32>} : memref<10000xf32, #tpu.memory_space<vmem>>, vector<16xf32>,
      tpu.vector_store %arg11[%parallel_loop3A_214], %parallel_loop3A_199 {strides = array<i32>} : memref<10000xf32, #tpu.memory_space<vmem>>, vector<16xf32>,
    } {sc.loop_unroll_factor = 5 : i64, sc.parallel_access}
    %dma_start3A_152 = arith.constant 0 : i32
    %dma_start3A_153 = tpu.memref_slice %arg3[%dma_start3A_152] : memref<320000xi32, #tpu.memory_space<hbm>> -> memref<3200xi32, #tpu.memory_space<hbm>>
    %dma_start3A_154 = arith.constant 0 : i32
    %dma_start3A_155 = tpu.memref_slice %arg3[%dma_start3A_154] : memref<320000xi32, #tpu.memory_space<hbm>> -> memref<3200xi32, #tpu.memory_space<hbm>>
    tpu.enqueue_dma source(%dma_start3A_155 : memref<3200xi32, #tpu.memory_space<hbm>>) target(%arg12 : memref<3200xi32, #tpu.memory_space<vmem>>) target_semaphore(%arg16 : memref<!tpu.dma_semaphore, #tpu.memory_space<semaphore_mem>>)
    %dma_start3A_156 = arith.constant 0 : i32
    %dma_start3A_157 = tpu.memref_slice %arg4[%dma_start3A_156] : memref<320000xf32, #tpu.memory_space<hbm>> -> memref<3200xf32, #tpu.memory_space<hbm>>
    %dma_start3A_158 = arith.constant 0 : i32
    %dma_start3A_159 = tpu.memref_slice %arg4[%dma_start3A_158] : memref<320000xf32, #tpu.memory_space<hbm>> -> memref<3200xf32, #tpu.memory_space<hbm>>
    tpu.enqueue_dma source(%dma_start3A_159 : memref<3200xf32, #tpu.memory_space<hbm>>) target(%arg13 : memref<3200xf32, #tpu.memory_space<vmem>>) target_semaphore(%arg16 : memref<!tpu.dma_semaphore, #tpu.memory_space<semaphore_mem>>)
    %dma_start3A_160 = arith.constant 3200 : i32
    %dma_start3A_161 = tpu.memref_slice %arg3[%dma_start3A_160] : memref<320000xi32, #tpu.memory_space<hbm>> -> memref<3200xi32, #tpu.memory_space<hbm>>
    %dma_start3A_162 = arith.constant 3200 : i32
    %dma_start3A_163 = tpu.memref_slice %arg3[%dma_start3A_162] : memref<320000xi32, #tpu.memory_space<hbm>> -> memref<3200xi32, #tpu.memory_space<hbm>>
    tpu.enqueue_dma source(%dma_start3A_163 : memref<3200xi32, #tpu.memory_space<hbm>>) target(%arg14 : memref<3200xi32, #tpu.memory_space<vmem>>) target_semaphore(%arg17 : memref<!tpu.dma_semaphore, #tpu.memory_space<semaphore_mem>>)
    %dma_start3A_164 = arith.constant 3200 : i32
    %dma_start3A_165 = tpu.memref_slice %arg4[%dma_start3A_164] : memref<320000xf32, #tpu.memory_space<hbm>> -> memref<3200xf32, #tpu.memory_space<hbm>>
    %dma_start3A_166 = arith.constant 3200 : i32
    %dma_start3A_167 = tpu.memref_slice %arg4[%dma_start3A_166] : memref<320000xf32, #tpu.memory_space<hbm>> -> memref<3200xf32, #tpu.memory_space<hbm>>
    tpu.enqueue_dma source(%dma_start3A_167 : memref<3200xf32, #tpu.memory_space<hbm>>) target(%arg15 : memref<3200xf32, #tpu.memory_space<vmem>>) target_semaphore(%arg17 : memref<!tpu.dma_semaphore, #tpu.memory_space<semaphore_mem>>)
    %scan3A_168 = arith.constant 0 : i32
    %scan3A_169 = arith.constant 50 : i32
    %scan3A_170 = arith.addi %scan3A_168, %scan3A_169 : i32
    %scan3A_171 = arith.constant 1 : i32
    scf.for %scan3A_197 = %scan3A_168 to %scan3A_170 step %scan3A_171  : i32 {
      %mul3A_198 = arith.constant 2 : i32
      %mul3A_199 = arith.muli %scan3A_197, %mul3A_198 : i32
      %dma_wait3A_200 = arith.constant 0 : i32
      %dma_wait3A_201 = tpu.memref_slice %arg3[%dma_wait3A_200] : memref<320000xi32, #tpu.memory_space<hbm>> -> memref<3200xi32, #tpu.memory_space<hbm>>
      %dma_wait3A_202 = arith.constant 0 : i32
      %dma_wait3A_203 = tpu.memref_slice %arg3[%dma_wait3A_202] : memref<320000xi32, #tpu.memory_space<hbm>> -> memref<3200xi32, #tpu.memory_space<hbm>>
      tpu.wait_dma2 semaphore(%arg16 : memref<!tpu.dma_semaphore, #tpu.memory_space<semaphore_mem>>) src(%dma_wait3A_203 : memref<3200xi32, #tpu.memory_space<hbm>>) dst(%arg12 : memref<3200xi32, #tpu.memory_space<vmem>>)
      %dma_wait3A_204 = arith.constant 0 : i32
      %dma_wait3A_205 = tpu.memref_slice %arg4[%dma_wait3A_204] : memref<320000xf32, #tpu.memory_space<hbm>> -> memref<3200xf32, #tpu.memory_space<hbm>>
      %dma_wait3A_206 = arith.constant 0 : i32
      %dma_wait3A_207 = tpu.memref_slice %arg4[%dma_wait3A_206] : memref<320000xf32, #tpu.memory_space<hbm>> -> memref<3200xf32, #tpu.memory_space<hbm>>
      tpu.wait_dma2 semaphore(%arg16 : memref<!tpu.dma_semaphore, #tpu.memory_space<semaphore_mem>>) src(%dma_wait3A_207 : memref<3200xf32, #tpu.memory_space<hbm>>) dst(%arg13 : memref<3200xf32, #tpu.memory_space<vmem>>)
      %parallel_loop3A_208 = arith.constant 0 : i32
      %parallel_loop3A_209 = arith.constant 200 : i32
      %parallel_loop3A_210 = arith.constant 1 : i32
      scf.for %parallel_loop3A_268 = %parallel_loop3A_208 to %parallel_loop3A_209 step %parallel_loop3A_210  : i32 {
        %parallel_loop3A_269 = arith.constant 16 : i32
        %parallel_loop3A_270 = arith.muli %parallel_loop3A_268, %parallel_loop3A_269 : i32
        %parallel_loop3A_271 = arith.index_cast %parallel_loop3A_270 : i32 to index
        %parallel_loop3A_272 = tpu.vector_load %arg12[%parallel_loop3A_271] {strides = array<i32>} : memref<3200xi32, #tpu.memory_space<vmem>>, vector<16xi32>,
        %parallel_loop3A_273 = arith.constant 14 : i32
        %parallel_loop3A_274 = vector.broadcast %parallel_loop3A_273 : i32 to vector<16xi32>
        %parallel_loop3A_275 = arith.shrui %parallel_loop3A_272, %parallel_loop3A_274 : vector<16xi32>
        %parallel_loop3A_276 = arith.constant 16383 : i32
        %parallel_loop3A_277 = vector.broadcast %parallel_loop3A_276 : i32 to vector<16xi32>
        %parallel_loop3A_278 = arith.andi %parallel_loop3A_272, %parallel_loop3A_277 : vector<16xi32>
        %parallel_loop3A_279 = arith.constant 16 : i32
        %parallel_loop3A_280 = arith.muli %parallel_loop3A_268, %parallel_loop3A_279 : i32
        %parallel_loop3A_281 = arith.index_cast %parallel_loop3A_280 : i32 to index
        %parallel_loop3A_282 = tpu.vector_load %arg13[%parallel_loop3A_281] {strides = array<i32>} : memref<3200xf32, #tpu.memory_space<vmem>>, vector<16xf32>,
        %parallel_loop3A_283 = tpu.vector_load_idx %arg6[%parallel_loop3A_275] : memref<10000xi32, #tpu.memory_space<vmem>>[vector<16xi32>], vector<16xi32>,
        %parallel_loop3A_284 = arith.constant 16 : i32
        %parallel_loop3A_285 = vector.broadcast %parallel_loop3A_284 : i32 to vector<16xi32>
        %parallel_loop3A_286 = arith.shli %parallel_loop3A_283, %parallel_loop3A_285 : vector<16xi32>
        %parallel_loop3A_287 = vector.bitcast %parallel_loop3A_286 : vector<16xi32> to vector<16xf32>
        %parallel_loop3A_288 = arith.constant -65536 : i32
        %parallel_loop3A_289 = vector.broadcast %parallel_loop3A_288 : i32 to vector<16xi32>
        %parallel_loop3A_290 = arith.andi %parallel_loop3A_283, %parallel_loop3A_289 : vector<16xi32>
        %parallel_loop3A_291 = vector.bitcast %parallel_loop3A_290 : vector<16xi32> to vector<16xf32>
        %parallel_loop3A_292 = arith.mulf %parallel_loop3A_287, %parallel_loop3A_282 : vector<16xf32>
        tpu.vector_store_idx %arg8[%parallel_loop3A_278], %parallel_loop3A_292 {add = true} : memref<10000xf32, #tpu.memory_space<vmem>>[vector<16xi32>], vector<16xf32>,
        %parallel_loop3A_293 = arith.mulf %parallel_loop3A_291, %parallel_loop3A_282 : vector<16xf32>
        tpu.vector_store_idx %arg9[%parallel_loop3A_278], %parallel_loop3A_293 {add = true} : memref<10000xf32, #tpu.memory_space<vmem>>[vector<16xi32>], vector<16xf32>,
        %parallel_loop3A_294 = tpu.vector_load_idx %arg7[%parallel_loop3A_275] : memref<10000xi32, #tpu.memory_space<vmem>>[vector<16xi32>], vector<16xi32>,
        %parallel_loop3A_295 = arith.constant 16 : i32
        %parallel_loop3A_296 = vector.broadcast %parallel_loop3A_295 : i32 to vector<16xi32>
        %parallel_loop3A_297 = arith.shli %parallel_loop3A_294, %parallel_loop3A_296 : vector<16xi32>
        %parallel_loop3A_298 = vector.bitcast %parallel_loop3A_297 : vector<16xi32> to vector<16xf32>
        %parallel_loop3A_299 = arith.constant -65536 : i32
        %parallel_loop3A_300 = vector.broadcast %parallel_loop3A_299 : i32 to vector<16xi32>
        %parallel_loop3A_301 = arith.andi %parallel_loop3A_294, %parallel_loop3A_300 : vector<16xi32>
        %parallel_loop3A_302 = vector.bitcast %parallel_loop3A_301 : vector<16xi32> to vector<16xf32>
        %parallel_loop3A_303 = arith.mulf %parallel_loop3A_298, %parallel_loop3A_282 : vector<16xf32>
        tpu.vector_store_idx %arg10[%parallel_loop3A_278], %parallel_loop3A_303 {add = true} : memref<10000xf32, #tpu.memory_space<vmem>>[vector<16xi32>], vector<16xf32>,
        %parallel_loop3A_304 = arith.mulf %parallel_loop3A_302, %parallel_loop3A_282 : vector<16xf32>
        tpu.vector_store_idx %arg11[%parallel_loop3A_278], %parallel_loop3A_304 {add = true} : memref<10000xf32, #tpu.memory_space<vmem>>[vector<16xi32>], vector<16xf32>,
      } {sc.loop_unroll_factor = 8 : i64, sc.parallel_access}
      %add3A_211 = arith.constant 2 : i32
      %add3A_212 = arith.addi %mul3A_199, %add3A_211 : i32
      %jit3A_213 = arith.constant 100 : i32
      %eq3A = arith.constant 0 : i32
      %eq3A_214 = arith.cmpi eq, %jit3A_213, %eq3A : i32
      %jit3A_215 = arith.constant 1 : i32
      %select_n3A_216 = arith.select %eq3A_214, %jit3A_215, %jit3A_213 : i32
      %rem3A_217 = arith.remsi %add3A_212, %select_n3A_216 : i32
      %ne3A_218 = arith.constant 0 : i32
      %ne3A_219 = arith.cmpi ne, %rem3A_217, %ne3A_218 : i32
      %lt3A = arith.constant 0 : i32
      %lt3A_220 = arith.cmpi slt, %rem3A_217, %lt3A : i32
      %lt3A_221 = arith.constant 0 : i32
      %lt3A_222 = arith.cmpi slt, %select_n3A_216, %lt3A_221 : i32
      %ne3A_223 = arith.xori %lt3A_220, %lt3A_222 : i1
      %and3A_224 = arith.andi %ne3A_223, %ne3A_219 : i1
      %add3A_225 = arith.addi %rem3A_217, %select_n3A_216 : i32
      %select_n3A_226 = arith.select %and3A_224, %add3A_225, %rem3A_217 : i32
      %mul3A_227 = arith.constant 3200 : i32
      %mul3A_228 = arith.muli %select_n3A_226, %mul3A_227 : i32
      %dma_start3A_229 = tpu.memref_slice %arg3[%mul3A_228] : memref<320000xi32, #tpu.memory_space<hbm>> -> memref<3200xi32, #tpu.memory_space<hbm>>
      %dma_start3A_230 = tpu.memref_slice %arg3[%mul3A_228] : memref<320000xi32, #tpu.memory_space<hbm>> -> memref<3200xi32, #tpu.memory_space<hbm>>
      tpu.enqueue_dma source(%dma_start3A_230 : memref<3200xi32, #tpu.memory_space<hbm>>) target(%arg12 : memref<3200xi32, #tpu.memory_space<vmem>>) target_semaphore(%arg16 : memref<!tpu.dma_semaphore, #tpu.memory_space<semaphore_mem>>)
      %dma_start3A_231 = tpu.memref_slice %arg4[%mul3A_228] : memref<320000xf32, #tpu.memory_space<hbm>> -> memref<3200xf32, #tpu.memory_space<hbm>>
      %dma_start3A_232 = tpu.memref_slice %arg4[%mul3A_228] : memref<320000xf32, #tpu.memory_space<hbm>> -> memref<3200xf32, #tpu.memory_space<hbm>>
      tpu.enqueue_dma source(%dma_start3A_232 : memref<3200xf32, #tpu.memory_space<hbm>>) target(%arg13 : memref<3200xf32, #tpu.memory_space<vmem>>) target_semaphore(%arg16 : memref<!tpu.dma_semaphore, #tpu.memory_space<semaphore_mem>>)
      %dma_wait3A_233 = arith.constant 0 : i32
      %dma_wait3A_234 = tpu.memref_slice %arg3[%dma_wait3A_233] : memref<320000xi32, #tpu.memory_space<hbm>> -> memref<3200xi32, #tpu.memory_space<hbm>>
      %dma_wait3A_235 = arith.constant 0 : i32
      %dma_wait3A_236 = tpu.memref_slice %arg3[%dma_wait3A_235] : memref<320000xi32, #tpu.memory_space<hbm>> -> memref<3200xi32, #tpu.memory_space<hbm>>
      tpu.wait_dma2 semaphore(%arg17 : memref<!tpu.dma_semaphore, #tpu.memory_space<semaphore_mem>>) src(%dma_wait3A_236 : memref<3200xi32, #tpu.memory_space<hbm>>) dst(%arg14 : memref<3200xi32, #tpu.memory_space<vmem>>)
      %dma_wait3A_237 = arith.constant 0 : i32
      %dma_wait3A_238 = tpu.memref_slice %arg4[%dma_wait3A_237] : memref<320000xf32, #tpu.memory_space<hbm>> -> memref<3200xf32, #tpu.memory_space<hbm>>
      %dma_wait3A_239 = arith.constant 0 : i32
      %dma_wait3A_240 = tpu.memref_slice %arg4[%dma_wait3A_239] : memref<320000xf32, #tpu.memory_space<hbm>> -> memref<3200xf32, #tpu.memory_space<hbm>>
      tpu.wait_dma2 semaphore(%arg17 : memref<!tpu.dma_semaphore, #tpu.memory_space<semaphore_mem>>) src(%dma_wait3A_240 : memref<3200xf32, #tpu.memory_space<hbm>>) dst(%arg15 : memref<3200xf32, #tpu.memory_space<vmem>>)
      %parallel_loop3A_241 = arith.constant 0 : i32
      %parallel_loop3A_242 = arith.constant 200 : i32
      %parallel_loop3A_243 = arith.constant 1 : i32
      scf.for %parallel_loop3A_268 = %parallel_loop3A_241 to %parallel_loop3A_242 step %parallel_loop3A_243  : i32 {
        %parallel_loop3A_269 = arith.constant 16 : i32
        %parallel_loop3A_270 = arith.muli %parallel_loop3A_268, %parallel_loop3A_269 : i32
        %parallel_loop3A_271 = arith.index_cast %parallel_loop3A_270 : i32 to index
        %parallel_loop3A_272 = tpu.vector_load %arg14[%parallel_loop3A_271] {strides = array<i32>} : memref<3200xi32, #tpu.memory_space<vmem>>, vector<16xi32>,
        %parallel_loop3A_273 = arith.constant 14 : i32
        %parallel_loop3A_274 = vector.broadcast %parallel_loop3A_273 : i32 to vector<16xi32>
        %parallel_loop3A_275 = arith.shrui %parallel_loop3A_272, %parallel_loop3A_274 : vector<16xi32>
        %parallel_loop3A_276 = arith.constant 16383 : i32
        %parallel_loop3A_277 = vector.broadcast %parallel_loop3A_276 : i32 to vector<16xi32>
        %parallel_loop3A_278 = arith.andi %parallel_loop3A_272, %parallel_loop3A_277 : vector<16xi32>
        %parallel_loop3A_279 = arith.constant 16 : i32
        %parallel_loop3A_280 = arith.muli %parallel_loop3A_268, %parallel_loop3A_279 : i32
        %parallel_loop3A_281 = arith.index_cast %parallel_loop3A_280 : i32 to index
        %parallel_loop3A_282 = tpu.vector_load %arg15[%parallel_loop3A_281] {strides = array<i32>} : memref<3200xf32, #tpu.memory_space<vmem>>, vector<16xf32>,
        %parallel_loop3A_283 = tpu.vector_load_idx %arg6[%parallel_loop3A_275] : memref<10000xi32, #tpu.memory_space<vmem>>[vector<16xi32>], vector<16xi32>,
        %parallel_loop3A_284 = arith.constant 16 : i32
        %parallel_loop3A_285 = vector.broadcast %parallel_loop3A_284 : i32 to vector<16xi32>
        %parallel_loop3A_286 = arith.shli %parallel_loop3A_283, %parallel_loop3A_285 : vector<16xi32>
        %parallel_loop3A_287 = vector.bitcast %parallel_loop3A_286 : vector<16xi32> to vector<16xf32>
        %parallel_loop3A_288 = arith.constant -65536 : i32
        %parallel_loop3A_289 = vector.broadcast %parallel_loop3A_288 : i32 to vector<16xi32>
        %parallel_loop3A_290 = arith.andi %parallel_loop3A_283, %parallel_loop3A_289 : vector<16xi32>
        %parallel_loop3A_291 = vector.bitcast %parallel_loop3A_290 : vector<16xi32> to vector<16xf32>
        %parallel_loop3A_292 = arith.mulf %parallel_loop3A_287, %parallel_loop3A_282 : vector<16xf32>
        tpu.vector_store_idx %arg8[%parallel_loop3A_278], %parallel_loop3A_292 {add = true} : memref<10000xf32, #tpu.memory_space<vmem>>[vector<16xi32>], vector<16xf32>,
        %parallel_loop3A_293 = arith.mulf %parallel_loop3A_291, %parallel_loop3A_282 : vector<16xf32>
        tpu.vector_store_idx %arg9[%parallel_loop3A_278], %parallel_loop3A_293 {add = true} : memref<10000xf32, #tpu.memory_space<vmem>>[vector<16xi32>], vector<16xf32>,
        %parallel_loop3A_294 = tpu.vector_load_idx %arg7[%parallel_loop3A_275] : memref<10000xi32, #tpu.memory_space<vmem>>[vector<16xi32>], vector<16xi32>,
        %parallel_loop3A_295 = arith.constant 16 : i32
        %parallel_loop3A_296 = vector.broadcast %parallel_loop3A_295 : i32 to vector<16xi32>
        %parallel_loop3A_297 = arith.shli %parallel_loop3A_294, %parallel_loop3A_296 : vector<16xi32>
        %parallel_loop3A_298 = vector.bitcast %parallel_loop3A_297 : vector<16xi32> to vector<16xf32>
        %parallel_loop3A_299 = arith.constant -65536 : i32
        %parallel_loop3A_300 = vector.broadcast %parallel_loop3A_299 : i32 to vector<16xi32>
        %parallel_loop3A_301 = arith.andi %parallel_loop3A_294, %parallel_loop3A_300 : vector<16xi32>
        %parallel_loop3A_302 = vector.bitcast %parallel_loop3A_301 : vector<16xi32> to vector<16xf32>
        %parallel_loop3A_303 = arith.mulf %parallel_loop3A_298, %parallel_loop3A_282 : vector<16xf32>
        tpu.vector_store_idx %arg10[%parallel_loop3A_278], %parallel_loop3A_303 {add = true} : memref<10000xf32, #tpu.memory_space<vmem>>[vector<16xi32>], vector<16xf32>,
        %parallel_loop3A_304 = arith.mulf %parallel_loop3A_302, %parallel_loop3A_282 : vector<16xf32>
        tpu.vector_store_idx %arg11[%parallel_loop3A_278], %parallel_loop3A_304 {add = true} : memref<10000xf32, #tpu.memory_space<vmem>>[vector<16xi32>], vector<16xf32>,
      } {sc.loop_unroll_factor = 8 : i64, sc.parallel_access}
      %add3A_244 = arith.constant 3 : i32
      %add3A_245 = arith.addi %mul3A_199, %add3A_244 : i32
      %jit3A_246 = arith.constant 100 : i32
      %eq3A_247 = arith.constant 0 : i32
      %eq3A_248 = arith.cmpi eq, %jit3A_246, %eq3A_247 : i32
      %jit3A_249 = arith.constant 1 : i32
      %select_n3A_250 = arith.select %eq3A_248, %jit3A_249, %jit3A_246 : i32
      %rem3A_251 = arith.remsi %add3A_245, %select_n3A_250 : i32
      %ne3A_252 = arith.constant 0 : i32
      %ne3A_253 = arith.cmpi ne, %rem3A_251, %ne3A_252 : i32
      %lt3A_254 = arith.constant 0 : i32
      %lt3A_255 = arith.cmpi slt, %rem3A_251, %lt3A_254 : i32
      %lt3A_256 = arith.constant 0 : i32
      %lt3A_257 = arith.cmpi slt, %select_n3A_250, %lt3A_256 : i32
      %ne3A_258 = arith.xori %lt3A_255, %lt3A_257 : i1
      %and3A_259 = arith.andi %ne3A_258, %ne3A_253 : i1
      %add3A_260 = arith.addi %rem3A_251, %select_n3A_250 : i32
      %select_n3A_261 = arith.select %and3A_259, %add3A_260, %rem3A_251 : i32
      %mul3A_262 = arith.constant 3200 : i32
      %mul3A_263 = arith.muli %select_n3A_261, %mul3A_262 : i32
      %dma_start3A_264 = tpu.memref_slice %arg3[%mul3A_263] : memref<320000xi32, #tpu.memory_space<hbm>> -> memref<3200xi32, #tpu.memory_space<hbm>>
      %dma_start3A_265 = tpu.memref_slice %arg3[%mul3A_263] : memref<320000xi32, #tpu.memory_space<hbm>> -> memref<3200xi32, #tpu.memory_space<hbm>>
      tpu.enqueue_dma source(%dma_start3A_265 : memref<3200xi32, #tpu.memory_space<hbm>>) target(%arg14 : memref<3200xi32, #tpu.memory_space<vmem>>) target_semaphore(%arg17 : memref<!tpu.dma_semaphore, #tpu.memory_space<semaphore_mem>>)
      %dma_start3A_266 = tpu.memref_slice %arg4[%mul3A_263] : memref<320000xf32, #tpu.memory_space<hbm>> -> memref<3200xf32, #tpu.memory_space<hbm>>
      %dma_start3A_267 = tpu.memref_slice %arg4[%mul3A_263] : memref<320000xf32, #tpu.memory_space<hbm>> -> memref<3200xf32, #tpu.memory_space<hbm>>
      tpu.enqueue_dma source(%dma_start3A_267 : memref<3200xf32, #tpu.memory_space<hbm>>) target(%arg15 : memref<3200xf32, #tpu.memory_space<vmem>>) target_semaphore(%arg17 : memref<!tpu.dma_semaphore, #tpu.memory_space<semaphore_mem>>)
    }
    %scan3A_172 = arith.constant 50 : i32
    %dma_wait3A_173 = arith.constant 0 : i32
    %dma_wait3A_174 = tpu.memref_slice %arg3[%dma_wait3A_173] : memref<320000xi32, #tpu.memory_space<hbm>> -> memref<3200xi32, #tpu.memory_space<hbm>>
    %dma_wait3A_175 = arith.constant 0 : i32
    %dma_wait3A_176 = tpu.memref_slice %arg3[%dma_wait3A_175] : memref<320000xi32, #tpu.memory_space<hbm>> -> memref<3200xi32, #tpu.memory_space<hbm>>
    tpu.wait_dma2 semaphore(%arg16 : memref<!tpu.dma_semaphore, #tpu.memory_space<semaphore_mem>>) src(%dma_wait3A_176 : memref<3200xi32, #tpu.memory_space<hbm>>) dst(%arg12 : memref<3200xi32, #tpu.memory_space<vmem>>)
    %dma_wait3A_177 = arith.constant 0 : i32
    %dma_wait3A_178 = tpu.memref_slice %arg4[%dma_wait3A_177] : memref<320000xf32, #tpu.memory_space<hbm>> -> memref<3200xf32, #tpu.memory_space<hbm>>
    %dma_wait3A_179 = arith.constant 0 : i32
    %dma_wait3A_180 = tpu.memref_slice %arg4[%dma_wait3A_179] : memref<320000xf32, #tpu.memory_space<hbm>> -> memref<3200xf32, #tpu.memory_space<hbm>>
    tpu.wait_dma2 semaphore(%arg16 : memref<!tpu.dma_semaphore, #tpu.memory_space<semaphore_mem>>) src(%dma_wait3A_180 : memref<3200xf32, #tpu.memory_space<hbm>>) dst(%arg13 : memref<3200xf32, #tpu.memory_space<vmem>>)
    %dma_wait3A_181 = arith.constant 0 : i32
    %dma_wait3A_182 = tpu.memref_slice %arg3[%dma_wait3A_181] : memref<320000xi32, #tpu.memory_space<hbm>> -> memref<3200xi32, #tpu.memory_space<hbm>>
    %dma_wait3A_183 = arith.constant 0 : i32
    %dma_wait3A_184 = tpu.memref_slice %arg3[%dma_wait3A_183] : memref<320000xi32, #tpu.memory_space<hbm>> -> memref<3200xi32, #tpu.memory_space<hbm>>
    tpu.wait_dma2 semaphore(%arg17 : memref<!tpu.dma_semaphore, #tpu.memory_space<semaphore_mem>>) src(%dma_wait3A_184 : memref<3200xi32, #tpu.memory_space<hbm>>) dst(%arg14 : memref<3200xi32, #tpu.memory_space<vmem>>)
    %dma_wait3A_185 = arith.constant 0 : i32
    %dma_wait3A_186 = tpu.memref_slice %arg4[%dma_wait3A_185] : memref<320000xf32, #tpu.memory_space<hbm>> -> memref<3200xf32, #tpu.memory_space<hbm>>
    %dma_wait3A_187 = arith.constant 0 : i32
    %dma_wait3A_188 = tpu.memref_slice %arg4[%dma_wait3A_187] : memref<320000xf32, #tpu.memory_space<hbm>> -> memref<3200xf32, #tpu.memory_space<hbm>>
    tpu.wait_dma2 semaphore(%arg17 : memref<!tpu.dma_semaphore, #tpu.memory_space<semaphore_mem>>) src(%dma_wait3A_188 : memref<3200xf32, #tpu.memory_space<hbm>>) dst(%arg15 : memref<3200xf32, #tpu.memory_space<vmem>>)
    %add3A_189 = arith.constant 0 : i32
    %add3A_190 = arith.addi %add3A_96, %add3A_189 : i32
    "tpu.region"() ({
      %run_scoped3A = tpu.sem_alloc : memref<!tpu.dma_semaphore, #tpu.memory_space<semaphore_mem>>
      %dma_start3A_197 = arith.constant 0 : i32
      %dma_start3A_198 = tpu.memref_slice %arg5[%add3A_190, %dma_start3A_197] : memref<256x10000xf32, #tpu.memory_space<hbm>> -> memref<1x10000xf32, #tpu.memory_space<hbm>>
      %dma_start3A_199 = tpu.memref_squeeze %dma_start3A_198 : memref<1x10000xf32, #tpu.memory_space<hbm>> -> memref<10000xf32, #tpu.memory_space<hbm>>
      %dma_start3A_200 = arith.constant 0 : i32
      %dma_start3A_201 = tpu.memref_slice %arg5[%add3A_190, %dma_start3A_200] : memref<256x10000xf32, #tpu.memory_space<hbm>> -> memref<1x10000xf32, #tpu.memory_space<hbm>>
      %dma_start3A_202 = tpu.memref_squeeze %dma_start3A_201 : memref<1x10000xf32, #tpu.memory_space<hbm>> -> memref<10000xf32, #tpu.memory_space<hbm>>
      tpu.enqueue_dma source(%arg8 : memref<10000xf32, #tpu.memory_space<vmem>>) target(%dma_start3A_202 : memref<10000xf32, #tpu.memory_space<hbm>>) target_semaphore(%run_scoped3A : memref<!tpu.dma_semaphore, #tpu.memory_space<semaphore_mem>>)
      %dma_wait3A_203 = arith.constant 0 : i32
      %dma_wait3A_204 = tpu.memref_slice %arg5[%add3A_190, %dma_wait3A_203] : memref<256x10000xf32, #tpu.memory_space<hbm>> -> memref<1x10000xf32, #tpu.memory_space<hbm>>
      %dma_wait3A_205 = tpu.memref_squeeze %dma_wait3A_204 : memref<1x10000xf32, #tpu.memory_space<hbm>> -> memref<10000xf32, #tpu.memory_space<hbm>>
      %dma_wait3A_206 = arith.constant 0 : i32
      %dma_wait3A_207 = tpu.memref_slice %arg5[%add3A_190, %dma_wait3A_206] : memref<256x10000xf32, #tpu.memory_space<hbm>> -> memref<1x10000xf32, #tpu.memory_space<hbm>>
      %dma_wait3A_208 = tpu.memref_squeeze %dma_wait3A_207 : memref<1x10000xf32, #tpu.memory_space<hbm>> -> memref<10000xf32, #tpu.memory_space<hbm>>
      tpu.wait_dma2 semaphore(%run_scoped3A : memref<!tpu.dma_semaphore, #tpu.memory_space<semaphore_mem>>) src(%arg8 : memref<10000xf32, #tpu.memory_space<vmem>>) dst(%dma_wait3A_208 : memref<10000xf32, #tpu.memory_space<hbm>>)
      tpu.yield
    }) : () -> ()
    %add3A_191 = arith.constant 1 : i32
    %add3A_192 = arith.addi %add3A_96, %add3A_191 : i32
    "tpu.region"() ({
      %run_scoped3A = tpu.sem_alloc : memref<!tpu.dma_semaphore, #tpu.memory_space<semaphore_mem>>
      %dma_start3A_197 = arith.constant 0 : i32
      %dma_start3A_198 = tpu.memref_slice %arg5[%add3A_192, %dma_start3A_197] : memref<256x10000xf32, #tpu.memory_space<hbm>> -> memref<1x10000xf32, #tpu.memory_space<hbm>>
      %dma_start3A_199 = tpu.memref_squeeze %dma_start3A_198 : memref<1x10000xf32, #tpu.memory_space<hbm>> -> memref<10000xf32, #tpu.memory_space<hbm>>
      %dma_start3A_200 = arith.constant 0 : i32
      %dma_start3A_201 = tpu.memref_slice %arg5[%add3A_192, %dma_start3A_200] : memref<256x10000xf32, #tpu.memory_space<hbm>> -> memref<1x10000xf32, #tpu.memory_space<hbm>>
      %dma_start3A_202 = tpu.memref_squeeze %dma_start3A_201 : memref<1x10000xf32, #tpu.memory_space<hbm>> -> memref<10000xf32, #tpu.memory_space<hbm>>
      tpu.enqueue_dma source(%arg9 : memref<10000xf32, #tpu.memory_space<vmem>>) target(%dma_start3A_202 : memref<10000xf32, #tpu.memory_space<hbm>>) target_semaphore(%run_scoped3A : memref<!tpu.dma_semaphore, #tpu.memory_space<semaphore_mem>>)
      %dma_wait3A_203 = arith.constant 0 : i32
      %dma_wait3A_204 = tpu.memref_slice %arg5[%add3A_192, %dma_wait3A_203] : memref<256x10000xf32, #tpu.memory_space<hbm>> -> memref<1x10000xf32, #tpu.memory_space<hbm>>
      %dma_wait3A_205 = tpu.memref_squeeze %dma_wait3A_204 : memref<1x10000xf32, #tpu.memory_space<hbm>> -> memref<10000xf32, #tpu.memory_space<hbm>>
      %dma_wait3A_206 = arith.constant 0 : i32
      %dma_wait3A_207 = tpu.memref_slice %arg5[%add3A_192, %dma_wait3A_206] : memref<256x10000xf32, #tpu.memory_space<hbm>> -> memref<1x10000xf32, #tpu.memory_space<hbm>>
      %dma_wait3A_208 = tpu.memref_squeeze %dma_wait3A_207 : memref<1x10000xf32, #tpu.memory_space<hbm>> -> memref<10000xf32, #tpu.memory_space<hbm>>
      tpu.wait_dma2 semaphore(%run_scoped3A : memref<!tpu.dma_semaphore, #tpu.memory_space<semaphore_mem>>) src(%arg9 : memref<10000xf32, #tpu.memory_space<vmem>>) dst(%dma_wait3A_208 : memref<10000xf32, #tpu.memory_space<hbm>>)
      tpu.yield
    }) : () -> ()
    %add3A_193 = arith.constant 2 : i32
    %add3A_194 = arith.addi %add3A_96, %add3A_193 : i32
    "tpu.region"() ({
      %run_scoped3A = tpu.sem_alloc : memref<!tpu.dma_semaphore, #tpu.memory_space<semaphore_mem>>
      %dma_start3A_197 = arith.constant 0 : i32
      %dma_start3A_198 = tpu.memref_slice %arg5[%add3A_194, %dma_start3A_197] : memref<256x10000xf32, #tpu.memory_space<hbm>> -> memref<1x10000xf32, #tpu.memory_space<hbm>>
      %dma_start3A_199 = tpu.memref_squeeze %dma_start3A_198 : memref<1x10000xf32, #tpu.memory_space<hbm>> -> memref<10000xf32, #tpu.memory_space<hbm>>
      %dma_start3A_200 = arith.constant 0 : i32
      %dma_start3A_201 = tpu.memref_slice %arg5[%add3A_194, %dma_start3A_200] : memref<256x10000xf32, #tpu.memory_space<hbm>> -> memref<1x10000xf32, #tpu.memory_space<hbm>>
      %dma_start3A_202 = tpu.memref_squeeze %dma_start3A_201 : memref<1x10000xf32, #tpu.memory_space<hbm>> -> memref<10000xf32, #tpu.memory_space<hbm>>
      tpu.enqueue_dma source(%arg10 : memref<10000xf32, #tpu.memory_space<vmem>>) target(%dma_start3A_202 : memref<10000xf32, #tpu.memory_space<hbm>>) target_semaphore(%run_scoped3A : memref<!tpu.dma_semaphore, #tpu.memory_space<semaphore_mem>>)
      %dma_wait3A_203 = arith.constant 0 : i32
      %dma_wait3A_204 = tpu.memref_slice %arg5[%add3A_194, %dma_wait3A_203] : memref<256x10000xf32, #tpu.memory_space<hbm>> -> memref<1x10000xf32, #tpu.memory_space<hbm>>
      %dma_wait3A_205 = tpu.memref_squeeze %dma_wait3A_204 : memref<1x10000xf32, #tpu.memory_space<hbm>> -> memref<10000xf32, #tpu.memory_space<hbm>>
      %dma_wait3A_206 = arith.constant 0 : i32
      %dma_wait3A_207 = tpu.memref_slice %arg5[%add3A_194, %dma_wait3A_206] : memref<256x10000xf32, #tpu.memory_space<hbm>> -> memref<1x10000xf32, #tpu.memory_space<hbm>>
      %dma_wait3A_208 = tpu.memref_squeeze %dma_wait3A_207 : memref<1x10000xf32, #tpu.memory_space<hbm>> -> memref<10000xf32, #tpu.memory_space<hbm>>
      tpu.wait_dma2 semaphore(%run_scoped3A : memref<!tpu.dma_semaphore, #tpu.memory_space<semaphore_mem>>) src(%arg10 : memref<10000xf32, #tpu.memory_space<vmem>>) dst(%dma_wait3A_208 : memref<10000xf32, #tpu.memory_space<hbm>>)
      tpu.yield
    }) : () -> ()
    %add3A_195 = arith.constant 3 : i32
    %add3A_196 = arith.addi %add3A_96, %add3A_195 : i32
    "tpu.region"() ({
      %run_scoped3A = tpu.sem_alloc : memref<!tpu.dma_semaphore, #tpu.memory_space<semaphore_mem>>
      %dma_start3A_197 = arith.constant 0 : i32
      %dma_start3A_198 = tpu.memref_slice %arg5[%add3A_196, %dma_start3A_197] : memref<256x10000xf32, #tpu.memory_space<hbm>> -> memref<1x10000xf32, #tpu.memory_space<hbm>>
      %dma_start3A_199 = tpu.memref_squeeze %dma_start3A_198 : memref<1x10000xf32, #tpu.memory_space<hbm>> -> memref<10000xf32, #tpu.memory_space<hbm>>
      %dma_start3A_200 = arith.constant 0 : i32
      %dma_start3A_201 = tpu.memref_slice %arg5[%add3A_196, %dma_start3A_200] : memref<256x10000xf32, #tpu.memory_space<hbm>> -> memref<1x10000xf32, #tpu.memory_space<hbm>>
      %dma_start3A_202 = tpu.memref_squeeze %dma_start3A_201 : memref<1x10000xf32, #tpu.memory_space<hbm>> -> memref<10000xf32, #tpu.memory_space<hbm>>
      tpu.enqueue_dma source(%arg11 : memref<10000xf32, #tpu.memory_space<vmem>>) target(%dma_start3A_202 : memref<10000xf32, #tpu.memory_space<hbm>>) target_semaphore(%run_scoped3A : memref<!tpu.dma_semaphore, #tpu.memory_space<semaphore_mem>>)
      %dma_wait3A_203 = arith.constant 0 : i32
      %dma_wait3A_204 = tpu.memref_slice %arg5[%add3A_196, %dma_wait3A_203] : memref<256x10000xf32, #tpu.memory_space<hbm>> -> memref<1x10000xf32, #tpu.memory_space<hbm>>
      %dma_wait3A_205 = tpu.memref_squeeze %dma_wait3A_204 : memref<1x10000xf32, #tpu.memory_space<hbm>> -> memref<10000xf32, #tpu.memory_space<hbm>>
      %dma_wait3A_206 = arith.constant 0 : i32
      %dma_wait3A_207 = tpu.memref_slice %arg5[%add3A_196, %dma_wait3A_206] : memref<256x10000xf32, #tpu.memory_space<hbm>> -> memref<1x10000xf32, #tpu.memory_space<hbm>>
      %dma_wait3A_208 = tpu.memref_squeeze %dma_wait3A_207 : memref<1x10000xf32, #tpu.memory_space<hbm>> -> memref<10000xf32, #tpu.memory_space<hbm>>
      tpu.wait_dma2 semaphore(%run_scoped3A : memref<!tpu.dma_semaphore, #tpu.memory_space<semaphore_mem>>) src(%arg11 : memref<10000xf32, #tpu.memory_space<vmem>>) dst(%dma_wait3A_208 : memref<10000xf32, #tpu.memory_space<hbm>>)
      tpu.yield
    }) : () -> ()
    return
  }
}

#map = affine_map<(d0, d1) -> (0, 0)>
#map1 = affine_map<(d0, d1) -> (0)>
module attributes {stable_mosaic.version = 14 : i64} {
  func.func @_agg_body(%arg0: i32, %arg1: i32, %arg2: memref<64x10000xi32, #tpu.memory_space<hbm>>, %arg3: memref<320000xi32, #tpu.memory_space<hbm>>, %arg4: memref<320000xf32, #tpu.memory_space<hbm>>, %arg5: memref<128x10000xf32, #tpu.memory_space<hbm>>, %arg6: memref<10000xi32, #tpu.memory_space<vmem>>, %arg7: memref<10000xi32, #tpu.memory_space<vmem>>, %arg8: memref<10000xf32, #tpu.memory_space<vmem>>, %arg9: memref<10000xf32, #tpu.memory_space<vmem>>, %arg10: memref<10000xf32, #tpu.memory_space<vmem>>, %arg11: memref<10000xf32, #tpu.memory_space<vmem>>, %arg12: memref<3200xi32, #tpu.memory_space<vmem>>, %arg13: memref<3200xf32, #tpu.memory_space<vmem>>, %arg14: memref<3200xi32, #tpu.memory_space<vmem>>, %arg15: memref<3200xf32, #tpu.memory_space<vmem>>, %arg16: memref<!tpu.dma_semaphore, #tpu.memory_space<semaphore_mem>>, %arg17: memref<!tpu.dma_semaphore, #tpu.memory_space<semaphore_mem>>) attributes {dimension_semantics = [#tpu.dimension_semantics<core_parallel>, #tpu.dimension_semantics<subcore_parallel>], iteration_bounds = array<i64: 2, 16>, scalar_prefetch = 0 : i64, scratch_operands = 12 : i64, tpu.core_type = #tpu.core_type<sc_vector_subcore>, window_params = [{transform_indices = #map}, {transform_indices = #map1}, {transform_indices = #map1}, {transform_indices = #map}]} {
    %mul3A = arith.constant 2 : i32
    %mul3A_0 = arith.muli %arg1, %mul3A : i32
    %add3A = arith.addi %mul3A_0, %arg0 : i32
    %mul3A_1 = arith.constant 4 : i32
    %mul3A_2 = arith.muli %add3A, %mul3A_1 : i32
    %add3A_3 = arith.constant 0 : i32
    %add3A_4 = arith.addi %mul3A_2, %add3A_3 : i32
    %jit3A = arith.constant 2 : i32
    %div3A = arith.divsi %add3A_4, %jit3A : i32
    %sign3A = arith.constant 0 : i32
    %sign3A_5 = arith.cmpi sgt, %add3A_4, %sign3A : i32
    %sign3A_6 = arith.extui %sign3A_5 : i1 to i32
    %sign3A_7 = arith.constant 0 : i32
    %sign3A_8 = arith.cmpi slt, %add3A_4, %sign3A_7 : i32
    %sign3A_9 = arith.extui %sign3A_8 : i1 to i32
    %sign3A_10 = arith.subi %sign3A_6, %sign3A_9 : i32
    %sign3A_11 = arith.constant 0 : i32
    %sign3A_12 = arith.cmpi sgt, %jit3A, %sign3A_11 : i32
    %sign3A_13 = arith.extui %sign3A_12 : i1 to i32
    %sign3A_14 = arith.constant 0 : i32
    %sign3A_15 = arith.cmpi slt, %jit3A, %sign3A_14 : i32
    %sign3A_16 = arith.extui %sign3A_15 : i1 to i32
    %sign3A_17 = arith.subi %sign3A_13, %sign3A_16 : i32
    %ne3A = arith.cmpi ne, %sign3A_10, %sign3A_17 : i32
    %rem3A = arith.remsi %add3A_4, %jit3A : i32
    %ne3A_18 = arith.constant 0 : i32
    %ne3A_19 = arith.cmpi ne, %rem3A, %ne3A_18 : i32
    %and3A = arith.andi %ne3A, %ne3A_19 : i1
    %sub3A = arith.constant 1 : i32
    %sub3A_20 = arith.subi %div3A, %sub3A : i32
    %select_n3A = arith.select %and3A, %sub3A_20, %div3A : i32
    %add3A_21 = arith.constant 0 : i32
    %add3A_22 = arith.addi %select_n3A, %add3A_21 : i32
    "tpu.region"() ({
      %run_scoped3A = tpu.sem_alloc : memref<!tpu.dma_semaphore, #tpu.memory_space<semaphore_mem>>
      %dma_start3A_93 = arith.constant 0 : i32
      %dma_start3A_94 = tpu.memref_slice %arg2[%add3A_22, %dma_start3A_93] : memref<64x10000xi32, #tpu.memory_space<hbm>> -> memref<1x10000xi32, #tpu.memory_space<hbm>>
      %dma_start3A_95 = tpu.memref_squeeze %dma_start3A_94 : memref<1x10000xi32, #tpu.memory_space<hbm>> -> memref<10000xi32, #tpu.memory_space<hbm>>
      %dma_start3A_96 = arith.constant 0 : i32
      %dma_start3A_97 = tpu.memref_slice %arg2[%add3A_22, %dma_start3A_96] : memref<64x10000xi32, #tpu.memory_space<hbm>> -> memref<1x10000xi32, #tpu.memory_space<hbm>>
      %dma_start3A_98 = tpu.memref_squeeze %dma_start3A_97 : memref<1x10000xi32, #tpu.memory_space<hbm>> -> memref<10000xi32, #tpu.memory_space<hbm>>
      tpu.enqueue_dma source(%dma_start3A_98 : memref<10000xi32, #tpu.memory_space<hbm>>) target(%arg6 : memref<10000xi32, #tpu.memory_space<vmem>>) target_semaphore(%run_scoped3A : memref<!tpu.dma_semaphore, #tpu.memory_space<semaphore_mem>>)
      %dma_wait3A_99 = arith.constant 0 : i32
      %dma_wait3A_100 = tpu.memref_slice %arg2[%add3A_22, %dma_wait3A_99] : memref<64x10000xi32, #tpu.memory_space<hbm>> -> memref<1x10000xi32, #tpu.memory_space<hbm>>
      %dma_wait3A_101 = tpu.memref_squeeze %dma_wait3A_100 : memref<1x10000xi32, #tpu.memory_space<hbm>> -> memref<10000xi32, #tpu.memory_space<hbm>>
      %dma_wait3A_102 = arith.constant 0 : i32
      %dma_wait3A_103 = tpu.memref_slice %arg2[%add3A_22, %dma_wait3A_102] : memref<64x10000xi32, #tpu.memory_space<hbm>> -> memref<1x10000xi32, #tpu.memory_space<hbm>>
      %dma_wait3A_104 = tpu.memref_squeeze %dma_wait3A_103 : memref<1x10000xi32, #tpu.memory_space<hbm>> -> memref<10000xi32, #tpu.memory_space<hbm>>
      tpu.wait_dma2 semaphore(%run_scoped3A : memref<!tpu.dma_semaphore, #tpu.memory_space<semaphore_mem>>) src(%dma_wait3A_104 : memref<10000xi32, #tpu.memory_space<hbm>>) dst(%arg6 : memref<10000xi32, #tpu.memory_space<vmem>>)
      tpu.yield
    }) : () -> ()
    %jit3A_23 = arith.constant 2 : i32
    %div3A_24 = arith.divsi %add3A_4, %jit3A_23 : i32
    %sign3A_25 = arith.constant 0 : i32
    %sign3A_26 = arith.cmpi sgt, %add3A_4, %sign3A_25 : i32
    %sign3A_27 = arith.extui %sign3A_26 : i1 to i32
    %sign3A_28 = arith.constant 0 : i32
    %sign3A_29 = arith.cmpi slt, %add3A_4, %sign3A_28 : i32
    %sign3A_30 = arith.extui %sign3A_29 : i1 to i32
    %sign3A_31 = arith.subi %sign3A_27, %sign3A_30 : i32
    %sign3A_32 = arith.constant 0 : i32
    %sign3A_33 = arith.cmpi sgt, %jit3A_23, %sign3A_32 : i32
    %sign3A_34 = arith.extui %sign3A_33 : i1 to i32
    %sign3A_35 = arith.constant 0 : i32
    %sign3A_36 = arith.cmpi slt, %jit3A_23, %sign3A_35 : i32
    %sign3A_37 = arith.extui %sign3A_36 : i1 to i32
    %sign3A_38 = arith.subi %sign3A_34, %sign3A_37 : i32
    %ne3A_39 = arith.cmpi ne, %sign3A_31, %sign3A_38 : i32
    %rem3A_40 = arith.remsi %add3A_4, %jit3A_23 : i32
    %ne3A_41 = arith.constant 0 : i32
    %ne3A_42 = arith.cmpi ne, %rem3A_40, %ne3A_41 : i32
    %and3A_43 = arith.andi %ne3A_39, %ne3A_42 : i1
    %sub3A_44 = arith.constant 1 : i32
    %sub3A_45 = arith.subi %div3A_24, %sub3A_44 : i32
    %select_n3A_46 = arith.select %and3A_43, %sub3A_45, %div3A_24 : i32
    %add3A_47 = arith.constant 1 : i32
    %add3A_48 = arith.addi %select_n3A_46, %add3A_47 : i32
    "tpu.region"() ({
      %run_scoped3A = tpu.sem_alloc : memref<!tpu.dma_semaphore, #tpu.memory_space<semaphore_mem>>
      %dma_start3A_93 = arith.constant 0 : i32
      %dma_start3A_94 = tpu.memref_slice %arg2[%add3A_48, %dma_start3A_93] : memref<64x10000xi32, #tpu.memory_space<hbm>> -> memref<1x10000xi32, #tpu.memory_space<hbm>>
      %dma_start3A_95 = tpu.memref_squeeze %dma_start3A_94 : memref<1x10000xi32, #tpu.memory_space<hbm>> -> memref<10000xi32, #tpu.memory_space<hbm>>
      %dma_start3A_96 = arith.constant 0 : i32
      %dma_start3A_97 = tpu.memref_slice %arg2[%add3A_48, %dma_start3A_96] : memref<64x10000xi32, #tpu.memory_space<hbm>> -> memref<1x10000xi32, #tpu.memory_space<hbm>>
      %dma_start3A_98 = tpu.memref_squeeze %dma_start3A_97 : memref<1x10000xi32, #tpu.memory_space<hbm>> -> memref<10000xi32, #tpu.memory_space<hbm>>
      tpu.enqueue_dma source(%dma_start3A_98 : memref<10000xi32, #tpu.memory_space<hbm>>) target(%arg7 : memref<10000xi32, #tpu.memory_space<vmem>>) target_semaphore(%run_scoped3A : memref<!tpu.dma_semaphore, #tpu.memory_space<semaphore_mem>>)
      %dma_wait3A_99 = arith.constant 0 : i32
      %dma_wait3A_100 = tpu.memref_slice %arg2[%add3A_48, %dma_wait3A_99] : memref<64x10000xi32, #tpu.memory_space<hbm>> -> memref<1x10000xi32, #tpu.memory_space<hbm>>
      %dma_wait3A_101 = tpu.memref_squeeze %dma_wait3A_100 : memref<1x10000xi32, #tpu.memory_space<hbm>> -> memref<10000xi32, #tpu.memory_space<hbm>>
      %dma_wait3A_102 = arith.constant 0 : i32
      %dma_wait3A_103 = tpu.memref_slice %arg2[%add3A_48, %dma_wait3A_102] : memref<64x10000xi32, #tpu.memory_space<hbm>> -> memref<1x10000xi32, #tpu.memory_space<hbm>>
      %dma_wait3A_104 = tpu.memref_squeeze %dma_wait3A_103 : memref<1x10000xi32, #tpu.memory_space<hbm>> -> memref<10000xi32, #tpu.memory_space<hbm>>
      tpu.wait_dma2 semaphore(%run_scoped3A : memref<!tpu.dma_semaphore, #tpu.memory_space<semaphore_mem>>) src(%dma_wait3A_104 : memref<10000xi32, #tpu.memory_space<hbm>>) dst(%arg7 : memref<10000xi32, #tpu.memory_space<vmem>>)
      tpu.yield
    }) : () -> ()
    %parallel_loop3A = arith.constant 0 : i32
    %parallel_loop3A_49 = arith.constant 625 : i32
    %parallel_loop3A_50 = arith.constant 1 : i32
    scf.for %parallel_loop3A_93 = %parallel_loop3A to %parallel_loop3A_49 step %parallel_loop3A_50  : i32 {
      %parallel_loop3A_94 = arith.constant 0.000000e+00 : f32
      %parallel_loop3A_95 = vector.broadcast %parallel_loop3A_94 : f32 to vector<16xf32>
      %parallel_loop3A_96 = arith.constant 16 : i32
      %parallel_loop3A_97 = arith.muli %parallel_loop3A_93, %parallel_loop3A_96 : i32
      %parallel_loop3A_98 = arith.index_cast %parallel_loop3A_97 : i32 to index
      %parallel_loop3A_99 = tpu.vector_load %arg8[%parallel_loop3A_98] {strides = array<i32>} : memref<10000xf32, #tpu.memory_space<vmem>>, vector<16xf32>,
      tpu.vector_store %arg8[%parallel_loop3A_98], %parallel_loop3A_95 {strides = array<i32>} : memref<10000xf32, #tpu.memory_space<vmem>>, vector<16xf32>,
      %parallel_loop3A_100 = arith.constant 16 : i32
      %parallel_loop3A_101 = arith.muli %parallel_loop3A_93, %parallel_loop3A_100 : i32
      %parallel_loop3A_102 = arith.index_cast %parallel_loop3A_101 : i32 to index
      %parallel_loop3A_103 = tpu.vector_load %arg9[%parallel_loop3A_102] {strides = array<i32>} : memref<10000xf32, #tpu.memory_space<vmem>>, vector<16xf32>,
      tpu.vector_store %arg9[%parallel_loop3A_102], %parallel_loop3A_95 {strides = array<i32>} : memref<10000xf32, #tpu.memory_space<vmem>>, vector<16xf32>,
      %parallel_loop3A_104 = arith.constant 16 : i32
      %parallel_loop3A_105 = arith.muli %parallel_loop3A_93, %parallel_loop3A_104 : i32
      %parallel_loop3A_106 = arith.index_cast %parallel_loop3A_105 : i32 to index
      %parallel_loop3A_107 = tpu.vector_load %arg10[%parallel_loop3A_106] {strides = array<i32>} : memref<10000xf32, #tpu.memory_space<vmem>>, vector<16xf32>,
      tpu.vector_store %arg10[%parallel_loop3A_106], %parallel_loop3A_95 {strides = array<i32>} : memref<10000xf32, #tpu.memory_space<vmem>>, vector<16xf32>,
      %parallel_loop3A_108 = arith.constant 16 : i32
      %parallel_loop3A_109 = arith.muli %parallel_loop3A_93, %parallel_loop3A_108 : i32
      %parallel_loop3A_110 = arith.index_cast %parallel_loop3A_109 : i32 to index
      %parallel_loop3A_111 = tpu.vector_load %arg11[%parallel_loop3A_110] {strides = array<i32>} : memref<10000xf32, #tpu.memory_space<vmem>>, vector<16xf32>,
      tpu.vector_store %arg11[%parallel_loop3A_110], %parallel_loop3A_95 {strides = array<i32>} : memref<10000xf32, #tpu.memory_space<vmem>>, vector<16xf32>,
    } {sc.loop_unroll_factor = 5 : i64, sc.parallel_access}
    %dma_start3A = arith.constant 0 : i32
    %dma_start3A_51 = tpu.memref_slice %arg3[%dma_start3A] : memref<320000xi32, #tpu.memory_space<hbm>> -> memref<3200xi32, #tpu.memory_space<hbm>>
    %dma_start3A_52 = arith.constant 0 : i32
    %dma_start3A_53 = tpu.memref_slice %arg3[%dma_start3A_52] : memref<320000xi32, #tpu.memory_space<hbm>> -> memref<3200xi32, #tpu.memory_space<hbm>>
    tpu.enqueue_dma source(%dma_start3A_53 : memref<3200xi32, #tpu.memory_space<hbm>>) target(%arg12 : memref<3200xi32, #tpu.memory_space<vmem>>) target_semaphore(%arg16 : memref<!tpu.dma_semaphore, #tpu.memory_space<semaphore_mem>>)
    %dma_start3A_54 = arith.constant 0 : i32
    %dma_start3A_55 = tpu.memref_slice %arg4[%dma_start3A_54] : memref<320000xf32, #tpu.memory_space<hbm>> -> memref<3200xf32, #tpu.memory_space<hbm>>
    %dma_start3A_56 = arith.constant 0 : i32
    %dma_start3A_57 = tpu.memref_slice %arg4[%dma_start3A_56] : memref<320000xf32, #tpu.memory_space<hbm>> -> memref<3200xf32, #tpu.memory_space<hbm>>
    tpu.enqueue_dma source(%dma_start3A_57 : memref<3200xf32, #tpu.memory_space<hbm>>) target(%arg13 : memref<3200xf32, #tpu.memory_space<vmem>>) target_semaphore(%arg16 : memref<!tpu.dma_semaphore, #tpu.memory_space<semaphore_mem>>)
    %dma_start3A_58 = arith.constant 3200 : i32
    %dma_start3A_59 = tpu.memref_slice %arg3[%dma_start3A_58] : memref<320000xi32, #tpu.memory_space<hbm>> -> memref<3200xi32, #tpu.memory_space<hbm>>
    %dma_start3A_60 = arith.constant 3200 : i32
    %dma_start3A_61 = tpu.memref_slice %arg3[%dma_start3A_60] : memref<320000xi32, #tpu.memory_space<hbm>> -> memref<3200xi32, #tpu.memory_space<hbm>>
    tpu.enqueue_dma source(%dma_start3A_61 : memref<3200xi32, #tpu.memory_space<hbm>>) target(%arg14 : memref<3200xi32, #tpu.memory_space<vmem>>) target_semaphore(%arg17 : memref<!tpu.dma_semaphore, #tpu.memory_space<semaphore_mem>>)
    %dma_start3A_62 = arith.constant 3200 : i32
    %dma_start3A_63 = tpu.memref_slice %arg4[%dma_start3A_62] : memref<320000xf32, #tpu.memory_space<hbm>> -> memref<3200xf32, #tpu.memory_space<hbm>>
    %dma_start3A_64 = arith.constant 3200 : i32
    %dma_start3A_65 = tpu.memref_slice %arg4[%dma_start3A_64] : memref<320000xf32, #tpu.memory_space<hbm>> -> memref<3200xf32, #tpu.memory_space<hbm>>
    tpu.enqueue_dma source(%dma_start3A_65 : memref<3200xf32, #tpu.memory_space<hbm>>) target(%arg15 : memref<3200xf32, #tpu.memory_space<vmem>>) target_semaphore(%arg17 : memref<!tpu.dma_semaphore, #tpu.memory_space<semaphore_mem>>)
    %scan3A = arith.constant 0 : i32
    %scan3A_66 = arith.constant 50 : i32
    %scan3A_67 = arith.addi %scan3A, %scan3A_66 : i32
    %scan3A_68 = arith.constant 1 : i32
    scf.for %scan3A_93 = %scan3A to %scan3A_67 step %scan3A_68  : i32 {
      %mul3A_94 = arith.constant 2 : i32
      %mul3A_95 = arith.muli %scan3A_93, %mul3A_94 : i32
      %dma_wait3A_96 = arith.constant 0 : i32
      %dma_wait3A_97 = tpu.memref_slice %arg3[%dma_wait3A_96] : memref<320000xi32, #tpu.memory_space<hbm>> -> memref<3200xi32, #tpu.memory_space<hbm>>
      %dma_wait3A_98 = arith.constant 0 : i32
      %dma_wait3A_99 = tpu.memref_slice %arg3[%dma_wait3A_98] : memref<320000xi32, #tpu.memory_space<hbm>> -> memref<3200xi32, #tpu.memory_space<hbm>>
      tpu.wait_dma2 semaphore(%arg16 : memref<!tpu.dma_semaphore, #tpu.memory_space<semaphore_mem>>) src(%dma_wait3A_99 : memref<3200xi32, #tpu.memory_space<hbm>>) dst(%arg12 : memref<3200xi32, #tpu.memory_space<vmem>>)
      %dma_wait3A_100 = arith.constant 0 : i32
      %dma_wait3A_101 = tpu.memref_slice %arg4[%dma_wait3A_100] : memref<320000xf32, #tpu.memory_space<hbm>> -> memref<3200xf32, #tpu.memory_space<hbm>>
      %dma_wait3A_102 = arith.constant 0 : i32
      %dma_wait3A_103 = tpu.memref_slice %arg4[%dma_wait3A_102] : memref<320000xf32, #tpu.memory_space<hbm>> -> memref<3200xf32, #tpu.memory_space<hbm>>
      tpu.wait_dma2 semaphore(%arg16 : memref<!tpu.dma_semaphore, #tpu.memory_space<semaphore_mem>>) src(%dma_wait3A_103 : memref<3200xf32, #tpu.memory_space<hbm>>) dst(%arg13 : memref<3200xf32, #tpu.memory_space<vmem>>)
      %parallel_loop3A_104 = arith.constant 0 : i32
      %parallel_loop3A_105 = arith.constant 200 : i32
      %parallel_loop3A_106 = arith.constant 1 : i32
      scf.for %parallel_loop3A_164 = %parallel_loop3A_104 to %parallel_loop3A_105 step %parallel_loop3A_106  : i32 {
        %parallel_loop3A_165 = arith.constant 16 : i32
        %parallel_loop3A_166 = arith.muli %parallel_loop3A_164, %parallel_loop3A_165 : i32
        %parallel_loop3A_167 = arith.index_cast %parallel_loop3A_166 : i32 to index
        %parallel_loop3A_168 = tpu.vector_load %arg12[%parallel_loop3A_167] {strides = array<i32>} : memref<3200xi32, #tpu.memory_space<vmem>>, vector<16xi32>,
        %parallel_loop3A_169 = arith.constant 14 : i32
        %parallel_loop3A_170 = vector.broadcast %parallel_loop3A_169 : i32 to vector<16xi32>
        %parallel_loop3A_171 = arith.shrui %parallel_loop3A_168, %parallel_loop3A_170 : vector<16xi32>
        %parallel_loop3A_172 = arith.constant 16383 : i32
        %parallel_loop3A_173 = vector.broadcast %parallel_loop3A_172 : i32 to vector<16xi32>
        %parallel_loop3A_174 = arith.andi %parallel_loop3A_168, %parallel_loop3A_173 : vector<16xi32>
        %parallel_loop3A_175 = arith.constant 16 : i32
        %parallel_loop3A_176 = arith.muli %parallel_loop3A_164, %parallel_loop3A_175 : i32
        %parallel_loop3A_177 = arith.index_cast %parallel_loop3A_176 : i32 to index
        %parallel_loop3A_178 = tpu.vector_load %arg13[%parallel_loop3A_177] {strides = array<i32>} : memref<3200xf32, #tpu.memory_space<vmem>>, vector<16xf32>,
        %parallel_loop3A_179 = tpu.vector_load_idx %arg6[%parallel_loop3A_171] : memref<10000xi32, #tpu.memory_space<vmem>>[vector<16xi32>], vector<16xi32>,
        %parallel_loop3A_180 = arith.constant 16 : i32
        %parallel_loop3A_181 = vector.broadcast %parallel_loop3A_180 : i32 to vector<16xi32>
        %parallel_loop3A_182 = arith.shli %parallel_loop3A_179, %parallel_loop3A_181 : vector<16xi32>
        %parallel_loop3A_183 = vector.bitcast %parallel_loop3A_182 : vector<16xi32> to vector<16xf32>
        %parallel_loop3A_184 = arith.constant -65536 : i32
        %parallel_loop3A_185 = vector.broadcast %parallel_loop3A_184 : i32 to vector<16xi32>
        %parallel_loop3A_186 = arith.andi %parallel_loop3A_179, %parallel_loop3A_185 : vector<16xi32>
        %parallel_loop3A_187 = vector.bitcast %parallel_loop3A_186 : vector<16xi32> to vector<16xf32>
        %parallel_loop3A_188 = arith.mulf %parallel_loop3A_183, %parallel_loop3A_178 : vector<16xf32>
        tpu.vector_store_idx %arg8[%parallel_loop3A_174], %parallel_loop3A_188 {add = true} : memref<10000xf32, #tpu.memory_space<vmem>>[vector<16xi32>], vector<16xf32>,
        %parallel_loop3A_189 = arith.mulf %parallel_loop3A_187, %parallel_loop3A_178 : vector<16xf32>
        tpu.vector_store_idx %arg9[%parallel_loop3A_174], %parallel_loop3A_189 {add = true} : memref<10000xf32, #tpu.memory_space<vmem>>[vector<16xi32>], vector<16xf32>,
        %parallel_loop3A_190 = tpu.vector_load_idx %arg7[%parallel_loop3A_171] : memref<10000xi32, #tpu.memory_space<vmem>>[vector<16xi32>], vector<16xi32>,
        %parallel_loop3A_191 = arith.constant 16 : i32
        %parallel_loop3A_192 = vector.broadcast %parallel_loop3A_191 : i32 to vector<16xi32>
        %parallel_loop3A_193 = arith.shli %parallel_loop3A_190, %parallel_loop3A_192 : vector<16xi32>
        %parallel_loop3A_194 = vector.bitcast %parallel_loop3A_193 : vector<16xi32> to vector<16xf32>
        %parallel_loop3A_195 = arith.constant -65536 : i32
        %parallel_loop3A_196 = vector.broadcast %parallel_loop3A_195 : i32 to vector<16xi32>
        %parallel_loop3A_197 = arith.andi %parallel_loop3A_190, %parallel_loop3A_196 : vector<16xi32>
        %parallel_loop3A_198 = vector.bitcast %parallel_loop3A_197 : vector<16xi32> to vector<16xf32>
        %parallel_loop3A_199 = arith.mulf %parallel_loop3A_194, %parallel_loop3A_178 : vector<16xf32>
        tpu.vector_store_idx %arg10[%parallel_loop3A_174], %parallel_loop3A_199 {add = true} : memref<10000xf32, #tpu.memory_space<vmem>>[vector<16xi32>], vector<16xf32>,
        %parallel_loop3A_200 = arith.mulf %parallel_loop3A_198, %parallel_loop3A_178 : vector<16xf32>
        tpu.vector_store_idx %arg11[%parallel_loop3A_174], %parallel_loop3A_200 {add = true} : memref<10000xf32, #tpu.memory_space<vmem>>[vector<16xi32>], vector<16xf32>,
      } {sc.loop_unroll_factor = 8 : i64, sc.parallel_access}
      %add3A_107 = arith.constant 2 : i32
      %add3A_108 = arith.addi %mul3A_95, %add3A_107 : i32
      %jit3A_109 = arith.constant 100 : i32
      %eq3A = arith.constant 0 : i32
      %eq3A_110 = arith.cmpi eq, %jit3A_109, %eq3A : i32
      %jit3A_111 = arith.constant 1 : i32
      %select_n3A_112 = arith.select %eq3A_110, %jit3A_111, %jit3A_109 : i32
      %rem3A_113 = arith.remsi %add3A_108, %select_n3A_112 : i32
      %ne3A_114 = arith.constant 0 : i32
      %ne3A_115 = arith.cmpi ne, %rem3A_113, %ne3A_114 : i32
      %lt3A = arith.constant 0 : i32
      %lt3A_116 = arith.cmpi slt, %rem3A_113, %lt3A : i32
      %lt3A_117 = arith.constant 0 : i32
      %lt3A_118 = arith.cmpi slt, %select_n3A_112, %lt3A_117 : i32
      %ne3A_119 = arith.xori %lt3A_116, %lt3A_118 : i1
      %and3A_120 = arith.andi %ne3A_119, %ne3A_115 : i1
      %add3A_121 = arith.addi %rem3A_113, %select_n3A_112 : i32
      %select_n3A_122 = arith.select %and3A_120, %add3A_121, %rem3A_113 : i32
      %mul3A_123 = arith.constant 3200 : i32
      %mul3A_124 = arith.muli %select_n3A_122, %mul3A_123 : i32
      %dma_start3A_125 = tpu.memref_slice %arg3[%mul3A_124] : memref<320000xi32, #tpu.memory_space<hbm>> -> memref<3200xi32, #tpu.memory_space<hbm>>
      %dma_start3A_126 = tpu.memref_slice %arg3[%mul3A_124] : memref<320000xi32, #tpu.memory_space<hbm>> -> memref<3200xi32, #tpu.memory_space<hbm>>
      tpu.enqueue_dma source(%dma_start3A_126 : memref<3200xi32, #tpu.memory_space<hbm>>) target(%arg12 : memref<3200xi32, #tpu.memory_space<vmem>>) target_semaphore(%arg16 : memref<!tpu.dma_semaphore, #tpu.memory_space<semaphore_mem>>)
      %dma_start3A_127 = tpu.memref_slice %arg4[%mul3A_124] : memref<320000xf32, #tpu.memory_space<hbm>> -> memref<3200xf32, #tpu.memory_space<hbm>>
      %dma_start3A_128 = tpu.memref_slice %arg4[%mul3A_124] : memref<320000xf32, #tpu.memory_space<hbm>> -> memref<3200xf32, #tpu.memory_space<hbm>>
      tpu.enqueue_dma source(%dma_start3A_128 : memref<3200xf32, #tpu.memory_space<hbm>>) target(%arg13 : memref<3200xf32, #tpu.memory_space<vmem>>) target_semaphore(%arg16 : memref<!tpu.dma_semaphore, #tpu.memory_space<semaphore_mem>>)
      %dma_wait3A_129 = arith.constant 0 : i32
      %dma_wait3A_130 = tpu.memref_slice %arg3[%dma_wait3A_129] : memref<320000xi32, #tpu.memory_space<hbm>> -> memref<3200xi32, #tpu.memory_space<hbm>>
      %dma_wait3A_131 = arith.constant 0 : i32
      %dma_wait3A_132 = tpu.memref_slice %arg3[%dma_wait3A_131] : memref<320000xi32, #tpu.memory_space<hbm>> -> memref<3200xi32, #tpu.memory_space<hbm>>
      tpu.wait_dma2 semaphore(%arg17 : memref<!tpu.dma_semaphore, #tpu.memory_space<semaphore_mem>>) src(%dma_wait3A_132 : memref<3200xi32, #tpu.memory_space<hbm>>) dst(%arg14 : memref<3200xi32, #tpu.memory_space<vmem>>)
      %dma_wait3A_133 = arith.constant 0 : i32
      %dma_wait3A_134 = tpu.memref_slice %arg4[%dma_wait3A_133] : memref<320000xf32, #tpu.memory_space<hbm>> -> memref<3200xf32, #tpu.memory_space<hbm>>
      %dma_wait3A_135 = arith.constant 0 : i32
      %dma_wait3A_136 = tpu.memref_slice %arg4[%dma_wait3A_135] : memref<320000xf32, #tpu.memory_space<hbm>> -> memref<3200xf32, #tpu.memory_space<hbm>>
      tpu.wait_dma2 semaphore(%arg17 : memref<!tpu.dma_semaphore, #tpu.memory_space<semaphore_mem>>) src(%dma_wait3A_136 : memref<3200xf32, #tpu.memory_space<hbm>>) dst(%arg15 : memref<3200xf32, #tpu.memory_space<vmem>>)
      %parallel_loop3A_137 = arith.constant 0 : i32
      %parallel_loop3A_138 = arith.constant 200 : i32
      %parallel_loop3A_139 = arith.constant 1 : i32
      scf.for %parallel_loop3A_164 = %parallel_loop3A_137 to %parallel_loop3A_138 step %parallel_loop3A_139  : i32 {
        %parallel_loop3A_165 = arith.constant 16 : i32
        %parallel_loop3A_166 = arith.muli %parallel_loop3A_164, %parallel_loop3A_165 : i32
        %parallel_loop3A_167 = arith.index_cast %parallel_loop3A_166 : i32 to index
        %parallel_loop3A_168 = tpu.vector_load %arg14[%parallel_loop3A_167] {strides = array<i32>} : memref<3200xi32, #tpu.memory_space<vmem>>, vector<16xi32>,
        %parallel_loop3A_169 = arith.constant 14 : i32
        %parallel_loop3A_170 = vector.broadcast %parallel_loop3A_169 : i32 to vector<16xi32>
        %parallel_loop3A_171 = arith.shrui %parallel_loop3A_168, %parallel_loop3A_170 : vector<16xi32>
        %parallel_loop3A_172 = arith.constant 16383 : i32
        %parallel_loop3A_173 = vector.broadcast %parallel_loop3A_172 : i32 to vector<16xi32>
        %parallel_loop3A_174 = arith.andi %parallel_loop3A_168, %parallel_loop3A_173 : vector<16xi32>
        %parallel_loop3A_175 = arith.constant 16 : i32
        %parallel_loop3A_176 = arith.muli %parallel_loop3A_164, %parallel_loop3A_175 : i32
        %parallel_loop3A_177 = arith.index_cast %parallel_loop3A_176 : i32 to index
        %parallel_loop3A_178 = tpu.vector_load %arg15[%parallel_loop3A_177] {strides = array<i32>} : memref<3200xf32, #tpu.memory_space<vmem>>, vector<16xf32>,
        %parallel_loop3A_179 = tpu.vector_load_idx %arg6[%parallel_loop3A_171] : memref<10000xi32, #tpu.memory_space<vmem>>[vector<16xi32>], vector<16xi32>,
        %parallel_loop3A_180 = arith.constant 16 : i32
        %parallel_loop3A_181 = vector.broadcast %parallel_loop3A_180 : i32 to vector<16xi32>
        %parallel_loop3A_182 = arith.shli %parallel_loop3A_179, %parallel_loop3A_181 : vector<16xi32>
        %parallel_loop3A_183 = vector.bitcast %parallel_loop3A_182 : vector<16xi32> to vector<16xf32>
        %parallel_loop3A_184 = arith.constant -65536 : i32
        %parallel_loop3A_185 = vector.broadcast %parallel_loop3A_184 : i32 to vector<16xi32>
        %parallel_loop3A_186 = arith.andi %parallel_loop3A_179, %parallel_loop3A_185 : vector<16xi32>
        %parallel_loop3A_187 = vector.bitcast %parallel_loop3A_186 : vector<16xi32> to vector<16xf32>
        %parallel_loop3A_188 = arith.mulf %parallel_loop3A_183, %parallel_loop3A_178 : vector<16xf32>
        tpu.vector_store_idx %arg8[%parallel_loop3A_174], %parallel_loop3A_188 {add = true} : memref<10000xf32, #tpu.memory_space<vmem>>[vector<16xi32>], vector<16xf32>,
        %parallel_loop3A_189 = arith.mulf %parallel_loop3A_187, %parallel_loop3A_178 : vector<16xf32>
        tpu.vector_store_idx %arg9[%parallel_loop3A_174], %parallel_loop3A_189 {add = true} : memref<10000xf32, #tpu.memory_space<vmem>>[vector<16xi32>], vector<16xf32>,
        %parallel_loop3A_190 = tpu.vector_load_idx %arg7[%parallel_loop3A_171] : memref<10000xi32, #tpu.memory_space<vmem>>[vector<16xi32>], vector<16xi32>,
        %parallel_loop3A_191 = arith.constant 16 : i32
        %parallel_loop3A_192 = vector.broadcast %parallel_loop3A_191 : i32 to vector<16xi32>
        %parallel_loop3A_193 = arith.shli %parallel_loop3A_190, %parallel_loop3A_192 : vector<16xi32>
        %parallel_loop3A_194 = vector.bitcast %parallel_loop3A_193 : vector<16xi32> to vector<16xf32>
        %parallel_loop3A_195 = arith.constant -65536 : i32
        %parallel_loop3A_196 = vector.broadcast %parallel_loop3A_195 : i32 to vector<16xi32>
        %parallel_loop3A_197 = arith.andi %parallel_loop3A_190, %parallel_loop3A_196 : vector<16xi32>
        %parallel_loop3A_198 = vector.bitcast %parallel_loop3A_197 : vector<16xi32> to vector<16xf32>
        %parallel_loop3A_199 = arith.mulf %parallel_loop3A_194, %parallel_loop3A_178 : vector<16xf32>
        tpu.vector_store_idx %arg10[%parallel_loop3A_174], %parallel_loop3A_199 {add = true} : memref<10000xf32, #tpu.memory_space<vmem>>[vector<16xi32>], vector<16xf32>,
        %parallel_loop3A_200 = arith.mulf %parallel_loop3A_198, %parallel_loop3A_178 : vector<16xf32>
        tpu.vector_store_idx %arg11[%parallel_loop3A_174], %parallel_loop3A_200 {add = true} : memref<10000xf32, #tpu.memory_space<vmem>>[vector<16xi32>], vector<16xf32>,
      } {sc.loop_unroll_factor = 8 : i64, sc.parallel_access}
      %add3A_140 = arith.constant 3 : i32
      %add3A_141 = arith.addi %mul3A_95, %add3A_140 : i32
      %jit3A_142 = arith.constant 100 : i32
      %eq3A_143 = arith.constant 0 : i32
      %eq3A_144 = arith.cmpi eq, %jit3A_142, %eq3A_143 : i32
      %jit3A_145 = arith.constant 1 : i32
      %select_n3A_146 = arith.select %eq3A_144, %jit3A_145, %jit3A_142 : i32
      %rem3A_147 = arith.remsi %add3A_141, %select_n3A_146 : i32
      %ne3A_148 = arith.constant 0 : i32
      %ne3A_149 = arith.cmpi ne, %rem3A_147, %ne3A_148 : i32
      %lt3A_150 = arith.constant 0 : i32
      %lt3A_151 = arith.cmpi slt, %rem3A_147, %lt3A_150 : i32
      %lt3A_152 = arith.constant 0 : i32
      %lt3A_153 = arith.cmpi slt, %select_n3A_146, %lt3A_152 : i32
      %ne3A_154 = arith.xori %lt3A_151, %lt3A_153 : i1
      %and3A_155 = arith.andi %ne3A_154, %ne3A_149 : i1
      %add3A_156 = arith.addi %rem3A_147, %select_n3A_146 : i32
      %select_n3A_157 = arith.select %and3A_155, %add3A_156, %rem3A_147 : i32
      %mul3A_158 = arith.constant 3200 : i32
      %mul3A_159 = arith.muli %select_n3A_157, %mul3A_158 : i32
      %dma_start3A_160 = tpu.memref_slice %arg3[%mul3A_159] : memref<320000xi32, #tpu.memory_space<hbm>> -> memref<3200xi32, #tpu.memory_space<hbm>>
      %dma_start3A_161 = tpu.memref_slice %arg3[%mul3A_159] : memref<320000xi32, #tpu.memory_space<hbm>> -> memref<3200xi32, #tpu.memory_space<hbm>>
      tpu.enqueue_dma source(%dma_start3A_161 : memref<3200xi32, #tpu.memory_space<hbm>>) target(%arg14 : memref<3200xi32, #tpu.memory_space<vmem>>) target_semaphore(%arg17 : memref<!tpu.dma_semaphore, #tpu.memory_space<semaphore_mem>>)
      %dma_start3A_162 = tpu.memref_slice %arg4[%mul3A_159] : memref<320000xf32, #tpu.memory_space<hbm>> -> memref<3200xf32, #tpu.memory_space<hbm>>
      %dma_start3A_163 = tpu.memref_slice %arg4[%mul3A_159] : memref<320000xf32, #tpu.memory_space<hbm>> -> memref<3200xf32, #tpu.memory_space<hbm>>
      tpu.enqueue_dma source(%dma_start3A_163 : memref<3200xf32, #tpu.memory_space<hbm>>) target(%arg15 : memref<3200xf32, #tpu.memory_space<vmem>>) target_semaphore(%arg17 : memref<!tpu.dma_semaphore, #tpu.memory_space<semaphore_mem>>)
    }
    %scan3A_69 = arith.constant 50 : i32
    %dma_wait3A = arith.constant 0 : i32
    %dma_wait3A_70 = tpu.memref_slice %arg3[%dma_wait3A] : memref<320000xi32, #tpu.memory_space<hbm>> -> memref<3200xi32, #tpu.memory_space<hbm>>
    %dma_wait3A_71 = arith.constant 0 : i32
    %dma_wait3A_72 = tpu.memref_slice %arg3[%dma_wait3A_71] : memref<320000xi32, #tpu.memory_space<hbm>> -> memref<3200xi32, #tpu.memory_space<hbm>>
    tpu.wait_dma2 semaphore(%arg16 : memref<!tpu.dma_semaphore, #tpu.memory_space<semaphore_mem>>) src(%dma_wait3A_72 : memref<3200xi32, #tpu.memory_space<hbm>>) dst(%arg12 : memref<3200xi32, #tpu.memory_space<vmem>>)
    %dma_wait3A_73 = arith.constant 0 : i32
    %dma_wait3A_74 = tpu.memref_slice %arg4[%dma_wait3A_73] : memref<320000xf32, #tpu.memory_space<hbm>> -> memref<3200xf32, #tpu.memory_space<hbm>>
    %dma_wait3A_75 = arith.constant 0 : i32
    %dma_wait3A_76 = tpu.memref_slice %arg4[%dma_wait3A_75] : memref<320000xf32, #tpu.memory_space<hbm>> -> memref<3200xf32, #tpu.memory_space<hbm>>
    tpu.wait_dma2 semaphore(%arg16 : memref<!tpu.dma_semaphore, #tpu.memory_space<semaphore_mem>>) src(%dma_wait3A_76 : memref<3200xf32, #tpu.memory_space<hbm>>) dst(%arg13 : memref<3200xf32, #tpu.memory_space<vmem>>)
    %dma_wait3A_77 = arith.constant 0 : i32
    %dma_wait3A_78 = tpu.memref_slice %arg3[%dma_wait3A_77] : memref<320000xi32, #tpu.memory_space<hbm>> -> memref<3200xi32, #tpu.memory_space<hbm>>
    %dma_wait3A_79 = arith.constant 0 : i32
    %dma_wait3A_80 = tpu.memref_slice %arg3[%dma_wait3A_79] : memref<320000xi32, #tpu.memory_space<hbm>> -> memref<3200xi32, #tpu.memory_space<hbm>>
    tpu.wait_dma2 semaphore(%arg17 : memref<!tpu.dma_semaphore, #tpu.memory_space<semaphore_mem>>) src(%dma_wait3A_80 : memref<3200xi32, #tpu.memory_space<hbm>>) dst(%arg14 : memref<3200xi32, #tpu.memory_space<vmem>>)
    %dma_wait3A_81 = arith.constant 0 : i32
    %dma_wait3A_82 = tpu.memref_slice %arg4[%dma_wait3A_81] : memref<320000xf32, #tpu.memory_space<hbm>> -> memref<3200xf32, #tpu.memory_space<hbm>>
    %dma_wait3A_83 = arith.constant 0 : i32
    %dma_wait3A_84 = tpu.memref_slice %arg4[%dma_wait3A_83] : memref<320000xf32, #tpu.memory_space<hbm>> -> memref<3200xf32, #tpu.memory_space<hbm>>
    tpu.wait_dma2 semaphore(%arg17 : memref<!tpu.dma_semaphore, #tpu.memory_space<semaphore_mem>>) src(%dma_wait3A_84 : memref<3200xf32, #tpu.memory_space<hbm>>) dst(%arg15 : memref<3200xf32, #tpu.memory_space<vmem>>)
    %add3A_85 = arith.constant 0 : i32
    %add3A_86 = arith.addi %add3A_4, %add3A_85 : i32
    "tpu.region"() ({
      %run_scoped3A = tpu.sem_alloc : memref<!tpu.dma_semaphore, #tpu.memory_space<semaphore_mem>>
      %dma_start3A_93 = arith.constant 0 : i32
      %dma_start3A_94 = tpu.memref_slice %arg5[%add3A_86, %dma_start3A_93] : memref<128x10000xf32, #tpu.memory_space<hbm>> -> memref<1x10000xf32, #tpu.memory_space<hbm>>
      %dma_start3A_95 = tpu.memref_squeeze %dma_start3A_94 : memref<1x10000xf32, #tpu.memory_space<hbm>> -> memref<10000xf32, #tpu.memory_space<hbm>>
      %dma_start3A_96 = arith.constant 0 : i32
      %dma_start3A_97 = tpu.memref_slice %arg5[%add3A_86, %dma_start3A_96] : memref<128x10000xf32, #tpu.memory_space<hbm>> -> memref<1x10000xf32, #tpu.memory_space<hbm>>
      %dma_start3A_98 = tpu.memref_squeeze %dma_start3A_97 : memref<1x10000xf32, #tpu.memory_space<hbm>> -> memref<10000xf32, #tpu.memory_space<hbm>>
      tpu.enqueue_dma source(%arg8 : memref<10000xf32, #tpu.memory_space<vmem>>) target(%dma_start3A_98 : memref<10000xf32, #tpu.memory_space<hbm>>) target_semaphore(%run_scoped3A : memref<!tpu.dma_semaphore, #tpu.memory_space<semaphore_mem>>)
      %dma_wait3A_99 = arith.constant 0 : i32
      %dma_wait3A_100 = tpu.memref_slice %arg5[%add3A_86, %dma_wait3A_99] : memref<128x10000xf32, #tpu.memory_space<hbm>> -> memref<1x10000xf32, #tpu.memory_space<hbm>>
      %dma_wait3A_101 = tpu.memref_squeeze %dma_wait3A_100 : memref<1x10000xf32, #tpu.memory_space<hbm>> -> memref<10000xf32, #tpu.memory_space<hbm>>
      %dma_wait3A_102 = arith.constant 0 : i32
      %dma_wait3A_103 = tpu.memref_slice %arg5[%add3A_86, %dma_wait3A_102] : memref<128x10000xf32, #tpu.memory_space<hbm>> -> memref<1x10000xf32, #tpu.memory_space<hbm>>
      %dma_wait3A_104 = tpu.memref_squeeze %dma_wait3A_103 : memref<1x10000xf32, #tpu.memory_space<hbm>> -> memref<10000xf32, #tpu.memory_space<hbm>>
      tpu.wait_dma2 semaphore(%run_scoped3A : memref<!tpu.dma_semaphore, #tpu.memory_space<semaphore_mem>>) src(%arg8 : memref<10000xf32, #tpu.memory_space<vmem>>) dst(%dma_wait3A_104 : memref<10000xf32, #tpu.memory_space<hbm>>)
      tpu.yield
    }) : () -> ()
    %add3A_87 = arith.constant 1 : i32
    %add3A_88 = arith.addi %add3A_4, %add3A_87 : i32
    "tpu.region"() ({
      %run_scoped3A = tpu.sem_alloc : memref<!tpu.dma_semaphore, #tpu.memory_space<semaphore_mem>>
      %dma_start3A_93 = arith.constant 0 : i32
      %dma_start3A_94 = tpu.memref_slice %arg5[%add3A_88, %dma_start3A_93] : memref<128x10000xf32, #tpu.memory_space<hbm>> -> memref<1x10000xf32, #tpu.memory_space<hbm>>
      %dma_start3A_95 = tpu.memref_squeeze %dma_start3A_94 : memref<1x10000xf32, #tpu.memory_space<hbm>> -> memref<10000xf32, #tpu.memory_space<hbm>>
      %dma_start3A_96 = arith.constant 0 : i32
      %dma_start3A_97 = tpu.memref_slice %arg5[%add3A_88, %dma_start3A_96] : memref<128x10000xf32, #tpu.memory_space<hbm>> -> memref<1x10000xf32, #tpu.memory_space<hbm>>
      %dma_start3A_98 = tpu.memref_squeeze %dma_start3A_97 : memref<1x10000xf32, #tpu.memory_space<hbm>> -> memref<10000xf32, #tpu.memory_space<hbm>>
      tpu.enqueue_dma source(%arg9 : memref<10000xf32, #tpu.memory_space<vmem>>) target(%dma_start3A_98 : memref<10000xf32, #tpu.memory_space<hbm>>) target_semaphore(%run_scoped3A : memref<!tpu.dma_semaphore, #tpu.memory_space<semaphore_mem>>)
      %dma_wait3A_99 = arith.constant 0 : i32
      %dma_wait3A_100 = tpu.memref_slice %arg5[%add3A_88, %dma_wait3A_99] : memref<128x10000xf32, #tpu.memory_space<hbm>> -> memref<1x10000xf32, #tpu.memory_space<hbm>>
      %dma_wait3A_101 = tpu.memref_squeeze %dma_wait3A_100 : memref<1x10000xf32, #tpu.memory_space<hbm>> -> memref<10000xf32, #tpu.memory_space<hbm>>
      %dma_wait3A_102 = arith.constant 0 : i32
      %dma_wait3A_103 = tpu.memref_slice %arg5[%add3A_88, %dma_wait3A_102] : memref<128x10000xf32, #tpu.memory_space<hbm>> -> memref<1x10000xf32, #tpu.memory_space<hbm>>
      %dma_wait3A_104 = tpu.memref_squeeze %dma_wait3A_103 : memref<1x10000xf32, #tpu.memory_space<hbm>> -> memref<10000xf32, #tpu.memory_space<hbm>>
      tpu.wait_dma2 semaphore(%run_scoped3A : memref<!tpu.dma_semaphore, #tpu.memory_space<semaphore_mem>>) src(%arg9 : memref<10000xf32, #tpu.memory_space<vmem>>) dst(%dma_wait3A_104 : memref<10000xf32, #tpu.memory_space<hbm>>)
      tpu.yield
    }) : () -> ()
    %add3A_89 = arith.constant 2 : i32
    %add3A_90 = arith.addi %add3A_4, %add3A_89 : i32
    "tpu.region"() ({
      %run_scoped3A = tpu.sem_alloc : memref<!tpu.dma_semaphore, #tpu.memory_space<semaphore_mem>>
      %dma_start3A_93 = arith.constant 0 : i32
      %dma_start3A_94 = tpu.memref_slice %arg5[%add3A_90, %dma_start3A_93] : memref<128x10000xf32, #tpu.memory_space<hbm>> -> memref<1x10000xf32, #tpu.memory_space<hbm>>
      %dma_start3A_95 = tpu.memref_squeeze %dma_start3A_94 : memref<1x10000xf32, #tpu.memory_space<hbm>> -> memref<10000xf32, #tpu.memory_space<hbm>>
      %dma_start3A_96 = arith.constant 0 : i32
      %dma_start3A_97 = tpu.memref_slice %arg5[%add3A_90, %dma_start3A_96] : memref<128x10000xf32, #tpu.memory_space<hbm>> -> memref<1x10000xf32, #tpu.memory_space<hbm>>
      %dma_start3A_98 = tpu.memref_squeeze %dma_start3A_97 : memref<1x10000xf32, #tpu.memory_space<hbm>> -> memref<10000xf32, #tpu.memory_space<hbm>>
      tpu.enqueue_dma source(%arg10 : memref<10000xf32, #tpu.memory_space<vmem>>) target(%dma_start3A_98 : memref<10000xf32, #tpu.memory_space<hbm>>) target_semaphore(%run_scoped3A : memref<!tpu.dma_semaphore, #tpu.memory_space<semaphore_mem>>)
      %dma_wait3A_99 = arith.constant 0 : i32
      %dma_wait3A_100 = tpu.memref_slice %arg5[%add3A_90, %dma_wait3A_99] : memref<128x10000xf32, #tpu.memory_space<hbm>> -> memref<1x10000xf32, #tpu.memory_space<hbm>>
      %dma_wait3A_101 = tpu.memref_squeeze %dma_wait3A_100 : memref<1x10000xf32, #tpu.memory_space<hbm>> -> memref<10000xf32, #tpu.memory_space<hbm>>
      %dma_wait3A_102 = arith.constant 0 : i32
      %dma_wait3A_103 = tpu.memref_slice %arg5[%add3A_90, %dma_wait3A_102] : memref<128x10000xf32, #tpu.memory_space<hbm>> -> memref<1x10000xf32, #tpu.memory_space<hbm>>
      %dma_wait3A_104 = tpu.memref_squeeze %dma_wait3A_103 : memref<1x10000xf32, #tpu.memory_space<hbm>> -> memref<10000xf32, #tpu.memory_space<hbm>>
      tpu.wait_dma2 semaphore(%run_scoped3A : memref<!tpu.dma_semaphore, #tpu.memory_space<semaphore_mem>>) src(%arg10 : memref<10000xf32, #tpu.memory_space<vmem>>) dst(%dma_wait3A_104 : memref<10000xf32, #tpu.memory_space<hbm>>)
      tpu.yield
    }) : () -> ()
    %add3A_91 = arith.constant 3 : i32
    %add3A_92 = arith.addi %add3A_4, %add3A_91 : i32
    "tpu.region"() ({
      %run_scoped3A = tpu.sem_alloc : memref<!tpu.dma_semaphore, #tpu.memory_space<semaphore_mem>>
      %dma_start3A_93 = arith.constant 0 : i32
      %dma_start3A_94 = tpu.memref_slice %arg5[%add3A_92, %dma_start3A_93] : memref<128x10000xf32, #tpu.memory_space<hbm>> -> memref<1x10000xf32, #tpu.memory_space<hbm>>
      %dma_start3A_95 = tpu.memref_squeeze %dma_start3A_94 : memref<1x10000xf32, #tpu.memory_space<hbm>> -> memref<10000xf32, #tpu.memory_space<hbm>>
      %dma_start3A_96 = arith.constant 0 : i32
      %dma_start3A_97 = tpu.memref_slice %arg5[%add3A_92, %dma_start3A_96] : memref<128x10000xf32, #tpu.memory_space<hbm>> -> memref<1x10000xf32, #tpu.memory_space<hbm>>
      %dma_start3A_98 = tpu.memref_squeeze %dma_start3A_97 : memref<1x10000xf32, #tpu.memory_space<hbm>> -> memref<10000xf32, #tpu.memory_space<hbm>>
      tpu.enqueue_dma source(%arg11 : memref<10000xf32, #tpu.memory_space<vmem>>) target(%dma_start3A_98 : memref<10000xf32, #tpu.memory_space<hbm>>) target_semaphore(%run_scoped3A : memref<!tpu.dma_semaphore, #tpu.memory_space<semaphore_mem>>)
      %dma_wait3A_99 = arith.constant 0 : i32
      %dma_wait3A_100 = tpu.memref_slice %arg5[%add3A_92, %dma_wait3A_99] : memref<128x10000xf32, #tpu.memory_space<hbm>> -> memref<1x10000xf32, #tpu.memory_space<hbm>>
      %dma_wait3A_101 = tpu.memref_squeeze %dma_wait3A_100 : memref<1x10000xf32, #tpu.memory_space<hbm>> -> memref<10000xf32, #tpu.memory_space<hbm>>
      %dma_wait3A_102 = arith.constant 0 : i32
      %dma_wait3A_103 = tpu.memref_slice %arg5[%add3A_92, %dma_wait3A_102] : memref<128x10000xf32, #tpu.memory_space<hbm>> -> memref<1x10000xf32, #tpu.memory_space<hbm>>
      %dma_wait3A_104 = tpu.memref_squeeze %dma_wait3A_103 : memref<1x10000xf32, #tpu.memory_space<hbm>> -> memref<10000xf32, #tpu.memory_space<hbm>>
      tpu.wait_dma2 semaphore(%run_scoped3A : memref<!tpu.dma_semaphore, #tpu.memory_space<semaphore_mem>>) src(%arg11 : memref<10000xf32, #tpu.memory_space<vmem>>) dst(%dma_wait3A_104 : memref<10000xf32, #tpu.memory_space<hbm>>)
      tpu.yield
    }) : () -> ()
    return
  }
}

module attributes {stable_mosaic.version = 14 : i64} {
  func.func @_final_body(%arg0: memref<128x10000xf32, #tpu.memory_space<vmem>>, %arg1: memref<128x10000xf32, #tpu.memory_space<vmem>>, %arg2: memref<10000xf32, #tpu.memory_space<vmem>>, %arg3: memref<128xf32, #tpu.memory_space<vmem>>, %arg4: memref<10000x128xf32, #tpu.memory_space<vmem>>) attributes {dimension_semantics = [], scalar_prefetch = 0 : i64, scratch_operands = 0 : i64, tpu.core_type = #tpu.core_type<tc>} {
    %get3A = arith.constant 0 : index
    %get3A_0 = vector.load %arg2[%get3A] : memref<10000xf32, #tpu.memory_space<vmem>>, vector<10000xf32>
    %broadcast_in_dim3A = vector.shape_cast %get3A_0 : vector<10000xf32> to vector<1x10000xf32>
    %get3A_1 = arith.constant 0 : index
    %get3A_2 = arith.constant 0 : index
    %get3A_3 = vector.load %arg0[%get3A_1, %get3A_2] : memref<128x10000xf32, #tpu.memory_space<vmem>>, vector<128x10000xf32>
    %get3A_4 = arith.constant 0 : index
    %get3A_5 = arith.constant 0 : index
    %get3A_6 = vector.load %arg1[%get3A_4, %get3A_5] : memref<128x10000xf32, #tpu.memory_space<vmem>>, vector<128x10000xf32>
    %add3A = arith.addf %get3A_3, %get3A_6 : vector<128x10000xf32>
    %mul3A = vector.broadcast %broadcast_in_dim3A : vector<1x10000xf32> to vector<128x10000xf32>
    %mul3A_7 = arith.mulf %mul3A, %add3A : vector<128x10000xf32>
    %get3A_8 = arith.constant 0 : index
    %get3A_9 = vector.load %arg3[%get3A_8] : memref<128xf32, #tpu.memory_space<vmem>>, vector<128xf32>
    %broadcast_in_dim3A_10 = vector.shape_cast %get3A_9 : vector<128xf32> to vector<128x1xf32>
    %add3A_11 = vector.broadcast %broadcast_in_dim3A_10 : vector<128x1xf32> to vector<128x10000xf32>
    %add3A_12 = arith.addf %mul3A_7, %add3A_11 : vector<128x10000xf32>
    %transpose3A = tpu.transpose %add3A_12, [1, 0] : vector<128x10000xf32> -> vector<10000x128xf32>
    %swap3A = arith.constant 0 : index
    %swap3A_13 = arith.constant 0 : index
    %swap3A_14 = vector.load %arg4[%swap3A, %swap3A_13] : memref<10000x128xf32, #tpu.memory_space<vmem>>, vector<10000x128xf32>
    tpu.vector_store %arg4[%swap3A, %swap3A_13], %transpose3A {strides = array<i32>} : memref<10000x128xf32, #tpu.memory_space<vmem>>, vector<10000x128xf32>,
    return
  }
}

module attributes {stable_mosaic.version = 14 : i64} {
  func.func @_prep_body(%arg0: memref<32x10000xf32, #tpu.memory_space<vmem>>, %arg1: memref<10000x128xf32, #tpu.memory_space<vmem>>, %arg2: memref<128x256xf32, #tpu.memory_space<vmem>>, %arg3: memref<320000xi32, #tpu.memory_space<vmem>>, %arg4: memref<320000xi32, #tpu.memory_space<vmem>>, %arg5: memref<10000xf32, #tpu.memory_space<vmem>>, %arg6: memref<256x10000xf32, #tpu.memory_space<vmem>>, %arg7: memref<128x10000xi32, #tpu.memory_space<vmem>>, %arg8: memref<320000xi32, #tpu.memory_space<vmem>>) attributes {dimension_semantics = [], scalar_prefetch = 0 : i64, scratch_operands = 0 : i64, tpu.core_type = #tpu.core_type<tc>} {
    %get3A = arith.constant 0 : index
    %get3A_0 = arith.constant 0 : index
    %get3A_1 = vector.load %arg0[%get3A, %get3A_0] : memref<32x10000xf32, #tpu.memory_space<vmem>>, vector<32x10000xf32>
    %reduce_sum3A = arith.constant dense<0.000000e+00> : vector<10000xf32>
    %reduce_sum3A_2 = vector.multi_reduction <add>, %get3A_1, %reduce_sum3A [0] : vector<32x10000xf32> to vector<10000xf32>
    %add3A = arith.constant 1.000000e+00 : f32
    %add3A_3 = vector.broadcast %add3A : f32 to vector<10000xf32>
    %add3A_4 = arith.addf %reduce_sum3A_2, %add3A_3 : vector<10000xf32>
    %rsqrt3A = math.rsqrt %add3A_4 : vector<10000xf32>
    %swap3A = arith.constant 0 : index
    %swap3A_5 = vector.load %arg5[%swap3A] : memref<10000xf32, #tpu.memory_space<vmem>>, vector<10000xf32>
    tpu.vector_store %arg5[%swap3A], %rsqrt3A {strides = array<i32>} : memref<10000xf32, #tpu.memory_space<vmem>>, vector<10000xf32>,
    %get3A_6 = arith.constant 0 : index
    %get3A_7 = arith.constant 0 : index
    %get3A_8 = vector.load %arg2[%get3A_6, %get3A_7] : memref<128x256xf32, #tpu.memory_space<vmem>>, vector<128x256xf32>
    %transpose3A = tpu.transpose %get3A_8, [1, 0] : vector<128x256xf32> -> vector<256x128xf32>
    %get3A_9 = arith.constant 0 : index
    %get3A_10 = arith.constant 0 : index
    %get3A_11 = vector.load %arg1[%get3A_9, %get3A_10] : memref<10000x128xf32, #tpu.memory_space<vmem>>, vector<10000x128xf32>
    %dot_general3A = arith.constant dense<0.000000e+00> : vector<256x10000xf32>
    %dot_general3A_12 = tpu.matmul %transpose3A, %get3A_11, %dot_general3A {dimension_numbers = #tpu.dot_dimension_numbers<[1], [1], [0], [0], [0, 0, 1, 0], [], []>, transpose_lhs_hint = false} : vector<256x128xf32>, vector<10000x128xf32>, vector<256x10000xf32> -> vector<256x10000xf32>
    %broadcast_in_dim3A = vector.shape_cast %rsqrt3A : vector<10000xf32> to vector<1x10000xf32>
    %mul3A = vector.broadcast %broadcast_in_dim3A : vector<1x10000xf32> to vector<256x10000xf32>
    %mul3A_13 = arith.mulf %dot_general3A_12, %mul3A : vector<256x10000xf32>
    %swap3A_14 = arith.constant 0 : index
    %swap3A_15 = arith.constant 0 : index
    %swap3A_16 = vector.load %arg6[%swap3A_14, %swap3A_15] : memref<256x10000xf32, #tpu.memory_space<vmem>>, vector<256x10000xf32>
    tpu.vector_store %arg6[%swap3A_14, %swap3A_15], %mul3A_13 {strides = array<i32>} : memref<256x10000xf32, #tpu.memory_space<vmem>>, vector<256x10000xf32>,
    %bitcast_convert_type3A = tpu.bitcast %mul3A_13 : vector<256x10000xf32> -> vector<256x10000xi32>
    %reshape3A = vector.shape_cast %bitcast_convert_type3A : vector<256x10000xi32> to vector<128x2x10000xi32>
    %slice3A = vector.extract_strided_slice %reshape3A {offsets = [0, 0, 0], sizes = [128, 1, 10000], strides = [1, 1, 1]} : vector<128x2x10000xi32> to vector<128x1x10000xi32>
    %squeeze3A = vector.shape_cast %slice3A : vector<128x1x10000xi32> to vector<128x10000xi32>
    %add3A_17 = arith.constant 32768 : i32
    %add3A_18 = vector.broadcast %add3A_17 : i32 to vector<128x10000xi32>
    %add3A_19 = arith.addi %squeeze3A, %add3A_18 : vector<128x10000xi32>
    %slice3A_20 = vector.extract_strided_slice %reshape3A {offsets = [0, 1, 0], sizes = [128, 1, 10000], strides = [1, 1, 1]} : vector<128x2x10000xi32> to vector<128x1x10000xi32>
    %squeeze3A_21 = vector.shape_cast %slice3A_20 : vector<128x1x10000xi32> to vector<128x10000xi32>
    %add3A_22 = arith.constant 32768 : i32
    %add3A_23 = vector.broadcast %add3A_22 : i32 to vector<128x10000xi32>
    %add3A_24 = arith.addi %squeeze3A_21, %add3A_23 : vector<128x10000xi32>
    %and3A = arith.constant -65536 : i32
    %and3A_25 = vector.broadcast %and3A : i32 to vector<128x10000xi32>
    %and3A_26 = arith.andi %add3A_24, %and3A_25 : vector<128x10000xi32>
    %shift_right_logical3A = arith.constant 16 : i32
    %shift_right_logical3A_27 = vector.broadcast %shift_right_logical3A : i32 to vector<128x10000xi32>
    %shift_right_logical3A_28 = arith.shrui %add3A_19, %shift_right_logical3A_27 : vector<128x10000xi32>
    %or3A = arith.ori %and3A_26, %shift_right_logical3A_28 : vector<128x10000xi32>
    %bitcast_convert_type3A_29 = tpu.bitcast %or3A : vector<128x10000xi32> -> vector<128x10000xi32>
    %swap3A_30 = arith.constant 0 : index
    %swap3A_31 = arith.constant 0 : index
    %swap3A_32 = vector.load %arg7[%swap3A_30, %swap3A_31] : memref<128x10000xi32, #tpu.memory_space<vmem>>, vector<128x10000xi32>
    tpu.vector_store %arg7[%swap3A_30, %swap3A_31], %bitcast_convert_type3A_29 {strides = array<i32>} : memref<128x10000xi32, #tpu.memory_space<vmem>>, vector<128x10000xi32>,
    %get3A_33 = arith.constant 0 : index
    %get3A_34 = vector.load %arg3[%get3A_33] : memref<320000xi32, #tpu.memory_space<vmem>>, vector<320000xi32>
    %shift_left3A = arith.constant 14 : i32
    %shift_left3A_35 = vector.broadcast %shift_left3A : i32 to vector<320000xi32>
    %shift_left3A_36 = arith.shli %get3A_34, %shift_left3A_35 : vector<320000xi32>
    %get3A_37 = arith.constant 0 : index
    %get3A_38 = vector.load %arg4[%get3A_37] : memref<320000xi32, #tpu.memory_space<vmem>>, vector<320000xi32>
    %or3A_39 = arith.ori %shift_left3A_36, %get3A_38 : vector<320000xi32>
    %swap3A_40 = arith.constant 0 : index
    %swap3A_41 = vector.load %arg8[%swap3A_40] : memref<320000xi32, #tpu.memory_space<vmem>>, vector<320000xi32>
    tpu.vector_store %arg8[%swap3A_40], %or3A_39 {strides = array<i32>} : memref<320000xi32, #tpu.memory_space<vmem>>, vector<320000xi32>,
    return
  }
}

module attributes {stable_mosaic.version = 14 : i64} {
  func.func @_mid_body(%arg0: memref<256x10000xf32, #tpu.memory_space<vmem>>, %arg1: memref<256x10000xf32, #tpu.memory_space<vmem>>, %arg2: memref<10000xf32, #tpu.memory_space<vmem>>, %arg3: memref<256x128xf32, #tpu.memory_space<vmem>>, %arg4: memref<256xf32, #tpu.memory_space<vmem>>, %arg5: memref<128x10000xf32, #tpu.memory_space<vmem>>, %arg6: memref<64x10000xi32, #tpu.memory_space<vmem>>) attributes {dimension_semantics = [], scalar_prefetch = 0 : i64, scratch_operands = 0 : i64, tpu.core_type = #tpu.core_type<tc>} {
    %get3A = arith.constant 0 : index
    %get3A_0 = vector.load %arg2[%get3A] : memref<10000xf32, #tpu.memory_space<vmem>>, vector<10000xf32>
    %broadcast_in_dim3A = vector.shape_cast %get3A_0 : vector<10000xf32> to vector<1x10000xf32>
    %get3A_1 = arith.constant 0 : index
    %get3A_2 = arith.constant 0 : index
    %get3A_3 = vector.load %arg0[%get3A_1, %get3A_2] : memref<256x10000xf32, #tpu.memory_space<vmem>>, vector<256x10000xf32>
    %get3A_4 = arith.constant 0 : index
    %get3A_5 = arith.constant 0 : index
    %get3A_6 = vector.load %arg1[%get3A_4, %get3A_5] : memref<256x10000xf32, #tpu.memory_space<vmem>>, vector<256x10000xf32>
    %add3A = arith.addf %get3A_3, %get3A_6 : vector<256x10000xf32>
    %mul3A = vector.broadcast %broadcast_in_dim3A : vector<1x10000xf32> to vector<256x10000xf32>
    %mul3A_7 = arith.mulf %mul3A, %add3A : vector<256x10000xf32>
    %get3A_8 = arith.constant 0 : index
    %get3A_9 = vector.load %arg4[%get3A_8] : memref<256xf32, #tpu.memory_space<vmem>>, vector<256xf32>
    %broadcast_in_dim3A_10 = vector.shape_cast %get3A_9 : vector<256xf32> to vector<256x1xf32>
    %add3A_11 = vector.broadcast %broadcast_in_dim3A_10 : vector<256x1xf32> to vector<256x10000xf32>
    %add3A_12 = arith.addf %mul3A_7, %add3A_11 : vector<256x10000xf32>
    %max3A = arith.constant 0.000000e+00 : f32
    %max3A_13 = vector.broadcast %max3A : f32 to vector<256x10000xf32>
    %max3A_14 = arith.maximumf %add3A_12, %max3A_13 : vector<256x10000xf32>
    %get3A_15 = arith.constant 0 : index
    %get3A_16 = arith.constant 0 : index
    %get3A_17 = vector.load %arg3[%get3A_15, %get3A_16] : memref<256x128xf32, #tpu.memory_space<vmem>>, vector<256x128xf32>
    %transpose3A = tpu.transpose %get3A_17, [1, 0] : vector<256x128xf32> -> vector<128x256xf32>
    %dot_general3A = arith.constant dense<0.000000e+00> : vector<128x10000xf32>
    %dot_general3A_18 = tpu.matmul %transpose3A, %max3A_14, %dot_general3A {dimension_numbers = #tpu.dot_dimension_numbers<[1], [0], [0], [1], [0, 0, 1, 1], [], []>, transpose_lhs_hint = false} : vector<128x256xf32>, vector<256x10000xf32>, vector<128x10000xf32> -> vector<128x10000xf32>
    %broadcast_in_dim3A_19 = vector.shape_cast %get3A_0 : vector<10000xf32> to vector<1x10000xf32>
    %mul3A_20 = vector.broadcast %broadcast_in_dim3A_19 : vector<1x10000xf32> to vector<128x10000xf32>
    %mul3A_21 = arith.mulf %dot_general3A_18, %mul3A_20 : vector<128x10000xf32>
    %swap3A = arith.constant 0 : index
    %swap3A_22 = arith.constant 0 : index
    %swap3A_23 = vector.load %arg5[%swap3A, %swap3A_22] : memref<128x10000xf32, #tpu.memory_space<vmem>>, vector<128x10000xf32>
    tpu.vector_store %arg5[%swap3A, %swap3A_22], %mul3A_21 {strides = array<i32>} : memref<128x10000xf32, #tpu.memory_space<vmem>>, vector<128x10000xf32>,
    %bitcast_convert_type3A = tpu.bitcast %mul3A_21 : vector<128x10000xf32> -> vector<128x10000xi32>
    %reshape3A = vector.shape_cast %bitcast_convert_type3A : vector<128x10000xi32> to vector<64x2x10000xi32>
    %slice3A = vector.extract_strided_slice %reshape3A {offsets = [0, 0, 0], sizes = [64, 1, 10000], strides = [1, 1, 1]} : vector<64x2x10000xi32> to vector<64x1x10000xi32>
    %squeeze3A = vector.shape_cast %slice3A : vector<64x1x10000xi32> to vector<64x10000xi32>
    %add3A_24 = arith.constant 32768 : i32
    %add3A_25 = vector.broadcast %add3A_24 : i32 to vector<64x10000xi32>
    %add3A_26 = arith.addi %squeeze3A, %add3A_25 : vector<64x10000xi32>
    %slice3A_27 = vector.extract_strided_slice %reshape3A {offsets = [0, 1, 0], sizes = [64, 1, 10000], strides = [1, 1, 1]} : vector<64x2x10000xi32> to vector<64x1x10000xi32>
    %squeeze3A_28 = vector.shape_cast %slice3A_27 : vector<64x1x10000xi32> to vector<64x10000xi32>
    %add3A_29 = arith.constant 32768 : i32
    %add3A_30 = vector.broadcast %add3A_29 : i32 to vector<64x10000xi32>
    %add3A_31 = arith.addi %squeeze3A_28, %add3A_30 : vector<64x10000xi32>
    %and3A = arith.constant -65536 : i32
    %and3A_32 = vector.broadcast %and3A : i32 to vector<64x10000xi32>
    %and3A_33 = arith.andi %add3A_31, %and3A_32 : vector<64x10000xi32>
    %shift_right_logical3A = arith.constant 16 : i32
    %shift_right_logical3A_34 = vector.broadcast %shift_right_logical3A : i32 to vector<64x10000xi32>
    %shift_right_logical3A_35 = arith.shrui %add3A_26, %shift_right_logical3A_34 : vector<64x10000xi32>
    %or3A = arith.ori %and3A_33, %shift_right_logical3A_35 : vector<64x10000xi32>
    %bitcast_convert_type3A_36 = tpu.bitcast %or3A : vector<64x10000xi32> -> vector<64x10000xi32>
    %swap3A_37 = arith.constant 0 : index
    %swap3A_38 = arith.constant 0 : index
    %swap3A_39 = vector.load %arg6[%swap3A_37, %swap3A_38] : memref<64x10000xi32, #tpu.memory_space<vmem>>, vector<64x10000xi32>
    tpu.vector_store %arg6[%swap3A_37, %swap3A_38], %bitcast_convert_type3A_36 {strides = array<i32>} : memref<64x10000xi32, #tpu.memory_space<vmem>>, vector<64x10000xi32>,
    return
  }
}

</mosaic_0001>

<sc_bundles>
// kernel: kernel.11.cloned.1.call-start
scs
__scs_entry_jumppad:
0x0: {  	(pc) =	sbr.rel $0x88, $3  }
0x1: {  	(tag) =	ssettag $0x0;
	lr =	simm.s32 $0x1  }
0x2: {  	[smem:$0x3F9A] =	sst lr;
	_ =	strace $0xD0000000  }
0x3: {  	_ = 	snop  }
0x4: {  	_ = 	snop  }
0x5: {  	_ = 	snop  }
0x6: {  	_ = 	snop  }
0x7: {  	_ = 	snop  }
__scs_overlays_trampoline_lowered:
0x8: {  	[smem:$0x3FA9] =	sst s0  }
0x9: {  	[smem:$0x3FAA] =	sst s1  }
0xa: {  	[smem:$0x3FAB] =	sst s2  }
0xb: {  	[smem:$0x3FAC] =	sst s3  }
0xc: {  	[smem:$0x3FAD] =	sst s4  }
0xd: {  	[smem:$0x3FAE] =	sst s5  }
0xe: {  	[smem:$0x3FAF] =	sst s6  }
0xf: {  	[smem:$0x3FB0] =	sst s7  }
0x10: {  	[smem:$0x3FB1] =	sst s8  }
0x11: {  	[smem:$0x3FB2] =	sst s9;
	s0 =	simm.s32 @!p0 $0x0  }
0x12: {  	s1 =	sld [smem:$0x3F98];
	s0 =	simm.s32 @p0 $0x1  }
0x13: {  	[smem:$0x3FB3] =	sst s0;
	s0 =	simm.s32 @!p1 $0x0  }
0x14: {  	s2 =	sld [smem:$0x3F97];
	s0 =	simm.s32 @p1 $0x1  }
0x15: {  	[smem:$0x3FB4] =	sst s0;
	s0 =	simm.s32 @!p2 $0x0  }
0x16: {  	s3 =	sld [smem:$0x3FDB];
	s0 =	simm.s32 @p2 $0x1  }
0x17: {  	s4 =	simm.s32 $0x1BF5;
	[smem:$0x3FB6] =	sst s0  }
0x18: {  	s0 =	sld [smem:$0x3F99];
	_ =	swait.ge [sflag:s4], $0x0  }
0x19: {  	s7 =	sld [smem:$0x3F9A]  }
0x1a: {  	s8 =	sadd.s32 $0xFFFFE003, lr  }
0x1b: {  	s9 =	sadd.s32 $0xFFFFFEF7, lr;
	s5 =	simm.s32 $0xFFFFFFFF;
	p2 =	slt.u32 s8, $0xFFFFF086  }
0x1c: {  	p1 =	slt.u32 s9, $0xF7A;
	s5 =	simm.s32 @!p2 $0x0  }
0x1d: {  	s5 =	simm.s32 @p1 $0x1;
	p0 =	seq.s32 s7, s2  }
0x1e: {  	s7 =	smul.u32 @!p0 $0xF7A, s2;
	p2 =	seq.s32 @!p0 s5, $0x0  }
0x1f: {  	s9 =	smul.u32 $0xF7A, s1;
	s8 =	simm.s32 @!p0 $0x1BF5;
	p2 =	por !p2, p0  }
0x20: {  	[sflag:s8] =	ssyncset.s32 @!p0 $0xFFFFF086;
	s6 =	sadd.s32 @!p0 s3, s7;
	s7 =	simm.s32 @!p0 $0x108  }
0x21: {  	s3 =	sadd.s32 s3, s9;
	s6 =	sadd.s32 @!p0 $0x88, s6;
	s7 =	simm.s32 @p2 $0x1082  }
0x22: {  	[simem:s7], [sflag:s8] =	dma.local @!p0 [hbm:s6], $0xF7A  }
0x23: {  	s9 =	sor.u32 $0xD0000000, s2;
	s6 =	simm.s32 $0x108;
	_ =	swait.ge @!p0 [sflag:s8], $0x0  }
0x24: {  	s3 =	sadd.s32 $0x88, s3;
	s6 =	simm.s32 @!p1 $0x1082;
	[sflag:s4] =	ssyncset.s32 $0xFFFFF086  }
0x25: {  	[simem:s6], [sflag:s4] =	dma.local [hbm:s3], $0xF7A  }
0x26: {  	[smem:$0x3F9A] =	sst s1;
	(tag) =	ssettag s2;
	_ =	strace s9  }
0x27: {  	s1 =	sld [smem:$0x3FAA]  }
0x28: {  	s2 =	sld [smem:$0x3FAB]  }
0x29: {  	s4 =	sld [smem:$0x3FAD]  }
0x2a: {  	p0 =	seq.s32 s5, $0x0;
	s5 =	sld [smem:$0x3FAE]  }
0x2b: {  	s6 =	sld [smem:$0x3FAF]  }
0x2c: {  	s7 =	sld [smem:$0x3FB0]  }
0x2d: {  	s3 =	simm.s32 $0x108;
	s8 =	sld [smem:$0x3FB1]  }
0x2e: {  	s3 =	simm.s32 @!p0 $0x1082;
	s9 =	sld [smem:$0x3FB2]  }
0x2f: {  	lr =	sadd.s32 s0, s3;
	s0 =	sld [smem:$0x3FA9]  }
0x30: {  	s3 =	sld [smem:$0x3FAC]  }
0x31: {  	[smem:$0x3FB5] =	sst s10  }
0x32: {  	s10 =	sld [smem:$0x3FB3];
	_ =	sdelay $0x3  }
0x33: {  	p0 =	seq.s32 s10, $0x1;
	s10 =	sld [smem:$0x3FB5];
	_ =	sdelay $0x3  }
0x34: {  	[smem:$0x3FB5] =	sst s10  }
0x35: {  	s10 =	sld [smem:$0x3FB4];
	_ =	sdelay $0x3  }
0x36: {  	p1 =	seq.s32 s10, $0x1;
	s10 =	sld [smem:$0x3FB5];
	_ =	sdelay $0x3  }
0x37: {  	[smem:$0x3FB5] =	sst s10  }
0x38: {  	s10 =	sld [smem:$0x3FB6]  }
0x39: {  	_ = 	snop;
	(pc) =	sbr.ind lr, $3  }
0x3a: {  	_ = 	snop  }
0x3b: {  	_ = 	snop  }
0x3c: {  	p2 =	seq.s32 s10, $0x1;
	s10 =	sld [smem:$0x3FB5]  }
0x3d: {  	_ =	shalt  }
0x3e: {  	_ =	shalt  }
0x3f: {  	_ =	shalt  }
0x40: {  	_ =	shalt  }
0x41: {  	_ =	shalt  }
0x42: {  	_ =	shalt  }
0x43: {  	_ =	shalt  }
0x44: {  	_ =	shalt  }
0x45: {  	_ =	shalt  }
0x46: {  	_ =	shalt  }
0x47: {  	_ =	shalt  }
0x48: {  	_ =	shalt  }
0x49: {  	_ =	shalt  }
0x4a: {  	_ =	shalt  }
0x4b: {  	_ =	shalt  }
0x4c: {  	_ =	shalt  }
0x4d: {  	_ =	shalt  }
0x4e: {  	_ =	shalt  }
0x4f: {  	_ =	shalt  }
0x50: {  	_ =	shalt  }
0x51: {  	_ =	shalt  }
0x52: {  	_ =	shalt  }
0x53: {  	_ =	shalt  }
0x54: {  	_ =	shalt  }
0x55: {  	_ =	shalt  }
0x56: {  	_ =	shalt  }
0x57: {  	_ =	shalt  }
0x58: {  	_ =	shalt  }
0x59: {  	_ =	shalt  }
0x5a: {  	_ =	shalt  }
0x5b: {  	_ =	shalt  }
0x5c: {  	_ =	shalt  }
0x5d: {  	_ =	shalt  }
0x5e: {  	_ =	shalt  }
0x5f: {  	_ =	shalt  }
0x60: {  	_ =	shalt  }
0x61: {  	_ =	shalt  }
0x62: {  	_ =	shalt  }
0x63: {  	_ =	shalt  }
0x64: {  	_ =	shalt  }
0x65: {  	_ =	shalt  }
0x66: {  	_ =	shalt  }
0x67: {  	_ =	shalt  }
0x68: {  	_ =	shalt  }
0x69: {  	_ =	shalt  }
0x6a: {  	_ =	shalt  }
0x6b: {  	_ =	shalt  }
0x6c: {  	_ =	shalt  }
0x6d: {  	_ =	shalt  }
0x6e: {  	_ =	shalt  }
0x6f: {  	_ =	shalt  }
0x70: {  	_ =	shalt  }
0x71: {  	_ =	shalt  }
0x72: {  	_ =	shalt  }
0x73: {  	_ =	shalt  }
0x74: {  	_ =	shalt  }
0x75: {  	_ =	shalt  }
0x76: {  	_ =	shalt  }
0x77: {  	_ =	shalt  }
0x78: {  	_ =	shalt  }
0x79: {  	_ =	shalt  }
0x7a: {  	_ =	shalt  }
0x7b: {  	_ =	shalt  }
0x7c: {  	_ =	shalt  }
0x7d: {  	_ =	shalt  }
0x7e: {  	_ =	shalt  }
0x7f: {  	_ =	shalt  }
0x80: {  	_ =	shalt  }
0x81: {  	_ =	shalt  }
0x82: {  	_ =	shalt  }
0x83: {  	_ =	shalt  }
0x84: {  	_ =	shalt  }
0x85: {  	_ =	shalt  }
0x86: {  	_ =	shalt  }
0x87: {  	_ =	shalt  }
.Lfunc_end0:
.L_simem_size_0:
called_computation.1_lowered:
.L_overlay_start_0:
0x88: {  	s2 =	sld [smem:$0x3FD9]  }
0x89: {  	s3 =	sld [smem:$0x3FFE];
	_ =	sdelay $0x1  }
0x8a: {  	s1 =	srdreg.scid  }
0x8b: {  	s0 =	sand.u32 $0x1, s1  }
0x8c: {  	s17 =	sshll.u32 s0, $0xA;
	s2 =	sadd.s32 s3, s2  }
0x8d: {  	s2 =	sadd.s32 s2, s17  }
0x8e: {  	[smem:$0x3FC1] =	sst s2  }
0x8f: {  	_ = 	snop  }
0x90: {  	s2 =	sld [smem:$0x3FC7];
	(tm) =	ssettm $0x1  }
0x91: {  	s18 =	sld [smem:$0x3FFB];
	_ =	sdelay $0x3  }
0x92: {  	_ =	strace s18  }
0x93: {  	s3 =	sld [smem:$0x3FFC];
	_ =	sdelay $0x3  }
0x94: {  	_ =	strace s3  }
0x95: {  	s3 =	sld [smem:$0x3FFD];
	_ =	sdelay $0x3  }
0x96: {  	_ =	strace s3  }
0x97: {  	_ =	strace $0x8FFFFFFF  }
0x98: {  	s19 =	sld [smem:$0x3FDB];
	_ =	sdelay $0x1  }
0x99: {  	s4 =	simm.s32 $_scs_section_size  }
0x9a: {  	s5 =	simm.s32 $_size__tile_overlayer_lowered;
	s6 =	simm.s32 $_tile_overlayer_lowered  }
0x9b: {  	s22 =	simm.s32 $0x1BFF;
	s21 =	sshll.u32 s6, $0x1;
	s3 =	sadd.s32 s4, s19  }
0x9c: {  	s7 =	simm.s32 $0x0;
	s20 =	sshll.u32 s5, $0x1;
	s5 =	sadd.s32 s21, s3  }
0x9d: {  	[timem:s7], [sflag:s22] =	dma.local [hbm:s5], s20  }
0x9e: {  	_ =	swait.ge [sflag:s22], s20  }
0x9f: {  	s4 =	ssub.s32 $0x0, s20;
	[sflag:s22] =	ssyncset.done $0x0  }
0xa0: {  	[sflag:s22] =	ssyncadd.s32 s4;
	_ =	sdelay $0x1  }
0xa1: {  	s23 =	simm.s32 $0x1B8B  }
0xa2: {  	_ =	swait.ge [sflag:s23], $0x1  }
0xa3: {  	[sflag:s23] =	ssyncset.done $0x0  }
0xa4: {  	s25 =	simm.s32 $0x1B8E;
	s24 =	sld [smem:$0x3FFE];
	[sflag:s23] =	ssyncadd.s32 $0xFFFFFFFF  }
0xa5: {  	s26 =	simm.s32 $execute0_lowered;
	[smem:$0x3FD2] =	sst s25  }
0xa6: {  	s5 =	sshll.u32 s26, $0x1;
	_ =	strace $0x80000049;
	[dreg:$0x1] =	wrdreg $0xFFFFFFFF  }
0xa7: {  	s28 =	simm.s32 $_size_execute0_lowered;
	s3 =	sadd.s32 s3, s5;
	[dreg:$0x0] =	wrdreg $0x0  }
0xa8: {  	s5 =	sshll.u32 s28, $0x1;
	[dreg:$0x2] =	wrdreg s3  }
0xa9: {  	[dreg:$0x3] =	wrdreg s5  }
0xaa: {  	[dreg:$0x4] =	wrdreg $0xC0  }
0xab: {  	_ =	task [dreg:s7], $0x5FFFF  }
0xac: {  	[dreg:$0x1] =	wrdreg $0xFFFFFFFF  }
0xad: {  	[dreg:$0x0] =	wrdreg $0x60  }
0xae: {  	[dreg:$0x2] =	wrdreg s24  }
0xaf: {  	[dreg:$0x3] =	wrdreg s2  }
0xb0: {  	[dreg:$0x4] =	wrdreg $0x9  }
0xb1: {  	_ =	task.clear_ibuf [dreg:s7], $0x5FFFF;
	_ =	strace $0x90000049  }
0xb2: {  	s29 =	simm.s32 $0x9;
	_ =	strace $0x8000004B  }
0xb3: {  	_ =	swait.ge [sflag:s29], $0x1  }
0xb4: {  	[sflag:s29] =	ssyncadd.s32 $0xFFFFFFFF  }
0xb5: {  	_ =	strace $0x9000004B  }
0xb6: {  	_ =	sfence  }
0xb7: {  	s30 =	sld [smem:$0x0];
	_ =	sdelay $0x2  }
0xb8: {  	s31 =	sshll.u32 s1, $0xD;
	s1 =	sshrl.u32 s1, $0x2  }
0xb9: {  	s3 =	sand.u32 $0x4000, s31;
	s1 =	sadd.s32 s1, s30  }
0xba: {  	s0 =	sor.u32 s3, s0;
	s1 =	sshll.u32 s1, $0x11  }
0xbb: {  	s0 =	sor.u32 s1, s0  }
0xbc: {  	s0 =	sadd.s32 $0x8F2B, s0  }
0xbd: {  	[sflag:s0] =	ssyncadd.remote.s32 $0x1  }
0xbe: {  	_ =	sfence.sel $0xFFFF  }
0xbf: {  	[dreg:$0x0] =	wrdreg $0xFFFFFFFF;
	(pc) =	sbr.abs _section_cstart, $3  }
0xc0: {  	[dreg:$0x1] =	wrdreg $0xFFFFFFFF  }
0xc1: {  	_ =	task.clear_ibuf [dreg:s7], $0x2FFFF;
	_ =	strace $0x9FFFFFFF  }
0xc2: {  	(tm) =	ssettm $0x7FFFFFFF  }
0xc3: {  	_ =	shalt  }
tec
execute0_lowered:
.L_overlay_start_1:
0x0: {  	(tag) =	ssettag $0x1  }
0x1: {  	s0 =	rddreg [dreg:$0x0]  }
0x2: {  	s2 =	rddreg [dreg:$0x1];
	s1 =	srdreg.scid  }
0x3: {  	s6 =	stileid.u32;
	s3 =	simm.s32 $0x0;
	s28 =	simm.s32 $0x11280  }
0x4: {  	s29 =	simm.s32 $0x1;
	s1 =	sand.u32 $0x1, s1;
	s4 =	smul.u32 $0x13C00, s6  }
0x5: {  	s30 =	simm.s32 $0x4F00;
	s31 =	simm.s32 $0x7680;
	s5 =	sshll.u32 s1, $0x9  }
0x6: {  	s6 =	sshll.u32 s6, $0x1;
	[smem:$0x7FF] =	sst s3;
	s4 =	sor.u32 s5, s4  }
0x7: {  	s8 =	sadd.s32 $0x190, s2;
	s16 =	sor.u32 s1, s6;
	s4 =	sshrl.u32 s4, $0x3  }
0x8: {  	s1 =	ssub.s32 $0x2, s1;
	s5 =	smul.u32 $0x2780, s16;
	s17 =	sadd.s32 s4, s0  }
0x9: {  	_ =	strace $0x8000004A;
	s6 =	simm.s32 $0x0;
	s18 =	sadd.s32 $0x51600, s17  }
0xa: {  	s5 =	sadd.s32 s5, s0;
	s19 =	sadd.s32 $0x51610, s17;
	[dreg:$0x3] =	wrdreg s18  }
0xb: {  	s7 =	sshrl.u32 s1, $0x1;
	s20 =	sadd.s32 $0x82C00, s5;
	[dreg:$0x4] =	wrdreg s19  }
0xc: {  	s1 =	ssub.s32 s1, s7;
	s21 =	sadd.s32 $0x82C10, s5;
	[dreg:$0x5] =	wrdreg s20  }
0xd: {  	s7 =	sadd.s32 $0x78F90, s0;
	s22 =	sadd.s32 $0x82C20, s5;
	[dreg:$0x6] =	wrdreg s21  }
0xe: {  	s4 =	sadd.s32 $0x78E00, s0;
	s23 =	sadd.s32 $0x82C30, s5;
	[dreg:$0x7] =	wrdreg s22  }
0xf: {  	s0 =	simm.s32 $0x9E00;
	s24 =	sadd.s32 $0x51620, s17;
	[dreg:$0x8] =	wrdreg s23  }
0x10: {  	s25 =	sadd.s32 $0x51630, s17;
	s26 =	sadd.s32 $0x82C40, s5;
	[dreg:$0x9] =	wrdreg s24  }
0x11: {  	s16 =	sadd.s32 $0x82C50, s5;
	s17 =	sadd.s32 $0x82C60, s5;
	[dreg:$0xa] =	wrdreg s25  }
0x12: {  	[dreg:$0xb] =	wrdreg s26;
	s18 =	sadd.s32 $0x82C70, s5;
	s19 =	smax.u32 s1, $0x1  }
0x13: {  	s20 =	simm.s32 $0x80;
	s21 =	simm.s32 $0x400;
	s22 =	simm.s32 $0x3  }
0x14: {  	s23 =	simm.s32 $0x2780;
	s24 =	simm.s32 $0xED00;
	s25 =	simm.s32 $0xF980  }
0x15: {  	v0 =	vimm.f32 $0.0e+00;
	s26 =	simm.s32 $0x10600;
	s1 =	simm.s32 $0xC580;
	s5 =	simm.s32 $0x2  }
.LBB2_1:
0x16: {  	s9 =	rddreg [dreg:$0x3]  }
0x17: {  	[tilespmem:s3], [sflag:$0x3] =	stream.strided.gather [hbm4b:s9+s20], $0x2780, s21, s20, $0x38;
	[tilespmem:$0x11F00] =	vst v63  }
0x18: {  	_ =	swait.ge [sflag:s22], $0x2780  }
0x19: {  	[sflag:s22] =	ssyncset.done $0x0  }
0x1a: {  	s15 =	rddreg [dreg:$0x4];
	[sflag:s22] =	ssyncadd.s32 $0xFFFFD880  }
0x1b: {  	[tilespmem:s23], [sflag:$0x3] =	stream.strided.gather [hbm4b:s15+s20], $0x2780, s21, s20, $0x38;
	[tilespmem:$0x11F00] =	vst v63  }
0x1c: {  	_ =	swait.ge [sflag:s22], $0x2780  }
0x1d: {  	[sflag:s22] =	ssyncset.done $0x0  }
0x1e: {  	s9 =	simm.s32 $0x4F20;
	[sflag:s22] =	ssyncadd.s32 $0xFFFFD880  }
0x1f: {  	[tilespmem:s9+$0x10] =	vst v0  }
0x20: {  	[tilespmem:s9+$0xFFFFFFF0] =	vst v0  }
0x21: {  	[tilespmem:s9+$0x0] =	vst v0  }
0x22: {  	[tilespmem:s9+$0xFFFFFFE0] =	vst v0  }
0x23: {  	s10 =	simm.s32 $0x76A0;
	[tilespmem:s9+$0x20] =	vst v0  }
0x24: {  	[tilespmem:s10+$0xFFFFFFE0] =	vst v0  }
0x25: {  	[tilespmem:s10+$0x20] =	vst v0  }
0x26: {  	[tilespmem:s10+$0x0] =	vst v0  }
0x27: {  	[tilespmem:s10+$0xFFFFFFF0] =	vst v0  }
0x28: {  	s11 =	simm.s32 $0x9E20;
	[tilespmem:s10+$0x10] =	vst v0  }
0x29: {  	[tilespmem:s11+$0xFFFFFFE0] =	vst v0  }
0x2a: {  	[tilespmem:s11+$0x20] =	vst v0  }
0x2b: {  	[tilespmem:s11+$0x0] =	vst v0  }
0x2c: {  	s12 =	simm.s32 $0xC5A0;
	[tilespmem:s11+$0x10] =	vst v0  }
0x2d: {  	[tilespmem:s12+$0xFFFFFFE0] =	vst v0  }
0x2e: {  	[tilespmem:s12+$0x20] =	vst v0  }
0x2f: {  	s13 =	simm.s32 $0x0;
	s14 =	simm.s32 $0x9E70;
	s15 =	simm.s32 $0xC5F0;
	[tilespmem:s12+$0x0] =	vst v0  }
.LBB2_2:
0x30: {  	s13 =	sadd.s32 $0x5, s13;
	[tilespmem:s12+$0x10] =	vst v0;
	s9 =	sadd.s32 $0x50, s9;
	s10 =	sadd.s32 $0x50, s10  }
0x31: {  	p0 =	slt.u32 s13, $0x26C;
	[tilespmem:s11+$0xFFFFFFF0] =	vst v0;
	s11 =	smov.u32 s14  }
0x32: {  	[tilespmem:s12+$0xFFFFFFF0] =	vst v0;
	s12 =	smov.u32 s15  }
0x33: {  	[tilespmem:s9+$0x10] =	vst v0  }
0x34: {  	[tilespmem:s9+$0xFFFFFFF0] =	vst v0  }
0x35: {  	[tilespmem:s9+$0x0] =	vst v0  }
0x36: {  	[tilespmem:s9+$0xFFFFFFE0] =	vst v0  }
0x37: {  	[tilespmem:s10+$0xFFFFFFE0] =	vst v0  }
0x38: {  	[tilespmem:s14+$0xFFFFFFE0] =	vst v0  }
0x39: {  	[tilespmem:s15+$0xFFFFFFE0] =	vst v0  }
0x3a: {  	[tilespmem:s9+$0x20] =	vst v0  }
0x3b: {  	[tilespmem:s10+$0x20] =	vst v0  }
0x3c: {  	[tilespmem:s14+$0x20] =	vst v0  }
0x3d: {  	[tilespmem:s15+$0x20] =	vst v0  }
0x3e: {  	[tilespmem:s10+$0x0] =	vst v0  }
.Ltmp0:
0x3f: {  	[tilespmem:s14+$0x0] =	vst v0;
	(pc) =	sbr.rel @p0 .LBB2_2-.Ltmp0, $4  }
0x40: {  	[tilespmem:s10+$0xFFFFFFF0] =	vst v0  }
0x41: {  	[tilespmem:s15+$0x0] =	vst v0  }
0x42: {  	[tilespmem:s10+$0x10] =	vst v0  }
0x43: {  	s14 =	sadd.s32 $0x50, s14;
	s15 =	sadd.s32 $0x50, s15;
	[tilespmem:s11+$0x10] =	vst v0  }
0x44: {  	[tilespmem:s12+$0x10] =	vst v0  }
0x45: {  	[tilespmem:s11+$0xFFFFFFF0] =	vst v0  }
0x46: {  	s9 =	simm.s32 $0x0;
	[tilespmem:s12+$0xFFFFFFF0] =	vst v0  }
0x47: {  	[tilespmem:s24], [sflag:$0x1] =	stream.linear.gather [hbm4b:s4+s9], $0xC80, $0x38;
	[tilespmem:$0x11F00] =	vst v63  }
0x48: {  	_ = 	snop  }
0x49: {  	[tilespmem:s25], [sflag:$0x1] =	stream.linear.gather [hbm4b:s2+s9], $0xC80, $0x38;
	[tilespmem:$0x11F00] =	vst v63  }
0x4a: {  	_ = 	snop  }
0x4b: {  	[tilespmem:s26], [sflag:$0x2] =	stream.linear.gather [hbm4b:s7+s9], $0xC80, $0x38;
	[tilespmem:$0x11F00] =	vst v63  }
0x4c: {  	_ = 	snop  }
0x4d: {  	[tilespmem:s28], [sflag:$0x2] =	stream.linear.gather [hbm4b:s8+s9], $0xC80, $0x38;
	[tilespmem:$0x11F00] =	vst v63  }
.LBB2_4:
0x4e: {  	_ =	swait.ge [sflag:s29], $0xC80  }
0x4f: {  	[sflag:s29] =	ssyncset.done $0x0  }
0x50: {  	[sflag:s29] =	ssyncadd.s32 $0xFFFFF380  }
0x51: {  	_ =	swait.ge [sflag:s29], $0xC80  }
0x52: {  	[sflag:s29] =	ssyncset.done $0x0  }
0x53: {  	s10 =	simm.s32 $0xED40;
	[sflag:s29] =	ssyncadd.s32 $0xFFFFF380  }
0x54: {  	v1 =	vld [tilespmem:s10+$0x30]  }
0x55: {  	v2 =	vld [tilespmem:s10+$0xFFFFFFD0]  }
0x56: {  	v3 =	vld [tilespmem:s10+$0xFFFFFFE0]  }
0x57: {  	v4 =	vld [tilespmem:s10+$0xFFFFFFF0]  }
0x58: {  	v5 =	vld [tilespmem:s10+$0x0]  }
0x59: {  	v7 =	vld [tilespmem:s10+$0x10]  }
0x5a: {  	v9 =	vld [tilespmem:s10+$0xFFFFFFC0]  }
0x5b: {  	v10 =	vld [tilespmem:s10+$0x20];
	s10 =	simm.s32 $0xF9C0;
	v6 =	vshrl.u32 v1, $0xE  }
0x5c: {  	v18 =	vld [tilespmem:s10+$0x30]  }
0x5d: {  	v49 =	vld [tilespmem:s10+$0xFFFFFFC0]  }
0x5e: {  	v50 =	vld [tilespmem:s10+$0xFFFFFFD0]  }
0x5f: {  	v27 =	vld [tilespmem:s10+$0xFFFFFFE0]  }
0x60: {  	v8 =	vshrl.u32 v2, $0xE;
	v14 =	vld.idx.msk [tilespmem:v6+s3+$0x0], $0xffff  }
0x61: {  	v28 =	vld [tilespmem:s10+$0xFFFFFFF0];
	v11 =	vshrl.u32 v3, $0xE  }
0x62: {  	v30 =	vld [tilespmem:s10+$0x0];
	v17 =	vshrl.u32 v9, $0xE  }
0x63: {  	v31 =	vld [tilespmem:s10+$0x10];
	v1 =	vand.u32 $0x3FFF, v1  }
0x64: {  	v34 =	vld [tilespmem:s10+$0x20]  }
0x65: {  	v16 =	vld.idx.msk [tilespmem:v8+s3+$0x0], $0xffff;
	v24 =	vshll.u32 v14, $0x10  }
0x66: {  	v12 =	vshrl.u32 v4, $0xE;
	v20 =	vld.idx.msk [tilespmem:v11+s3+$0x0], $0xffff;
	v14 =	vand.u32 $0xFFFF0000, v14;
	v24 =	vmul.f32 v24, v18  }
0x67: {  	v13 =	vshrl.u32 v5, $0xE;
	v25 =	vld.idx.msk [tilespmem:v17+s3+$0x0], $0xffff;
	v14 =	vmul.f32 v14, v18  }
0x68: {  	v15 =	vshrl.u32 v7, $0xE;
	[tilespmem:v1+s30+$0x0] =	vst.idx.add.f32.msk $0xffff, v24  }
0x69: {  	v19 =	vshrl.u32 v10, $0xE;
	[tilespmem:v1+s31+$0x0] =	vst.idx.add.f32.msk $0xffff, v14  }
0x6a: {  	v9 =	vand.u32 $0x3FFF, v9;
	v6 =	vld.idx.msk [tilespmem:v6+s23+$0x0], $0xffff  }
0x6b: {  	v33 =	vand.u32 $0x3FFF, v2;
	v21 =	vld.idx.msk [tilespmem:v12+s3+$0x0], $0xffff  }
0x6c: {  	v22 =	vld.idx.msk [tilespmem:v13+s3+$0x0], $0xffff;
	v29 =	vshll.u32 v25, $0x10  }
0x6d: {  	v23 =	vld.idx.msk [tilespmem:v15+s3+$0x0], $0xffff;
	v51 =	vshll.u32 v16, $0x10;
	v29 =	vmul.f32 v29, v49  }
0x6e: {  	v26 =	vld.idx.msk [tilespmem:v19+s3+$0x0], $0xffff;
	v25 =	vand.u32 $0xFFFF0000, v25;
	v52 =	vmul.f32 v51, v50  }
0x6f: {  	v4 =	vand.u32 $0x3FFF, v4;
	v25 =	vmul.f32 v25, v49;
	[tilespmem:v9+s30+$0x0] =	vst.idx.add.f32.msk $0xffff, v29;
	v32 =	vshll.u32 v6, $0x10  }
0x70: {  	[tilespmem:v33+s30+$0x0] =	vst.idx.add.f32.msk $0xffff, v52;
	v2 =	vand.u32 $0xFFFF0000, v6;
	v6 =	vmul.f32 v32, v18  }
0x71: {  	v3 =	vand.u32 $0x3FFF, v3;
	v53 =	vshll.u32 v21, $0x10;
	[tilespmem:v9+s31+$0x0] =	vst.idx.add.f32.msk $0xffff, v25;
	v2 =	vmul.f32 v2, v18  }
0x72: {  	[tilespmem:v1+s0+$0x0] =	vst.idx.add.f32.msk $0xffff, v6;
	v6 =	vand.u32 $0xFFFF0000, v16;
	v16 =	vmul.f32 v53, v28  }
0x73: {  	[tilespmem:v1+s1+$0x0] =	vst.idx.add.f32.msk $0xffff, v2;
	v1 =	vshll.u32 v20, $0x10;
	v2 =	vmul.f32 v6, v50  }
0x74: {  	v5 =	vand.u32 $0x3FFF, v5;
	v6 =	vand.u32 $0xFFFF0000, v20;
	v1 =	vmul.f32 v1, v27;
	[tilespmem:v4+s30+$0x0] =	vst.idx.add.f32.msk $0xffff, v16  }
0x75: {  	v6 =	vmul.f32 v6, v27;
	[tilespmem:v33+s31+$0x0] =	vst.idx.add.f32.msk $0xffff, v2;
	v2 =	vand.u32 $0xFFFF0000, v21  }
0x76: {  	[tilespmem:v3+s30+$0x0] =	vst.idx.add.f32.msk $0xffff, v1;
	v1 =	vand.u32 $0x3FFF, v7;
	v7 =	vshll.u32 v22, $0x10;
	v54 =	vmul.f32 v2, v28  }
0x77: {  	[tilespmem:v3+s31+$0x0] =	vst.idx.add.f32.msk $0xffff, v6;
	v6 =	vand.u32 $0xFFFF0000, v22;
	v7 =	vmul.f32 v7, v30  }
0x78: {  	v2 =	vand.u32 $0x3FFF, v10;
	v10 =	vshll.u32 v23, $0x10;
	v6 =	vmul.f32 v6, v30;
	[tilespmem:v4+s31+$0x0] =	vst.idx.add.f32.msk $0xffff, v54  }
0x79: {  	v10 =	vmul.f32 v10, v31;
	[tilespmem:v5+s30+$0x0] =	vst.idx.add.f32.msk $0xffff, v7  }
0x7a: {  	v7 =	vshll.u32 v26, $0x10;
	[tilespmem:v5+s31+$0x0] =	vst.idx.add.f32.msk $0xffff, v6  }
0x7b: {  	v6 =	vmul.f32 v7, v34;
	[tilespmem:v1+s30+$0x0] =	vst.idx.add.f32.msk $0xffff, v10  }
0x7c: {  	v7 =	vand.u32 $0xFFFF0000, v26;
	v10 =	vld.idx.msk [tilespmem:v12+s23+$0x0], $0xffff  }
0x7d: {  	v7 =	vmul.f32 v7, v34;
	[tilespmem:v2+s30+$0x0] =	vst.idx.add.f32.msk $0xffff, v6  }
0x7e: {  	v55 =	vand.u32 $0xFFFF0000, v23;
	v6 =	vld.idx.msk [tilespmem:v17+s23+$0x0], $0xffff  }
0x7f: {  	v16 =	vmul.f32 v55, v31;
	[tilespmem:v2+s31+$0x0] =	vst.idx.add.f32.msk $0xffff, v7  }
0x80: {  	v7 =	vld.idx.msk [tilespmem:v8+s23+$0x0], $0xffff  }
0x81: {  	[tilespmem:v1+s31+$0x0] =	vst.idx.add.f32.msk $0xffff, v16  }
0x82: {  	v8 =	vld.idx.msk [tilespmem:v11+s23+$0x0], $0xffff  }
0x83: {  	v11 =	vld.idx.msk [tilespmem:v13+s23+$0x0], $0xffff;
	v56 =	vshll.u32 v6, $0x10  }
0x84: {  	v57 =	vld.idx.msk [tilespmem:v15+s23+$0x0], $0xffff;
	v6 =	vand.u32 $0xFFFF0000, v6;
	v12 =	vmul.f32 v56, v49  }
0x85: {  	v58 =	vld.idx.msk [tilespmem:v19+s23+$0x0], $0xffff;
	v59 =	vshll.u32 v7, $0x10;
	v6 =	vmul.f32 v6, v49  }
0x86: {  	v7 =	vand.u32 $0xFFFF0000, v7;
	v60 =	vmul.f32 v59, v50;
	[tilespmem:v9+s0+$0x0] =	vst.idx.add.f32.msk $0xffff, v12  }
0x87: {  	v61 =	vshll.u32 v8, $0x10;
	[tilespmem:v9+s1+$0x0] =	vst.idx.add.f32.msk $0xffff, v6;
	v6 =	vmul.f32 v7, v50  }
0x88: {  	v7 =	vand.u32 $0xFFFF0000, v8;
	[tilespmem:v33+s0+$0x0] =	vst.idx.add.f32.msk $0xffff, v60;
	v8 =	vmul.f32 v61, v27  }
0x89: {  	v9 =	vshll.u32 v10, $0x10;
	[tilespmem:v33+s1+$0x0] =	vst.idx.add.f32.msk $0xffff, v6;
	v6 =	vmul.f32 v7, v27  }
0x8a: {  	v7 =	vand.u32 $0xFFFF0000, v10;
	[tilespmem:v3+s0+$0x0] =	vst.idx.add.f32.msk $0xffff, v8;
	v8 =	vmul.f32 v9, v28  }
0x8b: {  	v9 =	vshll.u32 v11, $0x10;
	v7 =	vmul.f32 v7, v28;
	[tilespmem:v3+s1+$0x0] =	vst.idx.add.f32.msk $0xffff, v6  }
0x8c: {  	v62 =	vshll.u32 v58, $0x10;
	v3 =	vand.u32 $0xFFFF0000, v11;
	v11 =	vmul.f32 v9, v30;
	[tilespmem:v4+s0+$0x0] =	vst.idx.add.f32.msk $0xffff, v8  }
0x8d: {  	v6 =	vshll.u32 v57, $0x10;
	v8 =	vand.u32 $0xFFFF0000, v57;
	v63 =	vmul.f32 v3, v30;
	[tilespmem:v4+s1+$0x0] =	vst.idx.add.f32.msk $0xffff, v7  }
0x8e: {  	v3 =	vand.u32 $0xFFFF0000, v58;
	v10 =	vmul.f32 v6, v31;
	v9 =	vmul.f32 v8, v31;
	[tilespmem:v5+s0+$0x0] =	vst.idx.add.f32.msk $0xffff, v11  }
0x8f: {  	s11 =	simm.s32 $0x0;
	s12 =	simm.s32 $0xEDC0;
	v4 =	vmul.f32 v62, v34;
	v3 =	vmul.f32 v3, v34;
	[tilespmem:v5+s1+$0x0] =	vst.idx.add.f32.msk $0xffff, v63  }
.LBB2_5:
0x90: {  	v13 =	vld [tilespmem:s12+$0x30]  }
0x91: {  	v5 =	vld [tilespmem:s12+$0xFFFFFFD0]  }
0x92: {  	s11 =	sadd.s32 $0x8, s11;
	v6 =	vld [tilespmem:s12+$0xFFFFFFE0]  }
0x93: {  	p0 =	slt.u32 s11, $0xC0;
	v14 =	vld [tilespmem:s12+$0xFFFFFFF0]  }
0x94: {  	v15 =	vld [tilespmem:s12+$0x0]  }
0x95: {  	v16 =	vld [tilespmem:s12+$0x10];
	v17 =	vshrl.u32 v13, $0xE  }
0x96: {  	v11 =	vshrl.u32 v5, $0xE;
	v8 =	vand.u32 $0x3FFF, v5;
	v18 =	vld [tilespmem:s12+$0x20]  }
0x97: {  	v19 =	vld [tilespmem:s12+$0xFFFFFFC0];
	v12 =	vshrl.u32 v6, $0xE;
	v7 =	vand.u32 $0x3FFF, v6  }
0x98: {  	v20 =	vshrl.u32 v14, $0xE;
	v6 =	vand.u32 $0x3FFF, v14;
	[tilespmem:v1+s0+$0x0] =	vst.idx.add.f32.msk $0xffff, v10  }
0x99: {  	v14 =	vshrl.u32 v15, $0xE;
	v5 =	vand.u32 $0x3FFF, v15;
	[tilespmem:v1+s1+$0x0] =	vst.idx.add.f32.msk $0xffff, v9  }
0x9a: {  	v15 =	vshrl.u32 v16, $0xE;
	v1 =	vand.u32 $0x3FFF, v16;
	v16 =	vld.idx.msk [tilespmem:v17+s3+$0x0], $0xffff  }
0x9b: {  	s10 =	sadd.s32 $0x80, s10;
	v21 =	vld.idx.msk [tilespmem:v11+s3+$0x0], $0xffff;
	v22 =	vshrl.u32 v18, $0xE;
	v10 =	vand.u32 $0x3FFF, v18  }
0x9c: {  	v18 =	vshrl.u32 v19, $0xE;
	v9 =	vand.u32 $0x3FFF, v19;
	v19 =	vld [tilespmem:s10+$0x30]  }
0x9d: {  	v23 =	vld.idx.msk [tilespmem:v12+s3+$0x0], $0xffff  }
0x9e: {  	v13 =	vand.u32 $0x3FFF, v13;
	v24 =	vld.idx.msk [tilespmem:v20+s3+$0x0], $0xffff  }
0x9f: {  	v25 =	vld.idx.msk [tilespmem:v14+s3+$0x0], $0xffff  }
0xa0: {  	v27 =	vshll.u32 v16, $0x10;
	v26 =	vld.idx.msk [tilespmem:v15+s3+$0x0], $0xffff  }
0xa1: {  	v16 =	vand.u32 $0xFFFF0000, v16;
	v29 =	vshll.u32 v21, $0x10;
	v28 =	vld.idx.msk [tilespmem:v18+s3+$0x0], $0xffff;
	v27 =	vmul.f32 v27, v19  }
0xa2: {  	v21 =	vand.u32 $0xFFFF0000, v21;
	v16 =	vmul.f32 v16, v19;
	v30 =	vld.idx.msk [tilespmem:v22+s3+$0x0], $0xffff  }
0xa3: {  	v31 =	vshll.u32 v23, $0x10;
	v23 =	vand.u32 $0xFFFF0000, v23;
	[tilespmem:v13+s30+$0x0] =	vst.idx.add.f32.msk $0xffff, v27  }
0xa4: {  	v27 =	vshll.u32 v24, $0x10;
	v24 =	vand.u32 $0xFFFF0000, v24;
	[tilespmem:v13+s31+$0x0] =	vst.idx.add.f32.msk $0xffff, v16  }
0xa5: {  	v16 =	vshll.u32 v25, $0x10;
	v25 =	vand.u32 $0xFFFF0000, v25;
	v17 =	vld.idx.msk [tilespmem:v17+s23+$0x0], $0xffff  }
0xa6: {  	v33 =	vshll.u32 v26, $0x10;
	v26 =	vand.u32 $0xFFFF0000, v26;
	v32 =	vld [tilespmem:s10+$0xFFFFFFC0]  }
0xa7: {  	v34 =	vshll.u32 v28, $0x10;
	v28 =	vand.u32 $0xFFFF0000, v28;
	v35 =	vld [tilespmem:s10+$0xFFFFFFD0]  }
0xa8: {  	v37 =	vshll.u32 v30, $0x10;
	v30 =	vand.u32 $0xFFFF0000, v30;
	v36 =	vld [tilespmem:s10+$0xFFFFFFE0]  }
0xa9: {  	v38 =	vld [tilespmem:s10+$0xFFFFFFF0]  }
0xaa: {  	v39 =	vld [tilespmem:s10+$0x0]  }
0xab: {  	v41 =	vshll.u32 v17, $0x10;
	v34 =	vmul.f32 v34, v32;
	v28 =	vmul.f32 v28, v32;
	v40 =	vld [tilespmem:s10+$0x10]  }
0xac: {  	v17 =	vand.u32 $0xFFFF0000, v17;
	v41 =	vmul.f32 v41, v19;
	v29 =	vmul.f32 v29, v35;
	v42 =	vld [tilespmem:s10+$0x20]  }
0xad: {  	v17 =	vmul.f32 v17, v19;
	v21 =	vmul.f32 v21, v35;
	[tilespmem:v9+s30+$0x0] =	vst.idx.add.f32.msk $0xffff, v34  }
0xae: {  	v19 =	vmul.f32 v31, v36;
	v23 =	vmul.f32 v23, v36;
	[tilespmem:v13+s0+$0x0] =	vst.idx.add.f32.msk $0xffff, v41  }
0xaf: {  	v27 =	vmul.f32 v27, v38;
	v24 =	vmul.f32 v24, v38;
	[tilespmem:v13+s1+$0x0] =	vst.idx.add.f32.msk $0xffff, v17  }
0xb0: {  	v13 =	vmul.f32 v16, v39;
	v16 =	vmul.f32 v25, v39;
	[tilespmem:v9+s31+$0x0] =	vst.idx.add.f32.msk $0xffff, v28  }
0xb1: {  	v17 =	vmul.f32 v33, v40;
	v25 =	vmul.f32 v26, v40;
	[tilespmem:v8+s30+$0x0] =	vst.idx.add.f32.msk $0xffff, v29  }
0xb2: {  	v26 =	vmul.f32 v30, v42;
	[tilespmem:v8+s31+$0x0] =	vst.idx.add.f32.msk $0xffff, v21;
	v21 =	vmul.f32 v37, v42  }
0xb3: {  	[tilespmem:v7+s30+$0x0] =	vst.idx.add.f32.msk $0xffff, v19  }
0xb4: {  	[tilespmem:v7+s31+$0x0] =	vst.idx.add.f32.msk $0xffff, v23  }
0xb5: {  	[tilespmem:v6+s30+$0x0] =	vst.idx.add.f32.msk $0xffff, v27  }
0xb6: {  	[tilespmem:v6+s31+$0x0] =	vst.idx.add.f32.msk $0xffff, v24  }
0xb7: {  	[tilespmem:v5+s30+$0x0] =	vst.idx.add.f32.msk $0xffff, v13  }
0xb8: {  	[tilespmem:v5+s31+$0x0] =	vst.idx.add.f32.msk $0xffff, v16  }
0xb9: {  	[tilespmem:v1+s30+$0x0] =	vst.idx.add.f32.msk $0xffff, v17  }
0xba: {  	[tilespmem:v1+s31+$0x0] =	vst.idx.add.f32.msk $0xffff, v25  }
0xbb: {  	[tilespmem:v10+s30+$0x0] =	vst.idx.add.f32.msk $0xffff, v21  }
0xbc: {  	[tilespmem:v10+s31+$0x0] =	vst.idx.add.f32.msk $0xffff, v26  }
0xbd: {  	v13 =	vld.idx.msk [tilespmem:v18+s23+$0x0], $0xffff  }
0xbe: {  	v11 =	vld.idx.msk [tilespmem:v11+s23+$0x0], $0xffff  }
0xbf: {  	v12 =	vld.idx.msk [tilespmem:v12+s23+$0x0], $0xffff  }
0xc0: {  	v16 =	vld.idx.msk [tilespmem:v20+s23+$0x0], $0xffff  }
0xc1: {  	v14 =	vld.idx.msk [tilespmem:v14+s23+$0x0], $0xffff  }
0xc2: {  	v15 =	vld.idx.msk [tilespmem:v15+s23+$0x0], $0xffff  }
0xc3: {  	v17 =	vshll.u32 v13, $0x10;
	v13 =	vand.u32 $0xFFFF0000, v13;
	v18 =	vld.idx.msk [tilespmem:v22+s23+$0x0], $0xffff  }
0xc4: {  	v17 =	vmul.f32 v17, v32;
	v19 =	vshll.u32 v11, $0x10;
	v11 =	vand.u32 $0xFFFF0000, v11;
	[tilespmem:v2+s0+$0x0] =	vst.idx.add.f32.msk $0xffff, v4  }
0xc5: {  	v4 =	vmul.f32 v13, v32;
	v13 =	vshll.u32 v12, $0x10;
	v12 =	vand.u32 $0xFFFF0000, v12;
	[tilespmem:v2+s1+$0x0] =	vst.idx.add.f32.msk $0xffff, v3;
	v2 =	vmovc v10  }
0xc6: {  	v3 =	vmul.f32 v19, v35;
	v10 =	vshll.u32 v16, $0x10;
	v16 =	vand.u32 $0xFFFF0000, v16;
	[tilespmem:v9+s0+$0x0] =	vst.idx.add.f32.msk $0xffff, v17  }
0xc7: {  	[tilespmem:v9+s1+$0x0] =	vst.idx.add.f32.msk $0xffff, v4;
	v4 =	vmul.f32 v11, v35;
	v9 =	vshll.u32 v14, $0x10;
	v11 =	vand.u32 $0xFFFF0000, v14  }
0xc8: {  	v14 =	vand.u32 $0xFFFF0000, v15;
	[tilespmem:v8+s0+$0x0] =	vst.idx.add.f32.msk $0xffff, v3;
	v3 =	vmul.f32 v13, v36;
	v13 =	vshll.u32 v15, $0x10  }
0xc9: {  	[tilespmem:v8+s1+$0x0] =	vst.idx.add.f32.msk $0xffff, v4;
	v4 =	vmul.f32 v12, v36;
	v8 =	vshll.u32 v18, $0x10;
	v12 =	vand.u32 $0xFFFF0000, v18  }
0xca: {  	v15 =	vmul.f32 v16, v38;
	[tilespmem:v7+s0+$0x0] =	vst.idx.add.f32.msk $0xffff, v3;
	v3 =	vmul.f32 v10, v38  }
.Ltmp1:
0xcb: {  	v11 =	vmul.f32 v11, v39;
	[tilespmem:v7+s1+$0x0] =	vst.idx.add.f32.msk $0xffff, v4;
	v7 =	vmul.f32 v9, v39;
	(pc) =	sbr.rel @p0 .LBB2_5-.Ltmp1, $4  }
0xcc: {  	v10 =	vmul.f32 v13, v40;
	v9 =	vmul.f32 v14, v40;
	[tilespmem:v6+s0+$0x0] =	vst.idx.add.f32.msk $0xffff, v3  }
0xcd: {  	v4 =	vmul.f32 v8, v42;
	v3 =	vmul.f32 v12, v42;
	[tilespmem:v6+s1+$0x0] =	vst.idx.add.f32.msk $0xffff, v15  }
0xce: {  	[tilespmem:v5+s0+$0x0] =	vst.idx.add.f32.msk $0xffff, v7  }
0xcf: {  	s12 =	sadd.s32 $0x80, s12;
	[tilespmem:v5+s1+$0x0] =	vst.idx.add.f32.msk $0xffff, v11  }
0xd0: {  	_ =	sdelay $0x1  }
0xd1: {  	s10 =	sshll.u32 s9, $0x1  }
0xd2: {  	s11 =	sadd.s32 $0x2, s10  }
0xd3: {  	[tilespmem:v1+s0+$0x0] =	vst.idx.add.f32.msk $0xffff, v10;
	s12 =	smul.u32 $0x190, s11  }
0xd4: {  	[tilespmem:v2+s0+$0x0] =	vst.idx.add.f32.msk $0xffff, v4;
	p0 =	seq.s32 s11, $0x64  }
0xd5: {  	[tilespmem:v1+s1+$0x0] =	vst.idx.add.f32.msk $0xffff, v9;
	s12 =	simm.s32 @p0 $0x0  }
0xd6: {  	[tilespmem:v2+s1+$0x0] =	vst.idx.add.f32.msk $0xffff, v3;
	s13 =	sadd.s32 s4, s12  }
0xd7: {  	[tilespmem:s24], [sflag:$0x1] =	stream.linear.gather [hbm4b:s13+s3], $0xC80, $0x38;
	[tilespmem:$0x11F00] =	vst v63  }
0xd8: {  	s14 =	sadd.s32 s2, s12  }
0xd9: {  	[tilespmem:s25], [sflag:$0x1] =	stream.linear.gather [hbm4b:s14+s3], $0xC80, $0x38;
	[tilespmem:$0x11F00] =	vst v63  }
0xda: {  	_ =	swait.ge [sflag:s5], $0xC80  }
0xdb: {  	[sflag:s5] =	ssyncset.done $0x0  }
0xdc: {  	[sflag:s5] =	ssyncadd.s32 $0xFFFFF380  }
0xdd: {  	_ =	swait.ge [sflag:s5], $0xC80  }
0xde: {  	[sflag:s5] =	ssyncset.done $0x0  }
0xdf: {  	s15 =	simm.s32 $0x10640;
	[sflag:s5] =	ssyncadd.s32 $0xFFFFF380  }
0xe0: {  	v1 =	vld [tilespmem:s15+$0x30]  }
0xe1: {  	v2 =	vld [tilespmem:s15+$0xFFFFFFD0]  }
0xe2: {  	v3 =	vld [tilespmem:s15+$0xFFFFFFE0]  }
0xe3: {  	v4 =	vld [tilespmem:s15+$0xFFFFFFF0]  }
0xe4: {  	v5 =	vld [tilespmem:s15+$0x0]  }
0xe5: {  	v7 =	vld [tilespmem:s15+$0x10]  }
0xe6: {  	v9 =	vld [tilespmem:s15+$0xFFFFFFC0]  }
0xe7: {  	s11 =	simm.s32 $0x112C0;
	v10 =	vld [tilespmem:s15+$0x20];
	v6 =	vshrl.u32 v1, $0xE  }
0xe8: {  	v18 =	vld [tilespmem:s11+$0x30]  }
0xe9: {  	v49 =	vld [tilespmem:s11+$0xFFFFFFC0]  }
0xea: {  	v50 =	vld [tilespmem:s11+$0xFFFFFFD0]  }
0xeb: {  	v27 =	vld [tilespmem:s11+$0xFFFFFFE0]  }
0xec: {  	v8 =	vshrl.u32 v2, $0xE;
	v14 =	vld.idx.msk [tilespmem:v6+s3+$0x0], $0xffff  }
0xed: {  	v28 =	vld [tilespmem:s11+$0xFFFFFFF0];
	v11 =	vshrl.u32 v3, $0xE  }
0xee: {  	v30 =	vld [tilespmem:s11+$0x0];
	v17 =	vshrl.u32 v9, $0xE  }
0xef: {  	v31 =	vld [tilespmem:s11+$0x10];
	v1 =	vand.u32 $0x3FFF, v1  }
0xf0: {  	v34 =	vld [tilespmem:s11+$0x20]  }
0xf1: {  	v16 =	vld.idx.msk [tilespmem:v8+s3+$0x0], $0xffff;
	v24 =	vshll.u32 v14, $0x10  }
0xf2: {  	v12 =	vshrl.u32 v4, $0xE;
	v20 =	vld.idx.msk [tilespmem:v11+s3+$0x0], $0xffff;
	v14 =	vand.u32 $0xFFFF0000, v14;
	v24 =	vmul.f32 v24, v18  }
0xf3: {  	v13 =	vshrl.u32 v5, $0xE;
	v25 =	vld.idx.msk [tilespmem:v17+s3+$0x0], $0xffff;
	v14 =	vmul.f32 v14, v18  }
0xf4: {  	v15 =	vshrl.u32 v7, $0xE;
	[tilespmem:v1+s30+$0x0] =	vst.idx.add.f32.msk $0xffff, v24  }
0xf5: {  	v19 =	vshrl.u32 v10, $0xE;
	[tilespmem:v1+s31+$0x0] =	vst.idx.add.f32.msk $0xffff, v14  }
0xf6: {  	v9 =	vand.u32 $0x3FFF, v9;
	v6 =	vld.idx.msk [tilespmem:v6+s23+$0x0], $0xffff  }
0xf7: {  	v33 =	vand.u32 $0x3FFF, v2;
	v21 =	vld.idx.msk [tilespmem:v12+s3+$0x0], $0xffff  }
0xf8: {  	v22 =	vld.idx.msk [tilespmem:v13+s3+$0x0], $0xffff;
	v29 =	vshll.u32 v25, $0x10  }
0xf9: {  	v23 =	vld.idx.msk [tilespmem:v15+s3+$0x0], $0xffff;
	v51 =	vshll.u32 v16, $0x10;
	v29 =	vmul.f32 v29, v49  }
0xfa: {  	v26 =	vld.idx.msk [tilespmem:v19+s3+$0x0], $0xffff;
	v25 =	vand.u32 $0xFFFF0000, v25;
	v52 =	vmul.f32 v51, v50  }
0xfb: {  	v4 =	vand.u32 $0x3FFF, v4;
	v25 =	vmul.f32 v25, v49;
	[tilespmem:v9+s30+$0x0] =	vst.idx.add.f32.msk $0xffff, v29;
	v32 =	vshll.u32 v6, $0x10  }
0xfc: {  	[tilespmem:v33+s30+$0x0] =	vst.idx.add.f32.msk $0xffff, v52;
	v2 =	vand.u32 $0xFFFF0000, v6;
	v6 =	vmul.f32 v32, v18  }
0xfd: {  	v3 =	vand.u32 $0x3FFF, v3;
	v53 =	vshll.u32 v21, $0x10;
	[tilespmem:v9+s31+$0x0] =	vst.idx.add.f32.msk $0xffff, v25;
	v2 =	vmul.f32 v2, v18  }
0xfe: {  	[tilespmem:v1+s0+$0x0] =	vst.idx.add.f32.msk $0xffff, v6;
	v6 =	vand.u32 $0xFFFF0000, v16;
	v16 =	vmul.f32 v53, v28  }
0xff: {  	[tilespmem:v1+s1+$0x0] =	vst.idx.add.f32.msk $0xffff, v2;
	v1 =	vshll.u32 v20, $0x10;
	v2 =	vmul.f32 v6, v50  }
0x100: {  	v5 =	vand.u32 $0x3FFF, v5;
	v6 =	vand.u32 $0xFFFF0000, v20;
	v1 =	vmul.f32 v1, v27;
	[tilespmem:v4+s30+$0x0] =	vst.idx.add.f32.msk $0xffff, v16  }
0x101: {  	v6 =	vmul.f32 v6, v27;
	[tilespmem:v33+s31+$0x0] =	vst.idx.add.f32.msk $0xffff, v2;
	v2 =	vand.u32 $0xFFFF0000, v21  }
0x102: {  	[tilespmem:v3+s30+$0x0] =	vst.idx.add.f32.msk $0xffff, v1;
	v1 =	vand.u32 $0x3FFF, v7;
	v7 =	vshll.u32 v22, $0x10;
	v54 =	vmul.f32 v2, v28  }
0x103: {  	[tilespmem:v3+s31+$0x0] =	vst.idx.add.f32.msk $0xffff, v6;
	v6 =	vand.u32 $0xFFFF0000, v22;
	v7 =	vmul.f32 v7, v30  }
0x104: {  	v2 =	vand.u32 $0x3FFF, v10;
	v10 =	vshll.u32 v23, $0x10;
	v6 =	vmul.f32 v6, v30;
	[tilespmem:v4+s31+$0x0] =	vst.idx.add.f32.msk $0xffff, v54  }
0x105: {  	v10 =	vmul.f32 v10, v31;
	[tilespmem:v5+s30+$0x0] =	vst.idx.add.f32.msk $0xffff, v7  }
0x106: {  	v7 =	vshll.u32 v26, $0x10;
	[tilespmem:v5+s31+$0x0] =	vst.idx.add.f32.msk $0xffff, v6  }
0x107: {  	v6 =	vmul.f32 v7, v34;
	[tilespmem:v1+s30+$0x0] =	vst.idx.add.f32.msk $0xffff, v10  }
0x108: {  	v7 =	vand.u32 $0xFFFF0000, v26;
	v10 =	vld.idx.msk [tilespmem:v12+s23+$0x0], $0xffff  }
0x109: {  	v7 =	vmul.f32 v7, v34;
	[tilespmem:v2+s30+$0x0] =	vst.idx.add.f32.msk $0xffff, v6  }
0x10a: {  	v55 =	vand.u32 $0xFFFF0000, v23;
	v6 =	vld.idx.msk [tilespmem:v17+s23+$0x0], $0xffff  }
0x10b: {  	v16 =	vmul.f32 v55, v31;
	[tilespmem:v2+s31+$0x0] =	vst.idx.add.f32.msk $0xffff, v7  }
0x10c: {  	v7 =	vld.idx.msk [tilespmem:v8+s23+$0x0], $0xffff  }
0x10d: {  	[tilespmem:v1+s31+$0x0] =	vst.idx.add.f32.msk $0xffff, v16  }
0x10e: {  	v8 =	vld.idx.msk [tilespmem:v11+s23+$0x0], $0xffff  }
0x10f: {  	v11 =	vld.idx.msk [tilespmem:v13+s23+$0x0], $0xffff;
	v56 =	vshll.u32 v6, $0x10  }
0x110: {  	v57 =	vld.idx.msk [tilespmem:v15+s23+$0x0], $0xffff;
	v6 =	vand.u32 $0xFFFF0000, v6;
	v12 =	vmul.f32 v56, v49  }
0x111: {  	v58 =	vld.idx.msk [tilespmem:v19+s23+$0x0], $0xffff;
	v59 =	vshll.u32 v7, $0x10;
	v6 =	vmul.f32 v6, v49  }
0x112: {  	v7 =	vand.u32 $0xFFFF0000, v7;
	v60 =	vmul.f32 v59, v50;
	[tilespmem:v9+s0+$0x0] =	vst.idx.add.f32.msk $0xffff, v12  }
0x113: {  	v61 =	vshll.u32 v8, $0x10;
	[tilespmem:v9+s1+$0x0] =	vst.idx.add.f32.msk $0xffff, v6;
	v6 =	vmul.f32 v7, v50  }
0x114: {  	v7 =	vand.u32 $0xFFFF0000, v8;
	[tilespmem:v33+s0+$0x0] =	vst.idx.add.f32.msk $0xffff, v60;
	v8 =	vmul.f32 v61, v27  }
0x115: {  	v9 =	vshll.u32 v10, $0x10;
	[tilespmem:v33+s1+$0x0] =	vst.idx.add.f32.msk $0xffff, v6;
	v6 =	vmul.f32 v7, v27  }
0x116: {  	v7 =	vand.u32 $0xFFFF0000, v10;
	[tilespmem:v3+s0+$0x0] =	vst.idx.add.f32.msk $0xffff, v8;
	v8 =	vmul.f32 v9, v28  }
0x117: {  	v9 =	vshll.u32 v11, $0x10;
	v7 =	vmul.f32 v7, v28;
	[tilespmem:v3+s1+$0x0] =	vst.idx.add.f32.msk $0xffff, v6  }
0x118: {  	v62 =	vshll.u32 v58, $0x10;
	v3 =	vand.u32 $0xFFFF0000, v11;
	v11 =	vmul.f32 v9, v30;
	[tilespmem:v4+s0+$0x0] =	vst.idx.add.f32.msk $0xffff, v8  }
0x119: {  	v6 =	vshll.u32 v57, $0x10;
	v8 =	vand.u32 $0xFFFF0000, v57;
	v63 =	vmul.f32 v3, v30;
	[tilespmem:v4+s1+$0x0] =	vst.idx.add.f32.msk $0xffff, v7  }
0x11a: {  	v3 =	vand.u32 $0xFFFF0000, v58;
	v10 =	vmul.f32 v6, v31;
	v9 =	vmul.f32 v8, v31;
	[tilespmem:v5+s0+$0x0] =	vst.idx.add.f32.msk $0xffff, v11  }
0x11b: {  	s12 =	simm.s32 $0x0;
	s13 =	simm.s32 $0x106C0;
	v4 =	vmul.f32 v62, v34;
	v3 =	vmul.f32 v3, v34;
	[tilespmem:v5+s1+$0x0] =	vst.idx.add.f32.msk $0xffff, v63  }
.LBB2_7:
0x11c: {  	v13 =	vld [tilespmem:s13+$0x30]  }
0x11d: {  	v5 =	vld [tilespmem:s13+$0xFFFFFFD0]  }
0x11e: {  	s12 =	sadd.s32 $0x8, s12;
	v6 =	vld [tilespmem:s13+$0xFFFFFFE0]  }
0x11f: {  	p0 =	slt.u32 s12, $0xC0;
	v14 =	vld [tilespmem:s13+$0xFFFFFFF0]  }
0x120: {  	v15 =	vld [tilespmem:s13+$0x0]  }
0x121: {  	v16 =	vld [tilespmem:s13+$0x10];
	v17 =	vshrl.u32 v13, $0xE  }
0x122: {  	v11 =	vshrl.u32 v5, $0xE;
	v8 =	vand.u32 $0x3FFF, v5;
	v18 =	vld [tilespmem:s13+$0x20]  }
0x123: {  	v19 =	vld [tilespmem:s13+$0xFFFFFFC0];
	v12 =	vshrl.u32 v6, $0xE;
	v7 =	vand.u32 $0x3FFF, v6  }
0x124: {  	v20 =	vshrl.u32 v14, $0xE;
	v6 =	vand.u32 $0x3FFF, v14;
	[tilespmem:v1+s0+$0x0] =	vst.idx.add.f32.msk $0xffff, v10  }
0x125: {  	v14 =	vshrl.u32 v15, $0xE;
	v5 =	vand.u32 $0x3FFF, v15;
	[tilespmem:v1+s1+$0x0] =	vst.idx.add.f32.msk $0xffff, v9  }
0x126: {  	v15 =	vshrl.u32 v16, $0xE;
	v1 =	vand.u32 $0x3FFF, v16;
	v16 =	vld.idx.msk [tilespmem:v17+s3+$0x0], $0xffff  }
0x127: {  	s11 =	sadd.s32 $0x80, s11;
	v21 =	vld.idx.msk [tilespmem:v11+s3+$0x0], $0xffff;
	v22 =	vshrl.u32 v18, $0xE;
	v10 =	vand.u32 $0x3FFF, v18  }
0x128: {  	v18 =	vshrl.u32 v19, $0xE;
	v9 =	vand.u32 $0x3FFF, v19;
	v19 =	vld [tilespmem:s11+$0x30]  }
0x129: {  	v23 =	vld.idx.msk [tilespmem:v12+s3+$0x0], $0xffff  }
0x12a: {  	v13 =	vand.u32 $0x3FFF, v13;
	v24 =	vld.idx.msk [tilespmem:v20+s3+$0x0], $0xffff  }
0x12b: {  	v25 =	vld.idx.msk [tilespmem:v14+s3+$0x0], $0xffff  }
0x12c: {  	v27 =	vshll.u32 v16, $0x10;
	v26 =	vld.idx.msk [tilespmem:v15+s3+$0x0], $0xffff  }
0x12d: {  	v16 =	vand.u32 $0xFFFF0000, v16;
	v29 =	vshll.u32 v21, $0x10;
	v28 =	vld.idx.msk [tilespmem:v18+s3+$0x0], $0xffff;
	v27 =	vmul.f32 v27, v19  }
0x12e: {  	v21 =	vand.u32 $0xFFFF0000, v21;
	v16 =	vmul.f32 v16, v19;
	v30 =	vld.idx.msk [tilespmem:v22+s3+$0x0], $0xffff  }
0x12f: {  	v31 =	vshll.u32 v23, $0x10;
	v23 =	vand.u32 $0xFFFF0000, v23;
	[tilespmem:v13+s30+$0x0] =	vst.idx.add.f32.msk $0xffff, v27  }
0x130: {  	v27 =	vshll.u32 v24, $0x10;
	v24 =	vand.u32 $0xFFFF0000, v24;
	[tilespmem:v13+s31+$0x0] =	vst.idx.add.f32.msk $0xffff, v16  }
0x131: {  	v16 =	vshll.u32 v25, $0x10;
	v25 =	vand.u32 $0xFFFF0000, v25;
	v17 =	vld.idx.msk [tilespmem:v17+s23+$0x0], $0xffff  }
0x132: {  	v33 =	vshll.u32 v26, $0x10;
	v26 =	vand.u32 $0xFFFF0000, v26;
	v32 =	vld [tilespmem:s11+$0xFFFFFFC0]  }
0x133: {  	v34 =	vshll.u32 v28, $0x10;
	v28 =	vand.u32 $0xFFFF0000, v28;
	v35 =	vld [tilespmem:s11+$0xFFFFFFD0]  }
0x134: {  	v37 =	vshll.u32 v30, $0x10;
	v30 =	vand.u32 $0xFFFF0000, v30;
	v36 =	vld [tilespmem:s11+$0xFFFFFFE0]  }
0x135: {  	v38 =	vld [tilespmem:s11+$0xFFFFFFF0]  }
0x136: {  	v39 =	vld [tilespmem:s11+$0x0]  }
0x137: {  	v41 =	vshll.u32 v17, $0x10;
	v34 =	vmul.f32 v34, v32;
	v28 =	vmul.f32 v28, v32;
	v40 =	vld [tilespmem:s11+$0x10]  }
0x138: {  	v17 =	vand.u32 $0xFFFF0000, v17;
	v41 =	vmul.f32 v41, v19;
	v29 =	vmul.f32 v29, v35;
	v42 =	vld [tilespmem:s11+$0x20]  }
0x139: {  	v17 =	vmul.f32 v17, v19;
	v21 =	vmul.f32 v21, v35;
	[tilespmem:v9+s30+$0x0] =	vst.idx.add.f32.msk $0xffff, v34  }
0x13a: {  	v19 =	vmul.f32 v31, v36;
	v23 =	vmul.f32 v23, v36;
	[tilespmem:v13+s0+$0x0] =	vst.idx.add.f32.msk $0xffff, v41  }
0x13b: {  	v27 =	vmul.f32 v27, v38;
	v24 =	vmul.f32 v24, v38;
	[tilespmem:v13+s1+$0x0] =	vst.idx.add.f32.msk $0xffff, v17  }
0x13c: {  	v13 =	vmul.f32 v16, v39;
	v16 =	vmul.f32 v25, v39;
	[tilespmem:v9+s31+$0x0] =	vst.idx.add.f32.msk $0xffff, v28  }
0x13d: {  	v17 =	vmul.f32 v33, v40;
	v25 =	vmul.f32 v26, v40;
	[tilespmem:v8+s30+$0x0] =	vst.idx.add.f32.msk $0xffff, v29  }
0x13e: {  	v26 =	vmul.f32 v30, v42;
	[tilespmem:v8+s31+$0x0] =	vst.idx.add.f32.msk $0xffff, v21;
	v21 =	vmul.f32 v37, v42  }
0x13f: {  	[tilespmem:v7+s30+$0x0] =	vst.idx.add.f32.msk $0xffff, v19  }
0x140: {  	[tilespmem:v7+s31+$0x0] =	vst.idx.add.f32.msk $0xffff, v23  }
0x141: {  	[tilespmem:v6+s30+$0x0] =	vst.idx.add.f32.msk $0xffff, v27  }
0x142: {  	[tilespmem:v6+s31+$0x0] =	vst.idx.add.f32.msk $0xffff, v24  }
0x143: {  	[tilespmem:v5+s30+$0x0] =	vst.idx.add.f32.msk $0xffff, v13  }
0x144: {  	[tilespmem:v5+s31+$0x0] =	vst.idx.add.f32.msk $0xffff, v16  }
0x145: {  	[tilespmem:v1+s30+$0x0] =	vst.idx.add.f32.msk $0xffff, v17  }
0x146: {  	[tilespmem:v1+s31+$0x0] =	vst.idx.add.f32.msk $0xffff, v25  }
0x147: {  	[tilespmem:v10+s30+$0x0] =	vst.idx.add.f32.msk $0xffff, v21  }
0x148: {  	[tilespmem:v10+s31+$0x0] =	vst.idx.add.f32.msk $0xffff, v26  }
0x149: {  	v13 =	vld.idx.msk [tilespmem:v18+s23+$0x0], $0xffff  }
0x14a: {  	v11 =	vld.idx.msk [tilespmem:v11+s23+$0x0], $0xffff  }
0x14b: {  	v12 =	vld.idx.msk [tilespmem:v12+s23+$0x0], $0xffff  }
0x14c: {  	v16 =	vld.idx.msk [tilespmem:v20+s23+$0x0], $0xffff  }
0x14d: {  	v14 =	vld.idx.msk [tilespmem:v14+s23+$0x0], $0xffff  }
0x14e: {  	v15 =	vld.idx.msk [tilespmem:v15+s23+$0x0], $0xffff  }
0x14f: {  	v17 =	vshll.u32 v13, $0x10;
	v13 =	vand.u32 $0xFFFF0000, v13;
	v18 =	vld.idx.msk [tilespmem:v22+s23+$0x0], $0xffff  }
0x150: {  	v17 =	vmul.f32 v17, v32;
	v19 =	vshll.u32 v11, $0x10;
	v11 =	vand.u32 $0xFFFF0000, v11;
	[tilespmem:v2+s0+$0x0] =	vst.idx.add.f32.msk $0xffff, v4  }
0x151: {  	v4 =	vmul.f32 v13, v32;
	v13 =	vshll.u32 v12, $0x10;
	v12 =	vand.u32 $0xFFFF0000, v12;
	[tilespmem:v2+s1+$0x0] =	vst.idx.add.f32.msk $0xffff, v3;
	v2 =	vmovc v10  }
0x152: {  	v3 =	vmul.f32 v19, v35;
	v10 =	vshll.u32 v16, $0x10;
	v16 =	vand.u32 $0xFFFF0000, v16;
	[tilespmem:v9+s0+$0x0] =	vst.idx.add.f32.msk $0xffff, v17  }
0x153: {  	[tilespmem:v9+s1+$0x0] =	vst.idx.add.f32.msk $0xffff, v4;
	v4 =	vmul.f32 v11, v35;
	v9 =	vshll.u32 v14, $0x10;
	v11 =	vand.u32 $0xFFFF0000, v14  }
0x154: {  	v14 =	vand.u32 $0xFFFF0000, v15;
	[tilespmem:v8+s0+$0x0] =	vst.idx.add.f32.msk $0xffff, v3;
	v3 =	vmul.f32 v13, v36;
	v13 =	vshll.u32 v15, $0x10  }
0x155: {  	[tilespmem:v8+s1+$0x0] =	vst.idx.add.f32.msk $0xffff, v4;
	v4 =	vmul.f32 v12, v36;
	v8 =	vshll.u32 v18, $0x10;
	v12 =	vand.u32 $0xFFFF0000, v18  }
0x156: {  	v15 =	vmul.f32 v16, v38;
	[tilespmem:v7+s0+$0x0] =	vst.idx.add.f32.msk $0xffff, v3;
	v3 =	vmul.f32 v10, v38  }
.Ltmp2:
0x157: {  	v11 =	vmul.f32 v11, v39;
	[tilespmem:v7+s1+$0x0] =	vst.idx.add.f32.msk $0xffff, v4;
	v7 =	vmul.f32 v9, v39;
	(pc) =	sbr.rel @p0 .LBB2_7-.Ltmp2, $4  }
0x158: {  	v10 =	vmul.f32 v13, v40;
	v9 =	vmul.f32 v14, v40;
	[tilespmem:v6+s0+$0x0] =	vst.idx.add.f32.msk $0xffff, v3  }
0x159: {  	v4 =	vmul.f32 v8, v42;
	v3 =	vmul.f32 v12, v42;
	[tilespmem:v6+s1+$0x0] =	vst.idx.add.f32.msk $0xffff, v15  }
0x15a: {  	[tilespmem:v5+s0+$0x0] =	vst.idx.add.f32.msk $0xffff, v7  }
0x15b: {  	s13 =	sadd.s32 $0x80, s13;
	[tilespmem:v5+s1+$0x0] =	vst.idx.add.f32.msk $0xffff, v11  }
0x15c: {  	s10 =	sadd.s32 $0x3, s10  }
0x15d: {  	s11 =	smulhi.u32 $0x51EB851F, s10;
	_ =	sdelay $0x1  }
0x15e: {  	s11 =	sshrl.u32 s11, $0x5  }
0x15f: {  	s11 =	smul.u32 $0x64, s11;
	_ =	sdelay $0x1  }
0x160: {  	[tilespmem:v1+s0+$0x0] =	vst.idx.add.f32.msk $0xffff, v10;
	s9 =	sadd.s32 $0x1, s9;
	s10 =	ssub.s32 s10, s11  }
0x161: {  	[tilespmem:v2+s0+$0x0] =	vst.idx.add.f32.msk $0xffff, v4;
	p0 =	sne.s32 s9, $0x32;
	s10 =	smul.u32 $0x190, s10  }
.Ltmp3:
0x162: {  	[tilespmem:v1+s1+$0x0] =	vst.idx.add.f32.msk $0xffff, v9;
	(pc) =	sbr.rel @p0 .LBB2_4-.Ltmp3, $4  }
0x163: {  	[tilespmem:v2+s1+$0x0] =	vst.idx.add.f32.msk $0xffff, v3;
	s15 =	sadd.s32 s4, s10  }
0x164: {  	[tilespmem:s26], [sflag:$0x2] =	stream.linear.gather [hbm4b:s15+s3], $0xC80, $0x38;
	[tilespmem:$0x11F00] =	vst v63  }
0x165: {  	s10 =	sadd.s32 s2, s10  }
0x166: {  	[tilespmem:s28], [sflag:$0x2] =	stream.linear.gather [hbm4b:s10+s3], $0xC80, $0x38;
	[tilespmem:$0x11F00] =	vst v63  }
0x167: {  	_ =	swait.ge [sflag:s29], $0xC80  }
0x168: {  	[sflag:s29] =	ssyncset.done $0x0  }
0x169: {  	[sflag:s29] =	ssyncadd.s32 $0xFFFFF380  }
0x16a: {  	_ =	swait.ge [sflag:s29], $0xC80  }
0x16b: {  	[sflag:s29] =	ssyncset.done $0x0  }
0x16c: {  	[sflag:s29] =	ssyncadd.s32 $0xFFFFF380  }
0x16d: {  	_ =	swait.ge [sflag:s5], $0xC80  }
0x16e: {  	[sflag:s5] =	ssyncset.done $0x0  }
0x16f: {  	[sflag:s5] =	ssyncadd.s32 $0xFFFFF380  }
0x170: {  	_ =	swait.ge [sflag:s5], $0xC80  }
0x171: {  	[sflag:s5] =	ssyncset.done $0x0  }
0x172: {  	s9 =	rddreg [dreg:$0x5];
	[sflag:s5] =	ssyncadd.s32 $0xFFFFF380  }
0x173: {  	[hbm4b:s9+s20] =	stream.strided.scatter [tilespmem:s30], [sflag:$0x3], $0x2780, s21, s20, $0x38;
	[tilespmem:$0x11F00] =	vst v63  }
0x174: {  	_ =	swait.ge [sflag:s22], $0x2780  }
0x175: {  	[sflag:s22] =	ssyncset.done $0x0  }
0x176: {  	s11 =	rddreg [dreg:$0x6];
	[sflag:s22] =	ssyncadd.s32 $0xFFFFD880  }
0x177: {  	[hbm4b:s11+s20] =	stream.strided.scatter [tilespmem:s31], [sflag:$0x3], $0x2780, s21, s20, $0x38;
	[tilespmem:$0x11F00] =	vst v63  }
0x178: {  	_ =	swait.ge [sflag:s22], $0x2780  }
0x179: {  	[sflag:s22] =	ssyncset.done $0x0  }
0x17a: {  	s12 =	rddreg [dreg:$0x7];
	[sflag:s22] =	ssyncadd.s32 $0xFFFFD880  }
0x17b: {  	[hbm4b:s12+s20] =	stream.strided.scatter [tilespmem:s0], [sflag:$0x3], $0x2780, s21, s20, $0x38;
	[tilespmem:$0x11F00] =	vst v63  }
0x17c: {  	_ =	swait.ge [sflag:s22], $0x2780  }
0x17d: {  	[sflag:s22] =	ssyncset.done $0x0  }
0x17e: {  	s13 =	rddreg [dreg:$0x8];
	[sflag:s22] =	ssyncadd.s32 $0xFFFFD880  }
0x17f: {  	[hbm4b:s13+s20] =	stream.strided.scatter [tilespmem:s1], [sflag:$0x3], $0x2780, s21, s20, $0x38;
	[tilespmem:$0x11F00] =	vst v63  }
0x180: {  	_ =	swait.ge [sflag:s22], $0x2780  }
0x181: {  	[sflag:s22] =	ssyncset.done $0x0  }
0x182: {  	s14 =	rddreg [dreg:$0x9];
	[sflag:s22] =	ssyncadd.s32 $0xFFFFD880  }
0x183: {  	[tilespmem:s3], [sflag:$0x3] =	stream.strided.gather [hbm4b:s14+s20], $0x2780, s21, s20, $0x38;
	[tilespmem:$0x11F00] =	vst v63  }
0x184: {  	_ =	swait.ge [sflag:s22], $0x2780  }
0x185: {  	[sflag:s22] =	ssyncset.done $0x0  }
0x186: {  	s15 =	rddreg [dreg:$0xa];
	[sflag:s22] =	ssyncadd.s32 $0xFFFFD880  }
0x187: {  	[tilespmem:s23], [sflag:$0x3] =	stream.strided.gather [hbm4b:s15+s20], $0x2780, s21, s20, $0x38;
	[tilespmem:$0x11F00] =	vst v63  }
0x188: {  	_ =	swait.ge [sflag:s22], $0x2780  }
0x189: {  	[sflag:s22] =	ssyncset.done $0x0  }
0x18a: {  	s9 =	simm.s32 $0x4F20;
	[sflag:s22] =	ssyncadd.s32 $0xFFFFD880  }
0x18b: {  	[tilespmem:s9+$0x10] =	vst v0  }
0x18c: {  	[tilespmem:s9+$0xFFFFFFF0] =	vst v0  }
0x18d: {  	[tilespmem:s9+$0x0] =	vst v0  }
0x18e: {  	[tilespmem:s9+$0xFFFFFFE0] =	vst v0  }
0x18f: {  	s10 =	simm.s32 $0x76A0;
	[tilespmem:s9+$0x20] =	vst v0  }
0x190: {  	[tilespmem:s10+$0xFFFFFFE0] =	vst v0  }
0x191: {  	[tilespmem:s10+$0x20] =	vst v0  }
0x192: {  	[tilespmem:s10+$0x0] =	vst v0  }
0x193: {  	[tilespmem:s10+$0xFFFFFFF0] =	vst v0  }
0x194: {  	s11 =	simm.s32 $0x9E20;
	[tilespmem:s10+$0x10] =	vst v0  }
0x195: {  	[tilespmem:s11+$0xFFFFFFE0] =	vst v0  }
0x196: {  	[tilespmem:s11+$0x20] =	vst v0  }
0x197: {  	[tilespmem:s11+$0x0] =	vst v0  }
0x198: {  	s12 =	simm.s32 $0xC5A0;
	[tilespmem:s11+$0x10] =	vst v0  }
0x199: {  	[tilespmem:s12+$0xFFFFFFE0] =	vst v0  }
0x19a: {  	[tilespmem:s12+$0x20] =	vst v0  }
0x19b: {  	s13 =	simm.s32 $0x0;
	s14 =	simm.s32 $0x9E70;
	s15 =	simm.s32 $0xC5F0;
	[tilespmem:s12+$0x0] =	vst v0  }
.LBB2_10:
0x19c: {  	s13 =	sadd.s32 $0x5, s13;
	[tilespmem:s12+$0x10] =	vst v0;
	s9 =	sadd.s32 $0x50, s9;
	s10 =	sadd.s32 $0x50, s10  }
0x19d: {  	p0 =	slt.u32 s13, $0x26C;
	[tilespmem:s11+$0xFFFFFFF0] =	vst v0;
	s11 =	smov.u32 s14  }
0x19e: {  	[tilespmem:s12+$0xFFFFFFF0] =	vst v0;
	s12 =	smov.u32 s15  }
0x19f: {  	[tilespmem:s9+$0x10] =	vst v0  }
0x1a0: {  	[tilespmem:s9+$0xFFFFFFF0] =	vst v0  }
0x1a1: {  	[tilespmem:s9+$0x0] =	vst v0  }
0x1a2: {  	[tilespmem:s9+$0xFFFFFFE0] =	vst v0  }
0x1a3: {  	[tilespmem:s10+$0xFFFFFFE0] =	vst v0  }
0x1a4: {  	[tilespmem:s14+$0xFFFFFFE0] =	vst v0  }
0x1a5: {  	[tilespmem:s15+$0xFFFFFFE0] =	vst v0  }
0x1a6: {  	[tilespmem:s9+$0x20] =	vst v0  }
0x1a7: {  	[tilespmem:s10+$0x20] =	vst v0  }
0x1a8: {  	[tilespmem:s14+$0x20] =	vst v0  }
0x1a9: {  	[tilespmem:s15+$0x20] =	vst v0  }
0x1aa: {  	[tilespmem:s10+$0x0] =	vst v0  }
.Ltmp4:
0x1ab: {  	[tilespmem:s14+$0x0] =	vst v0;
	(pc) =	sbr.rel @p0 .LBB2_10-.Ltmp4, $4  }
0x1ac: {  	[tilespmem:s10+$0xFFFFFFF0] =	vst v0  }
0x1ad: {  	[tilespmem:s15+$0x0] =	vst v0  }
0x1ae: {  	[tilespmem:s10+$0x10] =	vst v0  }
0x1af: {  	s14 =	sadd.s32 $0x50, s14;
	s15 =	sadd.s32 $0x50, s15;
	[tilespmem:s11+$0x10] =	vst v0  }
0x1b0: {  	[tilespmem:s12+$0x10] =	vst v0  }
0x1b1: {  	[tilespmem:s11+$0xFFFFFFF0] =	vst v0  }
0x1b2: {  	s9 =	simm.s32 $0x0;
	[tilespmem:s12+$0xFFFFFFF0] =	vst v0  }
0x1b3: {  	[tilespmem:s24], [sflag:$0x1] =	stream.linear.gather [hbm4b:s4+s9], $0xC80, $0x38;
	[tilespmem:$0x11F00] =	vst v63  }
0x1b4: {  	_ = 	snop  }
0x1b5: {  	[tilespmem:s25], [sflag:$0x1] =	stream.linear.gather [hbm4b:s2+s9], $0xC80, $0x38;
	[tilespmem:$0x11F00] =	vst v63  }
0x1b6: {  	_ = 	snop  }
0x1b7: {  	[tilespmem:s26], [sflag:$0x2] =	stream.linear.gather [hbm4b:s7+s9], $0xC80, $0x38;
	[tilespmem:$0x11F00] =	vst v63  }
0x1b8: {  	_ = 	snop  }
0x1b9: {  	[tilespmem:s28], [sflag:$0x2] =	stream.linear.gather [hbm4b:s8+s9], $0xC80, $0x38;
	[tilespmem:$0x11F00] =	vst v63  }
.LBB2_12:
0x1ba: {  	_ =	swait.ge [sflag:s29], $0xC80  }
0x1bb: {  	[sflag:s29] =	ssyncset.done $0x0  }
0x1bc: {  	[sflag:s29] =	ssyncadd.s32 $0xFFFFF380  }
0x1bd: {  	_ =	swait.ge [sflag:s29], $0xC80  }
0x1be: {  	[sflag:s29] =	ssyncset.done $0x0  }
0x1bf: {  	s10 =	simm.s32 $0xED40;
	[sflag:s29] =	ssyncadd.s32 $0xFFFFF380  }
0x1c0: {  	v1 =	vld [tilespmem:s10+$0x30]  }
0x1c1: {  	v2 =	vld [tilespmem:s10+$0xFFFFFFD0]  }
0x1c2: {  	v3 =	vld [tilespmem:s10+$0xFFFFFFE0]  }
0x1c3: {  	v4 =	vld [tilespmem:s10+$0xFFFFFFF0]  }
0x1c4: {  	v5 =	vld [tilespmem:s10+$0x0]  }
0x1c5: {  	v7 =	vld [tilespmem:s10+$0x10]  }
0x1c6: {  	v9 =	vld [tilespmem:s10+$0xFFFFFFC0]  }
0x1c7: {  	v10 =	vld [tilespmem:s10+$0x20];
	s10 =	simm.s32 $0xF9C0;
	v6 =	vshrl.u32 v1, $0xE  }
0x1c8: {  	v18 =	vld [tilespmem:s10+$0x30]  }
0x1c9: {  	v49 =	vld [tilespmem:s10+$0xFFFFFFC0]  }
0x1ca: {  	v50 =	vld [tilespmem:s10+$0xFFFFFFD0]  }
0x1cb: {  	v27 =	vld [tilespmem:s10+$0xFFFFFFE0]  }
0x1cc: {  	v8 =	vshrl.u32 v2, $0xE;
	v14 =	vld.idx.msk [tilespmem:v6+s3+$0x0], $0xffff  }
0x1cd: {  	v28 =	vld [tilespmem:s10+$0xFFFFFFF0];
	v11 =	vshrl.u32 v3, $0xE  }
0x1ce: {  	v30 =	vld [tilespmem:s10+$0x0];
	v17 =	vshrl.u32 v9, $0xE  }
0x1cf: {  	v31 =	vld [tilespmem:s10+$0x10];
	v1 =	vand.u32 $0x3FFF, v1  }
0x1d0: {  	v34 =	vld [tilespmem:s10+$0x20]  }
0x1d1: {  	v16 =	vld.idx.msk [tilespmem:v8+s3+$0x0], $0xffff;
	v24 =	vshll.u32 v14, $0x10  }
0x1d2: {  	v12 =	vshrl.u32 v4, $0xE;
	v20 =	vld.idx.msk [tilespmem:v11+s3+$0x0], $0xffff;
	v14 =	vand.u32 $0xFFFF0000, v14;
	v24 =	vmul.f32 v24, v18  }
0x1d3: {  	v13 =	vshrl.u32 v5, $0xE;
	v25 =	vld.idx.msk [tilespmem:v17+s3+$0x0], $0xffff;
	v14 =	vmul.f32 v14, v18  }
0x1d4: {  	v15 =	vshrl.u32 v7, $0xE;
	[tilespmem:v1+s30+$0x0] =	vst.idx.add.f32.msk $0xffff, v24  }
0x1d5: {  	v19 =	vshrl.u32 v10, $0xE;
	[tilespmem:v1+s31+$0x0] =	vst.idx.add.f32.msk $0xffff, v14  }
0x1d6: {  	v9 =	vand.u32 $0x3FFF, v9;
	v6 =	vld.idx.msk [tilespmem:v6+s23+$0x0], $0xffff  }
0x1d7: {  	v33 =	vand.u32 $0x3FFF, v2;
	v21 =	vld.idx.msk [tilespmem:v12+s3+$0x0], $0xffff  }
0x1d8: {  	v22 =	vld.idx.msk [tilespmem:v13+s3+$0x0], $0xffff;
	v29 =	vshll.u32 v25, $0x10  }
0x1d9: {  	v23 =	vld.idx.msk [tilespmem:v15+s3+$0x0], $0xffff;
	v51 =	vshll.u32 v16, $0x10;
	v29 =	vmul.f32 v29, v49  }
0x1da: {  	v26 =	vld.idx.msk [tilespmem:v19+s3+$0x0], $0xffff;
	v25 =	vand.u32 $0xFFFF0000, v25;
	v52 =	vmul.f32 v51, v50  }
0x1db: {  	v4 =	vand.u32 $0x3FFF, v4;
	v25 =	vmul.f32 v25, v49;
	[tilespmem:v9+s30+$0x0] =	vst.idx.add.f32.msk $0xffff, v29;
	v32 =	vshll.u32 v6, $0x10  }
0x1dc: {  	[tilespmem:v33+s30+$0x0] =	vst.idx.add.f32.msk $0xffff, v52;
	v2 =	vand.u32 $0xFFFF0000, v6;
	v6 =	vmul.f32 v32, v18  }
0x1dd: {  	v3 =	vand.u32 $0x3FFF, v3;
	v53 =	vshll.u32 v21, $0x10;
	[tilespmem:v9+s31+$0x0] =	vst.idx.add.f32.msk $0xffff, v25;
	v2 =	vmul.f32 v2, v18  }
0x1de: {  	[tilespmem:v1+s0+$0x0] =	vst.idx.add.f32.msk $0xffff, v6;
	v6 =	vand.u32 $0xFFFF0000, v16;
	v16 =	vmul.f32 v53, v28  }
0x1df: {  	[tilespmem:v1+s1+$0x0] =	vst.idx.add.f32.msk $0xffff, v2;
	v1 =	vshll.u32 v20, $0x10;
	v2 =	vmul.f32 v6, v50  }
0x1e0: {  	v5 =	vand.u32 $0x3FFF, v5;
	v6 =	vand.u32 $0xFFFF0000, v20;
	v1 =	vmul.f32 v1, v27;
	[tilespmem:v4+s30+$0x0] =	vst.idx.add.f32.msk $0xffff, v16  }
0x1e1: {  	v6 =	vmul.f32 v6, v27;
	[tilespmem:v33+s31+$0x0] =	vst.idx.add.f32.msk $0xffff, v2;
	v2 =	vand.u32 $0xFFFF0000, v21  }
0x1e2: {  	[tilespmem:v3+s30+$0x0] =	vst.idx.add.f32.msk $0xffff, v1;
	v1 =	vand.u32 $0x3FFF, v7;
	v7 =	vshll.u32 v22, $0x10;
	v54 =	vmul.f32 v2, v28  }
0x1e3: {  	[tilespmem:v3+s31+$0x0] =	vst.idx.add.f32.msk $0xffff, v6;
	v6 =	vand.u32 $0xFFFF0000, v22;
	v7 =	vmul.f32 v7, v30  }
0x1e4: {  	v2 =	vand.u32 $0x3FFF, v10;
	v10 =	vshll.u32 v23, $0x10;
	v6 =	vmul.f32 v6, v30;
	[tilespmem:v4+s31+$0x0] =	vst.idx.add.f32.msk $0xffff, v54  }
0x1e5: {  	v10 =	vmul.f32 v10, v31;
	[tilespmem:v5+s30+$0x0] =	vst.idx.add.f32.msk $0xffff, v7  }
0x1e6: {  	v7 =	vshll.u32 v26, $0x10;
	[tilespmem:v5+s31+$0x0] =	vst.idx.add.f32.msk $0xffff, v6  }
0x1e7: {  	v6 =	vmul.f32 v7, v34;
	[tilespmem:v1+s30+$0x0] =	vst.idx.add.f32.msk $0xffff, v10  }
0x1e8: {  	v7 =	vand.u32 $0xFFFF0000, v26;
	v10 =	vld.idx.msk [tilespmem:v12+s23+$0x0], $0xffff  }
0x1e9: {  	v7 =	vmul.f32 v7, v34;
	[tilespmem:v2+s30+$0x0] =	vst.idx.add.f32.msk $0xffff, v6  }
0x1ea: {  	v55 =	vand.u32 $0xFFFF0000, v23;
	v6 =	vld.idx.msk [tilespmem:v17+s23+$0x0], $0xffff  }
0x1eb: {  	v16 =	vmul.f32 v55, v31;
	[tilespmem:v2+s31+$0x0] =	vst.idx.add.f32.msk $0xffff, v7  }
0x1ec: {  	v7 =	vld.idx.msk [tilespmem:v8+s23+$0x0], $0xffff  }
0x1ed: {  	[tilespmem:v1+s31+$0x0] =	vst.idx.add.f32.msk $0xffff, v16  }
0x1ee: {  	v8 =	vld.idx.msk [tilespmem:v11+s23+$0x0], $0xffff  }
0x1ef: {  	v11 =	vld.idx.msk [tilespmem:v13+s23+$0x0], $0xffff;
	v56 =	vshll.u32 v6, $0x10  }
0x1f0: {  	v57 =	vld.idx.msk [tilespmem:v15+s23+$0x0], $0xffff;
	v6 =	vand.u32 $0xFFFF0000, v6;
	v12 =	vmul.f32 v56, v49  }
0x1f1: {  	v58 =	vld.idx.msk [tilespmem:v19+s23+$0x0], $0xffff;
	v59 =	vshll.u32 v7, $0x10;
	v6 =	vmul.f32 v6, v49  }
0x1f2: {  	v7 =	vand.u32 $0xFFFF0000, v7;
	v60 =	vmul.f32 v59, v50;
	[tilespmem:v9+s0+$0x0] =	vst.idx.add.f32.msk $0xffff, v12  }
0x1f3: {  	v61 =	vshll.u32 v8, $0x10;
	[tilespmem:v9+s1+$0x0] =	vst.idx.add.f32.msk $0xffff, v6;
	v6 =	vmul.f32 v7, v50  }
0x1f4: {  	v7 =	vand.u32 $0xFFFF0000, v8;
	[tilespmem:v33+s0+$0x0] =	vst.idx.add.f32.msk $0xffff, v60;
	v8 =	vmul.f32 v61, v27  }
0x1f5: {  	v9 =	vshll.u32 v10, $0x10;
	[tilespmem:v33+s1+$0x0] =	vst.idx.add.f32.msk $0xffff, v6;
	v6 =	vmul.f32 v7, v27  }
0x1f6: {  	v7 =	vand.u32 $0xFFFF0000, v10;
	[tilespmem:v3+s0+$0x0] =	vst.idx.add.f32.msk $0xffff, v8;
	v8 =	vmul.f32 v9, v28  }
0x1f7: {  	v9 =	vshll.u32 v11, $0x10;
	v7 =	vmul.f32 v7, v28;
	[tilespmem:v3+s1+$0x0] =	vst.idx.add.f32.msk $0xffff, v6  }
0x1f8: {  	v62 =	vshll.u32 v58, $0x10;
	v3 =	vand.u32 $0xFFFF0000, v11;
	v11 =	vmul.f32 v9, v30;
	[tilespmem:v4+s0+$0x0] =	vst.idx.add.f32.msk $0xffff, v8  }
0x1f9: {  	v6 =	vshll.u32 v57, $0x10;
	v8 =	vand.u32 $0xFFFF0000, v57;
	v63 =	vmul.f32 v3, v30;
	[tilespmem:v4+s1+$0x0] =	vst.idx.add.f32.msk $0xffff, v7  }
0x1fa: {  	v3 =	vand.u32 $0xFFFF0000, v58;
	v10 =	vmul.f32 v6, v31;
	v9 =	vmul.f32 v8, v31;
	[tilespmem:v5+s0+$0x0] =	vst.idx.add.f32.msk $0xffff, v11  }
0x1fb: {  	s11 =	simm.s32 $0x0;
	s12 =	simm.s32 $0xEDC0;
	v4 =	vmul.f32 v62, v34;
	v3 =	vmul.f32 v3, v34;
	[tilespmem:v5+s1+$0x0] =	vst.idx.add.f32.msk $0xffff, v63  }
.LBB2_13:
0x1fc: {  	v13 =	vld [tilespmem:s12+$0x30]  }
0x1fd: {  	v5 =	vld [tilespmem:s12+$0xFFFFFFD0]  }
0x1fe: {  	s11 =	sadd.s32 $0x8, s11;
	v6 =	vld [tilespmem:s12+$0xFFFFFFE0]  }
0x1ff: {  	p0 =	slt.u32 s11, $0xC0;
	v14 =	vld [tilespmem:s12+$0xFFFFFFF0]  }
0x200: {  	v15 =	vld [tilespmem:s12+$0x0]  }
0x201: {  	v16 =	vld [tilespmem:s12+$0x10];
	v17 =	vshrl.u32 v13, $0xE  }
0x202: {  	v11 =	vshrl.u32 v5, $0xE;
	v8 =	vand.u32 $0x3FFF, v5;
	v18 =	vld [tilespmem:s12+$0x20]  }
0x203: {  	v19 =	vld [tilespmem:s12+$0xFFFFFFC0];
	v12 =	vshrl.u32 v6, $0xE;
	v7 =	vand.u32 $0x3FFF, v6  }
0x204: {  	v20 =	vshrl.u32 v14, $0xE;
	v6 =	vand.u32 $0x3FFF, v14;
	[tilespmem:v1+s0+$0x0] =	vst.idx.add.f32.msk $0xffff, v10  }
0x205: {  	v14 =	vshrl.u32 v15, $0xE;
	v5 =	vand.u32 $0x3FFF, v15;
	[tilespmem:v1+s1+$0x0] =	vst.idx.add.f32.msk $0xffff, v9  }
0x206: {  	v15 =	vshrl.u32 v16, $0xE;
	v1 =	vand.u32 $0x3FFF, v16;
	v16 =	vld.idx.msk [tilespmem:v17+s3+$0x0], $0xffff  }
0x207: {  	s10 =	sadd.s32 $0x80, s10;
	v21 =	vld.idx.msk [tilespmem:v11+s3+$0x0], $0xffff;
	v22 =	vshrl.u32 v18, $0xE;
	v10 =	vand.u32 $0x3FFF, v18  }
0x208: {  	v18 =	vshrl.u32 v19, $0xE;
	v9 =	vand.u32 $0x3FFF, v19;
	v19 =	vld [tilespmem:s10+$0x30]  }
0x209: {  	v23 =	vld.idx.msk [tilespmem:v12+s3+$0x0], $0xffff  }
0x20a: {  	v13 =	vand.u32 $0x3FFF, v13;
	v24 =	vld.idx.msk [tilespmem:v20+s3+$0x0], $0xffff  }
0x20b: {  	v25 =	vld.idx.msk [tilespmem:v14+s3+$0x0], $0xffff  }
0x20c: {  	v27 =	vshll.u32 v16, $0x10;
	v26 =	vld.idx.msk [tilespmem:v15+s3+$0x0], $0xffff  }
0x20d: {  	v16 =	vand.u32 $0xFFFF0000, v16;
	v29 =	vshll.u32 v21, $0x10;
	v28 =	vld.idx.msk [tilespmem:v18+s3+$0x0], $0xffff;
	v27 =	vmul.f32 v27, v19  }
0x20e: {  	v21 =	vand.u32 $0xFFFF0000, v21;
	v16 =	vmul.f32 v16, v19;
	v30 =	vld.idx.msk [tilespmem:v22+s3+$0x0], $0xffff  }
0x20f: {  	v31 =	vshll.u32 v23, $0x10;
	v23 =	vand.u32 $0xFFFF0000, v23;
	[tilespmem:v13+s30+$0x0] =	vst.idx.add.f32.msk $0xffff, v27  }
0x210: {  	v27 =	vshll.u32 v24, $0x10;
	v24 =	vand.u32 $0xFFFF0000, v24;
	[tilespmem:v13+s31+$0x0] =	vst.idx.add.f32.msk $0xffff, v16  }
0x211: {  	v16 =	vshll.u32 v25, $0x10;
	v25 =	vand.u32 $0xFFFF0000, v25;
	v17 =	vld.idx.msk [tilespmem:v17+s23+$0x0], $0xffff  }
0x212: {  	v33 =	vshll.u32 v26, $0x10;
	v26 =	vand.u32 $0xFFFF0000, v26;
	v32 =	vld [tilespmem:s10+$0xFFFFFFC0]  }
0x213: {  	v34 =	vshll.u32 v28, $0x10;
	v28 =	vand.u32 $0xFFFF0000, v28;
	v35 =	vld [tilespmem:s10+$0xFFFFFFD0]  }
0x214: {  	v37 =	vshll.u32 v30, $0x10;
	v30 =	vand.u32 $0xFFFF0000, v30;
	v36 =	vld [tilespmem:s10+$0xFFFFFFE0]  }
0x215: {  	v38 =	vld [tilespmem:s10+$0xFFFFFFF0]  }
0x216: {  	v39 =	vld [tilespmem:s10+$0x0]  }
0x217: {  	v41 =	vshll.u32 v17, $0x10;
	v34 =	vmul.f32 v34, v32;
	v28 =	vmul.f32 v28, v32;
	v40 =	vld [tilespmem:s10+$0x10]  }
0x218: {  	v17 =	vand.u32 $0xFFFF0000, v17;
	v41 =	vmul.f32 v41, v19;
	v29 =	vmul.f32 v29, v35;
	v42 =	vld [tilespmem:s10+$0x20]  }
0x219: {  	v17 =	vmul.f32 v17, v19;
	v21 =	vmul.f32 v21, v35;
	[tilespmem:v9+s30+$0x0] =	vst.idx.add.f32.msk $0xffff, v34  }
0x21a: {  	v19 =	vmul.f32 v31, v36;
	v23 =	vmul.f32 v23, v36;
	[tilespmem:v13+s0+$0x0] =	vst.idx.add.f32.msk $0xffff, v41  }
0x21b: {  	v27 =	vmul.f32 v27, v38;
	v24 =	vmul.f32 v24, v38;
	[tilespmem:v13+s1+$0x0] =	vst.idx.add.f32.msk $0xffff, v17  }
0x21c: {  	v13 =	vmul.f32 v16, v39;
	v16 =	vmul.f32 v25, v39;
	[tilespmem:v9+s31+$0x0] =	vst.idx.add.f32.msk $0xffff, v28  }
0x21d: {  	v17 =	vmul.f32 v33, v40;
	v25 =	vmul.f32 v26, v40;
	[tilespmem:v8+s30+$0x0] =	vst.idx.add.f32.msk $0xffff, v29  }
0x21e: {  	v26 =	vmul.f32 v30, v42;
	[tilespmem:v8+s31+$0x0] =	vst.idx.add.f32.msk $0xffff, v21;
	v21 =	vmul.f32 v37, v42  }
0x21f: {  	[tilespmem:v7+s30+$0x0] =	vst.idx.add.f32.msk $0xffff, v19  }
0x220: {  	[tilespmem:v7+s31+$0x0] =	vst.idx.add.f32.msk $0xffff, v23  }
0x221: {  	[tilespmem:v6+s30+$0x0] =	vst.idx.add.f32.msk $0xffff, v27  }
0x222: {  	[tilespmem:v6+s31+$0x0] =	vst.idx.add.f32.msk $0xffff, v24  }
0x223: {  	[tilespmem:v5+s30+$0x0] =	vst.idx.add.f32.msk $0xffff, v13  }
0x224: {  	[tilespmem:v5+s31+$0x0] =	vst.idx.add.f32.msk $0xffff, v16  }
0x225: {  	[tilespmem:v1+s30+$0x0] =	vst.idx.add.f32.msk $0xffff, v17  }
0x226: {  	[tilespmem:v1+s31+$0x0] =	vst.idx.add.f32.msk $0xffff, v25  }
0x227: {  	[tilespmem:v10+s30+$0x0] =	vst.idx.add.f32.msk $0xffff, v21  }
0x228: {  	[tilespmem:v10+s31+$0x0] =	vst.idx.add.f32.msk $0xffff, v26  }
0x229: {  	v13 =	vld.idx.msk [tilespmem:v18+s23+$0x0], $0xffff  }
0x22a: {  	v11 =	vld.idx.msk [tilespmem:v11+s23+$0x0], $0xffff  }
0x22b: {  	v12 =	vld.idx.msk [tilespmem:v12+s23+$0x0], $0xffff  }
0x22c: {  	v16 =	vld.idx.msk [tilespmem:v20+s23+$0x0], $0xffff  }
0x22d: {  	v14 =	vld.idx.msk [tilespmem:v14+s23+$0x0], $0xffff  }
0x22e: {  	v15 =	vld.idx.msk [tilespmem:v15+s23+$0x0], $0xffff  }
0x22f: {  	v17 =	vshll.u32 v13, $0x10;
	v13 =	vand.u32 $0xFFFF0000, v13;
	v18 =	vld.idx.msk [tilespmem:v22+s23+$0x0], $0xffff  }
0x230: {  	v17 =	vmul.f32 v17, v32;
	v19 =	vshll.u32 v11, $0x10;
	v11 =	vand.u32 $0xFFFF0000, v11;
	[tilespmem:v2+s0+$0x0] =	vst.idx.add.f32.msk $0xffff, v4  }
0x231: {  	v4 =	vmul.f32 v13, v32;
	v13 =	vshll.u32 v12, $0x10;
	v12 =	vand.u32 $0xFFFF0000, v12;
	[tilespmem:v2+s1+$0x0] =	vst.idx.add.f32.msk $0xffff, v3;
	v2 =	vmovc v10  }
0x232: {  	v3 =	vmul.f32 v19, v35;
	v10 =	vshll.u32 v16, $0x10;
	v16 =	vand.u32 $0xFFFF0000, v16;
	[tilespmem:v9+s0+$0x0] =	vst.idx.add.f32.msk $0xffff, v17  }
0x233: {  	[tilespmem:v9+s1+$0x0] =	vst.idx.add.f32.msk $0xffff, v4;
	v4 =	vmul.f32 v11, v35;
	v9 =	vshll.u32 v14, $0x10;
	v11 =	vand.u32 $0xFFFF0000, v14  }
0x234: {  	v14 =	vand.u32 $0xFFFF0000, v15;
	[tilespmem:v8+s0+$0x0] =	vst.idx.add.f32.msk $0xffff, v3;
	v3 =	vmul.f32 v13, v36;
	v13 =	vshll.u32 v15, $0x10  }
0x235: {  	[tilespmem:v8+s1+$0x0] =	vst.idx.add.f32.msk $0xffff, v4;
	v4 =	vmul.f32 v12, v36;
	v8 =	vshll.u32 v18, $0x10;
	v12 =	vand.u32 $0xFFFF0000, v18  }
0x236: {  	v15 =	vmul.f32 v16, v38;
	[tilespmem:v7+s0+$0x0] =	vst.idx.add.f32.msk $0xffff, v3;
	v3 =	vmul.f32 v10, v38  }
.Ltmp5:
0x237: {  	v11 =	vmul.f32 v11, v39;
	[tilespmem:v7+s1+$0x0] =	vst.idx.add.f32.msk $0xffff, v4;
	v7 =	vmul.f32 v9, v39;
	(pc) =	sbr.rel @p0 .LBB2_13-.Ltmp5, $4  }
0x238: {  	v10 =	vmul.f32 v13, v40;
	v9 =	vmul.f32 v14, v40;
	[tilespmem:v6+s0+$0x0] =	vst.idx.add.f32.msk $0xffff, v3  }
0x239: {  	v4 =	vmul.f32 v8, v42;
	v3 =	vmul.f32 v12, v42;
	[tilespmem:v6+s1+$0x0] =	vst.idx.add.f32.msk $0xffff, v15  }
0x23a: {  	[tilespmem:v5+s0+$0x0] =	vst.idx.add.f32.msk $0xffff, v7  }
0x23b: {  	s12 =	sadd.s32 $0x80, s12;
	[tilespmem:v5+s1+$0x0] =	vst.idx.add.f32.msk $0xffff, v11  }
0x23c: {  	_ =	sdelay $0x1  }
0x23d: {  	s10 =	sshll.u32 s9, $0x1  }
0x23e: {  	s11 =	sadd.s32 $0x2, s10  }
0x23f: {  	[tilespmem:v1+s0+$0x0] =	vst.idx.add.f32.msk $0xffff, v10;
	s12 =	smul.u32 $0x190, s11  }
0x240: {  	[tilespmem:v2+s0+$0x0] =	vst.idx.add.f32.msk $0xffff, v4;
	p0 =	seq.s32 s11, $0x64  }
0x241: {  	[tilespmem:v1+s1+$0x0] =	vst.idx.add.f32.msk $0xffff, v9;
	s12 =	simm.s32 @p0 $0x0  }
0x242: {  	[tilespmem:v2+s1+$0x0] =	vst.idx.add.f32.msk $0xffff, v3;
	s13 =	sadd.s32 s4, s12  }
0x243: {  	[tilespmem:s24], [sflag:$0x1] =	stream.linear.gather [hbm4b:s13+s3], $0xC80, $0x38;
	[tilespmem:$0x11F00] =	vst v63  }
0x244: {  	s14 =	sadd.s32 s2, s12  }
0x245: {  	[tilespmem:s25], [sflag:$0x1] =	stream.linear.gather [hbm4b:s14+s3], $0xC80, $0x38;
	[tilespmem:$0x11F00] =	vst v63  }
0x246: {  	_ =	swait.ge [sflag:s5], $0xC80  }
0x247: {  	[sflag:s5] =	ssyncset.done $0x0  }
0x248: {  	[sflag:s5] =	ssyncadd.s32 $0xFFFFF380  }
0x249: {  	_ =	swait.ge [sflag:s5], $0xC80  }
0x24a: {  	[sflag:s5] =	ssyncset.done $0x0  }
0x24b: {  	s15 =	simm.s32 $0x10640;
	[sflag:s5] =	ssyncadd.s32 $0xFFFFF380  }
0x24c: {  	v1 =	vld [tilespmem:s15+$0x30]  }
0x24d: {  	v2 =	vld [tilespmem:s15+$0xFFFFFFD0]  }
0x24e: {  	v3 =	vld [tilespmem:s15+$0xFFFFFFE0]  }
0x24f: {  	v4 =	vld [tilespmem:s15+$0xFFFFFFF0]  }
0x250: {  	v5 =	vld [tilespmem:s15+$0x0]  }
0x251: {  	v7 =	vld [tilespmem:s15+$0x10]  }
0x252: {  	v9 =	vld [tilespmem:s15+$0xFFFFFFC0]  }
0x253: {  	s11 =	simm.s32 $0x112C0;
	v10 =	vld [tilespmem:s15+$0x20];
	v6 =	vshrl.u32 v1, $0xE  }
0x254: {  	v18 =	vld [tilespmem:s11+$0x30]  }
0x255: {  	v49 =	vld [tilespmem:s11+$0xFFFFFFC0]  }
0x256: {  	v50 =	vld [tilespmem:s11+$0xFFFFFFD0]  }
0x257: {  	v27 =	vld [tilespmem:s11+$0xFFFFFFE0]  }
0x258: {  	v8 =	vshrl.u32 v2, $0xE;
	v14 =	vld.idx.msk [tilespmem:v6+s3+$0x0], $0xffff  }
0x259: {  	v28 =	vld [tilespmem:s11+$0xFFFFFFF0];
	v11 =	vshrl.u32 v3, $0xE  }
0x25a: {  	v30 =	vld [tilespmem:s11+$0x0];
	v17 =	vshrl.u32 v9, $0xE  }
0x25b: {  	v31 =	vld [tilespmem:s11+$0x10];
	v1 =	vand.u32 $0x3FFF, v1  }
0x25c: {  	v34 =	vld [tilespmem:s11+$0x20]  }
0x25d: {  	v16 =	vld.idx.msk [tilespmem:v8+s3+$0x0], $0xffff;
	v24 =	vshll.u32 v14, $0x10  }
0x25e: {  	v12 =	vshrl.u32 v4, $0xE;
	v20 =	vld.idx.msk [tilespmem:v11+s3+$0x0], $0xffff;
	v14 =	vand.u32 $0xFFFF0000, v14;
	v24 =	vmul.f32 v24, v18  }
0x25f: {  	v13 =	vshrl.u32 v5, $0xE;
	v25 =	vld.idx.msk [tilespmem:v17+s3+$0x0], $0xffff;
	v14 =	vmul.f32 v14, v18  }
0x260: {  	v15 =	vshrl.u32 v7, $0xE;
	[tilespmem:v1+s30+$0x0] =	vst.idx.add.f32.msk $0xffff, v24  }
0x261: {  	v19 =	vshrl.u32 v10, $0xE;
	[tilespmem:v1+s31+$0x0] =	vst.idx.add.f32.msk $0xffff, v14  }
0x262: {  	v9 =	vand.u32 $0x3FFF, v9;
	v6 =	vld.idx.msk [tilespmem:v6+s23+$0x0], $0xffff  }
0x263: {  	v33 =	vand.u32 $0x3FFF, v2;
	v21 =	vld.idx.msk [tilespmem:v12+s3+$0x0], $0xffff  }
0x264: {  	v22 =	vld.idx.msk [tilespmem:v13+s3+$0x0], $0xffff;
	v29 =	vshll.u32 v25, $0x10  }
0x265: {  	v23 =	vld.idx.msk [tilespmem:v15+s3+$0x0], $0xffff;
	v51 =	vshll.u32 v16, $0x10;
	v29 =	vmul.f32 v29, v49  }
0x266: {  	v26 =	vld.idx.msk [tilespmem:v19+s3+$0x0], $0xffff;
	v25 =	vand.u32 $0xFFFF0000, v25;
	v52 =	vmul.f32 v51, v50  }
0x267: {  	v4 =	vand.u32 $0x3FFF, v4;
	v25 =	vmul.f32 v25, v49;
	[tilespmem:v9+s30+$0x0] =	vst.idx.add.f32.msk $0xffff, v29;
	v32 =	vshll.u32 v6, $0x10  }
0x268: {  	[tilespmem:v33+s30+$0x0] =	vst.idx.add.f32.msk $0xffff, v52;
	v2 =	vand.u32 $0xFFFF0000, v6;
	v6 =	vmul.f32 v32, v18  }
0x269: {  	v3 =	vand.u32 $0x3FFF, v3;
	v53 =	vshll.u32 v21, $0x10;
	[tilespmem:v9+s31+$0x0] =	vst.idx.add.f32.msk $0xffff, v25;
	v2 =	vmul.f32 v2, v18  }
0x26a: {  	[tilespmem:v1+s0+$0x0] =	vst.idx.add.f32.msk $0xffff, v6;
	v6 =	vand.u32 $0xFFFF0000, v16;
	v16 =	vmul.f32 v53, v28  }
0x26b: {  	[tilespmem:v1+s1+$0x0] =	vst.idx.add.f32.msk $0xffff, v2;
	v1 =	vshll.u32 v20, $0x10;
	v2 =	vmul.f32 v6, v50  }
0x26c: {  	v5 =	vand.u32 $0x3FFF, v5;
	v6 =	vand.u32 $0xFFFF0000, v20;
	v1 =	vmul.f32 v1, v27;
	[tilespmem:v4+s30+$0x0] =	vst.idx.add.f32.msk $0xffff, v16  }
0x26d: {  	v6 =	vmul.f32 v6, v27;
	[tilespmem:v33+s31+$0x0] =	vst.idx.add.f32.msk $0xffff, v2;
	v2 =	vand.u32 $0xFFFF0000, v21  }
0x26e: {  	[tilespmem:v3+s30+$0x0] =	vst.idx.add.f32.msk $0xffff, v1;
	v1 =	vand.u32 $0x3FFF, v7;
	v7 =	vshll.u32 v22, $0x10;
	v54 =	vmul.f32 v2, v28  }
0x26f: {  	[tilespmem:v3+s31+$0x0] =	vst.idx.add.f32.msk $0xffff, v6;
	v6 =	vand.u32 $0xFFFF0000, v22;
	v7 =	vmul.f32 v7, v30  }
0x270: {  	v2 =	vand.u32 $0x3FFF, v10;
	v10 =	vshll.u32 v23, $0x10;
	v6 =	vmul.f32 v6, v30;
	[tilespmem:v4+s31+$0x0] =	vst.idx.add.f32.msk $0xffff, v54  }
0x271: {  	v10 =	vmul.f32 v10, v31;
	[tilespmem:v5+s30+$0x0] =	vst.idx.add.f32.msk $0xffff, v7  }
0x272: {  	v7 =	vshll.u32 v26, $0x10;
	[tilespmem:v5+s31+$0x0] =	vst.idx.add.f32.msk $0xffff, v6  }
0x273: {  	v6 =	vmul.f32 v7, v34;
	[tilespmem:v1+s30+$0x0] =	vst.idx.add.f32.msk $0xffff, v10  }
0x274: {  	v7 =	vand.u32 $0xFFFF0000, v26;
	v10 =	vld.idx.msk [tilespmem:v12+s23+$0x0], $0xffff  }
0x275: {  	v7 =	vmul.f32 v7, v34;
	[tilespmem:v2+s30+$0x0] =	vst.idx.add.f32.msk $0xffff, v6  }
0x276: {  	v55 =	vand.u32 $0xFFFF0000, v23;
	v6 =	vld.idx.msk [tilespmem:v17+s23+$0x0], $0xffff  }
0x277: {  	v16 =	vmul.f32 v55, v31;
	[tilespmem:v2+s31+$0x0] =	vst.idx.add.f32.msk $0xffff, v7  }
0x278: {  	v7 =	vld.idx.msk [tilespmem:v8+s23+$0x0], $0xffff  }
0x279: {  	[tilespmem:v1+s31+$0x0] =	vst.idx.add.f32.msk $0xffff, v16  }
0x27a: {  	v8 =	vld.idx.msk [tilespmem:v11+s23+$0x0], $0xffff  }
0x27b: {  	v11 =	vld.idx.msk [tilespmem:v13+s23+$0x0], $0xffff;
	v56 =	vshll.u32 v6, $0x10  }
0x27c: {  	v57 =	vld.idx.msk [tilespmem:v15+s23+$0x0], $0xffff;
	v6 =	vand.u32 $0xFFFF0000, v6;
	v12 =	vmul.f32 v56, v49  }
0x27d: {  	v58 =	vld.idx.msk [tilespmem:v19+s23+$0x0], $0xffff;
	v59 =	vshll.u32 v7, $0x10;
	v6 =	vmul.f32 v6, v49  }
0x27e: {  	v7 =	vand.u32 $0xFFFF0000, v7;
	v60 =	vmul.f32 v59, v50;
	[tilespmem:v9+s0+$0x0] =	vst.idx.add.f32.msk $0xffff, v12  }
0x27f: {  	v61 =	vshll.u32 v8, $0x10;
	[tilespmem:v9+s1+$0x0] =	vst.idx.add.f32.msk $0xffff, v6;
	v6 =	vmul.f32 v7, v50  }
0x280: {  	v7 =	vand.u32 $0xFFFF0000, v8;
	[tilespmem:v33+s0+$0x0] =	vst.idx.add.f32.msk $0xffff, v60;
	v8 =	vmul.f32 v61, v27  }
0x281: {  	v9 =	vshll.u32 v10, $0x10;
	[tilespmem:v33+s1+$0x0] =	vst.idx.add.f32.msk $0xffff, v6;
	v6 =	vmul.f32 v7, v27  }
0x282: {  	v7 =	vand.u32 $0xFFFF0000, v10;
	[tilespmem:v3+s0+$0x0] =	vst.idx.add.f32.msk $0xffff, v8;
	v8 =	vmul.f32 v9, v28  }
0x283: {  	v9 =	vshll.u32 v11, $0x10;
	v7 =	vmul.f32 v7, v28;
	[tilespmem:v3+s1+$0x0] =	vst.idx.add.f32.msk $0xffff, v6  }
0x284: {  	v62 =	vshll.u32 v58, $0x10;
	v3 =	vand.u32 $0xFFFF0000, v11;
	v11 =	vmul.f32 v9, v30;
	[tilespmem:v4+s0+$0x0] =	vst.idx.add.f32.msk $0xffff, v8  }
0x285: {  	v6 =	vshll.u32 v57, $0x10;
	v8 =	vand.u32 $0xFFFF0000, v57;
	v63 =	vmul.f32 v3, v30;
	[tilespmem:v4+s1+$0x0] =	vst.idx.add.f32.msk $0xffff, v7  }
0x286: {  	v3 =	vand.u32 $0xFFFF0000, v58;
	v10 =	vmul.f32 v6, v31;
	v9 =	vmul.f32 v8, v31;
	[tilespmem:v5+s0+$0x0] =	vst.idx.add.f32.msk $0xffff, v11  }
0x287: {  	s12 =	simm.s32 $0x0;
	s13 =	simm.s32 $0x106C0;
	v4 =	vmul.f32 v62, v34;
	v3 =	vmul.f32 v3, v34;
	[tilespmem:v5+s1+$0x0] =	vst.idx.add.f32.msk $0xffff, v63  }
.LBB2_15:
0x288: {  	v13 =	vld [tilespmem:s13+$0x30]  }
0x289: {  	v5 =	vld [tilespmem:s13+$0xFFFFFFD0]  }
0x28a: {  	s12 =	sadd.s32 $0x8, s12;
	v6 =	vld [tilespmem:s13+$0xFFFFFFE0]  }
0x28b: {  	p0 =	slt.u32 s12, $0xC0;
	v14 =	vld [tilespmem:s13+$0xFFFFFFF0]  }
0x28c: {  	v15 =	vld [tilespmem:s13+$0x0]  }
0x28d: {  	v16 =	vld [tilespmem:s13+$0x10];
	v17 =	vshrl.u32 v13, $0xE  }
0x28e: {  	v11 =	vshrl.u32 v5, $0xE;
	v8 =	vand.u32 $0x3FFF, v5;
	v18 =	vld [tilespmem:s13+$0x20]  }
0x28f: {  	v19 =	vld [tilespmem:s13+$0xFFFFFFC0];
	v12 =	vshrl.u32 v6, $0xE;
	v7 =	vand.u32 $0x3FFF, v6  }
0x290: {  	v20 =	vshrl.u32 v14, $0xE;
	v6 =	vand.u32 $0x3FFF, v14;
	[tilespmem:v1+s0+$0x0] =	vst.idx.add.f32.msk $0xffff, v10  }
0x291: {  	v14 =	vshrl.u32 v15, $0xE;
	v5 =	vand.u32 $0x3FFF, v15;
	[tilespmem:v1+s1+$0x0] =	vst.idx.add.f32.msk $0xffff, v9  }
0x292: {  	v15 =	vshrl.u32 v16, $0xE;
	v1 =	vand.u32 $0x3FFF, v16;
	v16 =	vld.idx.msk [tilespmem:v17+s3+$0x0], $0xffff  }
0x293: {  	s11 =	sadd.s32 $0x80, s11;
	v21 =	vld.idx.msk [tilespmem:v11+s3+$0x0], $0xffff;
	v22 =	vshrl.u32 v18, $0xE;
	v10 =	vand.u32 $0x3FFF, v18  }
0x294: {  	v18 =	vshrl.u32 v19, $0xE;
	v9 =	vand.u32 $0x3FFF, v19;
	v19 =	vld [tilespmem:s11+$0x30]  }
0x295: {  	v23 =	vld.idx.msk [tilespmem:v12+s3+$0x0], $0xffff  }
0x296: {  	v13 =	vand.u32 $0x3FFF, v13;
	v24 =	vld.idx.msk [tilespmem:v20+s3+$0x0], $0xffff  }
0x297: {  	v25 =	vld.idx.msk [tilespmem:v14+s3+$0x0], $0xffff  }
0x298: {  	v27 =	vshll.u32 v16, $0x10;
	v26 =	vld.idx.msk [tilespmem:v15+s3+$0x0], $0xffff  }
0x299: {  	v16 =	vand.u32 $0xFFFF0000, v16;
	v29 =	vshll.u32 v21, $0x10;
	v28 =	vld.idx.msk [tilespmem:v18+s3+$0x0], $0xffff;
	v27 =	vmul.f32 v27, v19  }
0x29a: {  	v21 =	vand.u32 $0xFFFF0000, v21;
	v16 =	vmul.f32 v16, v19;
	v30 =	vld.idx.msk [tilespmem:v22+s3+$0x0], $0xffff  }
0x29b: {  	v31 =	vshll.u32 v23, $0x10;
	v23 =	vand.u32 $0xFFFF0000, v23;
	[tilespmem:v13+s30+$0x0] =	vst.idx.add.f32.msk $0xffff, v27  }
0x29c: {  	v27 =	vshll.u32 v24, $0x10;
	v24 =	vand.u32 $0xFFFF0000, v24;
	[tilespmem:v13+s31+$0x0] =	vst.idx.add.f32.msk $0xffff, v16  }
0x29d: {  	v16 =	vshll.u32 v25, $0x10;
	v25 =	vand.u32 $0xFFFF0000, v25;
	v17 =	vld.idx.msk [tilespmem:v17+s23+$0x0], $0xffff  }
0x29e: {  	v33 =	vshll.u32 v26, $0x10;
	v26 =	vand.u32 $0xFFFF0000, v26;
	v32 =	vld [tilespmem:s11+$0xFFFFFFC0]  }
0x29f: {  	v34 =	vshll.u32 v28, $0x10;
	v28 =	vand.u32 $0xFFFF0000, v28;
	v35 =	vld [tilespmem:s11+$0xFFFFFFD0]  }
0x2a0: {  	v37 =	vshll.u32 v30, $0x10;
	v30 =	vand.u32 $0xFFFF0000, v30;
	v36 =	vld [tilespmem:s11+$0xFFFFFFE0]  }
0x2a1: {  	v38 =	vld [tilespmem:s11+$0xFFFFFFF0]  }
0x2a2: {  	v39 =	vld [tilespmem:s11+$0x0]  }
0x2a3: {  	v41 =	vshll.u32 v17, $0x10;
	v34 =	vmul.f32 v34, v32;
	v28 =	vmul.f32 v28, v32;
	v40 =	vld [tilespmem:s11+$0x10]  }
0x2a4: {  	v17 =	vand.u32 $0xFFFF0000, v17;
	v41 =	vmul.f32 v41, v19;
	v29 =	vmul.f32 v29, v35;
	v42 =	vld [tilespmem:s11+$0x20]  }
0x2a5: {  	v17 =	vmul.f32 v17, v19;
	v21 =	vmul.f32 v21, v35;
	[tilespmem:v9+s30+$0x0] =	vst.idx.add.f32.msk $0xffff, v34  }
0x2a6: {  	v19 =	vmul.f32 v31, v36;
	v23 =	vmul.f32 v23, v36;
	[tilespmem:v13+s0+$0x0] =	vst.idx.add.f32.msk $0xffff, v41  }
0x2a7: {  	v27 =	vmul.f32 v27, v38;
	v24 =	vmul.f32 v24, v38;
	[tilespmem:v13+s1+$0x0] =	vst.idx.add.f32.msk $0xffff, v17  }
0x2a8: {  	v13 =	vmul.f32 v16, v39;
	v16 =	vmul.f32 v25, v39;
	[tilespmem:v9+s31+$0x0] =	vst.idx.add.f32.msk $0xffff, v28  }
0x2a9: {  	v17 =	vmul.f32 v33, v40;
	v25 =	vmul.f32 v26, v40;
	[tilespmem:v8+s30+$0x0] =	vst.idx.add.f32.msk $0xffff, v29  }
0x2aa: {  	v26 =	vmul.f32 v30, v42;
	[tilespmem:v8+s31+$0x0] =	vst.idx.add.f32.msk $0xffff, v21;
	v21 =	vmul.f32 v37, v42  }
0x2ab: {  	[tilespmem:v7+s30+$0x0] =	vst.idx.add.f32.msk $0xffff, v19  }
0x2ac: {  	[tilespmem:v7+s31+$0x0] =	vst.idx.add.f32.msk $0xffff, v23  }
0x2ad: {  	[tilespmem:v6+s30+$0x0] =	vst.idx.add.f32.msk $0xffff, v27  }
0x2ae: {  	[tilespmem:v6+s31+$0x0] =	vst.idx.add.f32.msk $0xffff, v24  }
0x2af: {  	[tilespmem:v5+s30+$0x0] =	vst.idx.add.f32.msk $0xffff, v13  }
0x2b0: {  	[tilespmem:v5+s31+$0x0] =	vst.idx.add.f32.msk $0xffff, v16  }
0x2b1: {  	[tilespmem:v1+s30+$0x0] =	vst.idx.add.f32.msk $0xffff, v17  }
0x2b2: {  	[tilespmem:v1+s31+$0x0] =	vst.idx.add.f32.msk $0xffff, v25  }
0x2b3: {  	[tilespmem:v10+s30+$0x0] =	vst.idx.add.f32.msk $0xffff, v21  }
0x2b4: {  	[tilespmem:v10+s31+$0x0] =	vst.idx.add.f32.msk $0xffff, v26  }
0x2b5: {  	v13 =	vld.idx.msk [tilespmem:v18+s23+$0x0], $0xffff  }
0x2b6: {  	v11 =	vld.idx.msk [tilespmem:v11+s23+$0x0], $0xffff  }
0x2b7: {  	v12 =	vld.idx.msk [tilespmem:v12+s23+$0x0], $0xffff  }
0x2b8: {  	v16 =	vld.idx.msk [tilespmem:v20+s23+$0x0], $0xffff  }
0x2b9: {  	v14 =	vld.idx.msk [tilespmem:v14+s23+$0x0], $0xffff  }
0x2ba: {  	v15 =	vld.idx.msk [tilespmem:v15+s23+$0x0], $0xffff  }
0x2bb: {  	v17 =	vshll.u32 v13, $0x10;
	v13 =	vand.u32 $0xFFFF0000, v13;
	v18 =	vld.idx.msk [tilespmem:v22+s23+$0x0], $0xffff  }
0x2bc: {  	v17 =	vmul.f32 v17, v32;
	v19 =	vshll.u32 v11, $0x10;
	v11 =	vand.u32 $0xFFFF0000, v11;
	[tilespmem:v2+s0+$0x0] =	vst.idx.add.f32.msk $0xffff, v4  }
0x2bd: {  	v4 =	vmul.f32 v13, v32;
	v13 =	vshll.u32 v12, $0x10;
	v12 =	vand.u32 $0xFFFF0000, v12;
	[tilespmem:v2+s1+$0x0] =	vst.idx.add.f32.msk $0xffff, v3;
	v2 =	vmovc v10  }
0x2be: {  	v3 =	vmul.f32 v19, v35;
	v10 =	vshll.u32 v16, $0x10;
	v16 =	vand.u32 $0xFFFF0000, v16;
	[tilespmem:v9+s0+$0x0] =	vst.idx.add.f32.msk $0xffff, v17  }
0x2bf: {  	[tilespmem:v9+s1+$0x0] =	vst.idx.add.f32.msk $0xffff, v4;
	v4 =	vmul.f32 v11, v35;
	v9 =	vshll.u32 v14, $0x10;
	v11 =	vand.u32 $0xFFFF0000, v14  }
0x2c0: {  	v14 =	vand.u32 $0xFFFF0000, v15;
	[tilespmem:v8+s0+$0x0] =	vst.idx.add.f32.msk $0xffff, v3;
	v3 =	vmul.f32 v13, v36;
	v13 =	vshll.u32 v15, $0x10  }
0x2c1: {  	[tilespmem:v8+s1+$0x0] =	vst.idx.add.f32.msk $0xffff, v4;
	v4 =	vmul.f32 v12, v36;
	v8 =	vshll.u32 v18, $0x10;
	v12 =	vand.u32 $0xFFFF0000, v18  }
0x2c2: {  	v15 =	vmul.f32 v16, v38;
	[tilespmem:v7+s0+$0x0] =	vst.idx.add.f32.msk $0xffff, v3;
	v3 =	vmul.f32 v10, v38  }
.Ltmp6:
0x2c3: {  	v11 =	vmul.f32 v11, v39;
	[tilespmem:v7+s1+$0x0] =	vst.idx.add.f32.msk $0xffff, v4;
	v7 =	vmul.f32 v9, v39;
	(pc) =	sbr.rel @p0 .LBB2_15-.Ltmp6, $4  }
0x2c4: {  	v10 =	vmul.f32 v13, v40;
	v9 =	vmul.f32 v14, v40;
	[tilespmem:v6+s0+$0x0] =	vst.idx.add.f32.msk $0xffff, v3  }
0x2c5: {  	v4 =	vmul.f32 v8, v42;
	v3 =	vmul.f32 v12, v42;
	[tilespmem:v6+s1+$0x0] =	vst.idx.add.f32.msk $0xffff, v15  }
0x2c6: {  	[tilespmem:v5+s0+$0x0] =	vst.idx.add.f32.msk $0xffff, v7  }
0x2c7: {  	s13 =	sadd.s32 $0x80, s13;
	[tilespmem:v5+s1+$0x0] =	vst.idx.add.f32.msk $0xffff, v11  }
0x2c8: {  	s10 =	sadd.s32 $0x3, s10  }
0x2c9: {  	s11 =	smulhi.u32 $0x51EB851F, s10;
	_ =	sdelay $0x1  }
0x2ca: {  	s11 =	sshrl.u32 s11, $0x5  }
0x2cb: {  	s11 =	smul.u32 $0x64, s11;
	_ =	sdelay $0x1  }
0x2cc: {  	[tilespmem:v1+s0+$0x0] =	vst.idx.add.f32.msk $0xffff, v10;
	s9 =	sadd.s32 $0x1, s9;
	s10 =	ssub.s32 s10, s11  }
0x2cd: {  	[tilespmem:v2+s0+$0x0] =	vst.idx.add.f32.msk $0xffff, v4;
	p0 =	sne.s32 s9, $0x32;
	s10 =	smul.u32 $0x190, s10  }
.Ltmp7:
0x2ce: {  	[tilespmem:v1+s1+$0x0] =	vst.idx.add.f32.msk $0xffff, v9;
	(pc) =	sbr.rel @p0 .LBB2_12-.Ltmp7, $4  }
0x2cf: {  	[tilespmem:v2+s1+$0x0] =	vst.idx.add.f32.msk $0xffff, v3;
	s15 =	sadd.s32 s4, s10  }
0x2d0: {  	[tilespmem:s26], [sflag:$0x2] =	stream.linear.gather [hbm4b:s15+s3], $0xC80, $0x38;
	[tilespmem:$0x11F00] =	vst v63  }
0x2d1: {  	s10 =	sadd.s32 s2, s10  }
0x2d2: {  	[tilespmem:s28], [sflag:$0x2] =	stream.linear.gather [hbm4b:s10+s3], $0xC80, $0x38;
	[tilespmem:$0x11F00] =	vst v63  }
0x2d3: {  	_ =	swait.ge [sflag:s29], $0xC80  }
0x2d4: {  	[sflag:s29] =	ssyncset.done $0x0  }
0x2d5: {  	[sflag:s29] =	ssyncadd.s32 $0xFFFFF380  }
0x2d6: {  	_ =	swait.ge [sflag:s29], $0xC80  }
0x2d7: {  	[sflag:s29] =	ssyncset.done $0x0  }
0x2d8: {  	[sflag:s29] =	ssyncadd.s32 $0xFFFFF380  }
0x2d9: {  	_ =	swait.ge [sflag:s5], $0xC80  }
0x2da: {  	[sflag:s5] =	ssyncset.done $0x0  }
0x2db: {  	[sflag:s5] =	ssyncadd.s32 $0xFFFFF380  }
0x2dc: {  	_ =	swait.ge [sflag:s5], $0xC80  }
0x2dd: {  	[sflag:s5] =	ssyncset.done $0x0  }
0x2de: {  	s9 =	rddreg [dreg:$0xb];
	[sflag:s5] =	ssyncadd.s32 $0xFFFFF380  }
0x2df: {  	[hbm4b:s9+s20] =	stream.strided.scatter [tilespmem:s30], [sflag:$0x3], $0x2780, s21, s20, $0x38;
	[tilespmem:$0x11F00] =	vst v63  }
0x2e0: {  	_ =	swait.ge [sflag:s22], $0x2780  }
0x2e1: {  	[sflag:s22] =	ssyncset.done $0x0  }
0x2e2: {  	[sflag:s22] =	ssyncadd.s32 $0xFFFFD880  }
0x2e3: {  	[hbm4b:s16+s20] =	stream.strided.scatter [tilespmem:s31], [sflag:$0x3], $0x2780, s21, s20, $0x38;
	[tilespmem:$0x11F00] =	vst v63  }
0x2e4: {  	_ =	swait.ge [sflag:s22], $0x2780  }
0x2e5: {  	[sflag:s22] =	ssyncset.done $0x0  }
0x2e6: {  	[sflag:s22] =	ssyncadd.s32 $0xFFFFD880  }
0x2e7: {  	[hbm4b:s17+s20] =	stream.strided.scatter [tilespmem:s0], [sflag:$0x3], $0x2780, s21, s20, $0x38;
	[tilespmem:$0x11F00] =	vst v63  }
0x2e8: {  	s6 =	sadd.s32 $0x1, s6;
	_ =	swait.ge [sflag:s22], $0x2780  }
0x2e9: {  	p0 =	sne.s32 s6, s19;
	[sflag:s22] =	ssyncset.done $0x0  }
.Ltmp8:
0x2ea: {  	[sflag:s22] =	ssyncadd.s32 $0xFFFFD880;
	(pc) =	sbr.rel @p0 .LBB2_1-.Ltmp8, $4  }
0x2eb: {  	[hbm4b:s18+s20] =	stream.strided.scatter [tilespmem:s1], [sflag:$0x3], $0x2780, s21, s20, $0x38;
	[tilespmem:$0x11F00] =	vst v63  }
0x2ec: {  	_ =	swait.ge [sflag:s22], $0x2780  }
0x2ed: {  	[sflag:s22] =	ssyncset.done $0x0  }
0x2ee: {  	[sflag:s22] =	ssyncadd.s32 $0xFFFFD880  }
0x2ef: {  	_ =	sfence.sel $0x180000  }
0x2f0: {  	[bflag:$0x0] =	sbarrier.arrive $0xFFFF  }
0x2f1: {  	_ =	strace $0x9000004A  }
0x2f2: {  	s0 =	stileid.u32;
	[bflag:$0x2] =	sbarrier.arrive $0xFFFF  }
0x2f3: {  	p0 =	sne.s32 s0, $0x0;
	s0 =	rddreg [dreg:$0x2]  }
0x2f4: {  	s0 =	sadd.s32 @!p0 $0x100000, s0  }
0x2f5: {  	[sflag:s0] =	ssyncadd.tile.s32 @!p0 $0x1;
	_ =	shalt  }
.Lfunc_end2:
_tile_overlayer_lowered:
.L_overlay_start_2:
0x2f6: {  	(tag) =	ssettag $0x2  }
0x2f7: {  	s0 =	rddreg [dreg:$0x0];
	s2 =	stileid.u32  }
0x2f8: {  	s1 =	rddreg [dreg:$0x1];
	p0 =	sne.s32 s2, $0x0  }
0x2f9: {  	s3 =	rddreg [dreg:$0x2];
	[bflag:$0x3] =	sbarrier.arrive $0xFFFF;
	s2 =	simm.s32 @!p0 $0x1C03  }
0x2fa: {  	[timem:s3], [sflag:s2] =	dma.local @!p0 [hbm:s0], s1  }
0x2fb: {  	s0 =	simm.s32 @!p0 $0x3  }
0x2fc: {  	_ =	swait.ge @!p0 [sflag:s0], s1  }
0x2fd: {  	s1 =	ssub.s32 @!p0 $0x0, s1;
	[sflag:s0] =	ssyncset.done @!p0 $0x0  }
0x2fe: {  	[sflag:s0] =	ssyncadd.s32 @!p0 s1  }
0x2ff: {  	[bflag:$0x3] =	sbarrier.arrive $0xFFFF  }
0x300: {  	_ =	shalt  }

// kernel: kernel.14.cloned.1.call-start
scs
__scs_entry_jumppad:
0x0: {  	(pc) =	sbr.rel $0x88, $3  }
0x1: {  	(tag) =	ssettag $0x0;
	lr =	simm.s32 $0x1  }
0x2: {  	[smem:$0x3F9A] =	sst lr;
	_ =	strace $0xD0000000  }
0x3: {  	_ = 	snop  }
0x4: {  	_ = 	snop  }
0x5: {  	_ = 	snop  }
0x6: {  	_ = 	snop  }
0x7: {  	_ = 	snop  }
__scs_overlays_trampoline_lowered:
0x8: {  	[smem:$0x3FA9] =	sst s0  }
0x9: {  	[smem:$0x3FAA] =	sst s1  }
0xa: {  	[smem:$0x3FAB] =	sst s2  }
0xb: {  	[smem:$0x3FAC] =	sst s3  }
0xc: {  	[smem:$0x3FAD] =	sst s4  }
0xd: {  	[smem:$0x3FAE] =	sst s5  }
0xe: {  	[smem:$0x3FAF] =	sst s6  }
0xf: {  	[smem:$0x3FB0] =	sst s7  }
0x10: {  	[smem:$0x3FB1] =	sst s8  }
0x11: {  	[smem:$0x3FB2] =	sst s9;
	s0 =	simm.s32 @!p0 $0x0  }
0x12: {  	s1 =	sld [smem:$0x3F98];
	s0 =	simm.s32 @p0 $0x1  }
0x13: {  	[smem:$0x3FB3] =	sst s0;
	s0 =	simm.s32 @!p1 $0x0  }
0x14: {  	s2 =	sld [smem:$0x3F97];
	s0 =	simm.s32 @p1 $0x1  }
0x15: {  	[smem:$0x3FB4] =	sst s0;
	s0 =	simm.s32 @!p2 $0x0  }
0x16: {  	s3 =	sld [smem:$0x3FDB];
	s0 =	simm.s32 @p2 $0x1  }
0x17: {  	s4 =	simm.s32 $0x1BF5;
	[smem:$0x3FB6] =	sst s0  }
0x18: {  	s0 =	sld [smem:$0x3F99];
	_ =	swait.ge [sflag:s4], $0x0  }
0x19: {  	s7 =	sld [smem:$0x3F9A]  }
0x1a: {  	s8 =	sadd.s32 $0xFFFFE003, lr  }
0x1b: {  	s9 =	sadd.s32 $0xFFFFFEF7, lr;
	s5 =	simm.s32 $0xFFFFFFFF;
	p2 =	slt.u32 s8, $0xFFFFF086  }
0x1c: {  	p1 =	slt.u32 s9, $0xF7A;
	s5 =	simm.s32 @!p2 $0x0  }
0x1d: {  	s5 =	simm.s32 @p1 $0x1;
	p0 =	seq.s32 s7, s2  }
0x1e: {  	s7 =	smul.u32 @!p0 $0xF7A, s2;
	p2 =	seq.s32 @!p0 s5, $0x0  }
0x1f: {  	s9 =	smul.u32 $0xF7A, s1;
	s8 =	simm.s32 @!p0 $0x1BF5;
	p2 =	por !p2, p0  }
0x20: {  	[sflag:s8] =	ssyncset.s32 @!p0 $0xFFFFF086;
	s6 =	sadd.s32 @!p0 s3, s7;
	s7 =	simm.s32 @!p0 $0x108  }
0x21: {  	s3 =	sadd.s32 s3, s9;
	s6 =	sadd.s32 @!p0 $0x88, s6;
	s7 =	simm.s32 @p2 $0x1082  }
0x22: {  	[simem:s7], [sflag:s8] =	dma.local @!p0 [hbm:s6], $0xF7A  }
0x23: {  	s9 =	sor.u32 $0xD0000000, s2;
	s6 =	simm.s32 $0x108;
	_ =	swait.ge @!p0 [sflag:s8], $0x0  }
0x24: {  	s3 =	sadd.s32 $0x88, s3;
	s6 =	simm.s32 @!p1 $0x1082;
	[sflag:s4] =	ssyncset.s32 $0xFFFFF086  }
0x25: {  	[simem:s6], [sflag:s4] =	dma.local [hbm:s3], $0xF7A  }
0x26: {  	[smem:$0x3F9A] =	sst s1;
	(tag) =	ssettag s2;
	_ =	strace s9  }
0x27: {  	s1 =	sld [smem:$0x3FAA]  }
0x28: {  	s2 =	sld [smem:$0x3FAB]  }
0x29: {  	s4 =	sld [smem:$0x3FAD]  }
0x2a: {  	p0 =	seq.s32 s5, $0x0;
	s5 =	sld [smem:$0x3FAE]  }
0x2b: {  	s6 =	sld [smem:$0x3FAF]  }
0x2c: {  	s7 =	sld [smem:$0x3FB0]  }
0x2d: {  	s3 =	simm.s32 $0x108;
	s8 =	sld [smem:$0x3FB1]  }
0x2e: {  	s3 =	simm.s32 @!p0 $0x1082;
	s9 =	sld [smem:$0x3FB2]  }
0x2f: {  	lr =	sadd.s32 s0, s3;
	s0 =	sld [smem:$0x3FA9]  }
0x30: {  	s3 =	sld [smem:$0x3FAC]  }
0x31: {  	[smem:$0x3FB5] =	sst s10  }
0x32: {  	s10 =	sld [smem:$0x3FB3];
	_ =	sdelay $0x3  }
0x33: {  	p0 =	seq.s32 s10, $0x1;
	s10 =	sld [smem:$0x3FB5];
	_ =	sdelay $0x3  }
0x34: {  	[smem:$0x3FB5] =	sst s10  }
0x35: {  	s10 =	sld [smem:$0x3FB4];
	_ =	sdelay $0x3  }
0x36: {  	p1 =	seq.s32 s10, $0x1;
	s10 =	sld [smem:$0x3FB5];
	_ =	sdelay $0x3  }
0x37: {  	[smem:$0x3FB5] =	sst s10  }
0x38: {  	s10 =	sld [smem:$0x3FB6]  }
0x39: {  	_ = 	snop;
	(pc) =	sbr.ind lr, $3  }
0x3a: {  	_ = 	snop  }
0x3b: {  	_ = 	snop  }
0x3c: {  	p2 =	seq.s32 s10, $0x1;
	s10 =	sld [smem:$0x3FB5]  }
0x3d: {  	_ =	shalt  }
0x3e: {  	_ =	shalt  }
0x3f: {  	_ =	shalt  }
0x40: {  	_ =	shalt  }
0x41: {  	_ =	shalt  }
0x42: {  	_ =	shalt  }
0x43: {  	_ =	shalt  }
0x44: {  	_ =	shalt  }
0x45: {  	_ =	shalt  }
0x46: {  	_ =	shalt  }
0x47: {  	_ =	shalt  }
0x48: {  	_ =	shalt  }
0x49: {  	_ =	shalt  }
0x4a: {  	_ =	shalt  }
0x4b: {  	_ =	shalt  }
0x4c: {  	_ =	shalt  }
0x4d: {  	_ =	shalt  }
0x4e: {  	_ =	shalt  }
0x4f: {  	_ =	shalt  }
0x50: {  	_ =	shalt  }
0x51: {  	_ =	shalt  }
0x52: {  	_ =	shalt  }
0x53: {  	_ =	shalt  }
0x54: {  	_ =	shalt  }
0x55: {  	_ =	shalt  }
0x56: {  	_ =	shalt  }
0x57: {  	_ =	shalt  }
0x58: {  	_ =	shalt  }
0x59: {  	_ =	shalt  }
0x5a: {  	_ =	shalt  }
0x5b: {  	_ =	shalt  }
0x5c: {  	_ =	shalt  }
0x5d: {  	_ =	shalt  }
0x5e: {  	_ =	shalt  }
0x5f: {  	_ =	shalt  }
0x60: {  	_ =	shalt  }
0x61: {  	_ =	shalt  }
0x62: {  	_ =	shalt  }
0x63: {  	_ =	shalt  }
0x64: {  	_ =	shalt  }
0x65: {  	_ =	shalt  }
0x66: {  	_ =	shalt  }
0x67: {  	_ =	shalt  }
0x68: {  	_ =	shalt  }
0x69: {  	_ =	shalt  }
0x6a: {  	_ =	shalt  }
0x6b: {  	_ =	shalt  }
0x6c: {  	_ =	shalt  }
0x6d: {  	_ =	shalt  }
0x6e: {  	_ =	shalt  }
0x6f: {  	_ =	shalt  }
0x70: {  	_ =	shalt  }
0x71: {  	_ =	shalt  }
0x72: {  	_ =	shalt  }
0x73: {  	_ =	shalt  }
0x74: {  	_ =	shalt  }
0x75: {  	_ =	shalt  }
0x76: {  	_ =	shalt  }
0x77: {  	_ =	shalt  }
0x78: {  	_ =	shalt  }
0x79: {  	_ =	shalt  }
0x7a: {  	_ =	shalt  }
0x7b: {  	_ =	shalt  }
0x7c: {  	_ =	shalt  }
0x7d: {  	_ =	shalt  }
0x7e: {  	_ =	shalt  }
0x7f: {  	_ =	shalt  }
0x80: {  	_ =	shalt  }
0x81: {  	_ =	shalt  }
0x82: {  	_ =	shalt  }
0x83: {  	_ =	shalt  }
0x84: {  	_ =	shalt  }
0x85: {  	_ =	shalt  }
0x86: {  	_ =	shalt  }
0x87: {  	_ =	shalt  }
.Lfunc_end0:
.L_simem_size_0:
called_computation.2_lowered:
.L_overlay_start_0:
0x88: {  	s2 =	sld [smem:$0x3FD9]  }
0x89: {  	s3 =	sld [smem:$0x3FFE];
	_ =	sdelay $0x1  }
0x8a: {  	s1 =	srdreg.scid  }
0x8b: {  	s0 =	sand.u32 $0x1, s1  }
0x8c: {  	s17 =	sshll.u32 s0, $0xA;
	s2 =	sadd.s32 s3, s2  }
0x8d: {  	s2 =	sadd.s32 s2, s17  }
0x8e: {  	[smem:$0x3FC1] =	sst s2  }
0x8f: {  	_ = 	snop  }
0x90: {  	s2 =	sld [smem:$0x3FC7]  }
0x91: {  	s18 =	sld [smem:$0x3FD0];
	(tm) =	ssettm $0x1  }
0x92: {  	s4 =	sld [smem:$0x3FFB];
	_ =	sdelay $0x3  }
0x93: {  	_ =	strace s4  }
0x94: {  	s4 =	sld [smem:$0x3FFC];
	_ =	sdelay $0x3  }
0x95: {  	_ =	strace s4  }
0x96: {  	s4 =	sld [smem:$0x3FFD];
	_ =	sdelay $0x3  }
0x97: {  	_ =	strace s4  }
0x98: {  	_ =	strace $0x8FFFFFFF  }
0x99: {  	s19 =	sld [smem:$0x3FDB];
	_ =	sdelay $0x1  }
0x9a: {  	s5 =	simm.s32 $_scs_section_size  }
0x9b: {  	s6 =	simm.s32 $_size__tile_overlayer_lowered;
	s7 =	simm.s32 $_tile_overlayer_lowered  }
0x9c: {  	s22 =	simm.s32 $0x1BFF;
	s21 =	sshll.u32 s7, $0x1;
	s4 =	sadd.s32 s5, s19  }
0x9d: {  	s8 =	simm.s32 $0x0;
	s20 =	sshll.u32 s6, $0x1;
	s6 =	sadd.s32 s21, s4  }
0x9e: {  	[timem:s8], [sflag:s22] =	dma.local [hbm:s6], s20  }
0x9f: {  	_ =	swait.ge [sflag:s22], s20  }
0xa0: {  	s5 =	ssub.s32 $0x0, s20;
	[sflag:s22] =	ssyncset.done $0x0  }
0xa1: {  	[sflag:s22] =	ssyncadd.s32 s5;
	_ =	sdelay $0x1  }
0xa2: {  	s23 =	simm.s32 $0x1B8B  }
0xa3: {  	_ =	swait.ge [sflag:s23], $0x1  }
0xa4: {  	[sflag:s23] =	ssyncset.done $0x0  }
0xa5: {  	s25 =	simm.s32 $0x1B8E;
	s24 =	sld [smem:$0x3FFE];
	[sflag:s23] =	ssyncadd.s32 $0xFFFFFFFF  }
0xa6: {  	s26 =	simm.s32 $execute0_lowered;
	[smem:$0x3FD2] =	sst s25  }
0xa7: {  	s6 =	sshll.u32 s26, $0x1;
	_ =	strace $0x8000004C;
	[dreg:$0x1] =	wrdreg $0xFFFFFFFF  }
0xa8: {  	s28 =	simm.s32 $_size_execute0_lowered;
	s4 =	sadd.s32 s4, s6;
	[dreg:$0x0] =	wrdreg $0x0  }
0xa9: {  	s6 =	sshll.u32 s28, $0x1;
	[dreg:$0x2] =	wrdreg s4  }
0xaa: {  	[dreg:$0x3] =	wrdreg s6  }
0xab: {  	[dreg:$0x4] =	wrdreg $0xC0  }
0xac: {  	_ =	task [dreg:s8], $0x5FFFF  }
0xad: {  	[dreg:$0x1] =	wrdreg $0xFFFFFFFF  }
0xae: {  	[dreg:$0x0] =	wrdreg $0x60  }
0xaf: {  	[dreg:$0x2] =	wrdreg s18  }
0xb0: {  	[dreg:$0x3] =	wrdreg s24  }
0xb1: {  	[dreg:$0x4] =	wrdreg s2  }
0xb2: {  	[dreg:$0x5] =	wrdreg $0x9  }
0xb3: {  	_ =	task.clear_ibuf [dreg:s8], $0x6FFFF;
	_ =	strace $0x9000004C  }
0xb4: {  	s29 =	simm.s32 $0x9;
	_ =	strace $0x8000004E  }
0xb5: {  	_ =	swait.ge [sflag:s29], $0x1  }
0xb6: {  	[sflag:s29] =	ssyncadd.s32 $0xFFFFFFFF  }
0xb7: {  	_ =	strace $0x9000004E  }
0xb8: {  	_ =	sfence  }
0xb9: {  	s30 =	sld [smem:$0x0];
	_ =	sdelay $0x2  }
0xba: {  	s31 =	sshll.u32 s1, $0xD;
	s1 =	sshrl.u32 s1, $0x2  }
0xbb: {  	s3 =	sand.u32 $0x4000, s31;
	s1 =	sadd.s32 s1, s30  }
0xbc: {  	s0 =	sor.u32 s3, s0;
	s1 =	sshll.u32 s1, $0x11  }
0xbd: {  	s0 =	sor.u32 s1, s0  }
0xbe: {  	s0 =	sadd.s32 $0x8F2B, s0  }
0xbf: {  	[sflag:s0] =	ssyncadd.remote.s32 $0x1  }
0xc0: {  	_ =	sfence.sel $0xFFFF  }
0xc1: {  	[dreg:$0x0] =	wrdreg $0xFFFFFFFF;
	(pc) =	sbr.abs _section_cstart, $3  }
0xc2: {  	[dreg:$0x1] =	wrdreg $0xFFFFFFFF  }
0xc3: {  	_ =	task.clear_ibuf [dreg:s8], $0x2FFFF;
	_ =	strace $0x9FFFFFFF  }
0xc4: {  	(tm) =	ssettm $0x7FFFFFFF  }
0xc5: {  	_ =	shalt  }
tec
execute0_lowered:
.L_overlay_start_1:
0x0: {  	(tag) =	ssettag $0x1  }
0x1: {  	s0 =	rddreg [dreg:$0x0]  }
0x2: {  	s2 =	rddreg [dreg:$0x1]  }
0x3: {  	s1 =	rddreg [dreg:$0x2];
	s3 =	simm.s32 $0x0;
	s4 =	srdreg.scid  }
0x4: {  	s7 =	stileid.u32;
	s14 =	simm.s32 $0x80;
	s15 =	simm.s32 $0x400  }
0x5: {  	s16 =	simm.s32 $0x3;
	s17 =	simm.s32 $0x2780;
	s18 =	simm.s32 $0xED00  }
0x6: {  	s19 =	simm.s32 $0xF980;
	s20 =	simm.s32 $0x10600;
	s21 =	simm.s32 $0x11280  }
0x7: {  	s28 =	simm.s32 $0x2;
	s29 =	simm.s32 $0x0;
	[smem:$0x7FF] =	sst s3  }
0x8: {  	s5 =	sand.u32 $0x1, s4;
	s6 =	smul.u32 $0x13C00, s7;
	s22 =	sshll.u32 s7, $0x9  }
0x9: {  	s7 =	sshrl.u32 s7, $0x1;
	s31 =	sadd.s32 $0x190, s1;
	s8 =	sshll.u32 s5, $0x8  }
0xa: {  	s7 =	smul.u32 $0x13C00, s7;
	s4 =	sand.u32 $0x200, s22;
	_ =	strace $0x8000004D  }
0xb: {  	s9 =	sshll.u32 s5, $0x9;
	s23 =	ssub.s32 $0x2, s5;
	[dreg:$0x6] =	wrdreg s31  }
0xc: {  	s22 =	simm.s32 $0x1;
	s8 =	sor.u32 s8, s4;
	s4 =	sadd.s32 $0x78E00, s2  }
0xd: {  	s6 =	sor.u32 s9, s6;
	s25 =	sshrl.u32 s23, $0x1;
	s7 =	sor.u32 s7, s8  }
0xe: {  	s6 =	sshrl.u32 s6, $0x3;
	s26 =	ssub.s32 s23, s25;
	s23 =	simm.s32 $0x4F00  }
0xf: {  	s25 =	simm.s32 $0x9E00;
	s24 =	sshrl.u32 s7, $0x3;
	s6 =	sadd.s32 s6, s2  }
0x10: {  	s2 =	sadd.s32 $0x78F90, s2;
	s13 =	smax.u32 s26, $0x1;
	s26 =	simm.s32 $0xC580  }
0x11: {  	s5 =	sadd.s32 s0, s24;
	[dreg:$0x5] =	wrdreg s2;
	s9 =	sadd.s32 $0x2600, s6  }
0x12: {  	s10 =	sadd.s32 $0x2610, s6;
	s11 =	sadd.s32 $0x2620, s6;
	s30 =	sadd.s32 $0x10, s5  }
0x13: {  	v0 =	vimm.f32 $0.0e+00;
	s12 =	sadd.s32 $0x2630, s6;
	s24 =	simm.s32 $0x7680;
	[dreg:$0x4] =	wrdreg s30  }
.LBB2_1:
0x14: {  	[tilespmem:s3], [sflag:$0x3] =	stream.strided.gather [hbm4b:s5+s14], $0x2780, s15, s14, $0x38;
	[tilespmem:$0x11F00] =	vst v63  }
0x15: {  	_ =	swait.ge [sflag:s16], $0x2780  }
0x16: {  	[sflag:s16] =	ssyncset.done $0x0  }
0x17: {  	s0 =	rddreg [dreg:$0x4];
	[sflag:s16] =	ssyncadd.s32 $0xFFFFD880  }
0x18: {  	[tilespmem:s17], [sflag:$0x3] =	stream.strided.gather [hbm4b:s0+s14], $0x2780, s15, s14, $0x38;
	[tilespmem:$0x11F00] =	vst v63  }
0x19: {  	_ =	swait.ge [sflag:s16], $0x2780  }
0x1a: {  	[sflag:s16] =	ssyncset.done $0x0  }
0x1b: {  	s0 =	simm.s32 $0x4F20;
	[sflag:s16] =	ssyncadd.s32 $0xFFFFD880  }
0x1c: {  	[tilespmem:s0+$0x10] =	vst v0  }
0x1d: {  	[tilespmem:s0+$0xFFFFFFF0] =	vst v0  }
0x1e: {  	[tilespmem:s0+$0x0] =	vst v0  }
0x1f: {  	[tilespmem:s0+$0xFFFFFFE0] =	vst v0  }
0x20: {  	s2 =	simm.s32 $0x76A0;
	[tilespmem:s0+$0x20] =	vst v0  }
0x21: {  	[tilespmem:s2+$0xFFFFFFE0] =	vst v0  }
0x22: {  	[tilespmem:s2+$0x20] =	vst v0  }
0x23: {  	[tilespmem:s2+$0x0] =	vst v0  }
0x24: {  	[tilespmem:s2+$0xFFFFFFF0] =	vst v0  }
0x25: {  	s6 =	simm.s32 $0x9E20;
	[tilespmem:s2+$0x10] =	vst v0  }
0x26: {  	[tilespmem:s6+$0xFFFFFFE0] =	vst v0  }
0x27: {  	[tilespmem:s6+$0x20] =	vst v0  }
0x28: {  	[tilespmem:s6+$0x0] =	vst v0  }
0x29: {  	s30 =	simm.s32 $0xC5A0;
	[tilespmem:s6+$0x10] =	vst v0  }
0x2a: {  	[tilespmem:s30+$0xFFFFFFE0] =	vst v0  }
0x2b: {  	[tilespmem:s30+$0x20] =	vst v0  }
0x2c: {  	s31 =	simm.s32 $0x0;
	s7 =	simm.s32 $0x9E70;
	s8 =	simm.s32 $0xC5F0;
	[tilespmem:s30+$0x0] =	vst v0  }
.LBB2_2:
0x2d: {  	s31 =	sadd.s32 $0x5, s31;
	[tilespmem:s30+$0x10] =	vst v0;
	s0 =	sadd.s32 $0x50, s0;
	s2 =	sadd.s32 $0x50, s2  }
0x2e: {  	p0 =	slt.u32 s31, $0x26C;
	[tilespmem:s6+$0xFFFFFFF0] =	vst v0;
	s6 =	smov.u32 s7  }
0x2f: {  	[tilespmem:s30+$0xFFFFFFF0] =	vst v0;
	s30 =	smov.u32 s8  }
0x30: {  	[tilespmem:s0+$0x10] =	vst v0  }
0x31: {  	[tilespmem:s0+$0xFFFFFFF0] =	vst v0  }
0x32: {  	[tilespmem:s0+$0x0] =	vst v0  }
0x33: {  	[tilespmem:s0+$0xFFFFFFE0] =	vst v0  }
0x34: {  	[tilespmem:s2+$0xFFFFFFE0] =	vst v0  }
0x35: {  	[tilespmem:s7+$0xFFFFFFE0] =	vst v0  }
0x36: {  	[tilespmem:s8+$0xFFFFFFE0] =	vst v0  }
0x37: {  	[tilespmem:s0+$0x20] =	vst v0  }
0x38: {  	[tilespmem:s2+$0x20] =	vst v0  }
0x39: {  	[tilespmem:s7+$0x20] =	vst v0  }
0x3a: {  	[tilespmem:s8+$0x20] =	vst v0  }
0x3b: {  	[tilespmem:s2+$0x0] =	vst v0  }
.Ltmp0:
0x3c: {  	[tilespmem:s7+$0x0] =	vst v0;
	(pc) =	sbr.rel @p0 .LBB2_2-.Ltmp0, $4  }
0x3d: {  	[tilespmem:s2+$0xFFFFFFF0] =	vst v0  }
0x3e: {  	[tilespmem:s8+$0x0] =	vst v0  }
0x3f: {  	[tilespmem:s2+$0x10] =	vst v0  }
0x40: {  	s7 =	sadd.s32 $0x50, s7;
	s8 =	sadd.s32 $0x50, s8;
	[tilespmem:s6+$0x10] =	vst v0  }
0x41: {  	[tilespmem:s30+$0x10] =	vst v0  }
0x42: {  	[tilespmem:s6+$0xFFFFFFF0] =	vst v0  }
0x43: {  	[tilespmem:s30+$0xFFFFFFF0] =	vst v0;
	s30 =	simm.s32 $0x0  }
0x44: {  	[tilespmem:s18], [sflag:$0x1] =	stream.linear.gather [hbm4b:s4+s30], $0xC80, $0x38;
	[tilespmem:$0x11F00] =	vst v63  }
0x45: {  	_ = 	snop  }
0x46: {  	[tilespmem:s19], [sflag:$0x1] =	stream.linear.gather [hbm4b:s1+s30], $0xC80, $0x38;
	[tilespmem:$0x11F00] =	vst v63  }
0x47: {  	s0 =	rddreg [dreg:$0x5]  }
0x48: {  	[tilespmem:s20], [sflag:$0x2] =	stream.linear.gather [hbm4b:s0+s30], $0xC80, $0x38;
	[tilespmem:$0x11F00] =	vst v63  }
0x49: {  	s31 =	rddreg [dreg:$0x6]  }
0x4a: {  	[tilespmem:s21], [sflag:$0x2] =	stream.linear.gather [hbm4b:s31+s30], $0xC80, $0x38;
	[tilespmem:$0x11F00] =	vst v63  }
.LBB2_4:
0x4b: {  	_ =	swait.ge [sflag:s22], $0xC80  }
0x4c: {  	[sflag:s22] =	ssyncset.done $0x0  }
0x4d: {  	[sflag:s22] =	ssyncadd.s32 $0xFFFFF380  }
0x4e: {  	_ =	swait.ge [sflag:s22], $0xC80  }
0x4f: {  	[sflag:s22] =	ssyncset.done $0x0  }
0x50: {  	s0 =	simm.s32 $0xED40;
	[sflag:s22] =	ssyncadd.s32 $0xFFFFF380  }
0x51: {  	v1 =	vld [tilespmem:s0+$0x30]  }
0x52: {  	v2 =	vld [tilespmem:s0+$0xFFFFFFD0]  }
0x53: {  	v3 =	vld [tilespmem:s0+$0xFFFFFFE0]  }
0x54: {  	v4 =	vld [tilespmem:s0+$0xFFFFFFF0]  }
0x55: {  	v5 =	vld [tilespmem:s0+$0x0]  }
0x56: {  	v7 =	vld [tilespmem:s0+$0x10]  }
0x57: {  	v9 =	vld [tilespmem:s0+$0xFFFFFFC0]  }
0x58: {  	s31 =	simm.s32 $0xF9C0;
	v10 =	vld [tilespmem:s0+$0x20];
	v6 =	vshrl.u32 v1, $0xE  }
0x59: {  	v18 =	vld [tilespmem:s31+$0x30]  }
0x5a: {  	v49 =	vld [tilespmem:s31+$0xFFFFFFC0]  }
0x5b: {  	v50 =	vld [tilespmem:s31+$0xFFFFFFD0]  }
0x5c: {  	v27 =	vld [tilespmem:s31+$0xFFFFFFE0]  }
0x5d: {  	v8 =	vshrl.u32 v2, $0xE;
	v14 =	vld.idx.msk [tilespmem:v6+s3+$0x0], $0xffff  }
0x5e: {  	v28 =	vld [tilespmem:s31+$0xFFFFFFF0];
	v11 =	vshrl.u32 v3, $0xE  }
0x5f: {  	v30 =	vld [tilespmem:s31+$0x0];
	v17 =	vshrl.u32 v9, $0xE  }
0x60: {  	v31 =	vld [tilespmem:s31+$0x10];
	v1 =	vand.u32 $0x3FFF, v1  }
0x61: {  	v34 =	vld [tilespmem:s31+$0x20]  }
0x62: {  	v16 =	vld.idx.msk [tilespmem:v8+s3+$0x0], $0xffff;
	v24 =	vshll.u32 v14, $0x10  }
0x63: {  	v12 =	vshrl.u32 v4, $0xE;
	v20 =	vld.idx.msk [tilespmem:v11+s3+$0x0], $0xffff;
	v14 =	vand.u32 $0xFFFF0000, v14;
	v24 =	vmul.f32 v24, v18  }
0x64: {  	v13 =	vshrl.u32 v5, $0xE;
	v25 =	vld.idx.msk [tilespmem:v17+s3+$0x0], $0xffff;
	v14 =	vmul.f32 v14, v18  }
0x65: {  	v15 =	vshrl.u32 v7, $0xE;
	[tilespmem:v1+s23+$0x0] =	vst.idx.add.f32.msk $0xffff, v24  }
0x66: {  	v19 =	vshrl.u32 v10, $0xE;
	[tilespmem:v1+s24+$0x0] =	vst.idx.add.f32.msk $0xffff, v14  }
0x67: {  	v9 =	vand.u32 $0x3FFF, v9;
	v6 =	vld.idx.msk [tilespmem:v6+s17+$0x0], $0xffff  }
0x68: {  	v33 =	vand.u32 $0x3FFF, v2;
	v21 =	vld.idx.msk [tilespmem:v12+s3+$0x0], $0xffff  }
0x69: {  	v22 =	vld.idx.msk [tilespmem:v13+s3+$0x0], $0xffff;
	v29 =	vshll.u32 v25, $0x10  }
0x6a: {  	v23 =	vld.idx.msk [tilespmem:v15+s3+$0x0], $0xffff;
	v51 =	vshll.u32 v16, $0x10;
	v29 =	vmul.f32 v29, v49  }
0x6b: {  	v26 =	vld.idx.msk [tilespmem:v19+s3+$0x0], $0xffff;
	v25 =	vand.u32 $0xFFFF0000, v25;
	v52 =	vmul.f32 v51, v50  }
0x6c: {  	v4 =	vand.u32 $0x3FFF, v4;
	v25 =	vmul.f32 v25, v49;
	[tilespmem:v9+s23+$0x0] =	vst.idx.add.f32.msk $0xffff, v29;
	v32 =	vshll.u32 v6, $0x10  }
0x6d: {  	[tilespmem:v33+s23+$0x0] =	vst.idx.add.f32.msk $0xffff, v52;
	v2 =	vand.u32 $0xFFFF0000, v6;
	v6 =	vmul.f32 v32, v18  }
0x6e: {  	v3 =	vand.u32 $0x3FFF, v3;
	v53 =	vshll.u32 v21, $0x10;
	[tilespmem:v9+s24+$0x0] =	vst.idx.add.f32.msk $0xffff, v25;
	v2 =	vmul.f32 v2, v18  }
0x6f: {  	[tilespmem:v1+s25+$0x0] =	vst.idx.add.f32.msk $0xffff, v6;
	v6 =	vand.u32 $0xFFFF0000, v16;
	v16 =	vmul.f32 v53, v28  }
0x70: {  	[tilespmem:v1+s26+$0x0] =	vst.idx.add.f32.msk $0xffff, v2;
	v1 =	vshll.u32 v20, $0x10;
	v2 =	vmul.f32 v6, v50  }
0x71: {  	v5 =	vand.u32 $0x3FFF, v5;
	v6 =	vand.u32 $0xFFFF0000, v20;
	v1 =	vmul.f32 v1, v27;
	[tilespmem:v4+s23+$0x0] =	vst.idx.add.f32.msk $0xffff, v16  }
0x72: {  	v6 =	vmul.f32 v6, v27;
	[tilespmem:v33+s24+$0x0] =	vst.idx.add.f32.msk $0xffff, v2;
	v2 =	vand.u32 $0xFFFF0000, v21  }
0x73: {  	[tilespmem:v3+s23+$0x0] =	vst.idx.add.f32.msk $0xffff, v1;
	v1 =	vand.u32 $0x3FFF, v7;
	v7 =	vshll.u32 v22, $0x10;
	v54 =	vmul.f32 v2, v28  }
0x74: {  	[tilespmem:v3+s24+$0x0] =	vst.idx.add.f32.msk $0xffff, v6;
	v6 =	vand.u32 $0xFFFF0000, v22;
	v7 =	vmul.f32 v7, v30  }
0x75: {  	v2 =	vand.u32 $0x3FFF, v10;
	v10 =	vshll.u32 v23, $0x10;
	v6 =	vmul.f32 v6, v30;
	[tilespmem:v4+s24+$0x0] =	vst.idx.add.f32.msk $0xffff, v54  }
0x76: {  	v10 =	vmul.f32 v10, v31;
	[tilespmem:v5+s23+$0x0] =	vst.idx.add.f32.msk $0xffff, v7  }
0x77: {  	v7 =	vshll.u32 v26, $0x10;
	[tilespmem:v5+s24+$0x0] =	vst.idx.add.f32.msk $0xffff, v6  }
0x78: {  	v6 =	vmul.f32 v7, v34;
	[tilespmem:v1+s23+$0x0] =	vst.idx.add.f32.msk $0xffff, v10  }
0x79: {  	v7 =	vand.u32 $0xFFFF0000, v26;
	v10 =	vld.idx.msk [tilespmem:v12+s17+$0x0], $0xffff  }
0x7a: {  	v7 =	vmul.f32 v7, v34;
	[tilespmem:v2+s23+$0x0] =	vst.idx.add.f32.msk $0xffff, v6  }
0x7b: {  	v55 =	vand.u32 $0xFFFF0000, v23;
	v6 =	vld.idx.msk [tilespmem:v17+s17+$0x0], $0xffff  }
0x7c: {  	v16 =	vmul.f32 v55, v31;
	[tilespmem:v2+s24+$0x0] =	vst.idx.add.f32.msk $0xffff, v7  }
0x7d: {  	v7 =	vld.idx.msk [tilespmem:v8+s17+$0x0], $0xffff  }
0x7e: {  	[tilespmem:v1+s24+$0x0] =	vst.idx.add.f32.msk $0xffff, v16  }
0x7f: {  	v8 =	vld.idx.msk [tilespmem:v11+s17+$0x0], $0xffff  }
0x80: {  	v11 =	vld.idx.msk [tilespmem:v13+s17+$0x0], $0xffff;
	v56 =	vshll.u32 v6, $0x10  }
0x81: {  	v57 =	vld.idx.msk [tilespmem:v15+s17+$0x0], $0xffff;
	v6 =	vand.u32 $0xFFFF0000, v6;
	v12 =	vmul.f32 v56, v49  }
0x82: {  	v58 =	vld.idx.msk [tilespmem:v19+s17+$0x0], $0xffff;
	v59 =	vshll.u32 v7, $0x10;
	v6 =	vmul.f32 v6, v49  }
0x83: {  	v7 =	vand.u32 $0xFFFF0000, v7;
	v60 =	vmul.f32 v59, v50;
	[tilespmem:v9+s25+$0x0] =	vst.idx.add.f32.msk $0xffff, v12  }
0x84: {  	v61 =	vshll.u32 v8, $0x10;
	[tilespmem:v9+s26+$0x0] =	vst.idx.add.f32.msk $0xffff, v6;
	v6 =	vmul.f32 v7, v50  }
0x85: {  	v7 =	vand.u32 $0xFFFF0000, v8;
	[tilespmem:v33+s25+$0x0] =	vst.idx.add.f32.msk $0xffff, v60;
	v8 =	vmul.f32 v61, v27  }
0x86: {  	v9 =	vshll.u32 v10, $0x10;
	[tilespmem:v33+s26+$0x0] =	vst.idx.add.f32.msk $0xffff, v6;
	v6 =	vmul.f32 v7, v27  }
0x87: {  	v7 =	vand.u32 $0xFFFF0000, v10;
	[tilespmem:v3+s25+$0x0] =	vst.idx.add.f32.msk $0xffff, v8;
	v8 =	vmul.f32 v9, v28  }
0x88: {  	v9 =	vshll.u32 v11, $0x10;
	v7 =	vmul.f32 v7, v28;
	[tilespmem:v3+s26+$0x0] =	vst.idx.add.f32.msk $0xffff, v6  }
0x89: {  	v62 =	vshll.u32 v58, $0x10;
	v3 =	vand.u32 $0xFFFF0000, v11;
	v11 =	vmul.f32 v9, v30;
	[tilespmem:v4+s25+$0x0] =	vst.idx.add.f32.msk $0xffff, v8  }
0x8a: {  	v6 =	vshll.u32 v57, $0x10;
	v8 =	vand.u32 $0xFFFF0000, v57;
	v63 =	vmul.f32 v3, v30;
	[tilespmem:v4+s26+$0x0] =	vst.idx.add.f32.msk $0xffff, v7  }
0x8b: {  	v3 =	vand.u32 $0xFFFF0000, v58;
	v10 =	vmul.f32 v6, v31;
	v9 =	vmul.f32 v8, v31;
	[tilespmem:v5+s25+$0x0] =	vst.idx.add.f32.msk $0xffff, v11  }
0x8c: {  	s2 =	simm.s32 $0xEDC0;
	s0 =	simm.s32 $0x0;
	v4 =	vmul.f32 v62, v34;
	v3 =	vmul.f32 v3, v34;
	[tilespmem:v5+s26+$0x0] =	vst.idx.add.f32.msk $0xffff, v63  }
.LBB2_5:
0x8d: {  	v13 =	vld [tilespmem:s2+$0x30]  }
0x8e: {  	v5 =	vld [tilespmem:s2+$0xFFFFFFD0]  }
0x8f: {  	s0 =	sadd.s32 $0x8, s0;
	v6 =	vld [tilespmem:s2+$0xFFFFFFE0]  }
0x90: {  	p0 =	slt.u32 s0, $0xC0;
	v14 =	vld [tilespmem:s2+$0xFFFFFFF0]  }
0x91: {  	v15 =	vld [tilespmem:s2+$0x0]  }
0x92: {  	v16 =	vld [tilespmem:s2+$0x10];
	v17 =	vshrl.u32 v13, $0xE  }
0x93: {  	v11 =	vshrl.u32 v5, $0xE;
	v8 =	vand.u32 $0x3FFF, v5;
	v18 =	vld [tilespmem:s2+$0x20]  }
0x94: {  	v19 =	vld [tilespmem:s2+$0xFFFFFFC0];
	v12 =	vshrl.u32 v6, $0xE;
	v7 =	vand.u32 $0x3FFF, v6  }
0x95: {  	v20 =	vshrl.u32 v14, $0xE;
	v6 =	vand.u32 $0x3FFF, v14;
	[tilespmem:v1+s25+$0x0] =	vst.idx.add.f32.msk $0xffff, v10  }
0x96: {  	v14 =	vshrl.u32 v15, $0xE;
	v5 =	vand.u32 $0x3FFF, v15;
	[tilespmem:v1+s26+$0x0] =	vst.idx.add.f32.msk $0xffff, v9  }
0x97: {  	v15 =	vshrl.u32 v16, $0xE;
	v1 =	vand.u32 $0x3FFF, v16;
	v16 =	vld.idx.msk [tilespmem:v17+s3+$0x0], $0xffff  }
0x98: {  	s31 =	sadd.s32 $0x80, s31;
	v21 =	vld.idx.msk [tilespmem:v11+s3+$0x0], $0xffff;
	v22 =	vshrl.u32 v18, $0xE;
	v10 =	vand.u32 $0x3FFF, v18  }
0x99: {  	v18 =	vshrl.u32 v19, $0xE;
	v9 =	vand.u32 $0x3FFF, v19;
	v19 =	vld [tilespmem:s31+$0x30]  }
0x9a: {  	v23 =	vld.idx.msk [tilespmem:v12+s3+$0x0], $0xffff  }
0x9b: {  	v13 =	vand.u32 $0x3FFF, v13;
	v24 =	vld.idx.msk [tilespmem:v20+s3+$0x0], $0xffff  }
0x9c: {  	v25 =	vld.idx.msk [tilespmem:v14+s3+$0x0], $0xffff  }
0x9d: {  	v27 =	vshll.u32 v16, $0x10;
	v26 =	vld.idx.msk [tilespmem:v15+s3+$0x0], $0xffff  }
0x9e: {  	v16 =	vand.u32 $0xFFFF0000, v16;
	v29 =	vshll.u32 v21, $0x10;
	v28 =	vld.idx.msk [tilespmem:v18+s3+$0x0], $0xffff;
	v27 =	vmul.f32 v27, v19  }
0x9f: {  	v21 =	vand.u32 $0xFFFF0000, v21;
	v16 =	vmul.f32 v16, v19;
	v30 =	vld.idx.msk [tilespmem:v22+s3+$0x0], $0xffff  }
0xa0: {  	v31 =	vshll.u32 v23, $0x10;
	v23 =	vand.u32 $0xFFFF0000, v23;
	[tilespmem:v13+s23+$0x0] =	vst.idx.add.f32.msk $0xffff, v27  }
0xa1: {  	v27 =	vshll.u32 v24, $0x10;
	v24 =	vand.u32 $0xFFFF0000, v24;
	[tilespmem:v13+s24+$0x0] =	vst.idx.add.f32.msk $0xffff, v16  }
0xa2: {  	v16 =	vshll.u32 v25, $0x10;
	v25 =	vand.u32 $0xFFFF0000, v25;
	v17 =	vld.idx.msk [tilespmem:v17+s17+$0x0], $0xffff  }
0xa3: {  	v33 =	vshll.u32 v26, $0x10;
	v26 =	vand.u32 $0xFFFF0000, v26;
	v32 =	vld [tilespmem:s31+$0xFFFFFFC0]  }
0xa4: {  	v34 =	vshll.u32 v28, $0x10;
	v28 =	vand.u32 $0xFFFF0000, v28;
	v35 =	vld [tilespmem:s31+$0xFFFFFFD0]  }
0xa5: {  	v37 =	vshll.u32 v30, $0x10;
	v30 =	vand.u32 $0xFFFF0000, v30;
	v36 =	vld [tilespmem:s31+$0xFFFFFFE0]  }
0xa6: {  	v38 =	vld [tilespmem:s31+$0xFFFFFFF0]  }
0xa7: {  	v39 =	vld [tilespmem:s31+$0x0]  }
0xa8: {  	v41 =	vshll.u32 v17, $0x10;
	v34 =	vmul.f32 v34, v32;
	v28 =	vmul.f32 v28, v32;
	v40 =	vld [tilespmem:s31+$0x10]  }
0xa9: {  	v17 =	vand.u32 $0xFFFF0000, v17;
	v41 =	vmul.f32 v41, v19;
	v29 =	vmul.f32 v29, v35;
	v42 =	vld [tilespmem:s31+$0x20]  }
0xaa: {  	v17 =	vmul.f32 v17, v19;
	v21 =	vmul.f32 v21, v35;
	[tilespmem:v9+s23+$0x0] =	vst.idx.add.f32.msk $0xffff, v34  }
0xab: {  	v19 =	vmul.f32 v31, v36;
	v23 =	vmul.f32 v23, v36;
	[tilespmem:v13+s25+$0x0] =	vst.idx.add.f32.msk $0xffff, v41  }
0xac: {  	v27 =	vmul.f32 v27, v38;
	v24 =	vmul.f32 v24, v38;
	[tilespmem:v13+s26+$0x0] =	vst.idx.add.f32.msk $0xffff, v17  }
0xad: {  	v13 =	vmul.f32 v16, v39;
	v16 =	vmul.f32 v25, v39;
	[tilespmem:v9+s24+$0x0] =	vst.idx.add.f32.msk $0xffff, v28  }
0xae: {  	v17 =	vmul.f32 v33, v40;
	v25 =	vmul.f32 v26, v40;
	[tilespmem:v8+s23+$0x0] =	vst.idx.add.f32.msk $0xffff, v29  }
0xaf: {  	v26 =	vmul.f32 v30, v42;
	[tilespmem:v8+s24+$0x0] =	vst.idx.add.f32.msk $0xffff, v21;
	v21 =	vmul.f32 v37, v42  }
0xb0: {  	[tilespmem:v7+s23+$0x0] =	vst.idx.add.f32.msk $0xffff, v19  }
0xb1: {  	[tilespmem:v7+s24+$0x0] =	vst.idx.add.f32.msk $0xffff, v23  }
0xb2: {  	[tilespmem:v6+s23+$0x0] =	vst.idx.add.f32.msk $0xffff, v27  }
0xb3: {  	[tilespmem:v6+s24+$0x0] =	vst.idx.add.f32.msk $0xffff, v24  }
0xb4: {  	[tilespmem:v5+s23+$0x0] =	vst.idx.add.f32.msk $0xffff, v13  }
0xb5: {  	[tilespmem:v5+s24+$0x0] =	vst.idx.add.f32.msk $0xffff, v16  }
0xb6: {  	[tilespmem:v1+s23+$0x0] =	vst.idx.add.f32.msk $0xffff, v17  }
0xb7: {  	[tilespmem:v1+s24+$0x0] =	vst.idx.add.f32.msk $0xffff, v25  }
0xb8: {  	[tilespmem:v10+s23+$0x0] =	vst.idx.add.f32.msk $0xffff, v21  }
0xb9: {  	[tilespmem:v10+s24+$0x0] =	vst.idx.add.f32.msk $0xffff, v26  }
0xba: {  	v13 =	vld.idx.msk [tilespmem:v18+s17+$0x0], $0xffff  }
0xbb: {  	v11 =	vld.idx.msk [tilespmem:v11+s17+$0x0], $0xffff  }
0xbc: {  	v12 =	vld.idx.msk [tilespmem:v12+s17+$0x0], $0xffff  }
0xbd: {  	v16 =	vld.idx.msk [tilespmem:v20+s17+$0x0], $0xffff  }
0xbe: {  	v14 =	vld.idx.msk [tilespmem:v14+s17+$0x0], $0xffff  }
0xbf: {  	v15 =	vld.idx.msk [tilespmem:v15+s17+$0x0], $0xffff  }
0xc0: {  	v17 =	vshll.u32 v13, $0x10;
	v13 =	vand.u32 $0xFFFF0000, v13;
	v18 =	vld.idx.msk [tilespmem:v22+s17+$0x0], $0xffff  }
0xc1: {  	v17 =	vmul.f32 v17, v32;
	v19 =	vshll.u32 v11, $0x10;
	v11 =	vand.u32 $0xFFFF0000, v11;
	[tilespmem:v2+s25+$0x0] =	vst.idx.add.f32.msk $0xffff, v4  }
0xc2: {  	v4 =	vmul.f32 v13, v32;
	v13 =	vshll.u32 v12, $0x10;
	v12 =	vand.u32 $0xFFFF0000, v12;
	[tilespmem:v2+s26+$0x0] =	vst.idx.add.f32.msk $0xffff, v3;
	v2 =	vmovc v10  }
0xc3: {  	v3 =	vmul.f32 v19, v35;
	v10 =	vshll.u32 v16, $0x10;
	v16 =	vand.u32 $0xFFFF0000, v16;
	[tilespmem:v9+s25+$0x0] =	vst.idx.add.f32.msk $0xffff, v17  }
0xc4: {  	[tilespmem:v9+s26+$0x0] =	vst.idx.add.f32.msk $0xffff, v4;
	v4 =	vmul.f32 v11, v35;
	v9 =	vshll.u32 v14, $0x10;
	v11 =	vand.u32 $0xFFFF0000, v14  }
0xc5: {  	v14 =	vand.u32 $0xFFFF0000, v15;
	[tilespmem:v8+s25+$0x0] =	vst.idx.add.f32.msk $0xffff, v3;
	v3 =	vmul.f32 v13, v36;
	v13 =	vshll.u32 v15, $0x10  }
0xc6: {  	[tilespmem:v8+s26+$0x0] =	vst.idx.add.f32.msk $0xffff, v4;
	v4 =	vmul.f32 v12, v36;
	v8 =	vshll.u32 v18, $0x10;
	v12 =	vand.u32 $0xFFFF0000, v18  }
0xc7: {  	v15 =	vmul.f32 v16, v38;
	[tilespmem:v7+s25+$0x0] =	vst.idx.add.f32.msk $0xffff, v3;
	v3 =	vmul.f32 v10, v38  }
.Ltmp1:
0xc8: {  	v11 =	vmul.f32 v11, v39;
	[tilespmem:v7+s26+$0x0] =	vst.idx.add.f32.msk $0xffff, v4;
	v7 =	vmul.f32 v9, v39;
	(pc) =	sbr.rel @p0 .LBB2_5-.Ltmp1, $4  }
0xc9: {  	v10 =	vmul.f32 v13, v40;
	v9 =	vmul.f32 v14, v40;
	[tilespmem:v6+s25+$0x0] =	vst.idx.add.f32.msk $0xffff, v3  }
0xca: {  	v4 =	vmul.f32 v8, v42;
	v3 =	vmul.f32 v12, v42;
	[tilespmem:v6+s26+$0x0] =	vst.idx.add.f32.msk $0xffff, v15  }
0xcb: {  	[tilespmem:v5+s25+$0x0] =	vst.idx.add.f32.msk $0xffff, v7  }
0xcc: {  	s2 =	sadd.s32 $0x80, s2;
	[tilespmem:v5+s26+$0x0] =	vst.idx.add.f32.msk $0xffff, v11  }
0xcd: {  	_ =	sdelay $0x1  }
0xce: {  	s31 =	sshll.u32 s30, $0x1  }
0xcf: {  	s0 =	sadd.s32 $0x2, s31  }
0xd0: {  	[tilespmem:v1+s25+$0x0] =	vst.idx.add.f32.msk $0xffff, v10;
	s2 =	smul.u32 $0x190, s0  }
0xd1: {  	[tilespmem:v2+s25+$0x0] =	vst.idx.add.f32.msk $0xffff, v4;
	p0 =	seq.s32 s0, $0x64  }
0xd2: {  	[tilespmem:v1+s26+$0x0] =	vst.idx.add.f32.msk $0xffff, v9;
	s2 =	simm.s32 @p0 $0x0  }
0xd3: {  	[tilespmem:v2+s26+$0x0] =	vst.idx.add.f32.msk $0xffff, v3;
	s6 =	sadd.s32 s4, s2  }
0xd4: {  	[tilespmem:s18], [sflag:$0x1] =	stream.linear.gather [hbm4b:s6+s3], $0xC80, $0x38;
	[tilespmem:$0x11F00] =	vst v63  }
0xd5: {  	s7 =	sadd.s32 s1, s2  }
0xd6: {  	[tilespmem:s19], [sflag:$0x1] =	stream.linear.gather [hbm4b:s7+s3], $0xC80, $0x38;
	[tilespmem:$0x11F00] =	vst v63  }
0xd7: {  	_ =	swait.ge [sflag:s28], $0xC80  }
0xd8: {  	[sflag:s28] =	ssyncset.done $0x0  }
0xd9: {  	[sflag:s28] =	ssyncadd.s32 $0xFFFFF380  }
0xda: {  	_ =	swait.ge [sflag:s28], $0xC80  }
0xdb: {  	[sflag:s28] =	ssyncset.done $0x0  }
0xdc: {  	s8 =	simm.s32 $0x10640;
	[sflag:s28] =	ssyncadd.s32 $0xFFFFF380  }
0xdd: {  	v1 =	vld [tilespmem:s8+$0x30]  }
0xde: {  	v2 =	vld [tilespmem:s8+$0xFFFFFFD0]  }
0xdf: {  	v3 =	vld [tilespmem:s8+$0xFFFFFFE0]  }
0xe0: {  	v4 =	vld [tilespmem:s8+$0xFFFFFFF0]  }
0xe1: {  	v5 =	vld [tilespmem:s8+$0x0]  }
0xe2: {  	v7 =	vld [tilespmem:s8+$0x10]  }
0xe3: {  	v9 =	vld [tilespmem:s8+$0xFFFFFFC0]  }
0xe4: {  	s0 =	simm.s32 $0x112C0;
	v10 =	vld [tilespmem:s8+$0x20];
	v6 =	vshrl.u32 v1, $0xE  }
0xe5: {  	v18 =	vld [tilespmem:s0+$0x30]  }
0xe6: {  	v49 =	vld [tilespmem:s0+$0xFFFFFFC0]  }
0xe7: {  	v50 =	vld [tilespmem:s0+$0xFFFFFFD0]  }
0xe8: {  	v27 =	vld [tilespmem:s0+$0xFFFFFFE0]  }
0xe9: {  	v8 =	vshrl.u32 v2, $0xE;
	v14 =	vld.idx.msk [tilespmem:v6+s3+$0x0], $0xffff  }
0xea: {  	v28 =	vld [tilespmem:s0+$0xFFFFFFF0];
	v11 =	vshrl.u32 v3, $0xE  }
0xeb: {  	v30 =	vld [tilespmem:s0+$0x0];
	v17 =	vshrl.u32 v9, $0xE  }
0xec: {  	v31 =	vld [tilespmem:s0+$0x10];
	v1 =	vand.u32 $0x3FFF, v1  }
0xed: {  	v34 =	vld [tilespmem:s0+$0x20]  }
0xee: {  	v16 =	vld.idx.msk [tilespmem:v8+s3+$0x0], $0xffff;
	v24 =	vshll.u32 v14, $0x10  }
0xef: {  	v12 =	vshrl.u32 v4, $0xE;
	v20 =	vld.idx.msk [tilespmem:v11+s3+$0x0], $0xffff;
	v14 =	vand.u32 $0xFFFF0000, v14;
	v24 =	vmul.f32 v24, v18  }
0xf0: {  	v13 =	vshrl.u32 v5, $0xE;
	v25 =	vld.idx.msk [tilespmem:v17+s3+$0x0], $0xffff;
	v14 =	vmul.f32 v14, v18  }
0xf1: {  	v15 =	vshrl.u32 v7, $0xE;
	[tilespmem:v1+s23+$0x0] =	vst.idx.add.f32.msk $0xffff, v24  }
0xf2: {  	v19 =	vshrl.u32 v10, $0xE;
	[tilespmem:v1+s24+$0x0] =	vst.idx.add.f32.msk $0xffff, v14  }
0xf3: {  	v9 =	vand.u32 $0x3FFF, v9;
	v6 =	vld.idx.msk [tilespmem:v6+s17+$0x0], $0xffff  }
0xf4: {  	v33 =	vand.u32 $0x3FFF, v2;
	v21 =	vld.idx.msk [tilespmem:v12+s3+$0x0], $0xffff  }
0xf5: {  	v22 =	vld.idx.msk [tilespmem:v13+s3+$0x0], $0xffff;
	v29 =	vshll.u32 v25, $0x10  }
0xf6: {  	v23 =	vld.idx.msk [tilespmem:v15+s3+$0x0], $0xffff;
	v51 =	vshll.u32 v16, $0x10;
	v29 =	vmul.f32 v29, v49  }
0xf7: {  	v26 =	vld.idx.msk [tilespmem:v19+s3+$0x0], $0xffff;
	v25 =	vand.u32 $0xFFFF0000, v25;
	v52 =	vmul.f32 v51, v50  }
0xf8: {  	v4 =	vand.u32 $0x3FFF, v4;
	v25 =	vmul.f32 v25, v49;
	[tilespmem:v9+s23+$0x0] =	vst.idx.add.f32.msk $0xffff, v29;
	v32 =	vshll.u32 v6, $0x10  }
0xf9: {  	[tilespmem:v33+s23+$0x0] =	vst.idx.add.f32.msk $0xffff, v52;
	v2 =	vand.u32 $0xFFFF0000, v6;
	v6 =	vmul.f32 v32, v18  }
0xfa: {  	v3 =	vand.u32 $0x3FFF, v3;
	v53 =	vshll.u32 v21, $0x10;
	[tilespmem:v9+s24+$0x0] =	vst.idx.add.f32.msk $0xffff, v25;
	v2 =	vmul.f32 v2, v18  }
0xfb: {  	[tilespmem:v1+s25+$0x0] =	vst.idx.add.f32.msk $0xffff, v6;
	v6 =	vand.u32 $0xFFFF0000, v16;
	v16 =	vmul.f32 v53, v28  }
0xfc: {  	[tilespmem:v1+s26+$0x0] =	vst.idx.add.f32.msk $0xffff, v2;
	v1 =	vshll.u32 v20, $0x10;
	v2 =	vmul.f32 v6, v50  }
0xfd: {  	v5 =	vand.u32 $0x3FFF, v5;
	v6 =	vand.u32 $0xFFFF0000, v20;
	v1 =	vmul.f32 v1, v27;
	[tilespmem:v4+s23+$0x0] =	vst.idx.add.f32.msk $0xffff, v16  }
0xfe: {  	v6 =	vmul.f32 v6, v27;
	[tilespmem:v33+s24+$0x0] =	vst.idx.add.f32.msk $0xffff, v2;
	v2 =	vand.u32 $0xFFFF0000, v21  }
0xff: {  	[tilespmem:v3+s23+$0x0] =	vst.idx.add.f32.msk $0xffff, v1;
	v1 =	vand.u32 $0x3FFF, v7;
	v7 =	vshll.u32 v22, $0x10;
	v54 =	vmul.f32 v2, v28  }
0x100: {  	[tilespmem:v3+s24+$0x0] =	vst.idx.add.f32.msk $0xffff, v6;
	v6 =	vand.u32 $0xFFFF0000, v22;
	v7 =	vmul.f32 v7, v30  }
0x101: {  	v2 =	vand.u32 $0x3FFF, v10;
	v10 =	vshll.u32 v23, $0x10;
	v6 =	vmul.f32 v6, v30;
	[tilespmem:v4+s24+$0x0] =	vst.idx.add.f32.msk $0xffff, v54  }
0x102: {  	v10 =	vmul.f32 v10, v31;
	[tilespmem:v5+s23+$0x0] =	vst.idx.add.f32.msk $0xffff, v7  }
0x103: {  	v7 =	vshll.u32 v26, $0x10;
	[tilespmem:v5+s24+$0x0] =	vst.idx.add.f32.msk $0xffff, v6  }
0x104: {  	v6 =	vmul.f32 v7, v34;
	[tilespmem:v1+s23+$0x0] =	vst.idx.add.f32.msk $0xffff, v10  }
0x105: {  	v7 =	vand.u32 $0xFFFF0000, v26;
	v10 =	vld.idx.msk [tilespmem:v12+s17+$0x0], $0xffff  }
0x106: {  	v7 =	vmul.f32 v7, v34;
	[tilespmem:v2+s23+$0x0] =	vst.idx.add.f32.msk $0xffff, v6  }
0x107: {  	v55 =	vand.u32 $0xFFFF0000, v23;
	v6 =	vld.idx.msk [tilespmem:v17+s17+$0x0], $0xffff  }
0x108: {  	v16 =	vmul.f32 v55, v31;
	[tilespmem:v2+s24+$0x0] =	vst.idx.add.f32.msk $0xffff, v7  }
0x109: {  	v7 =	vld.idx.msk [tilespmem:v8+s17+$0x0], $0xffff  }
0x10a: {  	[tilespmem:v1+s24+$0x0] =	vst.idx.add.f32.msk $0xffff, v16  }
0x10b: {  	v8 =	vld.idx.msk [tilespmem:v11+s17+$0x0], $0xffff  }
0x10c: {  	v11 =	vld.idx.msk [tilespmem:v13+s17+$0x0], $0xffff;
	v56 =	vshll.u32 v6, $0x10  }
0x10d: {  	v57 =	vld.idx.msk [tilespmem:v15+s17+$0x0], $0xffff;
	v6 =	vand.u32 $0xFFFF0000, v6;
	v12 =	vmul.f32 v56, v49  }
0x10e: {  	v58 =	vld.idx.msk [tilespmem:v19+s17+$0x0], $0xffff;
	v59 =	vshll.u32 v7, $0x10;
	v6 =	vmul.f32 v6, v49  }
0x10f: {  	v7 =	vand.u32 $0xFFFF0000, v7;
	v60 =	vmul.f32 v59, v50;
	[tilespmem:v9+s25+$0x0] =	vst.idx.add.f32.msk $0xffff, v12  }
0x110: {  	v61 =	vshll.u32 v8, $0x10;
	[tilespmem:v9+s26+$0x0] =	vst.idx.add.f32.msk $0xffff, v6;
	v6 =	vmul.f32 v7, v50  }
0x111: {  	v7 =	vand.u32 $0xFFFF0000, v8;
	[tilespmem:v33+s25+$0x0] =	vst.idx.add.f32.msk $0xffff, v60;
	v8 =	vmul.f32 v61, v27  }
0x112: {  	v9 =	vshll.u32 v10, $0x10;
	[tilespmem:v33+s26+$0x0] =	vst.idx.add.f32.msk $0xffff, v6;
	v6 =	vmul.f32 v7, v27  }
0x113: {  	v7 =	vand.u32 $0xFFFF0000, v10;
	[tilespmem:v3+s25+$0x0] =	vst.idx.add.f32.msk $0xffff, v8;
	v8 =	vmul.f32 v9, v28  }
0x114: {  	v9 =	vshll.u32 v11, $0x10;
	v7 =	vmul.f32 v7, v28;
	[tilespmem:v3+s26+$0x0] =	vst.idx.add.f32.msk $0xffff, v6  }
0x115: {  	v62 =	vshll.u32 v58, $0x10;
	v3 =	vand.u32 $0xFFFF0000, v11;
	v11 =	vmul.f32 v9, v30;
	[tilespmem:v4+s25+$0x0] =	vst.idx.add.f32.msk $0xffff, v8  }
0x116: {  	v6 =	vshll.u32 v57, $0x10;
	v8 =	vand.u32 $0xFFFF0000, v57;
	v63 =	vmul.f32 v3, v30;
	[tilespmem:v4+s26+$0x0] =	vst.idx.add.f32.msk $0xffff, v7  }
0x117: {  	v3 =	vand.u32 $0xFFFF0000, v58;
	v10 =	vmul.f32 v6, v31;
	v9 =	vmul.f32 v8, v31;
	[tilespmem:v5+s25+$0x0] =	vst.idx.add.f32.msk $0xffff, v11  }
0x118: {  	s2 =	simm.s32 $0x0;
	s6 =	simm.s32 $0x106C0;
	v4 =	vmul.f32 v62, v34;
	v3 =	vmul.f32 v3, v34;
	[tilespmem:v5+s26+$0x0] =	vst.idx.add.f32.msk $0xffff, v63  }
.LBB2_7:
0x119: {  	v13 =	vld [tilespmem:s6+$0x30]  }
0x11a: {  	v5 =	vld [tilespmem:s6+$0xFFFFFFD0]  }
0x11b: {  	s2 =	sadd.s32 $0x8, s2;
	v6 =	vld [tilespmem:s6+$0xFFFFFFE0]  }
0x11c: {  	p0 =	slt.u32 s2, $0xC0;
	v14 =	vld [tilespmem:s6+$0xFFFFFFF0]  }
0x11d: {  	v15 =	vld [tilespmem:s6+$0x0]  }
0x11e: {  	v16 =	vld [tilespmem:s6+$0x10];
	v17 =	vshrl.u32 v13, $0xE  }
0x11f: {  	v11 =	vshrl.u32 v5, $0xE;
	v8 =	vand.u32 $0x3FFF, v5;
	v18 =	vld [tilespmem:s6+$0x20]  }
0x120: {  	v19 =	vld [tilespmem:s6+$0xFFFFFFC0];
	v12 =	vshrl.u32 v6, $0xE;
	v7 =	vand.u32 $0x3FFF, v6  }
0x121: {  	v20 =	vshrl.u32 v14, $0xE;
	v6 =	vand.u32 $0x3FFF, v14;
	[tilespmem:v1+s25+$0x0] =	vst.idx.add.f32.msk $0xffff, v10  }
0x122: {  	v14 =	vshrl.u32 v15, $0xE;
	v5 =	vand.u32 $0x3FFF, v15;
	[tilespmem:v1+s26+$0x0] =	vst.idx.add.f32.msk $0xffff, v9  }
0x123: {  	v15 =	vshrl.u32 v16, $0xE;
	v1 =	vand.u32 $0x3FFF, v16;
	v16 =	vld.idx.msk [tilespmem:v17+s3+$0x0], $0xffff  }
0x124: {  	s0 =	sadd.s32 $0x80, s0;
	v21 =	vld.idx.msk [tilespmem:v11+s3+$0x0], $0xffff;
	v22 =	vshrl.u32 v18, $0xE;
	v10 =	vand.u32 $0x3FFF, v18  }
0x125: {  	v18 =	vshrl.u32 v19, $0xE;
	v9 =	vand.u32 $0x3FFF, v19;
	v19 =	vld [tilespmem:s0+$0x30]  }
0x126: {  	v23 =	vld.idx.msk [tilespmem:v12+s3+$0x0], $0xffff  }
0x127: {  	v13 =	vand.u32 $0x3FFF, v13;
	v24 =	vld.idx.msk [tilespmem:v20+s3+$0x0], $0xffff  }
0x128: {  	v25 =	vld.idx.msk [tilespmem:v14+s3+$0x0], $0xffff  }
0x129: {  	v27 =	vshll.u32 v16, $0x10;
	v26 =	vld.idx.msk [tilespmem:v15+s3+$0x0], $0xffff  }
0x12a: {  	v16 =	vand.u32 $0xFFFF0000, v16;
	v29 =	vshll.u32 v21, $0x10;
	v28 =	vld.idx.msk [tilespmem:v18+s3+$0x0], $0xffff;
	v27 =	vmul.f32 v27, v19  }
0x12b: {  	v21 =	vand.u32 $0xFFFF0000, v21;
	v16 =	vmul.f32 v16, v19;
	v30 =	vld.idx.msk [tilespmem:v22+s3+$0x0], $0xffff  }
0x12c: {  	v31 =	vshll.u32 v23, $0x10;
	v23 =	vand.u32 $0xFFFF0000, v23;
	[tilespmem:v13+s23+$0x0] =	vst.idx.add.f32.msk $0xffff, v27  }
0x12d: {  	v27 =	vshll.u32 v24, $0x10;
	v24 =	vand.u32 $0xFFFF0000, v24;
	[tilespmem:v13+s24+$0x0] =	vst.idx.add.f32.msk $0xffff, v16  }
0x12e: {  	v16 =	vshll.u32 v25, $0x10;
	v25 =	vand.u32 $0xFFFF0000, v25;
	v17 =	vld.idx.msk [tilespmem:v17+s17+$0x0], $0xffff  }
0x12f: {  	v33 =	vshll.u32 v26, $0x10;
	v26 =	vand.u32 $0xFFFF0000, v26;
	v32 =	vld [tilespmem:s0+$0xFFFFFFC0]  }
0x130: {  	v34 =	vshll.u32 v28, $0x10;
	v28 =	vand.u32 $0xFFFF0000, v28;
	v35 =	vld [tilespmem:s0+$0xFFFFFFD0]  }
0x131: {  	v37 =	vshll.u32 v30, $0x10;
	v30 =	vand.u32 $0xFFFF0000, v30;
	v36 =	vld [tilespmem:s0+$0xFFFFFFE0]  }
0x132: {  	v38 =	vld [tilespmem:s0+$0xFFFFFFF0]  }
0x133: {  	v39 =	vld [tilespmem:s0+$0x0]  }
0x134: {  	v41 =	vshll.u32 v17, $0x10;
	v34 =	vmul.f32 v34, v32;
	v28 =	vmul.f32 v28, v32;
	v40 =	vld [tilespmem:s0+$0x10]  }
0x135: {  	v17 =	vand.u32 $0xFFFF0000, v17;
	v41 =	vmul.f32 v41, v19;
	v29 =	vmul.f32 v29, v35;
	v42 =	vld [tilespmem:s0+$0x20]  }
0x136: {  	v17 =	vmul.f32 v17, v19;
	v21 =	vmul.f32 v21, v35;
	[tilespmem:v9+s23+$0x0] =	vst.idx.add.f32.msk $0xffff, v34  }
0x137: {  	v19 =	vmul.f32 v31, v36;
	v23 =	vmul.f32 v23, v36;
	[tilespmem:v13+s25+$0x0] =	vst.idx.add.f32.msk $0xffff, v41  }
0x138: {  	v27 =	vmul.f32 v27, v38;
	v24 =	vmul.f32 v24, v38;
	[tilespmem:v13+s26+$0x0] =	vst.idx.add.f32.msk $0xffff, v17  }
0x139: {  	v13 =	vmul.f32 v16, v39;
	v16 =	vmul.f32 v25, v39;
	[tilespmem:v9+s24+$0x0] =	vst.idx.add.f32.msk $0xffff, v28  }
0x13a: {  	v17 =	vmul.f32 v33, v40;
	v25 =	vmul.f32 v26, v40;
	[tilespmem:v8+s23+$0x0] =	vst.idx.add.f32.msk $0xffff, v29  }
0x13b: {  	v26 =	vmul.f32 v30, v42;
	[tilespmem:v8+s24+$0x0] =	vst.idx.add.f32.msk $0xffff, v21;
	v21 =	vmul.f32 v37, v42  }
0x13c: {  	[tilespmem:v7+s23+$0x0] =	vst.idx.add.f32.msk $0xffff, v19  }
0x13d: {  	[tilespmem:v7+s24+$0x0] =	vst.idx.add.f32.msk $0xffff, v23  }
0x13e: {  	[tilespmem:v6+s23+$0x0] =	vst.idx.add.f32.msk $0xffff, v27  }
0x13f: {  	[tilespmem:v6+s24+$0x0] =	vst.idx.add.f32.msk $0xffff, v24  }
0x140: {  	[tilespmem:v5+s23+$0x0] =	vst.idx.add.f32.msk $0xffff, v13  }
0x141: {  	[tilespmem:v5+s24+$0x0] =	vst.idx.add.f32.msk $0xffff, v16  }
0x142: {  	[tilespmem:v1+s23+$0x0] =	vst.idx.add.f32.msk $0xffff, v17  }
0x143: {  	[tilespmem:v1+s24+$0x0] =	vst.idx.add.f32.msk $0xffff, v25  }
0x144: {  	[tilespmem:v10+s23+$0x0] =	vst.idx.add.f32.msk $0xffff, v21  }
0x145: {  	[tilespmem:v10+s24+$0x0] =	vst.idx.add.f32.msk $0xffff, v26  }
0x146: {  	v13 =	vld.idx.msk [tilespmem:v18+s17+$0x0], $0xffff  }
0x147: {  	v11 =	vld.idx.msk [tilespmem:v11+s17+$0x0], $0xffff  }
0x148: {  	v12 =	vld.idx.msk [tilespmem:v12+s17+$0x0], $0xffff  }
0x149: {  	v16 =	vld.idx.msk [tilespmem:v20+s17+$0x0], $0xffff  }
0x14a: {  	v14 =	vld.idx.msk [tilespmem:v14+s17+$0x0], $0xffff  }
0x14b: {  	v15 =	vld.idx.msk [tilespmem:v15+s17+$0x0], $0xffff  }
0x14c: {  	v17 =	vshll.u32 v13, $0x10;
	v13 =	vand.u32 $0xFFFF0000, v13;
	v18 =	vld.idx.msk [tilespmem:v22+s17+$0x0], $0xffff  }
0x14d: {  	v17 =	vmul.f32 v17, v32;
	v19 =	vshll.u32 v11, $0x10;
	v11 =	vand.u32 $0xFFFF0000, v11;
	[tilespmem:v2+s25+$0x0] =	vst.idx.add.f32.msk $0xffff, v4  }
0x14e: {  	v4 =	vmul.f32 v13, v32;
	v13 =	vshll.u32 v12, $0x10;
	v12 =	vand.u32 $0xFFFF0000, v12;
	[tilespmem:v2+s26+$0x0] =	vst.idx.add.f32.msk $0xffff, v3;
	v2 =	vmovc v10  }
0x14f: {  	v3 =	vmul.f32 v19, v35;
	v10 =	vshll.u32 v16, $0x10;
	v16 =	vand.u32 $0xFFFF0000, v16;
	[tilespmem:v9+s25+$0x0] =	vst.idx.add.f32.msk $0xffff, v17  }
0x150: {  	[tilespmem:v9+s26+$0x0] =	vst.idx.add.f32.msk $0xffff, v4;
	v4 =	vmul.f32 v11, v35;
	v9 =	vshll.u32 v14, $0x10;
	v11 =	vand.u32 $0xFFFF0000, v14  }
0x151: {  	v14 =	vand.u32 $0xFFFF0000, v15;
	[tilespmem:v8+s25+$0x0] =	vst.idx.add.f32.msk $0xffff, v3;
	v3 =	vmul.f32 v13, v36;
	v13 =	vshll.u32 v15, $0x10  }
0x152: {  	[tilespmem:v8+s26+$0x0] =	vst.idx.add.f32.msk $0xffff, v4;
	v4 =	vmul.f32 v12, v36;
	v8 =	vshll.u32 v18, $0x10;
	v12 =	vand.u32 $0xFFFF0000, v18  }
0x153: {  	v15 =	vmul.f32 v16, v38;
	[tilespmem:v7+s25+$0x0] =	vst.idx.add.f32.msk $0xffff, v3;
	v3 =	vmul.f32 v10, v38  }
.Ltmp2:
0x154: {  	v11 =	vmul.f32 v11, v39;
	[tilespmem:v7+s26+$0x0] =	vst.idx.add.f32.msk $0xffff, v4;
	v7 =	vmul.f32 v9, v39;
	(pc) =	sbr.rel @p0 .LBB2_7-.Ltmp2, $4  }
0x155: {  	v10 =	vmul.f32 v13, v40;
	v9 =	vmul.f32 v14, v40;
	[tilespmem:v6+s25+$0x0] =	vst.idx.add.f32.msk $0xffff, v3  }
0x156: {  	v4 =	vmul.f32 v8, v42;
	v3 =	vmul.f32 v12, v42;
	[tilespmem:v6+s26+$0x0] =	vst.idx.add.f32.msk $0xffff, v15  }
0x157: {  	[tilespmem:v5+s25+$0x0] =	vst.idx.add.f32.msk $0xffff, v7  }
0x158: {  	s6 =	sadd.s32 $0x80, s6;
	[tilespmem:v5+s26+$0x0] =	vst.idx.add.f32.msk $0xffff, v11  }
0x159: {  	s0 =	sadd.s32 $0x3, s31  }
0x15a: {  	s2 =	smulhi.u32 $0x51EB851F, s0;
	_ =	sdelay $0x1  }
0x15b: {  	s2 =	sshrl.u32 s2, $0x5  }
0x15c: {  	s2 =	smul.u32 $0x64, s2;
	_ =	sdelay $0x1  }
0x15d: {  	[tilespmem:v1+s25+$0x0] =	vst.idx.add.f32.msk $0xffff, v10;
	s30 =	sadd.s32 $0x1, s30;
	s0 =	ssub.s32 s0, s2  }
0x15e: {  	[tilespmem:v2+s25+$0x0] =	vst.idx.add.f32.msk $0xffff, v4;
	p0 =	sne.s32 s30, $0x32;
	s0 =	smul.u32 $0x190, s0  }
.Ltmp3:
0x15f: {  	[tilespmem:v1+s26+$0x0] =	vst.idx.add.f32.msk $0xffff, v9;
	(pc) =	sbr.rel @p0 .LBB2_4-.Ltmp3, $4  }
0x160: {  	[tilespmem:v2+s26+$0x0] =	vst.idx.add.f32.msk $0xffff, v3;
	s31 =	sadd.s32 s4, s0  }
0x161: {  	[tilespmem:s20], [sflag:$0x2] =	stream.linear.gather [hbm4b:s31+s3], $0xC80, $0x38;
	[tilespmem:$0x11F00] =	vst v63  }
0x162: {  	s0 =	sadd.s32 s1, s0  }
0x163: {  	[tilespmem:s21], [sflag:$0x2] =	stream.linear.gather [hbm4b:s0+s3], $0xC80, $0x38;
	[tilespmem:$0x11F00] =	vst v63  }
0x164: {  	_ =	swait.ge [sflag:s22], $0xC80  }
0x165: {  	[sflag:s22] =	ssyncset.done $0x0  }
0x166: {  	[sflag:s22] =	ssyncadd.s32 $0xFFFFF380  }
0x167: {  	_ =	swait.ge [sflag:s22], $0xC80  }
0x168: {  	[sflag:s22] =	ssyncset.done $0x0  }
0x169: {  	[sflag:s22] =	ssyncadd.s32 $0xFFFFF380  }
0x16a: {  	_ =	swait.ge [sflag:s28], $0xC80  }
0x16b: {  	[sflag:s28] =	ssyncset.done $0x0  }
0x16c: {  	[sflag:s28] =	ssyncadd.s32 $0xFFFFF380  }
0x16d: {  	_ =	swait.ge [sflag:s28], $0xC80  }
0x16e: {  	[sflag:s28] =	ssyncset.done $0x0  }
0x16f: {  	[sflag:s28] =	ssyncadd.s32 $0xFFFFF380  }
0x170: {  	[hbm4b:s9+s14] =	stream.strided.scatter [tilespmem:s23], [sflag:$0x3], $0x2780, s15, s14, $0x38;
	[tilespmem:$0x11F00] =	vst v63  }
0x171: {  	_ =	swait.ge [sflag:s16], $0x2780  }
0x172: {  	[sflag:s16] =	ssyncset.done $0x0  }
0x173: {  	[sflag:s16] =	ssyncadd.s32 $0xFFFFD880  }
0x174: {  	[hbm4b:s10+s14] =	stream.strided.scatter [tilespmem:s24], [sflag:$0x3], $0x2780, s15, s14, $0x38;
	[tilespmem:$0x11F00] =	vst v63  }
0x175: {  	_ =	swait.ge [sflag:s16], $0x2780  }
0x176: {  	[sflag:s16] =	ssyncset.done $0x0  }
0x177: {  	[sflag:s16] =	ssyncadd.s32 $0xFFFFD880  }
0x178: {  	[hbm4b:s11+s14] =	stream.strided.scatter [tilespmem:s25], [sflag:$0x3], $0x2780, s15, s14, $0x38;
	[tilespmem:$0x11F00] =	vst v63  }
0x179: {  	s29 =	sadd.s32 $0x1, s29;
	_ =	swait.ge [sflag:s16], $0x2780  }
0x17a: {  	p0 =	sne.s32 s29, s13;
	[sflag:s16] =	ssyncset.done $0x0  }
.Ltmp4:
0x17b: {  	[sflag:s16] =	ssyncadd.s32 $0xFFFFD880;
	(pc) =	sbr.rel @p0 .LBB2_1-.Ltmp4, $4  }
0x17c: {  	[hbm4b:s12+s14] =	stream.strided.scatter [tilespmem:s26], [sflag:$0x3], $0x2780, s15, s14, $0x38;
	[tilespmem:$0x11F00] =	vst v63  }
0x17d: {  	_ =	swait.ge [sflag:s16], $0x2780  }
0x17e: {  	[sflag:s16] =	ssyncset.done $0x0  }
0x17f: {  	[sflag:s16] =	ssyncadd.s32 $0xFFFFD880  }
0x180: {  	_ =	sfence.sel $0x180000  }
0x181: {  	[bflag:$0x0] =	sbarrier.arrive $0xFFFF  }
0x182: {  	_ =	strace $0x9000004D  }
0x183: {  	s0 =	stileid.u32;
	[bflag:$0x2] =	sbarrier.arrive $0xFFFF  }
0x184: {  	p0 =	sne.s32 s0, $0x0;
	s0 =	rddreg [dreg:$0x3]  }
0x185: {  	s0 =	sadd.s32 @!p0 $0x100000, s0  }
0x186: {  	[sflag:s0] =	ssyncadd.tile.s32 @!p0 $0x1;
	_ =	shalt  }
.Lfunc_end2:
_tile_overlayer_lowered:
.L_overlay_start_2:
0x187: {  	(tag) =	ssettag $0x2  }
0x188: {  	s0 =	rddreg [dreg:$0x0];
	s2 =	stileid.u32  }
0x189: {  	s1 =	rddreg [dreg:$0x1];
	p0 =	sne.s32 s2, $0x0  }
0x18a: {  	s3 =	rddreg [dreg:$0x2];
	[bflag:$0x3] =	sbarrier.arrive $0xFFFF;
	s2 =	simm.s32 @!p0 $0x1C03  }
0x18b: {  	[timem:s3], [sflag:s2] =	dma.local @!p0 [hbm:s0], s1  }
0x18c: {  	s0 =	simm.s32 @!p0 $0x3  }
0x18d: {  	_ =	swait.ge @!p0 [sflag:s0], s1  }
0x18e: {  	s1 =	ssub.s32 @!p0 $0x0, s1;
	[sflag:s0] =	ssyncset.done @!p0 $0x0  }
0x18f: {  	[sflag:s0] =	ssyncadd.s32 @!p0 s1  }
0x190: {  	[bflag:$0x3] =	sbarrier.arrive $0xFFFF  }
0x191: {  	_ =	shalt  }

// kernel: kernel.8.cloned.1.call-start
scs
__scs_entry_jumppad:
0x0: {  	(pc) =	sbr.rel $0x88, $3  }
0x1: {  	(tag) =	ssettag $0x0;
	lr =	simm.s32 $0x1  }
0x2: {  	[smem:$0x3F9A] =	sst lr;
	_ =	strace $0xD0000000  }
0x3: {  	_ = 	snop  }
0x4: {  	_ = 	snop  }
0x5: {  	_ = 	snop  }
0x6: {  	_ = 	snop  }
0x7: {  	_ = 	snop  }
__scs_overlays_trampoline_lowered:
0x8: {  	[smem:$0x3FA9] =	sst s0  }
0x9: {  	[smem:$0x3FAA] =	sst s1  }
0xa: {  	[smem:$0x3FAB] =	sst s2  }
0xb: {  	[smem:$0x3FAC] =	sst s3  }
0xc: {  	[smem:$0x3FAD] =	sst s4  }
0xd: {  	[smem:$0x3FAE] =	sst s5  }
0xe: {  	[smem:$0x3FAF] =	sst s6  }
0xf: {  	[smem:$0x3FB0] =	sst s7  }
0x10: {  	[smem:$0x3FB1] =	sst s8  }
0x11: {  	[smem:$0x3FB2] =	sst s9;
	s0 =	simm.s32 @!p0 $0x0  }
0x12: {  	s1 =	sld [smem:$0x3F98];
	s0 =	simm.s32 @p0 $0x1  }
0x13: {  	[smem:$0x3FB3] =	sst s0;
	s0 =	simm.s32 @!p1 $0x0  }
0x14: {  	s2 =	sld [smem:$0x3F97];
	s0 =	simm.s32 @p1 $0x1  }
0x15: {  	[smem:$0x3FB4] =	sst s0;
	s0 =	simm.s32 @!p2 $0x0  }
0x16: {  	s3 =	sld [smem:$0x3FDB];
	s0 =	simm.s32 @p2 $0x1  }
0x17: {  	s4 =	simm.s32 $0x1BF5;
	[smem:$0x3FB6] =	sst s0  }
0x18: {  	s0 =	sld [smem:$0x3F99];
	_ =	swait.ge [sflag:s4], $0x0  }
0x19: {  	s7 =	sld [smem:$0x3F9A]  }
0x1a: {  	s8 =	sadd.s32 $0xFFFFE003, lr  }
0x1b: {  	s9 =	sadd.s32 $0xFFFFFEF7, lr;
	s5 =	simm.s32 $0xFFFFFFFF;
	p2 =	slt.u32 s8, $0xFFFFF086  }
0x1c: {  	p1 =	slt.u32 s9, $0xF7A;
	s5 =	simm.s32 @!p2 $0x0  }
0x1d: {  	s5 =	simm.s32 @p1 $0x1;
	p0 =	seq.s32 s7, s2  }
0x1e: {  	s7 =	smul.u32 @!p0 $0xF7A, s2;
	p2 =	seq.s32 @!p0 s5, $0x0  }
0x1f: {  	s9 =	smul.u32 $0xF7A, s1;
	s8 =	simm.s32 @!p0 $0x1BF5;
	p2 =	por !p2, p0  }
0x20: {  	[sflag:s8] =	ssyncset.s32 @!p0 $0xFFFFF086;
	s6 =	sadd.s32 @!p0 s3, s7;
	s7 =	simm.s32 @!p0 $0x108  }
0x21: {  	s3 =	sadd.s32 s3, s9;
	s6 =	sadd.s32 @!p0 $0x88, s6;
	s7 =	simm.s32 @p2 $0x1082  }
0x22: {  	[simem:s7], [sflag:s8] =	dma.local @!p0 [hbm:s6], $0xF7A  }
0x23: {  	s9 =	sor.u32 $0xD0000000, s2;
	s6 =	simm.s32 $0x108;
	_ =	swait.ge @!p0 [sflag:s8], $0x0  }
0x24: {  	s3 =	sadd.s32 $0x88, s3;
	s6 =	simm.s32 @!p1 $0x1082;
	[sflag:s4] =	ssyncset.s32 $0xFFFFF086  }
0x25: {  	[simem:s6], [sflag:s4] =	dma.local [hbm:s3], $0xF7A  }
0x26: {  	[smem:$0x3F9A] =	sst s1;
	(tag) =	ssettag s2;
	_ =	strace s9  }
0x27: {  	s1 =	sld [smem:$0x3FAA]  }
0x28: {  	s2 =	sld [smem:$0x3FAB]  }
0x29: {  	s4 =	sld [smem:$0x3FAD]  }
0x2a: {  	p0 =	seq.s32 s5, $0x0;
	s5 =	sld [smem:$0x3FAE]  }
0x2b: {  	s6 =	sld [smem:$0x3FAF]  }
0x2c: {  	s7 =	sld [smem:$0x3FB0]  }
0x2d: {  	s3 =	simm.s32 $0x108;
	s8 =	sld [smem:$0x3FB1]  }
0x2e: {  	s3 =	simm.s32 @!p0 $0x1082;
	s9 =	sld [smem:$0x3FB2]  }
0x2f: {  	lr =	sadd.s32 s0, s3;
	s0 =	sld [smem:$0x3FA9]  }
0x30: {  	s3 =	sld [smem:$0x3FAC]  }
0x31: {  	[smem:$0x3FB5] =	sst s10  }
0x32: {  	s10 =	sld [smem:$0x3FB3];
	_ =	sdelay $0x3  }
0x33: {  	p0 =	seq.s32 s10, $0x1;
	s10 =	sld [smem:$0x3FB5];
	_ =	sdelay $0x3  }
0x34: {  	[smem:$0x3FB5] =	sst s10  }
0x35: {  	s10 =	sld [smem:$0x3FB4];
	_ =	sdelay $0x3  }
0x36: {  	p1 =	seq.s32 s10, $0x1;
	s10 =	sld [smem:$0x3FB5];
	_ =	sdelay $0x3  }
0x37: {  	[smem:$0x3FB5] =	sst s10  }
0x38: {  	s10 =	sld [smem:$0x3FB6]  }
0x39: {  	_ = 	snop;
	(pc) =	sbr.ind lr, $3  }
0x3a: {  	_ = 	snop  }
0x3b: {  	_ = 	snop  }
0x3c: {  	p2 =	seq.s32 s10, $0x1;
	s10 =	sld [smem:$0x3FB5]  }
0x3d: {  	_ =	shalt  }
0x3e: {  	_ =	shalt  }
0x3f: {  	_ =	shalt  }
0x40: {  	_ =	shalt  }
0x41: {  	_ =	shalt  }
0x42: {  	_ =	shalt  }
0x43: {  	_ =	shalt  }
0x44: {  	_ =	shalt  }
0x45: {  	_ =	shalt  }
0x46: {  	_ =	shalt  }
0x47: {  	_ =	shalt  }
0x48: {  	_ =	shalt  }
0x49: {  	_ =	shalt  }
0x4a: {  	_ =	shalt  }
0x4b: {  	_ =	shalt  }
0x4c: {  	_ =	shalt  }
0x4d: {  	_ =	shalt  }
0x4e: {  	_ =	shalt  }
0x4f: {  	_ =	shalt  }
0x50: {  	_ =	shalt  }
0x51: {  	_ =	shalt  }
0x52: {  	_ =	shalt  }
0x53: {  	_ =	shalt  }
0x54: {  	_ =	shalt  }
0x55: {  	_ =	shalt  }
0x56: {  	_ =	shalt  }
0x57: {  	_ =	shalt  }
0x58: {  	_ =	shalt  }
0x59: {  	_ =	shalt  }
0x5a: {  	_ =	shalt  }
0x5b: {  	_ =	shalt  }
0x5c: {  	_ =	shalt  }
0x5d: {  	_ =	shalt  }
0x5e: {  	_ =	shalt  }
0x5f: {  	_ =	shalt  }
0x60: {  	_ =	shalt  }
0x61: {  	_ =	shalt  }
0x62: {  	_ =	shalt  }
0x63: {  	_ =	shalt  }
0x64: {  	_ =	shalt  }
0x65: {  	_ =	shalt  }
0x66: {  	_ =	shalt  }
0x67: {  	_ =	shalt  }
0x68: {  	_ =	shalt  }
0x69: {  	_ =	shalt  }
0x6a: {  	_ =	shalt  }
0x6b: {  	_ =	shalt  }
0x6c: {  	_ =	shalt  }
0x6d: {  	_ =	shalt  }
0x6e: {  	_ =	shalt  }
0x6f: {  	_ =	shalt  }
0x70: {  	_ =	shalt  }
0x71: {  	_ =	shalt  }
0x72: {  	_ =	shalt  }
0x73: {  	_ =	shalt  }
0x74: {  	_ =	shalt  }
0x75: {  	_ =	shalt  }
0x76: {  	_ =	shalt  }
0x77: {  	_ =	shalt  }
0x78: {  	_ =	shalt  }
0x79: {  	_ =	shalt  }
0x7a: {  	_ =	shalt  }
0x7b: {  	_ =	shalt  }
0x7c: {  	_ =	shalt  }
0x7d: {  	_ =	shalt  }
0x7e: {  	_ =	shalt  }
0x7f: {  	_ =	shalt  }
0x80: {  	_ =	shalt  }
0x81: {  	_ =	shalt  }
0x82: {  	_ =	shalt  }
0x83: {  	_ =	shalt  }
0x84: {  	_ =	shalt  }
0x85: {  	_ =	shalt  }
0x86: {  	_ =	shalt  }
0x87: {  	_ =	shalt  }
.Lfunc_end0:
.L_simem_size_0:
called_computation_lowered:
.L_overlay_start_0:
0x88: {  	s2 =	sld [smem:$0x3FD9]  }
0x89: {  	s3 =	sld [smem:$0x3FFE];
	_ =	sdelay $0x1  }
0x8a: {  	s1 =	srdreg.scid  }
0x8b: {  	s0 =	sand.u32 $0x1, s1  }
0x8c: {  	s17 =	sshll.u32 s0, $0xA;
	s2 =	sadd.s32 s3, s2  }
0x8d: {  	s2 =	sadd.s32 s2, s17  }
0x8e: {  	[smem:$0x3FC1] =	sst s2  }
0x8f: {  	_ = 	snop  }
0x90: {  	s2 =	sld [smem:$0x3FC7]  }
0x91: {  	s18 =	sld [smem:$0x3FD0];
	(tm) =	ssettm $0x1  }
0x92: {  	s4 =	sld [smem:$0x3FFB];
	_ =	sdelay $0x3  }
0x93: {  	_ =	strace s4  }
0x94: {  	s4 =	sld [smem:$0x3FFC];
	_ =	sdelay $0x3  }
0x95: {  	_ =	strace s4  }
0x96: {  	s4 =	sld [smem:$0x3FFD];
	_ =	sdelay $0x3  }
0x97: {  	_ =	strace s4  }
0x98: {  	_ =	strace $0x8FFFFFFF  }
0x99: {  	s19 =	sld [smem:$0x3FDB];
	_ =	sdelay $0x1  }
0x9a: {  	s5 =	simm.s32 $_scs_section_size  }
0x9b: {  	s6 =	simm.s32 $_size__tile_overlayer_lowered;
	s7 =	simm.s32 $_tile_overlayer_lowered  }
0x9c: {  	s22 =	simm.s32 $0x1BFF;
	s21 =	sshll.u32 s7, $0x1;
	s4 =	sadd.s32 s5, s19  }
0x9d: {  	s8 =	simm.s32 $0x0;
	s20 =	sshll.u32 s6, $0x1;
	s6 =	sadd.s32 s21, s4  }
0x9e: {  	[timem:s8], [sflag:s22] =	dma.local [hbm:s6], s20  }
0x9f: {  	_ =	swait.ge [sflag:s22], s20  }
0xa0: {  	s5 =	ssub.s32 $0x0, s20;
	[sflag:s22] =	ssyncset.done $0x0  }
0xa1: {  	[sflag:s22] =	ssyncadd.s32 s5;
	_ =	sdelay $0x1  }
0xa2: {  	s23 =	simm.s32 $0x1B8B  }
0xa3: {  	_ =	swait.ge [sflag:s23], $0x1  }
0xa4: {  	[sflag:s23] =	ssyncset.done $0x0  }
0xa5: {  	s25 =	simm.s32 $0x1B8E;
	s24 =	sld [smem:$0x3FFE];
	[sflag:s23] =	ssyncadd.s32 $0xFFFFFFFF  }
0xa6: {  	s26 =	simm.s32 $execute0_lowered;
	[smem:$0x3FD2] =	sst s25  }
0xa7: {  	s6 =	sshll.u32 s26, $0x1;
	_ =	strace $0x80000046;
	[dreg:$0x1] =	wrdreg $0xFFFFFFFF  }
0xa8: {  	s28 =	simm.s32 $_size_execute0_lowered;
	s4 =	sadd.s32 s4, s6;
	[dreg:$0x0] =	wrdreg $0x0  }
0xa9: {  	s6 =	sshll.u32 s28, $0x1;
	[dreg:$0x2] =	wrdreg s4  }
0xaa: {  	[dreg:$0x3] =	wrdreg s6  }
0xab: {  	[dreg:$0x4] =	wrdreg $0xC0  }
0xac: {  	_ =	task [dreg:s8], $0x5FFFF  }
0xad: {  	[dreg:$0x1] =	wrdreg $0xFFFFFFFF  }
0xae: {  	[dreg:$0x0] =	wrdreg $0x60  }
0xaf: {  	[dreg:$0x2] =	wrdreg s24  }
0xb0: {  	[dreg:$0x3] =	wrdreg s2  }
0xb1: {  	[dreg:$0x4] =	wrdreg s18  }
0xb2: {  	[dreg:$0x5] =	wrdreg $0x9  }
0xb3: {  	_ =	task.clear_ibuf [dreg:s8], $0x6FFFF;
	_ =	strace $0x90000046  }
0xb4: {  	s29 =	simm.s32 $0x9;
	_ =	strace $0x80000048  }
0xb5: {  	_ =	swait.ge [sflag:s29], $0x1  }
0xb6: {  	[sflag:s29] =	ssyncadd.s32 $0xFFFFFFFF  }
0xb7: {  	_ =	strace $0x90000048  }
0xb8: {  	_ =	sfence  }
0xb9: {  	s30 =	sld [smem:$0x0];
	_ =	sdelay $0x2  }
0xba: {  	s31 =	sshll.u32 s1, $0xD;
	s1 =	sshrl.u32 s1, $0x2  }
0xbb: {  	s3 =	sand.u32 $0x4000, s31;
	s1 =	sadd.s32 s1, s30  }
0xbc: {  	s0 =	sor.u32 s3, s0;
	s1 =	sshll.u32 s1, $0x11  }
0xbd: {  	s0 =	sor.u32 s1, s0  }
0xbe: {  	s0 =	sadd.s32 $0x8F2B, s0  }
0xbf: {  	[sflag:s0] =	ssyncadd.remote.s32 $0x1  }
0xc0: {  	_ =	sfence.sel $0xFFFF  }
0xc1: {  	[dreg:$0x0] =	wrdreg $0xFFFFFFFF;
	(pc) =	sbr.abs _section_cstart, $3  }
0xc2: {  	[dreg:$0x1] =	wrdreg $0xFFFFFFFF  }
0xc3: {  	_ =	task.clear_ibuf [dreg:s8], $0x2FFFF;
	_ =	strace $0x9FFFFFFF  }
0xc4: {  	(tm) =	ssettm $0x7FFFFFFF  }
0xc5: {  	_ =	shalt  }
tec
execute0_lowered:
.L_overlay_start_1:
0x0: {  	(tag) =	ssettag $0x1  }
0x1: {  	s4 =	rddreg [dreg:$0x0]  }
0x2: {  	s2 =	rddreg [dreg:$0x1];
	s1 =	srdreg.scid  }
0x3: {  	s0 =	stileid.u32;
	s6 =	rddreg [dreg:$0x2];
	s10 =	simm.s32 $0x1000  }
0x4: {  	s11 =	simm.s32 $0x80;
	s12 =	simm.s32 $0x400;
	s5 =	sand.u32 $0x1, s1  }
0x5: {  	s3 =	sshll.u32 s0, $0x1;
	s1 =	rddreg [dreg:$0x3];
	s8 =	sshrl.u32 s0, $0x2  }
0x6: {  	s4 =	sadd.s32 $0x2600, s4;
	s7 =	sor.u32 s5, s3;
	s3 =	simm.s32 $0x0  }
0x7: {  	s8 =	smul.u32 $0x13C00, s8;
	s5 =	ssub.s32 $0x2, s5;
	s9 =	sshll.u32 s7, $0x7  }
0x8: {  	[smem:$0x7FF] =	sst s3;
	s31 =	sshrl.u32 s5, $0x1;
	s9 =	sand.u32 $0x380, s9  }
0x9: {  	_ =	strace $0x80000047;
	s8 =	sor.u32 s8, s9;
	s9 =	ssub.s32 s5, s31  }
0xa: {  	s5 =	smul.u32 $0x2710, s7;
	s8 =	sshrl.u32 s8, $0x3;
	s7 =	smax.u32 s9, $0x1  }
0xb: {  	v0 =	vimm.f32 $0.0e+00;
	s9 =	simm.s32 $0x800;
	s6 =	sadd.s32 s6, s8;
	s8 =	simm.s32 $0x1  }
.LBB2_1:
0xc: {  	s13 =	simm.s32 $0x40;
	s14 =	simm.s32 $0x0  }
.LBB2_2:
0xd: {  	p0 =	sne.s32 s13, $0x9C00;
	[tilespmem:s14+$0x1000] =	vst v0;
	s14 =	smov.u32 s13;
	s13 =	sadd.s32 $0x40, s13  }
.Ltmp0:
0xe: {  	(pc) =	sbr.rel @p0 .LBB2_2-.Ltmp0, $2  }
0xf: {  	_ =	sdelay $0x2  }
0x10: {  	s14 =	sshra.s32 s14, $0x2  }
0x11: {  	[tilespmem:s14+$0x1000] =	vst v0;
	s13 =	simm.s32 $0x0;
	s14 =	simm.s32 $0x0  }
.LBB2_4:
0x12: {  	s15 =	smul.u32 $0x7D0, s14;
	_ =	sdelay $0x1  }
0x13: {  	s15 =	sadd.s32 s5, s15  }
0x14: {  	s15 =	sshrl.u32 s15, $0x3  }
0x15: {  	s16 =	sadd.s32 s4, s15  }
0x16: {  	[tilespmem:s13], [sflag:$0x1] =	stream.linear.gather [hbm4b:s16+s13], $0x7D0, $0x38;
	[tilespmem:$0x3780] =	vst v63  }
0x17: {  	_ =	swait.ge [sflag:s8], $0x7D0  }
0x18: {  	[sflag:s8] =	ssyncset.done $0x0  }
0x19: {  	s15 =	sadd.s32 s2, s15;
	[sflag:s8] =	ssyncadd.s32 $0xFFFFF830  }
0x1a: {  	[tilespmem:s9], [sflag:$0x1] =	stream.linear.gather [hbm4b:s15+s13], $0x7D0, $0x38;
	[tilespmem:$0x3780] =	vst v63  }
0x1b: {  	_ =	swait.ge [sflag:s8], $0x7D0  }
0x1c: {  	[sflag:s8] =	ssyncset.done $0x0  }
0x1d: {  	s16 =	simm.s32 $0x0;
	s15 =	simm.s32 $0x40;
	[sflag:s8] =	ssyncadd.s32 $0xFFFFF830  }
.LBB2_5:
0x1e: {  	p0 =	sne.s32 s15, $0x1F00;
	v1 =	vld [tilespmem:s16+$0x0];
	_ =	sdelay $0x2  }
0x1f: {  	v2 =	vld [tilespmem:s16+$0x800]  }
.Ltmp1:
0x20: {  	(pc) =	sbr.rel @p0 .LBB2_5-.Ltmp1, $2  }
0x21: {  	_ =	sdelay $0x2  }
0x22: {  	s16 =	sshra.s32 s15, $0x2;
	s15 =	sadd.s32 $0x40, s15;
	[tilespmem:v1+s10+$0x0] =	vst.idx.add.f32.msk $0xffff, v2  }
0x23: {  	v1 =	vld [tilespmem:s16+$0x0];
	_ =	sdelay $0x1  }
0x24: {  	s14 =	sadd.s32 $0x1, s14  }
0x25: {  	v2 =	vld [tilespmem:s16+$0x800];
	p0 =	sne.s32 s14, $0x5  }
.Ltmp2:
0x26: {  	_ = 	snop;
	(pc) =	sbr.rel @p0 .LBB2_4-.Ltmp2, $2  }
0x27: {  	_ =	sdelay $0x2  }
0x28: {  	[tilespmem:v1+s10+$0x0] =	vst.idx.add.f32.msk $0xffff, v2  }
0x29: {  	s3 =	sadd.s32 $0x1, s3  }
0x2a: {  	p0 =	sne.s32 s3, s7  }
.Ltmp3:
0x2b: {  	_ = 	snop;
	(pc) =	sbr.rel @p0 .LBB2_1-.Ltmp3, $4  }
0x2c: {  	[hbm4b:s6+s11] =	stream.strided.scatter [tilespmem:s10], [sflag:$0x1], $0x2780, s12, s11, $0x38;
	[tilespmem:$0x3780] =	vst v63  }
0x2d: {  	_ =	swait.ge [sflag:s8], $0x2780  }
0x2e: {  	[sflag:s8] =	ssyncset.done $0x0  }
0x2f: {  	[sflag:s8] =	ssyncadd.s32 $0xFFFFD880  }
0x30: {  	_ =	sfence.sel $0x180000  }
0x31: {  	[bflag:$0x0] =	sbarrier.arrive $0xFFFF  }
0x32: {  	p0 =	sne.s32 s0, $0x0;
	_ =	strace $0x90000047  }
0x33: {  	s0 =	sadd.s32 @!p0 $0x100000, s1;
	[bflag:$0x2] =	sbarrier.arrive $0xFFFF  }
0x34: {  	[sflag:s0] =	ssyncadd.tile.s32 @!p0 $0x1;
	_ =	shalt  }
.Lfunc_end2:
_tile_overlayer_lowered:
.L_overlay_start_2:
0x35: {  	(tag) =	ssettag $0x2  }
0x36: {  	s0 =	rddreg [dreg:$0x0];
	s2 =	stileid.u32  }
0x37: {  	s1 =	rddreg [dreg:$0x1];
	p0 =	sne.s32 s2, $0x0  }
0x38: {  	s3 =	rddreg [dreg:$0x2];
	[bflag:$0x3] =	sbarrier.arrive $0xFFFF;
	s2 =	simm.s32 @!p0 $0x1C01  }
0x39: {  	[timem:s3], [sflag:s2] =	dma.local @!p0 [hbm:s0], s1  }
0x3a: {  	s0 =	simm.s32 @!p0 $0x1  }
0x3b: {  	_ =	swait.ge @!p0 [sflag:s0], s1  }
0x3c: {  	s1 =	ssub.s32 @!p0 $0x0, s1;
	[sflag:s0] =	ssyncset.done @!p0 $0x0  }
0x3d: {  	[sflag:s0] =	ssyncadd.s32 @!p0 s1  }
0x3e: {  	[bflag:$0x3] =	sbarrier.arrive $0xFFFF  }
0x3f: {  	_ =	shalt  }

</sc_bundles>
